<compile_context>
chip_gen: v7x
topology: tpu7x:2x2x1
jax: 0.10.2.dev20260603
libtpu: 0.0.44.dev20260713+nightly
codegen_flags: <defaults>
</compile_context>

<pallas_src>
import functools

import jax
import jax.numpy as jnp
from jax import lax
from jax.experimental import pallas as pl
from jax.experimental.pallas import tpu as pltpu
from jax.experimental.pallas import tpu_sc as plsc

RHO_L = 1000.0
RHO_G = 1.0
MU = 0.001
RHO = 1000.0
CP = 4186.0
DT = 1e-05
W_MASS = 0.1
W_MOM = 0.05
W_EN = 0.01
EPS = 1e-8

NC = 2
NS = 16
NW = NC * NS
L = 16
CB = 128
KJ = 4
C = CB * KJ

f32 = jnp.float32
i32 = jnp.int32


def _col(cc):
    return jnp.full((L,), cc, i32)


def _zero_buf(contrib):
    w = contrib.shape[1]
    lanes = lax.iota(i32, L)
    rowoff = lanes // w
    coloff = lanes % w
    rows_per = L // w
    zero = jnp.zeros((L,), f32)

    def _zb(i, _):
        plsc.store_scatter(contrib, [i * rows_per + rowoff, coloff], zero)
        return 0
    lax.fori_loop(0, contrib.shape[0] // rows_per, _zb, 0)


def _pass1_body(nch, kj, nodeA, src_h, dst_h, out_h,
                accum, srcv, dstv, rowsS, rowsD, contrib, sem1, sem2):
    c = lax.axis_index("c")
    s = lax.axis_index("s")
    wid = c * NS + s
    cc = kj * CB
    nacc = out_h.shape[1]
    rps = nacc // NS
    lanes = lax.iota(i32, L)
    one = jnp.ones((L,), f32)

    _zero_buf(contrib)
    for k in range(rps // cc):
        pltpu.sync_copy(contrib, accum.at[pl.ds(s * rps + k * cc, cc)])
    plsc.subcore_barrier()

    cols = [_col(j) for j in range(11)]

    def _chunk(ci, _):
        base = (wid * nch + ci) * kj
        pltpu.sync_copy(src_h.at[pl.ds(base, kj)], srcv)
        pltpu.sync_copy(dst_h.at[pl.ds(base, kj)], dstv)
        cps = [pltpu.async_copy(nodeA.at[srcv.at[j]],
                                rowsS.at[pl.ds(j * CB, CB)], sem1)
               for j in range(kj)]
        cpd = [pltpu.async_copy(nodeA.at[dstv.at[j]],
                                rowsD.at[pl.ds(j * CB, CB)], sem2)
               for j in range(kj)]
        for cp in cps:
            cp.wait()
        for cp in cpd:
            cp.wait()

        def _grp(g, _):
            ridx = g * L + lanes

            def ld(ref, cc):
                return plsc.load_gather(ref, [ridx, cols[cc]])

            psx = ld(rowsS, 0); psy = ld(rowsS, 1); psz = ld(rowsS, 2)
            vsx = ld(rowsS, 3); vsy = ld(rowsS, 4); vsz = ld(rowsS, 5)
            rs = ld(rowsS, 6)
            pdx = ld(rowsD, 0); pdy = ld(rowsD, 1); pdz = ld(rowsD, 2)
            vdx = ld(rowsD, 3); vdy = ld(rowsD, 4); vdz = ld(rowsD, 5)
            rd = ld(rowsD, 6)
            dx = pdx - psx; dy = pdy - psy; dz = pdz - psz
            inv = 1.0 / (dx * dx + dy * dy + dz * dz + EPS)
            mx = rd * vdx - rs * vsx
            my = rd * vdy - rs * vsy
            mz = rd * vdz - rs * vsz
            divc = (mx * dx + my * dy + mz * dz) * inv
            wx = dx * inv; wy = dy * inv; wz = dz * inv
            ux = vdx - vsx; uy = vdy - vsy; uz = vdz - vsz

            def put(cc, val):
                plsc.store_scatter(contrib, [ridx, cols[cc]], val)

            put(0, divc)
            put(1, ux * wx); put(2, ux * wy); put(3, ux * wz)
            put(4, uy * wx); put(5, uy * wy); put(6, uy * wz)
            put(7, uz * wx); put(8, uz * wy); put(9, uz * wz)
            put(10, one)
            return 0
        lax.fori_loop(0, cc // L, _grp, 0)
        for j in range(kj):
            pltpu.sync_copy(contrib.at[pl.ds(j * CB, CB)],
                            accum.at[dstv.at[j]], add=True)
        return 0
    lax.fori_loop(0, nch, _chunk, 0)

    plsc.subcore_barrier()
    for k in range(rps // cc):
        rows = pl.ds(s * rps + k * cc, cc)
        pltpu.sync_copy(accum.at[rows], contrib)
        pltpu.sync_copy(contrib, out_h.at[c, rows])


def _pass2_body(nch, kj, nodeB, src_h, dst_h, out_h,
                accum, srcv, dstv, rowsS, rowsD, contrib, sem1, sem2):
    c = lax.axis_index("c")
    s = lax.axis_index("s")
    wid = c * NS + s
    cc = kj * CB
    nacc = out_h.shape[1]
    rps = nacc // NS
    lanes = lax.iota(i32, L)
    _zero_buf(contrib)
    for k in range(rps // cc):
        pltpu.sync_copy(contrib, accum.at[pl.ds(s * rps + k * cc, cc)])
    plsc.subcore_barrier()

    cols = [_col(j) for j in range(12)]

    def _chunk(ci, _):
        base = (wid * nch + ci) * kj
        pltpu.sync_copy(src_h.at[pl.ds(base, kj)], srcv)
        pltpu.sync_copy(dst_h.at[pl.ds(base, kj)], dstv)
        cps = [pltpu.async_copy(nodeB.at[srcv.at[j]],
                                rowsS.at[pl.ds(j * CB, CB)], sem1)
               for j in range(kj)]
        cpd = [pltpu.async_copy(nodeB.at[dstv.at[j]],
                                rowsD.at[pl.ds(j * CB, CB)], sem2)
               for j in range(kj)]
        for cp in cps:
            cp.wait()
        for cp in cpd:
            cp.wait()

        def _grp(g, _):
            ridx = g * L + lanes

            def ld(ref, cc):
                return plsc.load_gather(ref, [ridx, cols[cc]])

            psx = ld(rowsS, 0); psy = ld(rowsS, 1); psz = ld(rowsS, 2)
            pdx = ld(rowsD, 0); pdy = ld(rowsD, 1); pdz = ld(rowsD, 2)
            dx = pdx - psx; dy = pdy - psy; dz = pdz - psz
            inv = 1.0 / (dx * dx + dy * dy + dz * dz + EPS)

            def put(cc, val):
                plsc.store_scatter(contrib, [ridx, cols[cc]], val)

            for i in range(3):
                gsx = ld(rowsS, 3 + 3 * i); gsy = ld(rowsS, 4 + 3 * i)
                gsz = ld(rowsS, 5 + 3 * i)
                gdx = ld(rowsD, 3 + 3 * i); gdy = ld(rowsD, 4 + 3 * i)
                gdz = ld(rowsD, 5 + 3 * i)
                lap = ((gdx - gsx) * dx + (gdy - gsy) * dy
                       + (gdz - gsz) * dz) * inv
                put(i, lap)
            return 0
        lax.fori_loop(0, cc // L, _grp, 0)
        for j in range(kj):
            pltpu.sync_copy(contrib.at[pl.ds(j * CB, CB)],
                            accum.at[dstv.at[j]], add=True)
        return 0
    lax.fori_loop(0, nch, _chunk, 0)

    plsc.subcore_barrier()
    for k in range(rps // cc):
        rows = pl.ds(s * rps + k * cc, cc)
        pltpu.sync_copy(accum.at[rows], contrib)
        pltpu.sync_copy(contrib, out_h.at[c, rows])


def _merge_kernel(a0, a1, na, nb):
    a = a0[...] + a1[...]
    deg = jnp.maximum(a[:, 10:11], 1.0)
    invd = 1.0 / deg
    g = a[:, 1:10] * invd
    divm = a[:, 0:1] * invd
    pos = na[:, 0:3]
    z = jnp.zeros_like(a[:, 0:2])
    nb[...] = jnp.concatenate([pos, g, divm, deg, z], axis=1)


def _final_kernel(pred, x, nb, b0, b1, out, acc):
    i = pl.program_id(0)
    n_total = pl.num_programs(0)

    @pl.when(i == 0)
    def _():
        acc[0] = 0.0
        acc[1] = 0.0
        acc[2] = 0.0

    du = pred[:, 2:5]
    lap = (b0[:, 0:3] + b1[:, 0:3]) / nb[:, 13:14]
    phys = (MU / RHO) * DT * lap
    divm = nb[:, 12]
    vel = x[:, 5:8]
    dke = 0.5 * RHO * (jnp.sum((vel + du) ** 2, axis=1)
                       - jnp.sum(vel ** 2, axis=1))
    de = dke + RHO * CP * pred[:, 0]
    acc[0] += jnp.sum(divm ** 2)
    acc[1] += jnp.sum((du - phys) ** 2)
    acc[2] += jnp.sum(de)

    @pl.when(i == n_total - 1)
    def _():
        n = jnp.float32(x.shape[0] * n_total)
        mass = acc[0] / n
        mom = acc[1] / (3.0 * n)
        en = (acc[2] / n) ** 2
        out[0, 0] = W_MASS * mass + W_MOM * mom + W_EN * en


def kernel(pred, target, x, pos, edge_attr, edge_index):
    N = x.shape[0]
    E = edge_index.shape[1]
    vel = x[:, 5:8]
    rho = jnp.where(x[:, 4] < 1.5, RHO_L, RHO_G).astype(f32)

    kj1, kj2 = 4, 8
    c1, c2 = kj1 * CB, kj2 * CB
    rps1 = c1 * (-(-(N + 1) // (NS * c1)))
    nacc1 = NS * rps1
    rps2 = c2 * (-(-(N + 1) // (NS * c2)))
    nacc2 = NS * rps2
    nodeA = jnp.zeros((nacc1, 8), f32)
    nodeA = nodeA.at[:N, 0:3].set(pos).at[:N, 3:6].set(vel).at[:N, 6].set(rho)

    nch1 = -(-E // (NW * c1))
    nch2 = -(-E // (NW * c2))
    epad = max(NW * nch1 * c1, NW * nch2 * c2)
    pad = jnp.full((epad - E,), N, i32)
    src = jnp.concatenate([edge_index[0], pad]).reshape(epad // CB, CB)
    dst = jnp.concatenate([edge_index[1], pad]).reshape(epad // CB, CB)

    mesh = plsc.VectorSubcoreMesh(core_axis_name="c", subcore_axis_name="s",
                                  num_cores=NC, num_subcores=NS)
    sc_scratch = lambda w, kj, nacc: [
        pltpu.VMEM_SHARED((nacc, w), f32),
        pltpu.VMEM((kj, CB), i32),
        pltpu.VMEM((kj, CB), i32),
        pltpu.VMEM((kj * CB, 8 if w == 16 else 16), f32),
        pltpu.VMEM((kj * CB, 8 if w == 16 else 16), f32),
        pltpu.VMEM((kj * CB, w), f32),
        pltpu.SemaphoreType.DMA,
        pltpu.SemaphoreType.DMA,
    ]

    sc_params = pltpu.CompilerParams(needs_layout_passes=False,
                                     use_tc_tiling_on_sc=False)
    pass1 = pl.kernel(
        functools.partial(_pass1_body, nch1, kj1),
        out_type=jax.ShapeDtypeStruct((NC, nacc1, 16), f32),
        mesh=mesh,
        scratch_types=sc_scratch(16, kj1, nacc1),
        compiler_params=sc_params,
    )
    outA = pass1(nodeA, src, dst)

    bm = 2048
    nodeB = pl.pallas_call(
        _merge_kernel,
        grid=(nacc1 // bm,),
        in_specs=[pl.BlockSpec((bm, 16), lambda i: (i, 0)),
                  pl.BlockSpec((bm, 16), lambda i: (i, 0)),
                  pl.BlockSpec((bm, 8), lambda i: (i, 0))],
        out_specs=pl.BlockSpec((bm, 16), lambda i: (i, 0)),
        out_shape=jax.ShapeDtypeStruct((nacc1, 16), f32),
    )(outA[0], outA[1], nodeA)

    pass2 = pl.kernel(
        functools.partial(_pass2_body, nch2, kj2),
        out_type=jax.ShapeDtypeStruct((NC, nacc2, 8), f32),
        mesh=mesh,
        scratch_types=sc_scratch(8, kj2, nacc2),
        compiler_params=sc_params,
    )
    outB = pass2(nodeB, src, dst)

    bn = 2000
    total = pl.pallas_call(
        _final_kernel,
        grid=(N // bn,),
        in_specs=[pl.BlockSpec((bn, 5), lambda i: (i, 0)),
                  pl.BlockSpec((bn, 8), lambda i: (i, 0)),
                  pl.BlockSpec((bn, 16), lambda i: (i, 0)),
                  pl.BlockSpec((bn, 8), lambda i: (i, 0)),
                  pl.BlockSpec((bn, 8), lambda i: (i, 0))],
        out_specs=pl.BlockSpec(memory_space=pltpu.SMEM),
        out_shape=jax.ShapeDtypeStruct((1, 1), f32),
        scratch_shapes=[pltpu.SMEM((4,), f32)],
    )(pred, x, nodeB, outB[0], outB[1])
    return total.reshape(())

# --- scband reference (transcript-rebuilt; emitter-appended) ---
"""Pipeline reference for scband-physics-informed-loss-20246475833444 (READ-ONLY COPY).

The authoritative reference and input builder live on the scoring server;
editing this copy changes nothing except your own understanding.
"""

import jax, jax.numpy as jnp
import numpy as np

RHO_L = 1000.0
RHO_G = 1.0
MU = 0.001
RHO = 1000.0
CP = 4186.0
DT = 1e-05
W_MASS = 0.1
W_MOM = 0.05
W_EN = 0.01
EPS = 1e-8


def compute_divergence(v, pos, edge_index):
    # Graph-based divergence estimate: sum_j (v_j - v_i) . (p_j - p_i) / |p_j - p_i|^2, averaged per dst node
    src = edge_index[0]
    dst = edge_index[1]
    N = pos.shape[0]
    dpos = pos[dst] - pos[src]
    dist2 = jnp.sum(dpos * dpos, axis=-1) + EPS
    dv = v[dst] - v[src]
    contrib = jnp.sum(dv * dpos, axis=-1) / dist2
    num = jax.ops.segment_sum(contrib, dst, num_segments=N)
    deg = jax.ops.segment_sum(jnp.ones_like(contrib), dst, num_segments=N)
    return num / jnp.maximum(deg, 1.0)


def compute_gradient(f, pos, edge_index, edge_attr):
    # Graph-based gradient estimate of scalar field f: (f_j - f_i) (p_j - p_i) / |p_j - p_i|^2, averaged per dst node
    src = edge_index[0]
    dst = edge_index[1]
    N = pos.shape[0]
    dpos = pos[dst] - pos[src]
    dist2 = jnp.sum(dpos * dpos, axis=-1, keepdims=True) + EPS
    df = (f[dst] - f[src])[:, None]
    contrib = df * dpos / dist2
    num = jax.ops.segment_sum(contrib, dst, num_segments=N)
    deg = jax.ops.segment_sum(jnp.ones((contrib.shape[0],), contrib.dtype), dst, num_segments=N)
    return num / jnp.maximum(deg, 1.0)[:, None]


def setup_inputs(seed: int = 0) -> dict:
    key = jax.random.key(seed)
    ks = jax.random.split(key, 6)
    N = 100000
    E = 3200000
    pred = jax.random.normal(ks[0], (N, 5), dtype=jnp.float32)
    target = jax.random.normal(ks[1], (N, 5), dtype=jnp.float32)
    x = jax.random.uniform(ks[2], (N, 8), dtype=jnp.float32)
    pos = jax.random.normal(ks[3], (N, 3), dtype=jnp.float32)
    edge_attr = jax.random.normal(ks[4], (E, 4), dtype=jnp.float32)
    edge_index = jax.random.randint(ks[5], (2, E), 0, N, dtype=jnp.int32)
    return {"pred": pred, "target": target, "x": x, "pos": pos, "edge_attr": edge_attr, "edge_index": edge_index}


def reference(pred, target, x, pos, edge_attr, edge_index):
    N = x.shape[0]
    velocity = x[:, 5:8]
    # --- Mass conservation ---
    phase = x[:, 4]
    rho = jnp.where(phase < 1.5, jnp.full_like(phase, RHO_L), jnp.full_like(phase, RHO_G))
    momentum = rho[:, None] * velocity
    div_m = compute_divergence(momentum, pos, edge_index)
    mass_loss = jnp.mean(div_m ** 2)
    # --- Momentum conservation ---
    du_pred = pred[:, 2:5]
    laps = []
    for i in range(3):
        g = compute_gradient(velocity[:, i], pos, edge_index, edge_attr)
        laps.append(compute_divergence(g, pos, edge_index))
    laplacian_u = jnp.stack(laps, axis=-1)
    viscous_accel = (MU / RHO) * laplacian_u
    physics_du = viscous_accel * DT
    momentum_loss = jnp.mean((du_pred - physics_du) ** 2)
    # --- Energy conservation ---
    dT_pred = pred[:, 0]
    KE_current = 0.5 * RHO * jnp.sum(velocity ** 2, axis=-1)
    velocity_next = velocity + du_pred
    KE_next = 0.5 * RHO * jnp.sum(velocity_next ** 2, axis=-1)
    dKE = KE_next - KE_current
    dE_thermal = RHO * CP * dT_pred
    dE_total = dKE + dE_thermal
    energy_loss = (jnp.sum(dE_total) / N) ** 2
    total_loss = W_MASS * mass_loss + W_MOM * momentum_loss + W_EN * energy_loss
    return total_loss

if __name__ == "__main__":
    import jax
    _d = setup_inputs()
    print(jax.jit(kernel)(*tuple(_d.values())))

</pallas_src>

<mosaic_0001>
#map = affine_map<(d0, d1) -> (0, 0)>
#map1 = affine_map<(d0, d1) -> (0, 0, 0)>
module attributes {stable_mosaic.version = 14 : i64} {
  func.func @_pass1_body(%arg0: i32, %arg1: i32, %arg2: memref<106496x8xf32, #tpu.memory_space<hbm>>, %arg3: memref<25088x128xi32, #tpu.memory_space<hbm>>, %arg4: memref<25088x128xi32, #tpu.memory_space<hbm>>, %arg5: memref<2x106496x16xf32, #tpu.memory_space<hbm>>, %arg6: memref<106496x16xf32, #tpu.memory_space<vmem_shared>>, %arg7: memref<4x128xi32, #tpu.memory_space<vmem>>, %arg8: memref<4x128xi32, #tpu.memory_space<vmem>>, %arg9: memref<512x8xf32, #tpu.memory_space<vmem>>, %arg10: memref<512x8xf32, #tpu.memory_space<vmem>>, %arg11: memref<512x16xf32, #tpu.memory_space<vmem>>, %arg12: memref<!tpu.dma_semaphore, #tpu.memory_space<semaphore_mem>>, %arg13: memref<!tpu.dma_semaphore, #tpu.memory_space<semaphore_mem>>) attributes {dimension_semantics = [#tpu.dimension_semantics<core_parallel>, #tpu.dimension_semantics<subcore_parallel>], iteration_bounds = array<i64: 2, 16>, scalar_prefetch = 0 : i64, scratch_operands = 8 : i64, tpu.core_type = #tpu.core_type<sc_vector_subcore>, window_params = [{transform_indices = #map}, {transform_indices = #map}, {transform_indices = #map}, {transform_indices = #map1}]} {
    %mul3A = arith.constant 16 : i32
    %mul3A_0 = arith.muli %arg0, %mul3A : i32
    %add3A = arith.addi %mul3A_0, %arg1 : i32
    %iota3A = tpu.iota {dimensions = array<i32: 0>} : vector<16xi32>
    %broadcast_in_dim3A = arith.constant 1.000000e+00 : f32
    %broadcast_in_dim3A_1 = vector.broadcast %broadcast_in_dim3A : f32 to vector<16xf32>
    %iota3A_2 = tpu.iota {dimensions = array<i32: 0>} : vector<16xi32>
    %jit3A = arith.constant 16 : i32
    %div3A = vector.broadcast %jit3A : i32 to vector<16xi32>
    %div3A_3 = arith.divsi %iota3A_2, %div3A : vector<16xi32>
    %sign3A = arith.constant 0 : i32
    %sign3A_4 = vector.broadcast %sign3A : i32 to vector<16xi32>
    %sign3A_5 = arith.cmpi sgt, %iota3A_2, %sign3A_4 : vector<16xi32>
    %sign3A_6 = arith.extui %sign3A_5 : vector<16xi1> to vector<16xi32>
    %sign3A_7 = arith.constant 0 : i32
    %sign3A_8 = vector.broadcast %sign3A_7 : i32 to vector<16xi32>
    %sign3A_9 = arith.cmpi slt, %iota3A_2, %sign3A_8 : vector<16xi32>
    %sign3A_10 = arith.extui %sign3A_9 : vector<16xi1> to vector<16xi32>
    %sign3A_11 = arith.subi %sign3A_6, %sign3A_10 : vector<16xi32>
    %sign3A_12 = arith.constant 0 : i32
    %sign3A_13 = arith.cmpi sgt, %jit3A, %sign3A_12 : i32
    %sign3A_14 = arith.extui %sign3A_13 : i1 to i32
    %sign3A_15 = arith.constant 0 : i32
    %sign3A_16 = arith.cmpi slt, %jit3A, %sign3A_15 : i32
    %sign3A_17 = arith.extui %sign3A_16 : i1 to i32
    %sign3A_18 = arith.subi %sign3A_14, %sign3A_17 : i32
    %ne3A = vector.broadcast %sign3A_18 : i32 to vector<16xi32>
    %ne3A_19 = arith.cmpi ne, %sign3A_11, %ne3A : vector<16xi32>
    %rem3A = vector.broadcast %jit3A : i32 to vector<16xi32>
    %rem3A_20 = arith.remsi %iota3A_2, %rem3A : vector<16xi32>
    %ne3A_21 = arith.constant 0 : i32
    %ne3A_22 = vector.broadcast %ne3A_21 : i32 to vector<16xi32>
    %ne3A_23 = arith.cmpi ne, %rem3A_20, %ne3A_22 : vector<16xi32>
    %and3A = arith.andi %ne3A_19, %ne3A_23 : vector<16xi1>
    %sub3A = arith.constant 1 : i32
    %sub3A_24 = vector.broadcast %sub3A : i32 to vector<16xi32>
    %sub3A_25 = arith.subi %div3A_3, %sub3A_24 : vector<16xi32>
    %select_n3A = arith.select %and3A, %sub3A_25, %div3A_3 : vector<16xi1>, vector<16xi32>
    %jit3A_26 = arith.constant 16 : i32
    %eq3A = arith.constant 0 : i32
    %eq3A_27 = arith.cmpi eq, %jit3A_26, %eq3A : i32
    %jit3A_28 = arith.constant 1 : i32
    %select_n3A_29 = arith.select %eq3A_27, %jit3A_28, %jit3A_26 : i32
    %rem3A_30 = vector.broadcast %select_n3A_29 : i32 to vector<16xi32>
    %rem3A_31 = arith.remsi %iota3A_2, %rem3A_30 : vector<16xi32>
    %ne3A_32 = arith.constant 0 : i32
    %ne3A_33 = vector.broadcast %ne3A_32 : i32 to vector<16xi32>
    %ne3A_34 = arith.cmpi ne, %rem3A_31, %ne3A_33 : vector<16xi32>
    %lt3A = arith.constant 0 : i32
    %lt3A_35 = vector.broadcast %lt3A : i32 to vector<16xi32>
    %lt3A_36 = arith.cmpi slt, %rem3A_31, %lt3A_35 : vector<16xi32>
    %lt3A_37 = arith.constant 0 : i32
    %lt3A_38 = arith.cmpi slt, %select_n3A_29, %lt3A_37 : i32
    %ne3A_39 = vector.broadcast %lt3A_38 : i1 to vector<16xi1>
    %ne3A_40 = vector.broadcast %ne3A_39 : vector<16xi1> to vector<16xi1>
    %ne3A_41 = arith.xori %lt3A_36, %ne3A_40 : vector<16xi1>
    %and3A_42 = arith.andi %ne3A_41, %ne3A_34 : vector<16xi1>
    %add3A_43 = vector.broadcast %select_n3A_29 : i32 to vector<16xi32>
    %add3A_44 = arith.addi %rem3A_31, %add3A_43 : vector<16xi32>
    %select_n3A_45 = arith.select %and3A_42, %add3A_44, %rem3A_31 : vector<16xi1>, vector<16xi32>
    %broadcast_in_dim3A_46 = arith.constant 0.000000e+00 : f32
    %broadcast_in_dim3A_47 = vector.broadcast %broadcast_in_dim3A_46 : f32 to vector<16xf32>
    %scan3A = arith.constant 0 : i32
    %scan3A_48 = arith.constant 0 : i32
    %scan3A_49 = arith.constant 512 : i32
    %scan3A_50 = arith.addi %scan3A_48, %scan3A_49 : i32
    %scan3A_51 = arith.constant 1 : i32
    %scan3A_52 = scf.for %scan3A_188 = %scan3A_48 to %scan3A_50 step %scan3A_51 iter_args(%scan3A_189 = %scan3A) -> (i32)  : i32 {
      %mul3A_190 = arith.constant 1 : i32
      %mul3A_191 = arith.muli %scan3A_188, %mul3A_190 : i32
      %add3A_192 = vector.broadcast %mul3A_191 : i32 to vector<16xi32>
      %add3A_193 = arith.addi %add3A_192, %select_n3A : vector<16xi32>
      tpu.vector_store_idx %arg11[%add3A_193, %select_n3A_45], %broadcast_in_dim3A_47 : memref<512x16xf32, #tpu.memory_space<vmem>>[vector<16xi32>, vector<16xi32>], vector<16xf32>,
      %scan3A_194 = arith.constant 0 : i32
      scf.yield %scan3A_194 : i32
    }
    %scan3A_53 = arith.constant 512 : i32
    %mul3A_54 = arith.constant 6656 : i32
    %mul3A_55 = arith.muli %arg1, %mul3A_54 : i32
    %add3A_56 = arith.constant 0 : i32
    %add3A_57 = arith.addi %mul3A_55, %add3A_56 : i32
    "tpu.region"() ({
      %run_scoped3A = tpu.sem_alloc : memref<!tpu.dma_semaphore, #tpu.memory_space<semaphore_mem>>
      %dma_start3A = arith.constant 0 : i32
      %dma_start3A_188 = tpu.memref_slice %arg6[%add3A_57, %dma_start3A] : memref<106496x16xf32, #tpu.memory_space<vmem_shared>> -> memref<512x16xf32, #tpu.memory_space<vmem_shared>>
      %dma_start3A_189 = arith.constant 0 : i32
      %dma_start3A_190 = tpu.memref_slice %arg6[%add3A_57, %dma_start3A_189] : memref<106496x16xf32, #tpu.memory_space<vmem_shared>> -> memref<512x16xf32, #tpu.memory_space<vmem_shared>>
      tpu.enqueue_dma source(%arg11 : memref<512x16xf32, #tpu.memory_space<vmem>>) target(%dma_start3A_190 : memref<512x16xf32, #tpu.memory_space<vmem_shared>>) target_semaphore(%run_scoped3A : memref<!tpu.dma_semaphore, #tpu.memory_space<semaphore_mem>>)
      %dma_wait3A = arith.constant 0 : i32
      %dma_wait3A_191 = tpu.memref_slice %arg6[%add3A_57, %dma_wait3A] : memref<106496x16xf32, #tpu.memory_space<vmem_shared>> -> memref<512x16xf32, #tpu.memory_space<vmem_shared>>
      %dma_wait3A_192 = arith.constant 0 : i32
      %dma_wait3A_193 = tpu.memref_slice %arg6[%add3A_57, %dma_wait3A_192] : memref<106496x16xf32, #tpu.memory_space<vmem_shared>> -> memref<512x16xf32, #tpu.memory_space<vmem_shared>>
      tpu.wait_dma2 semaphore(%run_scoped3A : memref<!tpu.dma_semaphore, #tpu.memory_space<semaphore_mem>>) src(%arg11 : memref<512x16xf32, #tpu.memory_space<vmem>>) dst(%dma_wait3A_193 : memref<512x16xf32, #tpu.memory_space<vmem_shared>>)
      tpu.yield
    }) : () -> ()
    %mul3A_58 = arith.constant 6656 : i32
    %mul3A_59 = arith.muli %arg1, %mul3A_58 : i32
    %add3A_60 = arith.constant 512 : i32
    %add3A_61 = arith.addi %mul3A_59, %add3A_60 : i32
    "tpu.region"() ({
      %run_scoped3A = tpu.sem_alloc : memref<!tpu.dma_semaphore, #tpu.memory_space<semaphore_mem>>
      %dma_start3A = arith.constant 0 : i32
      %dma_start3A_188 = tpu.memref_slice %arg6[%add3A_61, %dma_start3A] : memref<106496x16xf32, #tpu.memory_space<vmem_shared>> -> memref<512x16xf32, #tpu.memory_space<vmem_shared>>
      %dma_start3A_189 = arith.constant 0 : i32
      %dma_start3A_190 = tpu.memref_slice %arg6[%add3A_61, %dma_start3A_189] : memref<106496x16xf32, #tpu.memory_space<vmem_shared>> -> memref<512x16xf32, #tpu.memory_space<vmem_shared>>
      tpu.enqueue_dma source(%arg11 : memref<512x16xf32, #tpu.memory_space<vmem>>) target(%dma_start3A_190 : memref<512x16xf32, #tpu.memory_space<vmem_shared>>) target_semaphore(%run_scoped3A : memref<!tpu.dma_semaphore, #tpu.memory_space<semaphore_mem>>)
      %dma_wait3A = arith.constant 0 : i32
      %dma_wait3A_191 = tpu.memref_slice %arg6[%add3A_61, %dma_wait3A] : memref<106496x16xf32, #tpu.memory_space<vmem_shared>> -> memref<512x16xf32, #tpu.memory_space<vmem_shared>>
      %dma_wait3A_192 = arith.constant 0 : i32
      %dma_wait3A_193 = tpu.memref_slice %arg6[%add3A_61, %dma_wait3A_192] : memref<106496x16xf32, #tpu.memory_space<vmem_shared>> -> memref<512x16xf32, #tpu.memory_space<vmem_shared>>
      tpu.wait_dma2 semaphore(%run_scoped3A : memref<!tpu.dma_semaphore, #tpu.memory_space<semaphore_mem>>) src(%arg11 : memref<512x16xf32, #tpu.memory_space<vmem>>) dst(%dma_wait3A_193 : memref<512x16xf32, #tpu.memory_space<vmem_shared>>)
      tpu.yield
    }) : () -> ()
    %mul3A_62 = arith.constant 6656 : i32
    %mul3A_63 = arith.muli %arg1, %mul3A_62 : i32
    %add3A_64 = arith.constant 1024 : i32
    %add3A_65 = arith.addi %mul3A_63, %add3A_64 : i32
    "tpu.region"() ({
      %run_scoped3A = tpu.sem_alloc : memref<!tpu.dma_semaphore, #tpu.memory_space<semaphore_mem>>
      %dma_start3A = arith.constant 0 : i32
      %dma_start3A_188 = tpu.memref_slice %arg6[%add3A_65, %dma_start3A] : memref<106496x16xf32, #tpu.memory_space<vmem_shared>> -> memref<512x16xf32, #tpu.memory_space<vmem_shared>>
      %dma_start3A_189 = arith.constant 0 : i32
      %dma_start3A_190 = tpu.memref_slice %arg6[%add3A_65, %dma_start3A_189] : memref<106496x16xf32, #tpu.memory_space<vmem_shared>> -> memref<512x16xf32, #tpu.memory_space<vmem_shared>>
      tpu.enqueue_dma source(%arg11 : memref<512x16xf32, #tpu.memory_space<vmem>>) target(%dma_start3A_190 : memref<512x16xf32, #tpu.memory_space<vmem_shared>>) target_semaphore(%run_scoped3A : memref<!tpu.dma_semaphore, #tpu.memory_space<semaphore_mem>>)
      %dma_wait3A = arith.constant 0 : i32
      %dma_wait3A_191 = tpu.memref_slice %arg6[%add3A_65, %dma_wait3A] : memref<106496x16xf32, #tpu.memory_space<vmem_shared>> -> memref<512x16xf32, #tpu.memory_space<vmem_shared>>
      %dma_wait3A_192 = arith.constant 0 : i32
      %dma_wait3A_193 = tpu.memref_slice %arg6[%add3A_65, %dma_wait3A_192] : memref<106496x16xf32, #tpu.memory_space<vmem_shared>> -> memref<512x16xf32, #tpu.memory_space<vmem_shared>>
      tpu.wait_dma2 semaphore(%run_scoped3A : memref<!tpu.dma_semaphore, #tpu.memory_space<semaphore_mem>>) src(%arg11 : memref<512x16xf32, #tpu.memory_space<vmem>>) dst(%dma_wait3A_193 : memref<512x16xf32, #tpu.memory_space<vmem_shared>>)
      tpu.yield
    }) : () -> ()
    %mul3A_66 = arith.constant 6656 : i32
    %mul3A_67 = arith.muli %arg1, %mul3A_66 : i32
    %add3A_68 = arith.constant 1536 : i32
    %add3A_69 = arith.addi %mul3A_67, %add3A_68 : i32
    "tpu.region"() ({
      %run_scoped3A = tpu.sem_alloc : memref<!tpu.dma_semaphore, #tpu.memory_space<semaphore_mem>>
      %dma_start3A = arith.constant 0 : i32
      %dma_start3A_188 = tpu.memref_slice %arg6[%add3A_69, %dma_start3A] : memref<106496x16xf32, #tpu.memory_space<vmem_shared>> -> memref<512x16xf32, #tpu.memory_space<vmem_shared>>
      %dma_start3A_189 = arith.constant 0 : i32
      %dma_start3A_190 = tpu.memref_slice %arg6[%add3A_69, %dma_start3A_189] : memref<106496x16xf32, #tpu.memory_space<vmem_shared>> -> memref<512x16xf32, #tpu.memory_space<vmem_shared>>
      tpu.enqueue_dma source(%arg11 : memref<512x16xf32, #tpu.memory_space<vmem>>) target(%dma_start3A_190 : memref<512x16xf32, #tpu.memory_space<vmem_shared>>) target_semaphore(%run_scoped3A : memref<!tpu.dma_semaphore, #tpu.memory_space<semaphore_mem>>)
      %dma_wait3A = arith.constant 0 : i32
      %dma_wait3A_191 = tpu.memref_slice %arg6[%add3A_69, %dma_wait3A] : memref<106496x16xf32, #tpu.memory_space<vmem_shared>> -> memref<512x16xf32, #tpu.memory_space<vmem_shared>>
      %dma_wait3A_192 = arith.constant 0 : i32
      %dma_wait3A_193 = tpu.memref_slice %arg6[%add3A_69, %dma_wait3A_192] : memref<106496x16xf32, #tpu.memory_space<vmem_shared>> -> memref<512x16xf32, #tpu.memory_space<vmem_shared>>
      tpu.wait_dma2 semaphore(%run_scoped3A : memref<!tpu.dma_semaphore, #tpu.memory_space<semaphore_mem>>) src(%arg11 : memref<512x16xf32, #tpu.memory_space<vmem>>) dst(%dma_wait3A_193 : memref<512x16xf32, #tpu.memory_space<vmem_shared>>)
      tpu.yield
    }) : () -> ()
    %mul3A_70 = arith.constant 6656 : i32
    %mul3A_71 = arith.muli %arg1, %mul3A_70 : i32
    %add3A_72 = arith.constant 2048 : i32
    %add3A_73 = arith.addi %mul3A_71, %add3A_72 : i32
    "tpu.region"() ({
      %run_scoped3A = tpu.sem_alloc : memref<!tpu.dma_semaphore, #tpu.memory_space<semaphore_mem>>
      %dma_start3A = arith.constant 0 : i32
      %dma_start3A_188 = tpu.memref_slice %arg6[%add3A_73, %dma_start3A] : memref<106496x16xf32, #tpu.memory_space<vmem_shared>> -> memref<512x16xf32, #tpu.memory_space<vmem_shared>>
      %dma_start3A_189 = arith.constant 0 : i32
      %dma_start3A_190 = tpu.memref_slice %arg6[%add3A_73, %dma_start3A_189] : memref<106496x16xf32, #tpu.memory_space<vmem_shared>> -> memref<512x16xf32, #tpu.memory_space<vmem_shared>>
      tpu.enqueue_dma source(%arg11 : memref<512x16xf32, #tpu.memory_space<vmem>>) target(%dma_start3A_190 : memref<512x16xf32, #tpu.memory_space<vmem_shared>>) target_semaphore(%run_scoped3A : memref<!tpu.dma_semaphore, #tpu.memory_space<semaphore_mem>>)
      %dma_wait3A = arith.constant 0 : i32
      %dma_wait3A_191 = tpu.memref_slice %arg6[%add3A_73, %dma_wait3A] : memref<106496x16xf32, #tpu.memory_space<vmem_shared>> -> memref<512x16xf32, #tpu.memory_space<vmem_shared>>
      %dma_wait3A_192 = arith.constant 0 : i32
      %dma_wait3A_193 = tpu.memref_slice %arg6[%add3A_73, %dma_wait3A_192] : memref<106496x16xf32, #tpu.memory_space<vmem_shared>> -> memref<512x16xf32, #tpu.memory_space<vmem_shared>>
      tpu.wait_dma2 semaphore(%run_scoped3A : memref<!tpu.dma_semaphore, #tpu.memory_space<semaphore_mem>>) src(%arg11 : memref<512x16xf32, #tpu.memory_space<vmem>>) dst(%dma_wait3A_193 : memref<512x16xf32, #tpu.memory_space<vmem_shared>>)
      tpu.yield
    }) : () -> ()
    %mul3A_74 = arith.constant 6656 : i32
    %mul3A_75 = arith.muli %arg1, %mul3A_74 : i32
    %add3A_76 = arith.constant 2560 : i32
    %add3A_77 = arith.addi %mul3A_75, %add3A_76 : i32
    "tpu.region"() ({
      %run_scoped3A = tpu.sem_alloc : memref<!tpu.dma_semaphore, #tpu.memory_space<semaphore_mem>>
      %dma_start3A = arith.constant 0 : i32
      %dma_start3A_188 = tpu.memref_slice %arg6[%add3A_77, %dma_start3A] : memref<106496x16xf32, #tpu.memory_space<vmem_shared>> -> memref<512x16xf32, #tpu.memory_space<vmem_shared>>
      %dma_start3A_189 = arith.constant 0 : i32
      %dma_start3A_190 = tpu.memref_slice %arg6[%add3A_77, %dma_start3A_189] : memref<106496x16xf32, #tpu.memory_space<vmem_shared>> -> memref<512x16xf32, #tpu.memory_space<vmem_shared>>
      tpu.enqueue_dma source(%arg11 : memref<512x16xf32, #tpu.memory_space<vmem>>) target(%dma_start3A_190 : memref<512x16xf32, #tpu.memory_space<vmem_shared>>) target_semaphore(%run_scoped3A : memref<!tpu.dma_semaphore, #tpu.memory_space<semaphore_mem>>)
      %dma_wait3A = arith.constant 0 : i32
      %dma_wait3A_191 = tpu.memref_slice %arg6[%add3A_77, %dma_wait3A] : memref<106496x16xf32, #tpu.memory_space<vmem_shared>> -> memref<512x16xf32, #tpu.memory_space<vmem_shared>>
      %dma_wait3A_192 = arith.constant 0 : i32
      %dma_wait3A_193 = tpu.memref_slice %arg6[%add3A_77, %dma_wait3A_192] : memref<106496x16xf32, #tpu.memory_space<vmem_shared>> -> memref<512x16xf32, #tpu.memory_space<vmem_shared>>
      tpu.wait_dma2 semaphore(%run_scoped3A : memref<!tpu.dma_semaphore, #tpu.memory_space<semaphore_mem>>) src(%arg11 : memref<512x16xf32, #tpu.memory_space<vmem>>) dst(%dma_wait3A_193 : memref<512x16xf32, #tpu.memory_space<vmem_shared>>)
      tpu.yield
    }) : () -> ()
    %mul3A_78 = arith.constant 6656 : i32
    %mul3A_79 = arith.muli %arg1, %mul3A_78 : i32
    %add3A_80 = arith.constant 3072 : i32
    %add3A_81 = arith.addi %mul3A_79, %add3A_80 : i32
    "tpu.region"() ({
      %run_scoped3A = tpu.sem_alloc : memref<!tpu.dma_semaphore, #tpu.memory_space<semaphore_mem>>
      %dma_start3A = arith.constant 0 : i32
      %dma_start3A_188 = tpu.memref_slice %arg6[%add3A_81, %dma_start3A] : memref<106496x16xf32, #tpu.memory_space<vmem_shared>> -> memref<512x16xf32, #tpu.memory_space<vmem_shared>>
      %dma_start3A_189 = arith.constant 0 : i32
      %dma_start3A_190 = tpu.memref_slice %arg6[%add3A_81, %dma_start3A_189] : memref<106496x16xf32, #tpu.memory_space<vmem_shared>> -> memref<512x16xf32, #tpu.memory_space<vmem_shared>>
      tpu.enqueue_dma source(%arg11 : memref<512x16xf32, #tpu.memory_space<vmem>>) target(%dma_start3A_190 : memref<512x16xf32, #tpu.memory_space<vmem_shared>>) target_semaphore(%run_scoped3A : memref<!tpu.dma_semaphore, #tpu.memory_space<semaphore_mem>>)
      %dma_wait3A = arith.constant 0 : i32
      %dma_wait3A_191 = tpu.memref_slice %arg6[%add3A_81, %dma_wait3A] : memref<106496x16xf32, #tpu.memory_space<vmem_shared>> -> memref<512x16xf32, #tpu.memory_space<vmem_shared>>
      %dma_wait3A_192 = arith.constant 0 : i32
      %dma_wait3A_193 = tpu.memref_slice %arg6[%add3A_81, %dma_wait3A_192] : memref<106496x16xf32, #tpu.memory_space<vmem_shared>> -> memref<512x16xf32, #tpu.memory_space<vmem_shared>>
      tpu.wait_dma2 semaphore(%run_scoped3A : memref<!tpu.dma_semaphore, #tpu.memory_space<semaphore_mem>>) src(%arg11 : memref<512x16xf32, #tpu.memory_space<vmem>>) dst(%dma_wait3A_193 : memref<512x16xf32, #tpu.memory_space<vmem_shared>>)
      tpu.yield
    }) : () -> ()
    %mul3A_82 = arith.constant 6656 : i32
    %mul3A_83 = arith.muli %arg1, %mul3A_82 : i32
    %add3A_84 = arith.constant 3584 : i32
    %add3A_85 = arith.addi %mul3A_83, %add3A_84 : i32
    "tpu.region"() ({
      %run_scoped3A = tpu.sem_alloc : memref<!tpu.dma_semaphore, #tpu.memory_space<semaphore_mem>>
      %dma_start3A = arith.constant 0 : i32
      %dma_start3A_188 = tpu.memref_slice %arg6[%add3A_85, %dma_start3A] : memref<106496x16xf32, #tpu.memory_space<vmem_shared>> -> memref<512x16xf32, #tpu.memory_space<vmem_shared>>
      %dma_start3A_189 = arith.constant 0 : i32
      %dma_start3A_190 = tpu.memref_slice %arg6[%add3A_85, %dma_start3A_189] : memref<106496x16xf32, #tpu.memory_space<vmem_shared>> -> memref<512x16xf32, #tpu.memory_space<vmem_shared>>
      tpu.enqueue_dma source(%arg11 : memref<512x16xf32, #tpu.memory_space<vmem>>) target(%dma_start3A_190 : memref<512x16xf32, #tpu.memory_space<vmem_shared>>) target_semaphore(%run_scoped3A : memref<!tpu.dma_semaphore, #tpu.memory_space<semaphore_mem>>)
      %dma_wait3A = arith.constant 0 : i32
      %dma_wait3A_191 = tpu.memref_slice %arg6[%add3A_85, %dma_wait3A] : memref<106496x16xf32, #tpu.memory_space<vmem_shared>> -> memref<512x16xf32, #tpu.memory_space<vmem_shared>>
      %dma_wait3A_192 = arith.constant 0 : i32
      %dma_wait3A_193 = tpu.memref_slice %arg6[%add3A_85, %dma_wait3A_192] : memref<106496x16xf32, #tpu.memory_space<vmem_shared>> -> memref<512x16xf32, #tpu.memory_space<vmem_shared>>
      tpu.wait_dma2 semaphore(%run_scoped3A : memref<!tpu.dma_semaphore, #tpu.memory_space<semaphore_mem>>) src(%arg11 : memref<512x16xf32, #tpu.memory_space<vmem>>) dst(%dma_wait3A_193 : memref<512x16xf32, #tpu.memory_space<vmem_shared>>)
      tpu.yield
    }) : () -> ()
    %mul3A_86 = arith.constant 6656 : i32
    %mul3A_87 = arith.muli %arg1, %mul3A_86 : i32
    %add3A_88 = arith.constant 4096 : i32
    %add3A_89 = arith.addi %mul3A_87, %add3A_88 : i32
    "tpu.region"() ({
      %run_scoped3A = tpu.sem_alloc : memref<!tpu.dma_semaphore, #tpu.memory_space<semaphore_mem>>
      %dma_start3A = arith.constant 0 : i32
      %dma_start3A_188 = tpu.memref_slice %arg6[%add3A_89, %dma_start3A] : memref<106496x16xf32, #tpu.memory_space<vmem_shared>> -> memref<512x16xf32, #tpu.memory_space<vmem_shared>>
      %dma_start3A_189 = arith.constant 0 : i32
      %dma_start3A_190 = tpu.memref_slice %arg6[%add3A_89, %dma_start3A_189] : memref<106496x16xf32, #tpu.memory_space<vmem_shared>> -> memref<512x16xf32, #tpu.memory_space<vmem_shared>>
      tpu.enqueue_dma source(%arg11 : memref<512x16xf32, #tpu.memory_space<vmem>>) target(%dma_start3A_190 : memref<512x16xf32, #tpu.memory_space<vmem_shared>>) target_semaphore(%run_scoped3A : memref<!tpu.dma_semaphore, #tpu.memory_space<semaphore_mem>>)
      %dma_wait3A = arith.constant 0 : i32
      %dma_wait3A_191 = tpu.memref_slice %arg6[%add3A_89, %dma_wait3A] : memref<106496x16xf32, #tpu.memory_space<vmem_shared>> -> memref<512x16xf32, #tpu.memory_space<vmem_shared>>
      %dma_wait3A_192 = arith.constant 0 : i32
      %dma_wait3A_193 = tpu.memref_slice %arg6[%add3A_89, %dma_wait3A_192] : memref<106496x16xf32, #tpu.memory_space<vmem_shared>> -> memref<512x16xf32, #tpu.memory_space<vmem_shared>>
      tpu.wait_dma2 semaphore(%run_scoped3A : memref<!tpu.dma_semaphore, #tpu.memory_space<semaphore_mem>>) src(%arg11 : memref<512x16xf32, #tpu.memory_space<vmem>>) dst(%dma_wait3A_193 : memref<512x16xf32, #tpu.memory_space<vmem_shared>>)
      tpu.yield
    }) : () -> ()
    %mul3A_90 = arith.constant 6656 : i32
    %mul3A_91 = arith.muli %arg1, %mul3A_90 : i32
    %add3A_92 = arith.constant 4608 : i32
    %add3A_93 = arith.addi %mul3A_91, %add3A_92 : i32
    "tpu.region"() ({
      %run_scoped3A = tpu.sem_alloc : memref<!tpu.dma_semaphore, #tpu.memory_space<semaphore_mem>>
      %dma_start3A = arith.constant 0 : i32
      %dma_start3A_188 = tpu.memref_slice %arg6[%add3A_93, %dma_start3A] : memref<106496x16xf32, #tpu.memory_space<vmem_shared>> -> memref<512x16xf32, #tpu.memory_space<vmem_shared>>
      %dma_start3A_189 = arith.constant 0 : i32
      %dma_start3A_190 = tpu.memref_slice %arg6[%add3A_93, %dma_start3A_189] : memref<106496x16xf32, #tpu.memory_space<vmem_shared>> -> memref<512x16xf32, #tpu.memory_space<vmem_shared>>
      tpu.enqueue_dma source(%arg11 : memref<512x16xf32, #tpu.memory_space<vmem>>) target(%dma_start3A_190 : memref<512x16xf32, #tpu.memory_space<vmem_shared>>) target_semaphore(%run_scoped3A : memref<!tpu.dma_semaphore, #tpu.memory_space<semaphore_mem>>)
      %dma_wait3A = arith.constant 0 : i32
      %dma_wait3A_191 = tpu.memref_slice %arg6[%add3A_93, %dma_wait3A] : memref<106496x16xf32, #tpu.memory_space<vmem_shared>> -> memref<512x16xf32, #tpu.memory_space<vmem_shared>>
      %dma_wait3A_192 = arith.constant 0 : i32
      %dma_wait3A_193 = tpu.memref_slice %arg6[%add3A_93, %dma_wait3A_192] : memref<106496x16xf32, #tpu.memory_space<vmem_shared>> -> memref<512x16xf32, #tpu.memory_space<vmem_shared>>
      tpu.wait_dma2 semaphore(%run_scoped3A : memref<!tpu.dma_semaphore, #tpu.memory_space<semaphore_mem>>) src(%arg11 : memref<512x16xf32, #tpu.memory_space<vmem>>) dst(%dma_wait3A_193 : memref<512x16xf32, #tpu.memory_space<vmem_shared>>)
      tpu.yield
    }) : () -> ()
    %mul3A_94 = arith.constant 6656 : i32
    %mul3A_95 = arith.muli %arg1, %mul3A_94 : i32
    %add3A_96 = arith.constant 5120 : i32
    %add3A_97 = arith.addi %mul3A_95, %add3A_96 : i32
    "tpu.region"() ({
      %run_scoped3A = tpu.sem_alloc : memref<!tpu.dma_semaphore, #tpu.memory_space<semaphore_mem>>
      %dma_start3A = arith.constant 0 : i32
      %dma_start3A_188 = tpu.memref_slice %arg6[%add3A_97, %dma_start3A] : memref<106496x16xf32, #tpu.memory_space<vmem_shared>> -> memref<512x16xf32, #tpu.memory_space<vmem_shared>>
      %dma_start3A_189 = arith.constant 0 : i32
      %dma_start3A_190 = tpu.memref_slice %arg6[%add3A_97, %dma_start3A_189] : memref<106496x16xf32, #tpu.memory_space<vmem_shared>> -> memref<512x16xf32, #tpu.memory_space<vmem_shared>>
      tpu.enqueue_dma source(%arg11 : memref<512x16xf32, #tpu.memory_space<vmem>>) target(%dma_start3A_190 : memref<512x16xf32, #tpu.memory_space<vmem_shared>>) target_semaphore(%run_scoped3A : memref<!tpu.dma_semaphore, #tpu.memory_space<semaphore_mem>>)
      %dma_wait3A = arith.constant 0 : i32
      %dma_wait3A_191 = tpu.memref_slice %arg6[%add3A_97, %dma_wait3A] : memref<106496x16xf32, #tpu.memory_space<vmem_shared>> -> memref<512x16xf32, #tpu.memory_space<vmem_shared>>
      %dma_wait3A_192 = arith.constant 0 : i32
      %dma_wait3A_193 = tpu.memref_slice %arg6[%add3A_97, %dma_wait3A_192] : memref<106496x16xf32, #tpu.memory_space<vmem_shared>> -> memref<512x16xf32, #tpu.memory_space<vmem_shared>>
      tpu.wait_dma2 semaphore(%run_scoped3A : memref<!tpu.dma_semaphore, #tpu.memory_space<semaphore_mem>>) src(%arg11 : memref<512x16xf32, #tpu.memory_space<vmem>>) dst(%dma_wait3A_193 : memref<512x16xf32, #tpu.memory_space<vmem_shared>>)
      tpu.yield
    }) : () -> ()
    %mul3A_98 = arith.constant 6656 : i32
    %mul3A_99 = arith.muli %arg1, %mul3A_98 : i32
    %add3A_100 = arith.constant 5632 : i32
    %add3A_101 = arith.addi %mul3A_99, %add3A_100 : i32
    "tpu.region"() ({
      %run_scoped3A = tpu.sem_alloc : memref<!tpu.dma_semaphore, #tpu.memory_space<semaphore_mem>>
      %dma_start3A = arith.constant 0 : i32
      %dma_start3A_188 = tpu.memref_slice %arg6[%add3A_101, %dma_start3A] : memref<106496x16xf32, #tpu.memory_space<vmem_shared>> -> memref<512x16xf32, #tpu.memory_space<vmem_shared>>
      %dma_start3A_189 = arith.constant 0 : i32
      %dma_start3A_190 = tpu.memref_slice %arg6[%add3A_101, %dma_start3A_189] : memref<106496x16xf32, #tpu.memory_space<vmem_shared>> -> memref<512x16xf32, #tpu.memory_space<vmem_shared>>
      tpu.enqueue_dma source(%arg11 : memref<512x16xf32, #tpu.memory_space<vmem>>) target(%dma_start3A_190 : memref<512x16xf32, #tpu.memory_space<vmem_shared>>) target_semaphore(%run_scoped3A : memref<!tpu.dma_semaphore, #tpu.memory_space<semaphore_mem>>)
      %dma_wait3A = arith.constant 0 : i32
      %dma_wait3A_191 = tpu.memref_slice %arg6[%add3A_101, %dma_wait3A] : memref<106496x16xf32, #tpu.memory_space<vmem_shared>> -> memref<512x16xf32, #tpu.memory_space<vmem_shared>>
      %dma_wait3A_192 = arith.constant 0 : i32
      %dma_wait3A_193 = tpu.memref_slice %arg6[%add3A_101, %dma_wait3A_192] : memref<106496x16xf32, #tpu.memory_space<vmem_shared>> -> memref<512x16xf32, #tpu.memory_space<vmem_shared>>
      tpu.wait_dma2 semaphore(%run_scoped3A : memref<!tpu.dma_semaphore, #tpu.memory_space<semaphore_mem>>) src(%arg11 : memref<512x16xf32, #tpu.memory_space<vmem>>) dst(%dma_wait3A_193 : memref<512x16xf32, #tpu.memory_space<vmem_shared>>)
      tpu.yield
    }) : () -> ()
    %mul3A_102 = arith.constant 6656 : i32
    %mul3A_103 = arith.muli %arg1, %mul3A_102 : i32
    %add3A_104 = arith.constant 6144 : i32
    %add3A_105 = arith.addi %mul3A_103, %add3A_104 : i32
    "tpu.region"() ({
      %run_scoped3A = tpu.sem_alloc : memref<!tpu.dma_semaphore, #tpu.memory_space<semaphore_mem>>
      %dma_start3A = arith.constant 0 : i32
      %dma_start3A_188 = tpu.memref_slice %arg6[%add3A_105, %dma_start3A] : memref<106496x16xf32, #tpu.memory_space<vmem_shared>> -> memref<512x16xf32, #tpu.memory_space<vmem_shared>>
      %dma_start3A_189 = arith.constant 0 : i32
      %dma_start3A_190 = tpu.memref_slice %arg6[%add3A_105, %dma_start3A_189] : memref<106496x16xf32, #tpu.memory_space<vmem_shared>> -> memref<512x16xf32, #tpu.memory_space<vmem_shared>>
      tpu.enqueue_dma source(%arg11 : memref<512x16xf32, #tpu.memory_space<vmem>>) target(%dma_start3A_190 : memref<512x16xf32, #tpu.memory_space<vmem_shared>>) target_semaphore(%run_scoped3A : memref<!tpu.dma_semaphore, #tpu.memory_space<semaphore_mem>>)
      %dma_wait3A = arith.constant 0 : i32
      %dma_wait3A_191 = tpu.memref_slice %arg6[%add3A_105, %dma_wait3A] : memref<106496x16xf32, #tpu.memory_space<vmem_shared>> -> memref<512x16xf32, #tpu.memory_space<vmem_shared>>
      %dma_wait3A_192 = arith.constant 0 : i32
      %dma_wait3A_193 = tpu.memref_slice %arg6[%add3A_105, %dma_wait3A_192] : memref<106496x16xf32, #tpu.memory_space<vmem_shared>> -> memref<512x16xf32, #tpu.memory_space<vmem_shared>>
      tpu.wait_dma2 semaphore(%run_scoped3A : memref<!tpu.dma_semaphore, #tpu.memory_space<semaphore_mem>>) src(%arg11 : memref<512x16xf32, #tpu.memory_space<vmem>>) dst(%dma_wait3A_193 : memref<512x16xf32, #tpu.memory_space<vmem_shared>>)
      tpu.yield
    }) : () -> ()
    %barrier3A = arith.constant 0 : index
    tpu.barrier barrier_id(%barrier3A)
    %broadcast_in_dim3A_106 = arith.constant 0 : i32
    %broadcast_in_dim3A_107 = vector.broadcast %broadcast_in_dim3A_106 : i32 to vector<16xi32>
    %broadcast_in_dim3A_108 = arith.constant 1 : i32
    %broadcast_in_dim3A_109 = vector.broadcast %broadcast_in_dim3A_108 : i32 to vector<16xi32>
    %broadcast_in_dim3A_110 = arith.constant 2 : i32
    %broadcast_in_dim3A_111 = vector.broadcast %broadcast_in_dim3A_110 : i32 to vector<16xi32>
    %broadcast_in_dim3A_112 = arith.constant 3 : i32
    %broadcast_in_dim3A_113 = vector.broadcast %broadcast_in_dim3A_112 : i32 to vector<16xi32>
    %broadcast_in_dim3A_114 = arith.constant 4 : i32
    %broadcast_in_dim3A_115 = vector.broadcast %broadcast_in_dim3A_114 : i32 to vector<16xi32>
    %broadcast_in_dim3A_116 = arith.constant 5 : i32
    %broadcast_in_dim3A_117 = vector.broadcast %broadcast_in_dim3A_116 : i32 to vector<16xi32>
    %broadcast_in_dim3A_118 = arith.constant 6 : i32
    %broadcast_in_dim3A_119 = vector.broadcast %broadcast_in_dim3A_118 : i32 to vector<16xi32>
    %broadcast_in_dim3A_120 = arith.constant 7 : i32
    %broadcast_in_dim3A_121 = vector.broadcast %broadcast_in_dim3A_120 : i32 to vector<16xi32>
    %broadcast_in_dim3A_122 = arith.constant 8 : i32
    %broadcast_in_dim3A_123 = vector.broadcast %broadcast_in_dim3A_122 : i32 to vector<16xi32>
    %broadcast_in_dim3A_124 = arith.constant 9 : i32
    %broadcast_in_dim3A_125 = vector.broadcast %broadcast_in_dim3A_124 : i32 to vector<16xi32>
    %broadcast_in_dim3A_126 = arith.constant 10 : i32
    %broadcast_in_dim3A_127 = vector.broadcast %broadcast_in_dim3A_126 : i32 to vector<16xi32>
    %scan3A_128 = arith.constant 0 : i32
    %scan3A_129 = arith.constant 0 : i32
    %scan3A_130 = arith.constant 196 : i32
    %scan3A_131 = arith.addi %scan3A_129, %scan3A_130 : i32
    %scan3A_132 = arith.constant 1 : i32
    %scan3A_133 = scf.for %scan3A_188 = %scan3A_129 to %scan3A_131 step %scan3A_132 iter_args(%scan3A_189 = %scan3A_128) -> (i32)  : i32 {
      %mul3A_190 = arith.constant 196 : i32
      %mul3A_191 = arith.muli %add3A, %mul3A_190 : i32
      %add3A_192 = arith.addi %mul3A_191, %scan3A_188 : i32
      %mul3A_193 = arith.constant 4 : i32
      %mul3A_194 = arith.muli %add3A_192, %mul3A_193 : i32
      "tpu.region"() ({
        %run_scoped3A_364 = tpu.sem_alloc : memref<!tpu.dma_semaphore, #tpu.memory_space<semaphore_mem>>
        %dma_start3A_365 = arith.constant 0 : i32
        %dma_start3A_366 = tpu.memref_slice %arg3[%mul3A_194, %dma_start3A_365] : memref<25088x128xi32, #tpu.memory_space<hbm>> -> memref<4x128xi32, #tpu.memory_space<hbm>>
        %dma_start3A_367 = arith.constant 0 : i32
        %dma_start3A_368 = tpu.memref_slice %arg3[%mul3A_194, %dma_start3A_367] : memref<25088x128xi32, #tpu.memory_space<hbm>> -> memref<4x128xi32, #tpu.memory_space<hbm>>
        tpu.enqueue_dma source(%dma_start3A_368 : memref<4x128xi32, #tpu.memory_space<hbm>>) target(%arg7 : memref<4x128xi32, #tpu.memory_space<vmem>>) target_semaphore(%run_scoped3A_364 : memref<!tpu.dma_semaphore, #tpu.memory_space<semaphore_mem>>)
        %dma_wait3A_369 = arith.constant 0 : i32
        %dma_wait3A_370 = tpu.memref_slice %arg3[%mul3A_194, %dma_wait3A_369] : memref<25088x128xi32, #tpu.memory_space<hbm>> -> memref<4x128xi32, #tpu.memory_space<hbm>>
        %dma_wait3A_371 = arith.constant 0 : i32
        %dma_wait3A_372 = tpu.memref_slice %arg3[%mul3A_194, %dma_wait3A_371] : memref<25088x128xi32, #tpu.memory_space<hbm>> -> memref<4x128xi32, #tpu.memory_space<hbm>>
        tpu.wait_dma2 semaphore(%run_scoped3A_364 : memref<!tpu.dma_semaphore, #tpu.memory_space<semaphore_mem>>) src(%dma_wait3A_372 : memref<4x128xi32, #tpu.memory_space<hbm>>) dst(%arg7 : memref<4x128xi32, #tpu.memory_space<vmem>>)
        tpu.yield
      }) : () -> ()
      "tpu.region"() ({
        %run_scoped3A_364 = tpu.sem_alloc : memref<!tpu.dma_semaphore, #tpu.memory_space<semaphore_mem>>
        %dma_start3A_365 = arith.constant 0 : i32
        %dma_start3A_366 = tpu.memref_slice %arg4[%mul3A_194, %dma_start3A_365] : memref<25088x128xi32, #tpu.memory_space<hbm>> -> memref<4x128xi32, #tpu.memory_space<hbm>>
        %dma_start3A_367 = arith.constant 0 : i32
        %dma_start3A_368 = tpu.memref_slice %arg4[%mul3A_194, %dma_start3A_367] : memref<25088x128xi32, #tpu.memory_space<hbm>> -> memref<4x128xi32, #tpu.memory_space<hbm>>
        tpu.enqueue_dma source(%dma_start3A_368 : memref<4x128xi32, #tpu.memory_space<hbm>>) target(%arg8 : memref<4x128xi32, #tpu.memory_space<vmem>>) target_semaphore(%run_scoped3A_364 : memref<!tpu.dma_semaphore, #tpu.memory_space<semaphore_mem>>)
        %dma_wait3A_369 = arith.constant 0 : i32
        %dma_wait3A_370 = tpu.memref_slice %arg4[%mul3A_194, %dma_wait3A_369] : memref<25088x128xi32, #tpu.memory_space<hbm>> -> memref<4x128xi32, #tpu.memory_space<hbm>>
        %dma_wait3A_371 = arith.constant 0 : i32
        %dma_wait3A_372 = tpu.memref_slice %arg4[%mul3A_194, %dma_wait3A_371] : memref<25088x128xi32, #tpu.memory_space<hbm>> -> memref<4x128xi32, #tpu.memory_space<hbm>>
        tpu.wait_dma2 semaphore(%run_scoped3A_364 : memref<!tpu.dma_semaphore, #tpu.memory_space<semaphore_mem>>) src(%dma_wait3A_372 : memref<4x128xi32, #tpu.memory_space<hbm>>) dst(%arg8 : memref<4x128xi32, #tpu.memory_space<vmem>>)
        tpu.yield
      }) : () -> ()
      %dma_start3A = arith.constant 0 : i32
      %dma_start3A_195 = arith.constant 0 : i32
      %dma_start3A_196 = arith.constant 0 : i32
      %dma_start3A_197 = tpu.memref_slice %arg9[%dma_start3A_195, %dma_start3A_196] : memref<512x8xf32, #tpu.memory_space<vmem>> -> memref<128x8xf32, #tpu.memory_space<vmem>>
      %dma_start3A_198 = arith.constant 0 : i32
      %dma_start3A_199 = tpu.memref_slice %arg7[%dma_start3A, %dma_start3A_198] : memref<4x128xi32, #tpu.memory_space<vmem>> -> memref<1x128xi32, #tpu.memory_space<vmem>>
      %dma_start3A_200 = tpu.memref_squeeze %dma_start3A_199 : memref<1x128xi32, #tpu.memory_space<vmem>> -> memref<128xi32, #tpu.memory_space<vmem>>
      %dma_start3A_201 = arith.constant 0 : i32
      %dma_start3A_202 = arith.constant 0 : i32
      %dma_start3A_203 = tpu.memref_slice %arg2[%dma_start3A_201, %dma_start3A_202] : memref<106496x8xf32, #tpu.memory_space<hbm>> -> memref<106496x8xf32, #tpu.memory_space<hbm>>
      tpu.enqueue_indirect_dma source(%dma_start3A_203 : memref<106496x8xf32, #tpu.memory_space<hbm>>) target(%dma_start3A_197 : memref<128x8xf32, #tpu.memory_space<vmem>>) offsets(%dma_start3A_200 : memref<128xi32, #tpu.memory_space<vmem>>) semaphore(%arg12 : memref<!tpu.dma_semaphore, #tpu.memory_space<semaphore_mem>>)
      %dma_start3A_204 = arith.constant 1 : i32
      %dma_start3A_205 = arith.constant 128 : i32
      %dma_start3A_206 = arith.constant 0 : i32
      %dma_start3A_207 = tpu.memref_slice %arg9[%dma_start3A_205, %dma_start3A_206] : memref<512x8xf32, #tpu.memory_space<vmem>> -> memref<128x8xf32, #tpu.memory_space<vmem>>
      %dma_start3A_208 = arith.constant 0 : i32
      %dma_start3A_209 = tpu.memref_slice %arg7[%dma_start3A_204, %dma_start3A_208] : memref<4x128xi32, #tpu.memory_space<vmem>> -> memref<1x128xi32, #tpu.memory_space<vmem>>
      %dma_start3A_210 = tpu.memref_squeeze %dma_start3A_209 : memref<1x128xi32, #tpu.memory_space<vmem>> -> memref<128xi32, #tpu.memory_space<vmem>>
      %dma_start3A_211 = arith.constant 0 : i32
      %dma_start3A_212 = arith.constant 0 : i32
      %dma_start3A_213 = tpu.memref_slice %arg2[%dma_start3A_211, %dma_start3A_212] : memref<106496x8xf32, #tpu.memory_space<hbm>> -> memref<106496x8xf32, #tpu.memory_space<hbm>>
      tpu.enqueue_indirect_dma source(%dma_start3A_213 : memref<106496x8xf32, #tpu.memory_space<hbm>>) target(%dma_start3A_207 : memref<128x8xf32, #tpu.memory_space<vmem>>) offsets(%dma_start3A_210 : memref<128xi32, #tpu.memory_space<vmem>>) semaphore(%arg12 : memref<!tpu.dma_semaphore, #tpu.memory_space<semaphore_mem>>)
      %dma_start3A_214 = arith.constant 2 : i32
      %dma_start3A_215 = arith.constant 256 : i32
      %dma_start3A_216 = arith.constant 0 : i32
      %dma_start3A_217 = tpu.memref_slice %arg9[%dma_start3A_215, %dma_start3A_216] : memref<512x8xf32, #tpu.memory_space<vmem>> -> memref<128x8xf32, #tpu.memory_space<vmem>>
      %dma_start3A_218 = arith.constant 0 : i32
      %dma_start3A_219 = tpu.memref_slice %arg7[%dma_start3A_214, %dma_start3A_218] : memref<4x128xi32, #tpu.memory_space<vmem>> -> memref<1x128xi32, #tpu.memory_space<vmem>>
      %dma_start3A_220 = tpu.memref_squeeze %dma_start3A_219 : memref<1x128xi32, #tpu.memory_space<vmem>> -> memref<128xi32, #tpu.memory_space<vmem>>
      %dma_start3A_221 = arith.constant 0 : i32
      %dma_start3A_222 = arith.constant 0 : i32
      %dma_start3A_223 = tpu.memref_slice %arg2[%dma_start3A_221, %dma_start3A_222] : memref<106496x8xf32, #tpu.memory_space<hbm>> -> memref<106496x8xf32, #tpu.memory_space<hbm>>
      tpu.enqueue_indirect_dma source(%dma_start3A_223 : memref<106496x8xf32, #tpu.memory_space<hbm>>) target(%dma_start3A_217 : memref<128x8xf32, #tpu.memory_space<vmem>>) offsets(%dma_start3A_220 : memref<128xi32, #tpu.memory_space<vmem>>) semaphore(%arg12 : memref<!tpu.dma_semaphore, #tpu.memory_space<semaphore_mem>>)
      %dma_start3A_224 = arith.constant 3 : i32
      %dma_start3A_225 = arith.constant 384 : i32
      %dma_start3A_226 = arith.constant 0 : i32
      %dma_start3A_227 = tpu.memref_slice %arg9[%dma_start3A_225, %dma_start3A_226] : memref<512x8xf32, #tpu.memory_space<vmem>> -> memref<128x8xf32, #tpu.memory_space<vmem>>
      %dma_start3A_228 = arith.constant 0 : i32
      %dma_start3A_229 = tpu.memref_slice %arg7[%dma_start3A_224, %dma_start3A_228] : memref<4x128xi32, #tpu.memory_space<vmem>> -> memref<1x128xi32, #tpu.memory_space<vmem>>
      %dma_start3A_230 = tpu.memref_squeeze %dma_start3A_229 : memref<1x128xi32, #tpu.memory_space<vmem>> -> memref<128xi32, #tpu.memory_space<vmem>>
      %dma_start3A_231 = arith.constant 0 : i32
      %dma_start3A_232 = arith.constant 0 : i32
      %dma_start3A_233 = tpu.memref_slice %arg2[%dma_start3A_231, %dma_start3A_232] : memref<106496x8xf32, #tpu.memory_space<hbm>> -> memref<106496x8xf32, #tpu.memory_space<hbm>>
      tpu.enqueue_indirect_dma source(%dma_start3A_233 : memref<106496x8xf32, #tpu.memory_space<hbm>>) target(%dma_start3A_227 : memref<128x8xf32, #tpu.memory_space<vmem>>) offsets(%dma_start3A_230 : memref<128xi32, #tpu.memory_space<vmem>>) semaphore(%arg12 : memref<!tpu.dma_semaphore, #tpu.memory_space<semaphore_mem>>)
      %dma_start3A_234 = arith.constant 0 : i32
      %dma_start3A_235 = arith.constant 0 : i32
      %dma_start3A_236 = arith.constant 0 : i32
      %dma_start3A_237 = tpu.memref_slice %arg10[%dma_start3A_235, %dma_start3A_236] : memref<512x8xf32, #tpu.memory_space<vmem>> -> memref<128x8xf32, #tpu.memory_space<vmem>>
      %dma_start3A_238 = arith.constant 0 : i32
      %dma_start3A_239 = tpu.memref_slice %arg8[%dma_start3A_234, %dma_start3A_238] : memref<4x128xi32, #tpu.memory_space<vmem>> -> memref<1x128xi32, #tpu.memory_space<vmem>>
      %dma_start3A_240 = tpu.memref_squeeze %dma_start3A_239 : memref<1x128xi32, #tpu.memory_space<vmem>> -> memref<128xi32, #tpu.memory_space<vmem>>
      %dma_start3A_241 = arith.constant 0 : i32
      %dma_start3A_242 = arith.constant 0 : i32
      %dma_start3A_243 = tpu.memref_slice %arg2[%dma_start3A_241, %dma_start3A_242] : memref<106496x8xf32, #tpu.memory_space<hbm>> -> memref<106496x8xf32, #tpu.memory_space<hbm>>
      tpu.enqueue_indirect_dma source(%dma_start3A_243 : memref<106496x8xf32, #tpu.memory_space<hbm>>) target(%dma_start3A_237 : memref<128x8xf32, #tpu.memory_space<vmem>>) offsets(%dma_start3A_240 : memref<128xi32, #tpu.memory_space<vmem>>) semaphore(%arg13 : memref<!tpu.dma_semaphore, #tpu.memory_space<semaphore_mem>>)
      %dma_start3A_244 = arith.constant 1 : i32
      %dma_start3A_245 = arith.constant 128 : i32
      %dma_start3A_246 = arith.constant 0 : i32
      %dma_start3A_247 = tpu.memref_slice %arg10[%dma_start3A_245, %dma_start3A_246] : memref<512x8xf32, #tpu.memory_space<vmem>> -> memref<128x8xf32, #tpu.memory_space<vmem>>
      %dma_start3A_248 = arith.constant 0 : i32
      %dma_start3A_249 = tpu.memref_slice %arg8[%dma_start3A_244, %dma_start3A_248] : memref<4x128xi32, #tpu.memory_space<vmem>> -> memref<1x128xi32, #tpu.memory_space<vmem>>
      %dma_start3A_250 = tpu.memref_squeeze %dma_start3A_249 : memref<1x128xi32, #tpu.memory_space<vmem>> -> memref<128xi32, #tpu.memory_space<vmem>>
      %dma_start3A_251 = arith.constant 0 : i32
      %dma_start3A_252 = arith.constant 0 : i32
      %dma_start3A_253 = tpu.memref_slice %arg2[%dma_start3A_251, %dma_start3A_252] : memref<106496x8xf32, #tpu.memory_space<hbm>> -> memref<106496x8xf32, #tpu.memory_space<hbm>>
      tpu.enqueue_indirect_dma source(%dma_start3A_253 : memref<106496x8xf32, #tpu.memory_space<hbm>>) target(%dma_start3A_247 : memref<128x8xf32, #tpu.memory_space<vmem>>) offsets(%dma_start3A_250 : memref<128xi32, #tpu.memory_space<vmem>>) semaphore(%arg13 : memref<!tpu.dma_semaphore, #tpu.memory_space<semaphore_mem>>)
      %dma_start3A_254 = arith.constant 2 : i32
      %dma_start3A_255 = arith.constant 256 : i32
      %dma_start3A_256 = arith.constant 0 : i32
      %dma_start3A_257 = tpu.memref_slice %arg10[%dma_start3A_255, %dma_start3A_256] : memref<512x8xf32, #tpu.memory_space<vmem>> -> memref<128x8xf32, #tpu.memory_space<vmem>>
      %dma_start3A_258 = arith.constant 0 : i32
      %dma_start3A_259 = tpu.memref_slice %arg8[%dma_start3A_254, %dma_start3A_258] : memref<4x128xi32, #tpu.memory_space<vmem>> -> memref<1x128xi32, #tpu.memory_space<vmem>>
      %dma_start3A_260 = tpu.memref_squeeze %dma_start3A_259 : memref<1x128xi32, #tpu.memory_space<vmem>> -> memref<128xi32, #tpu.memory_space<vmem>>
      %dma_start3A_261 = arith.constant 0 : i32
      %dma_start3A_262 = arith.constant 0 : i32
      %dma_start3A_263 = tpu.memref_slice %arg2[%dma_start3A_261, %dma_start3A_262] : memref<106496x8xf32, #tpu.memory_space<hbm>> -> memref<106496x8xf32, #tpu.memory_space<hbm>>
      tpu.enqueue_indirect_dma source(%dma_start3A_263 : memref<106496x8xf32, #tpu.memory_space<hbm>>) target(%dma_start3A_257 : memref<128x8xf32, #tpu.memory_space<vmem>>) offsets(%dma_start3A_260 : memref<128xi32, #tpu.memory_space<vmem>>) semaphore(%arg13 : memref<!tpu.dma_semaphore, #tpu.memory_space<semaphore_mem>>)
      %dma_start3A_264 = arith.constant 3 : i32
      %dma_start3A_265 = arith.constant 384 : i32
      %dma_start3A_266 = arith.constant 0 : i32
      %dma_start3A_267 = tpu.memref_slice %arg10[%dma_start3A_265, %dma_start3A_266] : memref<512x8xf32, #tpu.memory_space<vmem>> -> memref<128x8xf32, #tpu.memory_space<vmem>>
      %dma_start3A_268 = arith.constant 0 : i32
      %dma_start3A_269 = tpu.memref_slice %arg8[%dma_start3A_264, %dma_start3A_268] : memref<4x128xi32, #tpu.memory_space<vmem>> -> memref<1x128xi32, #tpu.memory_space<vmem>>
      %dma_start3A_270 = tpu.memref_squeeze %dma_start3A_269 : memref<1x128xi32, #tpu.memory_space<vmem>> -> memref<128xi32, #tpu.memory_space<vmem>>
      %dma_start3A_271 = arith.constant 0 : i32
      %dma_start3A_272 = arith.constant 0 : i32
      %dma_start3A_273 = tpu.memref_slice %arg2[%dma_start3A_271, %dma_start3A_272] : memref<106496x8xf32, #tpu.memory_space<hbm>> -> memref<106496x8xf32, #tpu.memory_space<hbm>>
      tpu.enqueue_indirect_dma source(%dma_start3A_273 : memref<106496x8xf32, #tpu.memory_space<hbm>>) target(%dma_start3A_267 : memref<128x8xf32, #tpu.memory_space<vmem>>) offsets(%dma_start3A_270 : memref<128xi32, #tpu.memory_space<vmem>>) semaphore(%arg13 : memref<!tpu.dma_semaphore, #tpu.memory_space<semaphore_mem>>)
      %dma_wait3A = arith.constant 0 : i32
      %dma_wait3A_274 = arith.constant 0 : i32
      %dma_wait3A_275 = arith.constant 0 : i32
      %dma_wait3A_276 = tpu.memref_slice %arg9[%dma_wait3A_274, %dma_wait3A_275] : memref<512x8xf32, #tpu.memory_space<vmem>> -> memref<128x8xf32, #tpu.memory_space<vmem>>
      %dma_wait3A_277 = arith.constant 0 : i32
      %dma_wait3A_278 = tpu.memref_slice %arg7[%dma_wait3A, %dma_wait3A_277] : memref<4x128xi32, #tpu.memory_space<vmem>> -> memref<1x128xi32, #tpu.memory_space<vmem>>
      %dma_wait3A_279 = tpu.memref_squeeze %dma_wait3A_278 : memref<1x128xi32, #tpu.memory_space<vmem>> -> memref<128xi32, #tpu.memory_space<vmem>>
      %dma_wait3A_280 = arith.constant 0 : i32
      %dma_wait3A_281 = arith.constant 0 : i32
      %dma_wait3A_282 = tpu.memref_slice %arg2[%dma_wait3A_280, %dma_wait3A_281] : memref<106496x8xf32, #tpu.memory_space<hbm>> -> memref<106496x8xf32, #tpu.memory_space<hbm>>
      tpu.wait_indirect_dma semaphore(%arg12 : memref<!tpu.dma_semaphore, #tpu.memory_space<semaphore_mem>>) src(%dma_wait3A_282 : memref<106496x8xf32, #tpu.memory_space<hbm>>) dst(%dma_wait3A_276 : memref<128x8xf32, #tpu.memory_space<vmem>>)
      %dma_wait3A_283 = arith.constant 1 : i32
      %dma_wait3A_284 = arith.constant 128 : i32
      %dma_wait3A_285 = arith.constant 0 : i32
      %dma_wait3A_286 = tpu.memref_slice %arg9[%dma_wait3A_284, %dma_wait3A_285] : memref<512x8xf32, #tpu.memory_space<vmem>> -> memref<128x8xf32, #tpu.memory_space<vmem>>
      %dma_wait3A_287 = arith.constant 0 : i32
      %dma_wait3A_288 = tpu.memref_slice %arg7[%dma_wait3A_283, %dma_wait3A_287] : memref<4x128xi32, #tpu.memory_space<vmem>> -> memref<1x128xi32, #tpu.memory_space<vmem>>
      %dma_wait3A_289 = tpu.memref_squeeze %dma_wait3A_288 : memref<1x128xi32, #tpu.memory_space<vmem>> -> memref<128xi32, #tpu.memory_space<vmem>>
      %dma_wait3A_290 = arith.constant 0 : i32
      %dma_wait3A_291 = arith.constant 0 : i32
      %dma_wait3A_292 = tpu.memref_slice %arg2[%dma_wait3A_290, %dma_wait3A_291] : memref<106496x8xf32, #tpu.memory_space<hbm>> -> memref<106496x8xf32, #tpu.memory_space<hbm>>
      tpu.wait_indirect_dma semaphore(%arg12 : memref<!tpu.dma_semaphore, #tpu.memory_space<semaphore_mem>>) src(%dma_wait3A_292 : memref<106496x8xf32, #tpu.memory_space<hbm>>) dst(%dma_wait3A_286 : memref<128x8xf32, #tpu.memory_space<vmem>>)
      %dma_wait3A_293 = arith.constant 2 : i32
      %dma_wait3A_294 = arith.constant 256 : i32
      %dma_wait3A_295 = arith.constant 0 : i32
      %dma_wait3A_296 = tpu.memref_slice %arg9[%dma_wait3A_294, %dma_wait3A_295] : memref<512x8xf32, #tpu.memory_space<vmem>> -> memref<128x8xf32, #tpu.memory_space<vmem>>
      %dma_wait3A_297 = arith.constant 0 : i32
      %dma_wait3A_298 = tpu.memref_slice %arg7[%dma_wait3A_293, %dma_wait3A_297] : memref<4x128xi32, #tpu.memory_space<vmem>> -> memref<1x128xi32, #tpu.memory_space<vmem>>
      %dma_wait3A_299 = tpu.memref_squeeze %dma_wait3A_298 : memref<1x128xi32, #tpu.memory_space<vmem>> -> memref<128xi32, #tpu.memory_space<vmem>>
      %dma_wait3A_300 = arith.constant 0 : i32
      %dma_wait3A_301 = arith.constant 0 : i32
      %dma_wait3A_302 = tpu.memref_slice %arg2[%dma_wait3A_300, %dma_wait3A_301] : memref<106496x8xf32, #tpu.memory_space<hbm>> -> memref<106496x8xf32, #tpu.memory_space<hbm>>
      tpu.wait_indirect_dma semaphore(%arg12 : memref<!tpu.dma_semaphore, #tpu.memory_space<semaphore_mem>>) src(%dma_wait3A_302 : memref<106496x8xf32, #tpu.memory_space<hbm>>) dst(%dma_wait3A_296 : memref<128x8xf32, #tpu.memory_space<vmem>>)
      %dma_wait3A_303 = arith.constant 3 : i32
      %dma_wait3A_304 = arith.constant 384 : i32
      %dma_wait3A_305 = arith.constant 0 : i32
      %dma_wait3A_306 = tpu.memref_slice %arg9[%dma_wait3A_304, %dma_wait3A_305] : memref<512x8xf32, #tpu.memory_space<vmem>> -> memref<128x8xf32, #tpu.memory_space<vmem>>
      %dma_wait3A_307 = arith.constant 0 : i32
      %dma_wait3A_308 = tpu.memref_slice %arg7[%dma_wait3A_303, %dma_wait3A_307] : memref<4x128xi32, #tpu.memory_space<vmem>> -> memref<1x128xi32, #tpu.memory_space<vmem>>
      %dma_wait3A_309 = tpu.memref_squeeze %dma_wait3A_308 : memref<1x128xi32, #tpu.memory_space<vmem>> -> memref<128xi32, #tpu.memory_space<vmem>>
      %dma_wait3A_310 = arith.constant 0 : i32
      %dma_wait3A_311 = arith.constant 0 : i32
      %dma_wait3A_312 = tpu.memref_slice %arg2[%dma_wait3A_310, %dma_wait3A_311] : memref<106496x8xf32, #tpu.memory_space<hbm>> -> memref<106496x8xf32, #tpu.memory_space<hbm>>
      tpu.wait_indirect_dma semaphore(%arg12 : memref<!tpu.dma_semaphore, #tpu.memory_space<semaphore_mem>>) src(%dma_wait3A_312 : memref<106496x8xf32, #tpu.memory_space<hbm>>) dst(%dma_wait3A_306 : memref<128x8xf32, #tpu.memory_space<vmem>>)
      %dma_wait3A_313 = arith.constant 0 : i32
      %dma_wait3A_314 = arith.constant 0 : i32
      %dma_wait3A_315 = arith.constant 0 : i32
      %dma_wait3A_316 = tpu.memref_slice %arg10[%dma_wait3A_314, %dma_wait3A_315] : memref<512x8xf32, #tpu.memory_space<vmem>> -> memref<128x8xf32, #tpu.memory_space<vmem>>
      %dma_wait3A_317 = arith.constant 0 : i32
      %dma_wait3A_318 = tpu.memref_slice %arg8[%dma_wait3A_313, %dma_wait3A_317] : memref<4x128xi32, #tpu.memory_space<vmem>> -> memref<1x128xi32, #tpu.memory_space<vmem>>
      %dma_wait3A_319 = tpu.memref_squeeze %dma_wait3A_318 : memref<1x128xi32, #tpu.memory_space<vmem>> -> memref<128xi32, #tpu.memory_space<vmem>>
      %dma_wait3A_320 = arith.constant 0 : i32
      %dma_wait3A_321 = arith.constant 0 : i32
      %dma_wait3A_322 = tpu.memref_slice %arg2[%dma_wait3A_320, %dma_wait3A_321] : memref<106496x8xf32, #tpu.memory_space<hbm>> -> memref<106496x8xf32, #tpu.memory_space<hbm>>
      tpu.wait_indirect_dma semaphore(%arg13 : memref<!tpu.dma_semaphore, #tpu.memory_space<semaphore_mem>>) src(%dma_wait3A_322 : memref<106496x8xf32, #tpu.memory_space<hbm>>) dst(%dma_wait3A_316 : memref<128x8xf32, #tpu.memory_space<vmem>>)
      %dma_wait3A_323 = arith.constant 1 : i32
      %dma_wait3A_324 = arith.constant 128 : i32
      %dma_wait3A_325 = arith.constant 0 : i32
      %dma_wait3A_326 = tpu.memref_slice %arg10[%dma_wait3A_324, %dma_wait3A_325] : memref<512x8xf32, #tpu.memory_space<vmem>> -> memref<128x8xf32, #tpu.memory_space<vmem>>
      %dma_wait3A_327 = arith.constant 0 : i32
      %dma_wait3A_328 = tpu.memref_slice %arg8[%dma_wait3A_323, %dma_wait3A_327] : memref<4x128xi32, #tpu.memory_space<vmem>> -> memref<1x128xi32, #tpu.memory_space<vmem>>
      %dma_wait3A_329 = tpu.memref_squeeze %dma_wait3A_328 : memref<1x128xi32, #tpu.memory_space<vmem>> -> memref<128xi32, #tpu.memory_space<vmem>>
      %dma_wait3A_330 = arith.constant 0 : i32
      %dma_wait3A_331 = arith.constant 0 : i32
      %dma_wait3A_332 = tpu.memref_slice %arg2[%dma_wait3A_330, %dma_wait3A_331] : memref<106496x8xf32, #tpu.memory_space<hbm>> -> memref<106496x8xf32, #tpu.memory_space<hbm>>
      tpu.wait_indirect_dma semaphore(%arg13 : memref<!tpu.dma_semaphore, #tpu.memory_space<semaphore_mem>>) src(%dma_wait3A_332 : memref<106496x8xf32, #tpu.memory_space<hbm>>) dst(%dma_wait3A_326 : memref<128x8xf32, #tpu.memory_space<vmem>>)
      %dma_wait3A_333 = arith.constant 2 : i32
      %dma_wait3A_334 = arith.constant 256 : i32
      %dma_wait3A_335 = arith.constant 0 : i32
      %dma_wait3A_336 = tpu.memref_slice %arg10[%dma_wait3A_334, %dma_wait3A_335] : memref<512x8xf32, #tpu.memory_space<vmem>> -> memref<128x8xf32, #tpu.memory_space<vmem>>
      %dma_wait3A_337 = arith.constant 0 : i32
      %dma_wait3A_338 = tpu.memref_slice %arg8[%dma_wait3A_333, %dma_wait3A_337] : memref<4x128xi32, #tpu.memory_space<vmem>> -> memref<1x128xi32, #tpu.memory_space<vmem>>
      %dma_wait3A_339 = tpu.memref_squeeze %dma_wait3A_338 : memref<1x128xi32, #tpu.memory_space<vmem>> -> memref<128xi32, #tpu.memory_space<vmem>>
      %dma_wait3A_340 = arith.constant 0 : i32
      %dma_wait3A_341 = arith.constant 0 : i32
      %dma_wait3A_342 = tpu.memref_slice %arg2[%dma_wait3A_340, %dma_wait3A_341] : memref<106496x8xf32, #tpu.memory_space<hbm>> -> memref<106496x8xf32, #tpu.memory_space<hbm>>
      tpu.wait_indirect_dma semaphore(%arg13 : memref<!tpu.dma_semaphore, #tpu.memory_space<semaphore_mem>>) src(%dma_wait3A_342 : memref<106496x8xf32, #tpu.memory_space<hbm>>) dst(%dma_wait3A_336 : memref<128x8xf32, #tpu.memory_space<vmem>>)
      %dma_wait3A_343 = arith.constant 3 : i32
      %dma_wait3A_344 = arith.constant 384 : i32
      %dma_wait3A_345 = arith.constant 0 : i32
      %dma_wait3A_346 = tpu.memref_slice %arg10[%dma_wait3A_344, %dma_wait3A_345] : memref<512x8xf32, #tpu.memory_space<vmem>> -> memref<128x8xf32, #tpu.memory_space<vmem>>
      %dma_wait3A_347 = arith.constant 0 : i32
      %dma_wait3A_348 = tpu.memref_slice %arg8[%dma_wait3A_343, %dma_wait3A_347] : memref<4x128xi32, #tpu.memory_space<vmem>> -> memref<1x128xi32, #tpu.memory_space<vmem>>
      %dma_wait3A_349 = tpu.memref_squeeze %dma_wait3A_348 : memref<1x128xi32, #tpu.memory_space<vmem>> -> memref<128xi32, #tpu.memory_space<vmem>>
      %dma_wait3A_350 = arith.constant 0 : i32
      %dma_wait3A_351 = arith.constant 0 : i32
      %dma_wait3A_352 = tpu.memref_slice %arg2[%dma_wait3A_350, %dma_wait3A_351] : memref<106496x8xf32, #tpu.memory_space<hbm>> -> memref<106496x8xf32, #tpu.memory_space<hbm>>
      tpu.wait_indirect_dma semaphore(%arg13 : memref<!tpu.dma_semaphore, #tpu.memory_space<semaphore_mem>>) src(%dma_wait3A_352 : memref<106496x8xf32, #tpu.memory_space<hbm>>) dst(%dma_wait3A_346 : memref<128x8xf32, #tpu.memory_space<vmem>>)
      %scan3A_353 = arith.constant 0 : i32
      %scan3A_354 = arith.constant 0 : i32
      %scan3A_355 = arith.constant 32 : i32
      %scan3A_356 = arith.addi %scan3A_354, %scan3A_355 : i32
      %scan3A_357 = arith.constant 1 : i32
      %scan3A_358 = scf.for %scan3A_364 = %scan3A_354 to %scan3A_356 step %scan3A_357 iter_args(%scan3A_365 = %scan3A_353) -> (i32)  : i32 {
        %mul3A_366 = arith.constant 16 : i32
        %mul3A_367 = arith.muli %scan3A_364, %mul3A_366 : i32
        %add3A_368 = vector.broadcast %mul3A_367 : i32 to vector<16xi32>
        %add3A_369 = arith.addi %add3A_368, %iota3A : vector<16xi32>
        %gather3A = tpu.vector_load_idx %arg9[%add3A_369, %broadcast_in_dim3A_107] : memref<512x8xf32, #tpu.memory_space<vmem>>[vector<16xi32>, vector<16xi32>], vector<16xf32>,
        %gather3A_370 = tpu.vector_load_idx %arg9[%add3A_369, %broadcast_in_dim3A_109] : memref<512x8xf32, #tpu.memory_space<vmem>>[vector<16xi32>, vector<16xi32>], vector<16xf32>,
        %gather3A_371 = tpu.vector_load_idx %arg9[%add3A_369, %broadcast_in_dim3A_111] : memref<512x8xf32, #tpu.memory_space<vmem>>[vector<16xi32>, vector<16xi32>], vector<16xf32>,
        %gather3A_372 = tpu.vector_load_idx %arg9[%add3A_369, %broadcast_in_dim3A_113] : memref<512x8xf32, #tpu.memory_space<vmem>>[vector<16xi32>, vector<16xi32>], vector<16xf32>,
        %gather3A_373 = tpu.vector_load_idx %arg9[%add3A_369, %broadcast_in_dim3A_115] : memref<512x8xf32, #tpu.memory_space<vmem>>[vector<16xi32>, vector<16xi32>], vector<16xf32>,
        %gather3A_374 = tpu.vector_load_idx %arg9[%add3A_369, %broadcast_in_dim3A_117] : memref<512x8xf32, #tpu.memory_space<vmem>>[vector<16xi32>, vector<16xi32>], vector<16xf32>,
        %gather3A_375 = tpu.vector_load_idx %arg9[%add3A_369, %broadcast_in_dim3A_119] : memref<512x8xf32, #tpu.memory_space<vmem>>[vector<16xi32>, vector<16xi32>], vector<16xf32>,
        %gather3A_376 = tpu.vector_load_idx %arg10[%add3A_369, %broadcast_in_dim3A_107] : memref<512x8xf32, #tpu.memory_space<vmem>>[vector<16xi32>, vector<16xi32>], vector<16xf32>,
        %gather3A_377 = tpu.vector_load_idx %arg10[%add3A_369, %broadcast_in_dim3A_109] : memref<512x8xf32, #tpu.memory_space<vmem>>[vector<16xi32>, vector<16xi32>], vector<16xf32>,
        %gather3A_378 = tpu.vector_load_idx %arg10[%add3A_369, %broadcast_in_dim3A_111] : memref<512x8xf32, #tpu.memory_space<vmem>>[vector<16xi32>, vector<16xi32>], vector<16xf32>,
        %gather3A_379 = tpu.vector_load_idx %arg10[%add3A_369, %broadcast_in_dim3A_113] : memref<512x8xf32, #tpu.memory_space<vmem>>[vector<16xi32>, vector<16xi32>], vector<16xf32>,
        %gather3A_380 = tpu.vector_load_idx %arg10[%add3A_369, %broadcast_in_dim3A_115] : memref<512x8xf32, #tpu.memory_space<vmem>>[vector<16xi32>, vector<16xi32>], vector<16xf32>,
        %gather3A_381 = tpu.vector_load_idx %arg10[%add3A_369, %broadcast_in_dim3A_117] : memref<512x8xf32, #tpu.memory_space<vmem>>[vector<16xi32>, vector<16xi32>], vector<16xf32>,
        %gather3A_382 = tpu.vector_load_idx %arg10[%add3A_369, %broadcast_in_dim3A_119] : memref<512x8xf32, #tpu.memory_space<vmem>>[vector<16xi32>, vector<16xi32>], vector<16xf32>,
        %sub3A_383 = arith.subf %gather3A_376, %gather3A : vector<16xf32>
        %sub3A_384 = arith.subf %gather3A_377, %gather3A_370 : vector<16xf32>
        %sub3A_385 = arith.subf %gather3A_378, %gather3A_371 : vector<16xf32>
        %mul3A_386 = arith.mulf %sub3A_383, %sub3A_383 : vector<16xf32>
        %mul3A_387 = arith.mulf %sub3A_384, %sub3A_384 : vector<16xf32>
        %add3A_388 = arith.addf %mul3A_386, %mul3A_387 : vector<16xf32>
        %mul3A_389 = arith.mulf %sub3A_385, %sub3A_385 : vector<16xf32>
        %add3A_390 = arith.addf %add3A_388, %mul3A_389 : vector<16xf32>
        %add3A_391 = arith.constant 9.99999993E-9 : f32
        %add3A_392 = vector.broadcast %add3A_391 : f32 to vector<16xf32>
        %add3A_393 = arith.addf %add3A_390, %add3A_392 : vector<16xf32>
        %div3A_394 = arith.constant 1.000000e+00 : f32
        %div3A_395 = vector.broadcast %div3A_394 : f32 to vector<16xf32>
        %div3A_396 = arith.divf %div3A_395, %add3A_393 : vector<16xf32>
        %mul3A_397 = arith.mulf %gather3A_382, %gather3A_379 : vector<16xf32>
        %mul3A_398 = arith.mulf %gather3A_375, %gather3A_372 : vector<16xf32>
        %sub3A_399 = arith.subf %mul3A_397, %mul3A_398 : vector<16xf32>
        %mul3A_400 = arith.mulf %gather3A_382, %gather3A_380 : vector<16xf32>
        %mul3A_401 = arith.mulf %gather3A_375, %gather3A_373 : vector<16xf32>
        %sub3A_402 = arith.subf %mul3A_400, %mul3A_401 : vector<16xf32>
        %mul3A_403 = arith.mulf %gather3A_382, %gather3A_381 : vector<16xf32>
        %mul3A_404 = arith.mulf %gather3A_375, %gather3A_374 : vector<16xf32>
        %sub3A_405 = arith.subf %mul3A_403, %mul3A_404 : vector<16xf32>
        %mul3A_406 = arith.mulf %sub3A_399, %sub3A_383 : vector<16xf32>
        %mul3A_407 = arith.mulf %sub3A_402, %sub3A_384 : vector<16xf32>
        %add3A_408 = arith.addf %mul3A_406, %mul3A_407 : vector<16xf32>
        %mul3A_409 = arith.mulf %sub3A_405, %sub3A_385 : vector<16xf32>
        %add3A_410 = arith.addf %add3A_408, %mul3A_409 : vector<16xf32>
        %mul3A_411 = arith.mulf %add3A_410, %div3A_396 : vector<16xf32>
        %mul3A_412 = arith.mulf %sub3A_383, %div3A_396 : vector<16xf32>
        %mul3A_413 = arith.mulf %sub3A_384, %div3A_396 : vector<16xf32>
        %mul3A_414 = arith.mulf %sub3A_385, %div3A_396 : vector<16xf32>
        %sub3A_415 = arith.subf %gather3A_379, %gather3A_372 : vector<16xf32>
        %sub3A_416 = arith.subf %gather3A_380, %gather3A_373 : vector<16xf32>
        %sub3A_417 = arith.subf %gather3A_381, %gather3A_374 : vector<16xf32>
        tpu.vector_store_idx %arg11[%add3A_369, %broadcast_in_dim3A_107], %mul3A_411 : memref<512x16xf32, #tpu.memory_space<vmem>>[vector<16xi32>, vector<16xi32>], vector<16xf32>,
        %mul3A_418 = arith.mulf %sub3A_415, %mul3A_412 : vector<16xf32>
        tpu.vector_store_idx %arg11[%add3A_369, %broadcast_in_dim3A_109], %mul3A_418 : memref<512x16xf32, #tpu.memory_space<vmem>>[vector<16xi32>, vector<16xi32>], vector<16xf32>,
        %mul3A_419 = arith.mulf %sub3A_415, %mul3A_413 : vector<16xf32>
        tpu.vector_store_idx %arg11[%add3A_369, %broadcast_in_dim3A_111], %mul3A_419 : memref<512x16xf32, #tpu.memory_space<vmem>>[vector<16xi32>, vector<16xi32>], vector<16xf32>,
        %mul3A_420 = arith.mulf %sub3A_415, %mul3A_414 : vector<16xf32>
        tpu.vector_store_idx %arg11[%add3A_369, %broadcast_in_dim3A_113], %mul3A_420 : memref<512x16xf32, #tpu.memory_space<vmem>>[vector<16xi32>, vector<16xi32>], vector<16xf32>,
        %mul3A_421 = arith.mulf %sub3A_416, %mul3A_412 : vector<16xf32>
        tpu.vector_store_idx %arg11[%add3A_369, %broadcast_in_dim3A_115], %mul3A_421 : memref<512x16xf32, #tpu.memory_space<vmem>>[vector<16xi32>, vector<16xi32>], vector<16xf32>,
        %mul3A_422 = arith.mulf %sub3A_416, %mul3A_413 : vector<16xf32>
        tpu.vector_store_idx %arg11[%add3A_369, %broadcast_in_dim3A_117], %mul3A_422 : memref<512x16xf32, #tpu.memory_space<vmem>>[vector<16xi32>, vector<16xi32>], vector<16xf32>,
        %mul3A_423 = arith.mulf %sub3A_416, %mul3A_414 : vector<16xf32>
        tpu.vector_store_idx %arg11[%add3A_369, %broadcast_in_dim3A_119], %mul3A_423 : memref<512x16xf32, #tpu.memory_space<vmem>>[vector<16xi32>, vector<16xi32>], vector<16xf32>,
        %mul3A_424 = arith.mulf %sub3A_417, %mul3A_412 : vector<16xf32>
        tpu.vector_store_idx %arg11[%add3A_369, %broadcast_in_dim3A_121], %mul3A_424 : memref<512x16xf32, #tpu.memory_space<vmem>>[vector<16xi32>, vector<16xi32>], vector<16xf32>,
        %mul3A_425 = arith.mulf %sub3A_417, %mul3A_413 : vector<16xf32>
        tpu.vector_store_idx %arg11[%add3A_369, %broadcast_in_dim3A_123], %mul3A_425 : memref<512x16xf32, #tpu.memory_space<vmem>>[vector<16xi32>, vector<16xi32>], vector<16xf32>,
        %mul3A_426 = arith.mulf %sub3A_417, %mul3A_414 : vector<16xf32>
        tpu.vector_store_idx %arg11[%add3A_369, %broadcast_in_dim3A_125], %mul3A_426 : memref<512x16xf32, #tpu.memory_space<vmem>>[vector<16xi32>, vector<16xi32>], vector<16xf32>,
        tpu.vector_store_idx %arg11[%add3A_369, %broadcast_in_dim3A_127], %broadcast_in_dim3A_1 : memref<512x16xf32, #tpu.memory_space<vmem>>[vector<16xi32>, vector<16xi32>], vector<16xf32>,
        %scan3A_427 = arith.constant 0 : i32
        scf.yield %scan3A_427 : i32
      }
      %scan3A_359 = arith.constant 32 : i32
      %run_scoped3A = arith.constant 0 : i32
      "tpu.region"() ({
        %run_scoped3A_364 = tpu.sem_alloc : memref<!tpu.dma_semaphore, #tpu.memory_space<semaphore_mem>>
        %dma_start3A_365 = arith.constant 0 : i32
        %dma_start3A_366 = arith.constant 0 : i32
        %dma_start3A_367 = tpu.memref_slice %arg11[%dma_start3A_365, %dma_start3A_366] : memref<512x16xf32, #tpu.memory_space<vmem>> -> memref<128x16xf32, #tpu.memory_space<vmem>>
        %dma_start3A_368 = arith.constant 0 : i32
        %dma_start3A_369 = tpu.memref_slice %arg8[%run_scoped3A, %dma_start3A_368] : memref<4x128xi32, #tpu.memory_space<vmem>> -> memref<1x128xi32, #tpu.memory_space<vmem>>
        %dma_start3A_370 = tpu.memref_squeeze %dma_start3A_369 : memref<1x128xi32, #tpu.memory_space<vmem>> -> memref<128xi32, #tpu.memory_space<vmem>>
        %dma_start3A_371 = arith.constant 0 : i32
        %dma_start3A_372 = arith.constant 0 : i32
        %dma_start3A_373 = tpu.memref_slice %arg6[%dma_start3A_371, %dma_start3A_372] : memref<106496x16xf32, #tpu.memory_space<vmem_shared>> -> memref<106496x16xf32, #tpu.memory_space<vmem_shared>>
        tpu.enqueue_indirect_dma source(%dma_start3A_367 : memref<128x16xf32, #tpu.memory_space<vmem>>) target(%dma_start3A_373 : memref<106496x16xf32, #tpu.memory_space<vmem_shared>>) offsets(%dma_start3A_370 : memref<128xi32, #tpu.memory_space<vmem>>) semaphore(%run_scoped3A_364 : memref<!tpu.dma_semaphore, #tpu.memory_space<semaphore_mem>>) {add = true}
        %dma_wait3A_374 = arith.constant 0 : i32
        %dma_wait3A_375 = arith.constant 0 : i32
        %dma_wait3A_376 = tpu.memref_slice %arg11[%dma_wait3A_374, %dma_wait3A_375] : memref<512x16xf32, #tpu.memory_space<vmem>> -> memref<128x16xf32, #tpu.memory_space<vmem>>
        %dma_wait3A_377 = arith.constant 0 : i32
        %dma_wait3A_378 = tpu.memref_slice %arg8[%run_scoped3A, %dma_wait3A_377] : memref<4x128xi32, #tpu.memory_space<vmem>> -> memref<1x128xi32, #tpu.memory_space<vmem>>
        %dma_wait3A_379 = tpu.memref_squeeze %dma_wait3A_378 : memref<1x128xi32, #tpu.memory_space<vmem>> -> memref<128xi32, #tpu.memory_space<vmem>>
        %dma_wait3A_380 = arith.constant 0 : i32
        %dma_wait3A_381 = arith.constant 0 : i32
        %dma_wait3A_382 = tpu.memref_slice %arg6[%dma_wait3A_380, %dma_wait3A_381] : memref<106496x16xf32, #tpu.memory_space<vmem_shared>> -> memref<106496x16xf32, #tpu.memory_space<vmem_shared>>
        tpu.wait_indirect_dma semaphore(%run_scoped3A_364 : memref<!tpu.dma_semaphore, #tpu.memory_space<semaphore_mem>>) src(%dma_wait3A_376 : memref<128x16xf32, #tpu.memory_space<vmem>>) dst(%dma_wait3A_382 : memref<106496x16xf32, #tpu.memory_space<vmem_shared>>)
        tpu.yield
      }) : () -> ()
      %run_scoped3A_360 = arith.constant 1 : i32
      "tpu.region"() ({
        %run_scoped3A_364 = tpu.sem_alloc : memref<!tpu.dma_semaphore, #tpu.memory_space<semaphore_mem>>
        %dma_start3A_365 = arith.constant 128 : i32
        %dma_start3A_366 = arith.constant 0 : i32
        %dma_start3A_367 = tpu.memref_slice %arg11[%dma_start3A_365, %dma_start3A_366] : memref<512x16xf32, #tpu.memory_space<vmem>> -> memref<128x16xf32, #tpu.memory_space<vmem>>
        %dma_start3A_368 = arith.constant 0 : i32
        %dma_start3A_369 = tpu.memref_slice %arg8[%run_scoped3A_360, %dma_start3A_368] : memref<4x128xi32, #tpu.memory_space<vmem>> -> memref<1x128xi32, #tpu.memory_space<vmem>>
        %dma_start3A_370 = tpu.memref_squeeze %dma_start3A_369 : memref<1x128xi32, #tpu.memory_space<vmem>> -> memref<128xi32, #tpu.memory_space<vmem>>
        %dma_start3A_371 = arith.constant 0 : i32
        %dma_start3A_372 = arith.constant 0 : i32
        %dma_start3A_373 = tpu.memref_slice %arg6[%dma_start3A_371, %dma_start3A_372] : memref<106496x16xf32, #tpu.memory_space<vmem_shared>> -> memref<106496x16xf32, #tpu.memory_space<vmem_shared>>
        tpu.enqueue_indirect_dma source(%dma_start3A_367 : memref<128x16xf32, #tpu.memory_space<vmem>>) target(%dma_start3A_373 : memref<106496x16xf32, #tpu.memory_space<vmem_shared>>) offsets(%dma_start3A_370 : memref<128xi32, #tpu.memory_space<vmem>>) semaphore(%run_scoped3A_364 : memref<!tpu.dma_semaphore, #tpu.memory_space<semaphore_mem>>) {add = true}
        %dma_wait3A_374 = arith.constant 128 : i32
        %dma_wait3A_375 = arith.constant 0 : i32
        %dma_wait3A_376 = tpu.memref_slice %arg11[%dma_wait3A_374, %dma_wait3A_375] : memref<512x16xf32, #tpu.memory_space<vmem>> -> memref<128x16xf32, #tpu.memory_space<vmem>>
        %dma_wait3A_377 = arith.constant 0 : i32
        %dma_wait3A_378 = tpu.memref_slice %arg8[%run_scoped3A_360, %dma_wait3A_377] : memref<4x128xi32, #tpu.memory_space<vmem>> -> memref<1x128xi32, #tpu.memory_space<vmem>>
        %dma_wait3A_379 = tpu.memref_squeeze %dma_wait3A_378 : memref<1x128xi32, #tpu.memory_space<vmem>> -> memref<128xi32, #tpu.memory_space<vmem>>
        %dma_wait3A_380 = arith.constant 0 : i32
        %dma_wait3A_381 = arith.constant 0 : i32
        %dma_wait3A_382 = tpu.memref_slice %arg6[%dma_wait3A_380, %dma_wait3A_381] : memref<106496x16xf32, #tpu.memory_space<vmem_shared>> -> memref<106496x16xf32, #tpu.memory_space<vmem_shared>>
        tpu.wait_indirect_dma semaphore(%run_scoped3A_364 : memref<!tpu.dma_semaphore, #tpu.memory_space<semaphore_mem>>) src(%dma_wait3A_376 : memref<128x16xf32, #tpu.memory_space<vmem>>) dst(%dma_wait3A_382 : memref<106496x16xf32, #tpu.memory_space<vmem_shared>>)
        tpu.yield
      }) : () -> ()
      %run_scoped3A_361 = arith.constant 2 : i32
      "tpu.region"() ({
        %run_scoped3A_364 = tpu.sem_alloc : memref<!tpu.dma_semaphore, #tpu.memory_space<semaphore_mem>>
        %dma_start3A_365 = arith.constant 256 : i32
        %dma_start3A_366 = arith.constant 0 : i32
        %dma_start3A_367 = tpu.memref_slice %arg11[%dma_start3A_365, %dma_start3A_366] : memref<512x16xf32, #tpu.memory_space<vmem>> -> memref<128x16xf32, #tpu.memory_space<vmem>>
        %dma_start3A_368 = arith.constant 0 : i32
        %dma_start3A_369 = tpu.memref_slice %arg8[%run_scoped3A_361, %dma_start3A_368] : memref<4x128xi32, #tpu.memory_space<vmem>> -> memref<1x128xi32, #tpu.memory_space<vmem>>
        %dma_start3A_370 = tpu.memref_squeeze %dma_start3A_369 : memref<1x128xi32, #tpu.memory_space<vmem>> -> memref<128xi32, #tpu.memory_space<vmem>>
        %dma_start3A_371 = arith.constant 0 : i32
        %dma_start3A_372 = arith.constant 0 : i32
        %dma_start3A_373 = tpu.memref_slice %arg6[%dma_start3A_371, %dma_start3A_372] : memref<106496x16xf32, #tpu.memory_space<vmem_shared>> -> memref<106496x16xf32, #tpu.memory_space<vmem_shared>>
        tpu.enqueue_indirect_dma source(%dma_start3A_367 : memref<128x16xf32, #tpu.memory_space<vmem>>) target(%dma_start3A_373 : memref<106496x16xf32, #tpu.memory_space<vmem_shared>>) offsets(%dma_start3A_370 : memref<128xi32, #tpu.memory_space<vmem>>) semaphore(%run_scoped3A_364 : memref<!tpu.dma_semaphore, #tpu.memory_space<semaphore_mem>>) {add = true}
        %dma_wait3A_374 = arith.constant 256 : i32
        %dma_wait3A_375 = arith.constant 0 : i32
        %dma_wait3A_376 = tpu.memref_slice %arg11[%dma_wait3A_374, %dma_wait3A_375] : memref<512x16xf32, #tpu.memory_space<vmem>> -> memref<128x16xf32, #tpu.memory_space<vmem>>
        %dma_wait3A_377 = arith.constant 0 : i32
        %dma_wait3A_378 = tpu.memref_slice %arg8[%run_scoped3A_361, %dma_wait3A_377] : memref<4x128xi32, #tpu.memory_space<vmem>> -> memref<1x128xi32, #tpu.memory_space<vmem>>
        %dma_wait3A_379 = tpu.memref_squeeze %dma_wait3A_378 : memref<1x128xi32, #tpu.memory_space<vmem>> -> memref<128xi32, #tpu.memory_space<vmem>>
        %dma_wait3A_380 = arith.constant 0 : i32
        %dma_wait3A_381 = arith.constant 0 : i32
        %dma_wait3A_382 = tpu.memref_slice %arg6[%dma_wait3A_380, %dma_wait3A_381] : memref<106496x16xf32, #tpu.memory_space<vmem_shared>> -> memref<106496x16xf32, #tpu.memory_space<vmem_shared>>
        tpu.wait_indirect_dma semaphore(%run_scoped3A_364 : memref<!tpu.dma_semaphore, #tpu.memory_space<semaphore_mem>>) src(%dma_wait3A_376 : memref<128x16xf32, #tpu.memory_space<vmem>>) dst(%dma_wait3A_382 : memref<106496x16xf32, #tpu.memory_space<vmem_shared>>)
        tpu.yield
      }) : () -> ()
      %run_scoped3A_362 = arith.constant 3 : i32
      "tpu.region"() ({
        %run_scoped3A_364 = tpu.sem_alloc : memref<!tpu.dma_semaphore, #tpu.memory_space<semaphore_mem>>
        %dma_start3A_365 = arith.constant 384 : i32
        %dma_start3A_366 = arith.constant 0 : i32
        %dma_start3A_367 = tpu.memref_slice %arg11[%dma_start3A_365, %dma_start3A_366] : memref<512x16xf32, #tpu.memory_space<vmem>> -> memref<128x16xf32, #tpu.memory_space<vmem>>
        %dma_start3A_368 = arith.constant 0 : i32
        %dma_start3A_369 = tpu.memref_slice %arg8[%run_scoped3A_362, %dma_start3A_368] : memref<4x128xi32, #tpu.memory_space<vmem>> -> memref<1x128xi32, #tpu.memory_space<vmem>>
        %dma_start3A_370 = tpu.memref_squeeze %dma_start3A_369 : memref<1x128xi32, #tpu.memory_space<vmem>> -> memref<128xi32, #tpu.memory_space<vmem>>
        %dma_start3A_371 = arith.constant 0 : i32
        %dma_start3A_372 = arith.constant 0 : i32
        %dma_start3A_373 = tpu.memref_slice %arg6[%dma_start3A_371, %dma_start3A_372] : memref<106496x16xf32, #tpu.memory_space<vmem_shared>> -> memref<106496x16xf32, #tpu.memory_space<vmem_shared>>
        tpu.enqueue_indirect_dma source(%dma_start3A_367 : memref<128x16xf32, #tpu.memory_space<vmem>>) target(%dma_start3A_373 : memref<106496x16xf32, #tpu.memory_space<vmem_shared>>) offsets(%dma_start3A_370 : memref<128xi32, #tpu.memory_space<vmem>>) semaphore(%run_scoped3A_364 : memref<!tpu.dma_semaphore, #tpu.memory_space<semaphore_mem>>) {add = true}
        %dma_wait3A_374 = arith.constant 384 : i32
        %dma_wait3A_375 = arith.constant 0 : i32
        %dma_wait3A_376 = tpu.memref_slice %arg11[%dma_wait3A_374, %dma_wait3A_375] : memref<512x16xf32, #tpu.memory_space<vmem>> -> memref<128x16xf32, #tpu.memory_space<vmem>>
        %dma_wait3A_377 = arith.constant 0 : i32
        %dma_wait3A_378 = tpu.memref_slice %arg8[%run_scoped3A_362, %dma_wait3A_377] : memref<4x128xi32, #tpu.memory_space<vmem>> -> memref<1x128xi32, #tpu.memory_space<vmem>>
        %dma_wait3A_379 = tpu.memref_squeeze %dma_wait3A_378 : memref<1x128xi32, #tpu.memory_space<vmem>> -> memref<128xi32, #tpu.memory_space<vmem>>
        %dma_wait3A_380 = arith.constant 0 : i32
        %dma_wait3A_381 = arith.constant 0 : i32
        %dma_wait3A_382 = tpu.memref_slice %arg6[%dma_wait3A_380, %dma_wait3A_381] : memref<106496x16xf32, #tpu.memory_space<vmem_shared>> -> memref<106496x16xf32, #tpu.memory_space<vmem_shared>>
        tpu.wait_indirect_dma semaphore(%run_scoped3A_364 : memref<!tpu.dma_semaphore, #tpu.memory_space<semaphore_mem>>) src(%dma_wait3A_376 : memref<128x16xf32, #tpu.memory_space<vmem>>) dst(%dma_wait3A_382 : memref<106496x16xf32, #tpu.memory_space<vmem_shared>>)
        tpu.yield
      }) : () -> ()
      %scan3A_363 = arith.constant 0 : i32
      scf.yield %scan3A_363 : i32
    }
    %scan3A_134 = arith.constant 196 : i32
    %barrier3A_135 = arith.constant 0 : index
    tpu.barrier barrier_id(%barrier3A_135)
    %mul3A_136 = arith.constant 6656 : i32
    %mul3A_137 = arith.muli %arg1, %mul3A_136 : i32
    %add3A_138 = arith.constant 0 : i32
    %add3A_139 = arith.addi %mul3A_137, %add3A_138 : i32
    "tpu.region"() ({
      %run_scoped3A = tpu.sem_alloc : memref<!tpu.dma_semaphore, #tpu.memory_space<semaphore_mem>>
      %dma_start3A = arith.constant 0 : i32
      %dma_start3A_188 = tpu.memref_slice %arg6[%add3A_139, %dma_start3A] : memref<106496x16xf32, #tpu.memory_space<vmem_shared>> -> memref<512x16xf32, #tpu.memory_space<vmem_shared>>
      %dma_start3A_189 = arith.constant 0 : i32
      %dma_start3A_190 = tpu.memref_slice %arg6[%add3A_139, %dma_start3A_189] : memref<106496x16xf32, #tpu.memory_space<vmem_shared>> -> memref<512x16xf32, #tpu.memory_space<vmem_shared>>
      tpu.enqueue_dma source(%dma_start3A_190 : memref<512x16xf32, #tpu.memory_space<vmem_shared>>) target(%arg11 : memref<512x16xf32, #tpu.memory_space<vmem>>) target_semaphore(%run_scoped3A : memref<!tpu.dma_semaphore, #tpu.memory_space<semaphore_mem>>)
      %dma_wait3A = arith.constant 0 : i32
      %dma_wait3A_191 = tpu.memref_slice %arg6[%add3A_139, %dma_wait3A] : memref<106496x16xf32, #tpu.memory_space<vmem_shared>> -> memref<512x16xf32, #tpu.memory_space<vmem_shared>>
      %dma_wait3A_192 = arith.constant 0 : i32
      %dma_wait3A_193 = tpu.memref_slice %arg6[%add3A_139, %dma_wait3A_192] : memref<106496x16xf32, #tpu.memory_space<vmem_shared>> -> memref<512x16xf32, #tpu.memory_space<vmem_shared>>
      tpu.wait_dma2 semaphore(%run_scoped3A : memref<!tpu.dma_semaphore, #tpu.memory_space<semaphore_mem>>) src(%dma_wait3A_193 : memref<512x16xf32, #tpu.memory_space<vmem_shared>>) dst(%arg11 : memref<512x16xf32, #tpu.memory_space<vmem>>)
      tpu.yield
    }) : () -> ()
    "tpu.region"() ({
      %run_scoped3A = tpu.sem_alloc : memref<!tpu.dma_semaphore, #tpu.memory_space<semaphore_mem>>
      %dma_start3A = arith.constant 0 : i32
      %dma_start3A_188 = tpu.memref_slice %arg5[%arg0, %add3A_139, %dma_start3A] : memref<2x106496x16xf32, #tpu.memory_space<hbm>> -> memref<1x512x16xf32, #tpu.memory_space<hbm>>
      %dma_start3A_189 = tpu.memref_squeeze %dma_start3A_188 : memref<1x512x16xf32, #tpu.memory_space<hbm>> -> memref<512x16xf32, #tpu.memory_space<hbm>>
      %dma_start3A_190 = arith.constant 0 : i32
      %dma_start3A_191 = tpu.memref_slice %arg5[%arg0, %add3A_139, %dma_start3A_190] : memref<2x106496x16xf32, #tpu.memory_space<hbm>> -> memref<1x512x16xf32, #tpu.memory_space<hbm>>
      %dma_start3A_192 = tpu.memref_squeeze %dma_start3A_191 : memref<1x512x16xf32, #tpu.memory_space<hbm>> -> memref<512x16xf32, #tpu.memory_space<hbm>>
      tpu.enqueue_dma source(%arg11 : memref<512x16xf32, #tpu.memory_space<vmem>>) target(%dma_start3A_192 : memref<512x16xf32, #tpu.memory_space<hbm>>) target_semaphore(%run_scoped3A : memref<!tpu.dma_semaphore, #tpu.memory_space<semaphore_mem>>)
      %dma_wait3A = arith.constant 0 : i32
      %dma_wait3A_193 = tpu.memref_slice %arg5[%arg0, %add3A_139, %dma_wait3A] : memref<2x106496x16xf32, #tpu.memory_space<hbm>> -> memref<1x512x16xf32, #tpu.memory_space<hbm>>
      %dma_wait3A_194 = tpu.memref_squeeze %dma_wait3A_193 : memref<1x512x16xf32, #tpu.memory_space<hbm>> -> memref<512x16xf32, #tpu.memory_space<hbm>>
      %dma_wait3A_195 = arith.constant 0 : i32
      %dma_wait3A_196 = tpu.memref_slice %arg5[%arg0, %add3A_139, %dma_wait3A_195] : memref<2x106496x16xf32, #tpu.memory_space<hbm>> -> memref<1x512x16xf32, #tpu.memory_space<hbm>>
      %dma_wait3A_197 = tpu.memref_squeeze %dma_wait3A_196 : memref<1x512x16xf32, #tpu.memory_space<hbm>> -> memref<512x16xf32, #tpu.memory_space<hbm>>
      tpu.wait_dma2 semaphore(%run_scoped3A : memref<!tpu.dma_semaphore, #tpu.memory_space<semaphore_mem>>) src(%arg11 : memref<512x16xf32, #tpu.memory_space<vmem>>) dst(%dma_wait3A_197 : memref<512x16xf32, #tpu.memory_space<hbm>>)
      tpu.yield
    }) : () -> ()
    %mul3A_140 = arith.constant 6656 : i32
    %mul3A_141 = arith.muli %arg1, %mul3A_140 : i32
    %add3A_142 = arith.constant 512 : i32
    %add3A_143 = arith.addi %mul3A_141, %add3A_142 : i32
    "tpu.region"() ({
      %run_scoped3A = tpu.sem_alloc : memref<!tpu.dma_semaphore, #tpu.memory_space<semaphore_mem>>
      %dma_start3A = arith.constant 0 : i32
      %dma_start3A_188 = tpu.memref_slice %arg6[%add3A_143, %dma_start3A] : memref<106496x16xf32, #tpu.memory_space<vmem_shared>> -> memref<512x16xf32, #tpu.memory_space<vmem_shared>>
      %dma_start3A_189 = arith.constant 0 : i32
      %dma_start3A_190 = tpu.memref_slice %arg6[%add3A_143, %dma_start3A_189] : memref<106496x16xf32, #tpu.memory_space<vmem_shared>> -> memref<512x16xf32, #tpu.memory_space<vmem_shared>>
      tpu.enqueue_dma source(%dma_start3A_190 : memref<512x16xf32, #tpu.memory_space<vmem_shared>>) target(%arg11 : memref<512x16xf32, #tpu.memory_space<vmem>>) target_semaphore(%run_scoped3A : memref<!tpu.dma_semaphore, #tpu.memory_space<semaphore_mem>>)
      %dma_wait3A = arith.constant 0 : i32
      %dma_wait3A_191 = tpu.memref_slice %arg6[%add3A_143, %dma_wait3A] : memref<106496x16xf32, #tpu.memory_space<vmem_shared>> -> memref<512x16xf32, #tpu.memory_space<vmem_shared>>
      %dma_wait3A_192 = arith.constant 0 : i32
      %dma_wait3A_193 = tpu.memref_slice %arg6[%add3A_143, %dma_wait3A_192] : memref<106496x16xf32, #tpu.memory_space<vmem_shared>> -> memref<512x16xf32, #tpu.memory_space<vmem_shared>>
      tpu.wait_dma2 semaphore(%run_scoped3A : memref<!tpu.dma_semaphore, #tpu.memory_space<semaphore_mem>>) src(%dma_wait3A_193 : memref<512x16xf32, #tpu.memory_space<vmem_shared>>) dst(%arg11 : memref<512x16xf32, #tpu.memory_space<vmem>>)
      tpu.yield
    }) : () -> ()
    "tpu.region"() ({
      %run_scoped3A = tpu.sem_alloc : memref<!tpu.dma_semaphore, #tpu.memory_space<semaphore_mem>>
      %dma_start3A = arith.constant 0 : i32
      %dma_start3A_188 = tpu.memref_slice %arg5[%arg0, %add3A_143, %dma_start3A] : memref<2x106496x16xf32, #tpu.memory_space<hbm>> -> memref<1x512x16xf32, #tpu.memory_space<hbm>>
      %dma_start3A_189 = tpu.memref_squeeze %dma_start3A_188 : memref<1x512x16xf32, #tpu.memory_space<hbm>> -> memref<512x16xf32, #tpu.memory_space<hbm>>
      %dma_start3A_190 = arith.constant 0 : i32
      %dma_start3A_191 = tpu.memref_slice %arg5[%arg0, %add3A_143, %dma_start3A_190] : memref<2x106496x16xf32, #tpu.memory_space<hbm>> -> memref<1x512x16xf32, #tpu.memory_space<hbm>>
      %dma_start3A_192 = tpu.memref_squeeze %dma_start3A_191 : memref<1x512x16xf32, #tpu.memory_space<hbm>> -> memref<512x16xf32, #tpu.memory_space<hbm>>
      tpu.enqueue_dma source(%arg11 : memref<512x16xf32, #tpu.memory_space<vmem>>) target(%dma_start3A_192 : memref<512x16xf32, #tpu.memory_space<hbm>>) target_semaphore(%run_scoped3A : memref<!tpu.dma_semaphore, #tpu.memory_space<semaphore_mem>>)
      %dma_wait3A = arith.constant 0 : i32
      %dma_wait3A_193 = tpu.memref_slice %arg5[%arg0, %add3A_143, %dma_wait3A] : memref<2x106496x16xf32, #tpu.memory_space<hbm>> -> memref<1x512x16xf32, #tpu.memory_space<hbm>>
      %dma_wait3A_194 = tpu.memref_squeeze %dma_wait3A_193 : memref<1x512x16xf32, #tpu.memory_space<hbm>> -> memref<512x16xf32, #tpu.memory_space<hbm>>
      %dma_wait3A_195 = arith.constant 0 : i32
      %dma_wait3A_196 = tpu.memref_slice %arg5[%arg0, %add3A_143, %dma_wait3A_195] : memref<2x106496x16xf32, #tpu.memory_space<hbm>> -> memref<1x512x16xf32, #tpu.memory_space<hbm>>
      %dma_wait3A_197 = tpu.memref_squeeze %dma_wait3A_196 : memref<1x512x16xf32, #tpu.memory_space<hbm>> -> memref<512x16xf32, #tpu.memory_space<hbm>>
      tpu.wait_dma2 semaphore(%run_scoped3A : memref<!tpu.dma_semaphore, #tpu.memory_space<semaphore_mem>>) src(%arg11 : memref<512x16xf32, #tpu.memory_space<vmem>>) dst(%dma_wait3A_197 : memref<512x16xf32, #tpu.memory_space<hbm>>)
      tpu.yield
    }) : () -> ()
    %mul3A_144 = arith.constant 6656 : i32
    %mul3A_145 = arith.muli %arg1, %mul3A_144 : i32
    %add3A_146 = arith.constant 1024 : i32
    %add3A_147 = arith.addi %mul3A_145, %add3A_146 : i32
    "tpu.region"() ({
      %run_scoped3A = tpu.sem_alloc : memref<!tpu.dma_semaphore, #tpu.memory_space<semaphore_mem>>
      %dma_start3A = arith.constant 0 : i32
      %dma_start3A_188 = tpu.memref_slice %arg6[%add3A_147, %dma_start3A] : memref<106496x16xf32, #tpu.memory_space<vmem_shared>> -> memref<512x16xf32, #tpu.memory_space<vmem_shared>>
      %dma_start3A_189 = arith.constant 0 : i32
      %dma_start3A_190 = tpu.memref_slice %arg6[%add3A_147, %dma_start3A_189] : memref<106496x16xf32, #tpu.memory_space<vmem_shared>> -> memref<512x16xf32, #tpu.memory_space<vmem_shared>>
      tpu.enqueue_dma source(%dma_start3A_190 : memref<512x16xf32, #tpu.memory_space<vmem_shared>>) target(%arg11 : memref<512x16xf32, #tpu.memory_space<vmem>>) target_semaphore(%run_scoped3A : memref<!tpu.dma_semaphore, #tpu.memory_space<semaphore_mem>>)
      %dma_wait3A = arith.constant 0 : i32
      %dma_wait3A_191 = tpu.memref_slice %arg6[%add3A_147, %dma_wait3A] : memref<106496x16xf32, #tpu.memory_space<vmem_shared>> -> memref<512x16xf32, #tpu.memory_space<vmem_shared>>
      %dma_wait3A_192 = arith.constant 0 : i32
      %dma_wait3A_193 = tpu.memref_slice %arg6[%add3A_147, %dma_wait3A_192] : memref<106496x16xf32, #tpu.memory_space<vmem_shared>> -> memref<512x16xf32, #tpu.memory_space<vmem_shared>>
      tpu.wait_dma2 semaphore(%run_scoped3A : memref<!tpu.dma_semaphore, #tpu.memory_space<semaphore_mem>>) src(%dma_wait3A_193 : memref<512x16xf32, #tpu.memory_space<vmem_shared>>) dst(%arg11 : memref<512x16xf32, #tpu.memory_space<vmem>>)
      tpu.yield
    }) : () -> ()
    "tpu.region"() ({
      %run_scoped3A = tpu.sem_alloc : memref<!tpu.dma_semaphore, #tpu.memory_space<semaphore_mem>>
      %dma_start3A = arith.constant 0 : i32
      %dma_start3A_188 = tpu.memref_slice %arg5[%arg0, %add3A_147, %dma_start3A] : memref<2x106496x16xf32, #tpu.memory_space<hbm>> -> memref<1x512x16xf32, #tpu.memory_space<hbm>>
      %dma_start3A_189 = tpu.memref_squeeze %dma_start3A_188 : memref<1x512x16xf32, #tpu.memory_space<hbm>> -> memref<512x16xf32, #tpu.memory_space<hbm>>
      %dma_start3A_190 = arith.constant 0 : i32
      %dma_start3A_191 = tpu.memref_slice %arg5[%arg0, %add3A_147, %dma_start3A_190] : memref<2x106496x16xf32, #tpu.memory_space<hbm>> -> memref<1x512x16xf32, #tpu.memory_space<hbm>>
      %dma_start3A_192 = tpu.memref_squeeze %dma_start3A_191 : memref<1x512x16xf32, #tpu.memory_space<hbm>> -> memref<512x16xf32, #tpu.memory_space<hbm>>
      tpu.enqueue_dma source(%arg11 : memref<512x16xf32, #tpu.memory_space<vmem>>) target(%dma_start3A_192 : memref<512x16xf32, #tpu.memory_space<hbm>>) target_semaphore(%run_scoped3A : memref<!tpu.dma_semaphore, #tpu.memory_space<semaphore_mem>>)
      %dma_wait3A = arith.constant 0 : i32
      %dma_wait3A_193 = tpu.memref_slice %arg5[%arg0, %add3A_147, %dma_wait3A] : memref<2x106496x16xf32, #tpu.memory_space<hbm>> -> memref<1x512x16xf32, #tpu.memory_space<hbm>>
      %dma_wait3A_194 = tpu.memref_squeeze %dma_wait3A_193 : memref<1x512x16xf32, #tpu.memory_space<hbm>> -> memref<512x16xf32, #tpu.memory_space<hbm>>
      %dma_wait3A_195 = arith.constant 0 : i32
      %dma_wait3A_196 = tpu.memref_slice %arg5[%arg0, %add3A_147, %dma_wait3A_195] : memref<2x106496x16xf32, #tpu.memory_space<hbm>> -> memref<1x512x16xf32, #tpu.memory_space<hbm>>
      %dma_wait3A_197 = tpu.memref_squeeze %dma_wait3A_196 : memref<1x512x16xf32, #tpu.memory_space<hbm>> -> memref<512x16xf32, #tpu.memory_space<hbm>>
      tpu.wait_dma2 semaphore(%run_scoped3A : memref<!tpu.dma_semaphore, #tpu.memory_space<semaphore_mem>>) src(%arg11 : memref<512x16xf32, #tpu.memory_space<vmem>>) dst(%dma_wait3A_197 : memref<512x16xf32, #tpu.memory_space<hbm>>)
      tpu.yield
    }) : () -> ()
    %mul3A_148 = arith.constant 6656 : i32
    %mul3A_149 = arith.muli %arg1, %mul3A_148 : i32
    %add3A_150 = arith.constant 1536 : i32
    %add3A_151 = arith.addi %mul3A_149, %add3A_150 : i32
    "tpu.region"() ({
      %run_scoped3A = tpu.sem_alloc : memref<!tpu.dma_semaphore, #tpu.memory_space<semaphore_mem>>
      %dma_start3A = arith.constant 0 : i32
      %dma_start3A_188 = tpu.memref_slice %arg6[%add3A_151, %dma_start3A] : memref<106496x16xf32, #tpu.memory_space<vmem_shared>> -> memref<512x16xf32, #tpu.memory_space<vmem_shared>>
      %dma_start3A_189 = arith.constant 0 : i32
      %dma_start3A_190 = tpu.memref_slice %arg6[%add3A_151, %dma_start3A_189] : memref<106496x16xf32, #tpu.memory_space<vmem_shared>> -> memref<512x16xf32, #tpu.memory_space<vmem_shared>>
      tpu.enqueue_dma source(%dma_start3A_190 : memref<512x16xf32, #tpu.memory_space<vmem_shared>>) target(%arg11 : memref<512x16xf32, #tpu.memory_space<vmem>>) target_semaphore(%run_scoped3A : memref<!tpu.dma_semaphore, #tpu.memory_space<semaphore_mem>>)
      %dma_wait3A = arith.constant 0 : i32
      %dma_wait3A_191 = tpu.memref_slice %arg6[%add3A_151, %dma_wait3A] : memref<106496x16xf32, #tpu.memory_space<vmem_shared>> -> memref<512x16xf32, #tpu.memory_space<vmem_shared>>
      %dma_wait3A_192 = arith.constant 0 : i32
      %dma_wait3A_193 = tpu.memref_slice %arg6[%add3A_151, %dma_wait3A_192] : memref<106496x16xf32, #tpu.memory_space<vmem_shared>> -> memref<512x16xf32, #tpu.memory_space<vmem_shared>>
      tpu.wait_dma2 semaphore(%run_scoped3A : memref<!tpu.dma_semaphore, #tpu.memory_space<semaphore_mem>>) src(%dma_wait3A_193 : memref<512x16xf32, #tpu.memory_space<vmem_shared>>) dst(%arg11 : memref<512x16xf32, #tpu.memory_space<vmem>>)
      tpu.yield
    }) : () -> ()
    "tpu.region"() ({
      %run_scoped3A = tpu.sem_alloc : memref<!tpu.dma_semaphore, #tpu.memory_space<semaphore_mem>>
      %dma_start3A = arith.constant 0 : i32
      %dma_start3A_188 = tpu.memref_slice %arg5[%arg0, %add3A_151, %dma_start3A] : memref<2x106496x16xf32, #tpu.memory_space<hbm>> -> memref<1x512x16xf32, #tpu.memory_space<hbm>>
      %dma_start3A_189 = tpu.memref_squeeze %dma_start3A_188 : memref<1x512x16xf32, #tpu.memory_space<hbm>> -> memref<512x16xf32, #tpu.memory_space<hbm>>
      %dma_start3A_190 = arith.constant 0 : i32
      %dma_start3A_191 = tpu.memref_slice %arg5[%arg0, %add3A_151, %dma_start3A_190] : memref<2x106496x16xf32, #tpu.memory_space<hbm>> -> memref<1x512x16xf32, #tpu.memory_space<hbm>>
      %dma_start3A_192 = tpu.memref_squeeze %dma_start3A_191 : memref<1x512x16xf32, #tpu.memory_space<hbm>> -> memref<512x16xf32, #tpu.memory_space<hbm>>
      tpu.enqueue_dma source(%arg11 : memref<512x16xf32, #tpu.memory_space<vmem>>) target(%dma_start3A_192 : memref<512x16xf32, #tpu.memory_space<hbm>>) target_semaphore(%run_scoped3A : memref<!tpu.dma_semaphore, #tpu.memory_space<semaphore_mem>>)
      %dma_wait3A = arith.constant 0 : i32
      %dma_wait3A_193 = tpu.memref_slice %arg5[%arg0, %add3A_151, %dma_wait3A] : memref<2x106496x16xf32, #tpu.memory_space<hbm>> -> memref<1x512x16xf32, #tpu.memory_space<hbm>>
      %dma_wait3A_194 = tpu.memref_squeeze %dma_wait3A_193 : memref<1x512x16xf32, #tpu.memory_space<hbm>> -> memref<512x16xf32, #tpu.memory_space<hbm>>
      %dma_wait3A_195 = arith.constant 0 : i32
      %dma_wait3A_196 = tpu.memref_slice %arg5[%arg0, %add3A_151, %dma_wait3A_195] : memref<2x106496x16xf32, #tpu.memory_space<hbm>> -> memref<1x512x16xf32, #tpu.memory_space<hbm>>
      %dma_wait3A_197 = tpu.memref_squeeze %dma_wait3A_196 : memref<1x512x16xf32, #tpu.memory_space<hbm>> -> memref<512x16xf32, #tpu.memory_space<hbm>>
      tpu.wait_dma2 semaphore(%run_scoped3A : memref<!tpu.dma_semaphore, #tpu.memory_space<semaphore_mem>>) src(%arg11 : memref<512x16xf32, #tpu.memory_space<vmem>>) dst(%dma_wait3A_197 : memref<512x16xf32, #tpu.memory_space<hbm>>)
      tpu.yield
    }) : () -> ()
    %mul3A_152 = arith.constant 6656 : i32
    %mul3A_153 = arith.muli %arg1, %mul3A_152 : i32
    %add3A_154 = arith.constant 2048 : i32
    %add3A_155 = arith.addi %mul3A_153, %add3A_154 : i32
    "tpu.region"() ({
      %run_scoped3A = tpu.sem_alloc : memref<!tpu.dma_semaphore, #tpu.memory_space<semaphore_mem>>
      %dma_start3A = arith.constant 0 : i32
      %dma_start3A_188 = tpu.memref_slice %arg6[%add3A_155, %dma_start3A] : memref<106496x16xf32, #tpu.memory_space<vmem_shared>> -> memref<512x16xf32, #tpu.memory_space<vmem_shared>>
      %dma_start3A_189 = arith.constant 0 : i32
      %dma_start3A_190 = tpu.memref_slice %arg6[%add3A_155, %dma_start3A_189] : memref<106496x16xf32, #tpu.memory_space<vmem_shared>> -> memref<512x16xf32, #tpu.memory_space<vmem_shared>>
      tpu.enqueue_dma source(%dma_start3A_190 : memref<512x16xf32, #tpu.memory_space<vmem_shared>>) target(%arg11 : memref<512x16xf32, #tpu.memory_space<vmem>>) target_semaphore(%run_scoped3A : memref<!tpu.dma_semaphore, #tpu.memory_space<semaphore_mem>>)
      %dma_wait3A = arith.constant 0 : i32
      %dma_wait3A_191 = tpu.memref_slice %arg6[%add3A_155, %dma_wait3A] : memref<106496x16xf32, #tpu.memory_space<vmem_shared>> -> memref<512x16xf32, #tpu.memory_space<vmem_shared>>
      %dma_wait3A_192 = arith.constant 0 : i32
      %dma_wait3A_193 = tpu.memref_slice %arg6[%add3A_155, %dma_wait3A_192] : memref<106496x16xf32, #tpu.memory_space<vmem_shared>> -> memref<512x16xf32, #tpu.memory_space<vmem_shared>>
      tpu.wait_dma2 semaphore(%run_scoped3A : memref<!tpu.dma_semaphore, #tpu.memory_space<semaphore_mem>>) src(%dma_wait3A_193 : memref<512x16xf32, #tpu.memory_space<vmem_shared>>) dst(%arg11 : memref<512x16xf32, #tpu.memory_space<vmem>>)
      tpu.yield
    }) : () -> ()
    "tpu.region"() ({
      %run_scoped3A = tpu.sem_alloc : memref<!tpu.dma_semaphore, #tpu.memory_space<semaphore_mem>>
      %dma_start3A = arith.constant 0 : i32
      %dma_start3A_188 = tpu.memref_slice %arg5[%arg0, %add3A_155, %dma_start3A] : memref<2x106496x16xf32, #tpu.memory_space<hbm>> -> memref<1x512x16xf32, #tpu.memory_space<hbm>>
      %dma_start3A_189 = tpu.memref_squeeze %dma_start3A_188 : memref<1x512x16xf32, #tpu.memory_space<hbm>> -> memref<512x16xf32, #tpu.memory_space<hbm>>
      %dma_start3A_190 = arith.constant 0 : i32
      %dma_start3A_191 = tpu.memref_slice %arg5[%arg0, %add3A_155, %dma_start3A_190] : memref<2x106496x16xf32, #tpu.memory_space<hbm>> -> memref<1x512x16xf32, #tpu.memory_space<hbm>>
      %dma_start3A_192 = tpu.memref_squeeze %dma_start3A_191 : memref<1x512x16xf32, #tpu.memory_space<hbm>> -> memref<512x16xf32, #tpu.memory_space<hbm>>
      tpu.enqueue_dma source(%arg11 : memref<512x16xf32, #tpu.memory_space<vmem>>) target(%dma_start3A_192 : memref<512x16xf32, #tpu.memory_space<hbm>>) target_semaphore(%run_scoped3A : memref<!tpu.dma_semaphore, #tpu.memory_space<semaphore_mem>>)
      %dma_wait3A = arith.constant 0 : i32
      %dma_wait3A_193 = tpu.memref_slice %arg5[%arg0, %add3A_155, %dma_wait3A] : memref<2x106496x16xf32, #tpu.memory_space<hbm>> -> memref<1x512x16xf32, #tpu.memory_space<hbm>>
      %dma_wait3A_194 = tpu.memref_squeeze %dma_wait3A_193 : memref<1x512x16xf32, #tpu.memory_space<hbm>> -> memref<512x16xf32, #tpu.memory_space<hbm>>
      %dma_wait3A_195 = arith.constant 0 : i32
      %dma_wait3A_196 = tpu.memref_slice %arg5[%arg0, %add3A_155, %dma_wait3A_195] : memref<2x106496x16xf32, #tpu.memory_space<hbm>> -> memref<1x512x16xf32, #tpu.memory_space<hbm>>
      %dma_wait3A_197 = tpu.memref_squeeze %dma_wait3A_196 : memref<1x512x16xf32, #tpu.memory_space<hbm>> -> memref<512x16xf32, #tpu.memory_space<hbm>>
      tpu.wait_dma2 semaphore(%run_scoped3A : memref<!tpu.dma_semaphore, #tpu.memory_space<semaphore_mem>>) src(%arg11 : memref<512x16xf32, #tpu.memory_space<vmem>>) dst(%dma_wait3A_197 : memref<512x16xf32, #tpu.memory_space<hbm>>)
      tpu.yield
    }) : () -> ()
    %mul3A_156 = arith.constant 6656 : i32
    %mul3A_157 = arith.muli %arg1, %mul3A_156 : i32
    %add3A_158 = arith.constant 2560 : i32
    %add3A_159 = arith.addi %mul3A_157, %add3A_158 : i32
    "tpu.region"() ({
      %run_scoped3A = tpu.sem_alloc : memref<!tpu.dma_semaphore, #tpu.memory_space<semaphore_mem>>
      %dma_start3A = arith.constant 0 : i32
      %dma_start3A_188 = tpu.memref_slice %arg6[%add3A_159, %dma_start3A] : memref<106496x16xf32, #tpu.memory_space<vmem_shared>> -> memref<512x16xf32, #tpu.memory_space<vmem_shared>>
      %dma_start3A_189 = arith.constant 0 : i32
      %dma_start3A_190 = tpu.memref_slice %arg6[%add3A_159, %dma_start3A_189] : memref<106496x16xf32, #tpu.memory_space<vmem_shared>> -> memref<512x16xf32, #tpu.memory_space<vmem_shared>>
      tpu.enqueue_dma source(%dma_start3A_190 : memref<512x16xf32, #tpu.memory_space<vmem_shared>>) target(%arg11 : memref<512x16xf32, #tpu.memory_space<vmem>>) target_semaphore(%run_scoped3A : memref<!tpu.dma_semaphore, #tpu.memory_space<semaphore_mem>>)
      %dma_wait3A = arith.constant 0 : i32
      %dma_wait3A_191 = tpu.memref_slice %arg6[%add3A_159, %dma_wait3A] : memref<106496x16xf32, #tpu.memory_space<vmem_shared>> -> memref<512x16xf32, #tpu.memory_space<vmem_shared>>
      %dma_wait3A_192 = arith.constant 0 : i32
      %dma_wait3A_193 = tpu.memref_slice %arg6[%add3A_159, %dma_wait3A_192] : memref<106496x16xf32, #tpu.memory_space<vmem_shared>> -> memref<512x16xf32, #tpu.memory_space<vmem_shared>>
      tpu.wait_dma2 semaphore(%run_scoped3A : memref<!tpu.dma_semaphore, #tpu.memory_space<semaphore_mem>>) src(%dma_wait3A_193 : memref<512x16xf32, #tpu.memory_space<vmem_shared>>) dst(%arg11 : memref<512x16xf32, #tpu.memory_space<vmem>>)
      tpu.yield
    }) : () -> ()
    "tpu.region"() ({
      %run_scoped3A = tpu.sem_alloc : memref<!tpu.dma_semaphore, #tpu.memory_space<semaphore_mem>>
      %dma_start3A = arith.constant 0 : i32
      %dma_start3A_188 = tpu.memref_slice %arg5[%arg0, %add3A_159, %dma_start3A] : memref<2x106496x16xf32, #tpu.memory_space<hbm>> -> memref<1x512x16xf32, #tpu.memory_space<hbm>>
      %dma_start3A_189 = tpu.memref_squeeze %dma_start3A_188 : memref<1x512x16xf32, #tpu.memory_space<hbm>> -> memref<512x16xf32, #tpu.memory_space<hbm>>
      %dma_start3A_190 = arith.constant 0 : i32
      %dma_start3A_191 = tpu.memref_slice %arg5[%arg0, %add3A_159, %dma_start3A_190] : memref<2x106496x16xf32, #tpu.memory_space<hbm>> -> memref<1x512x16xf32, #tpu.memory_space<hbm>>
      %dma_start3A_192 = tpu.memref_squeeze %dma_start3A_191 : memref<1x512x16xf32, #tpu.memory_space<hbm>> -> memref<512x16xf32, #tpu.memory_space<hbm>>
      tpu.enqueue_dma source(%arg11 : memref<512x16xf32, #tpu.memory_space<vmem>>) target(%dma_start3A_192 : memref<512x16xf32, #tpu.memory_space<hbm>>) target_semaphore(%run_scoped3A : memref<!tpu.dma_semaphore, #tpu.memory_space<semaphore_mem>>)
      %dma_wait3A = arith.constant 0 : i32
      %dma_wait3A_193 = tpu.memref_slice %arg5[%arg0, %add3A_159, %dma_wait3A] : memref<2x106496x16xf32, #tpu.memory_space<hbm>> -> memref<1x512x16xf32, #tpu.memory_space<hbm>>
      %dma_wait3A_194 = tpu.memref_squeeze %dma_wait3A_193 : memref<1x512x16xf32, #tpu.memory_space<hbm>> -> memref<512x16xf32, #tpu.memory_space<hbm>>
      %dma_wait3A_195 = arith.constant 0 : i32
      %dma_wait3A_196 = tpu.memref_slice %arg5[%arg0, %add3A_159, %dma_wait3A_195] : memref<2x106496x16xf32, #tpu.memory_space<hbm>> -> memref<1x512x16xf32, #tpu.memory_space<hbm>>
      %dma_wait3A_197 = tpu.memref_squeeze %dma_wait3A_196 : memref<1x512x16xf32, #tpu.memory_space<hbm>> -> memref<512x16xf32, #tpu.memory_space<hbm>>
      tpu.wait_dma2 semaphore(%run_scoped3A : memref<!tpu.dma_semaphore, #tpu.memory_space<semaphore_mem>>) src(%arg11 : memref<512x16xf32, #tpu.memory_space<vmem>>) dst(%dma_wait3A_197 : memref<512x16xf32, #tpu.memory_space<hbm>>)
      tpu.yield
    }) : () -> ()
    %mul3A_160 = arith.constant 6656 : i32
    %mul3A_161 = arith.muli %arg1, %mul3A_160 : i32
    %add3A_162 = arith.constant 3072 : i32
    %add3A_163 = arith.addi %mul3A_161, %add3A_162 : i32
    "tpu.region"() ({
      %run_scoped3A = tpu.sem_alloc : memref<!tpu.dma_semaphore, #tpu.memory_space<semaphore_mem>>
      %dma_start3A = arith.constant 0 : i32
      %dma_start3A_188 = tpu.memref_slice %arg6[%add3A_163, %dma_start3A] : memref<106496x16xf32, #tpu.memory_space<vmem_shared>> -> memref<512x16xf32, #tpu.memory_space<vmem_shared>>
      %dma_start3A_189 = arith.constant 0 : i32
      %dma_start3A_190 = tpu.memref_slice %arg6[%add3A_163, %dma_start3A_189] : memref<106496x16xf32, #tpu.memory_space<vmem_shared>> -> memref<512x16xf32, #tpu.memory_space<vmem_shared>>
      tpu.enqueue_dma source(%dma_start3A_190 : memref<512x16xf32, #tpu.memory_space<vmem_shared>>) target(%arg11 : memref<512x16xf32, #tpu.memory_space<vmem>>) target_semaphore(%run_scoped3A : memref<!tpu.dma_semaphore, #tpu.memory_space<semaphore_mem>>)
      %dma_wait3A = arith.constant 0 : i32
      %dma_wait3A_191 = tpu.memref_slice %arg6[%add3A_163, %dma_wait3A] : memref<106496x16xf32, #tpu.memory_space<vmem_shared>> -> memref<512x16xf32, #tpu.memory_space<vmem_shared>>
      %dma_wait3A_192 = arith.constant 0 : i32
      %dma_wait3A_193 = tpu.memref_slice %arg6[%add3A_163, %dma_wait3A_192] : memref<106496x16xf32, #tpu.memory_space<vmem_shared>> -> memref<512x16xf32, #tpu.memory_space<vmem_shared>>
      tpu.wait_dma2 semaphore(%run_scoped3A : memref<!tpu.dma_semaphore, #tpu.memory_space<semaphore_mem>>) src(%dma_wait3A_193 : memref<512x16xf32, #tpu.memory_space<vmem_shared>>) dst(%arg11 : memref<512x16xf32, #tpu.memory_space<vmem>>)
      tpu.yield
    }) : () -> ()
    "tpu.region"() ({
      %run_scoped3A = tpu.sem_alloc : memref<!tpu.dma_semaphore, #tpu.memory_space<semaphore_mem>>
      %dma_start3A = arith.constant 0 : i32
      %dma_start3A_188 = tpu.memref_slice %arg5[%arg0, %add3A_163, %dma_start3A] : memref<2x106496x16xf32, #tpu.memory_space<hbm>> -> memref<1x512x16xf32, #tpu.memory_space<hbm>>
      %dma_start3A_189 = tpu.memref_squeeze %dma_start3A_188 : memref<1x512x16xf32, #tpu.memory_space<hbm>> -> memref<512x16xf32, #tpu.memory_space<hbm>>
      %dma_start3A_190 = arith.constant 0 : i32
      %dma_start3A_191 = tpu.memref_slice %arg5[%arg0, %add3A_163, %dma_start3A_190] : memref<2x106496x16xf32, #tpu.memory_space<hbm>> -> memref<1x512x16xf32, #tpu.memory_space<hbm>>
      %dma_start3A_192 = tpu.memref_squeeze %dma_start3A_191 : memref<1x512x16xf32, #tpu.memory_space<hbm>> -> memref<512x16xf32, #tpu.memory_space<hbm>>
      tpu.enqueue_dma source(%arg11 : memref<512x16xf32, #tpu.memory_space<vmem>>) target(%dma_start3A_192 : memref<512x16xf32, #tpu.memory_space<hbm>>) target_semaphore(%run_scoped3A : memref<!tpu.dma_semaphore, #tpu.memory_space<semaphore_mem>>)
      %dma_wait3A = arith.constant 0 : i32
      %dma_wait3A_193 = tpu.memref_slice %arg5[%arg0, %add3A_163, %dma_wait3A] : memref<2x106496x16xf32, #tpu.memory_space<hbm>> -> memref<1x512x16xf32, #tpu.memory_space<hbm>>
      %dma_wait3A_194 = tpu.memref_squeeze %dma_wait3A_193 : memref<1x512x16xf32, #tpu.memory_space<hbm>> -> memref<512x16xf32, #tpu.memory_space<hbm>>
      %dma_wait3A_195 = arith.constant 0 : i32
      %dma_wait3A_196 = tpu.memref_slice %arg5[%arg0, %add3A_163, %dma_wait3A_195] : memref<2x106496x16xf32, #tpu.memory_space<hbm>> -> memref<1x512x16xf32, #tpu.memory_space<hbm>>
      %dma_wait3A_197 = tpu.memref_squeeze %dma_wait3A_196 : memref<1x512x16xf32, #tpu.memory_space<hbm>> -> memref<512x16xf32, #tpu.memory_space<hbm>>
      tpu.wait_dma2 semaphore(%run_scoped3A : memref<!tpu.dma_semaphore, #tpu.memory_space<semaphore_mem>>) src(%arg11 : memref<512x16xf32, #tpu.memory_space<vmem>>) dst(%dma_wait3A_197 : memref<512x16xf32, #tpu.memory_space<hbm>>)
      tpu.yield
    }) : () -> ()
    %mul3A_164 = arith.constant 6656 : i32
    %mul3A_165 = arith.muli %arg1, %mul3A_164 : i32
    %add3A_166 = arith.constant 3584 : i32
    %add3A_167 = arith.addi %mul3A_165, %add3A_166 : i32
    "tpu.region"() ({
      %run_scoped3A = tpu.sem_alloc : memref<!tpu.dma_semaphore, #tpu.memory_space<semaphore_mem>>
      %dma_start3A = arith.constant 0 : i32
      %dma_start3A_188 = tpu.memref_slice %arg6[%add3A_167, %dma_start3A] : memref<106496x16xf32, #tpu.memory_space<vmem_shared>> -> memref<512x16xf32, #tpu.memory_space<vmem_shared>>
      %dma_start3A_189 = arith.constant 0 : i32
      %dma_start3A_190 = tpu.memref_slice %arg6[%add3A_167, %dma_start3A_189] : memref<106496x16xf32, #tpu.memory_space<vmem_shared>> -> memref<512x16xf32, #tpu.memory_space<vmem_shared>>
      tpu.enqueue_dma source(%dma_start3A_190 : memref<512x16xf32, #tpu.memory_space<vmem_shared>>) target(%arg11 : memref<512x16xf32, #tpu.memory_space<vmem>>) target_semaphore(%run_scoped3A : memref<!tpu.dma_semaphore, #tpu.memory_space<semaphore_mem>>)
      %dma_wait3A = arith.constant 0 : i32
      %dma_wait3A_191 = tpu.memref_slice %arg6[%add3A_167, %dma_wait3A] : memref<106496x16xf32, #tpu.memory_space<vmem_shared>> -> memref<512x16xf32, #tpu.memory_space<vmem_shared>>
      %dma_wait3A_192 = arith.constant 0 : i32
      %dma_wait3A_193 = tpu.memref_slice %arg6[%add3A_167, %dma_wait3A_192] : memref<106496x16xf32, #tpu.memory_space<vmem_shared>> -> memref<512x16xf32, #tpu.memory_space<vmem_shared>>
      tpu.wait_dma2 semaphore(%run_scoped3A : memref<!tpu.dma_semaphore, #tpu.memory_space<semaphore_mem>>) src(%dma_wait3A_193 : memref<512x16xf32, #tpu.memory_space<vmem_shared>>) dst(%arg11 : memref<512x16xf32, #tpu.memory_space<vmem>>)
      tpu.yield
    }) : () -> ()
    "tpu.region"() ({
      %run_scoped3A = tpu.sem_alloc : memref<!tpu.dma_semaphore, #tpu.memory_space<semaphore_mem>>
      %dma_start3A = arith.constant 0 : i32
      %dma_start3A_188 = tpu.memref_slice %arg5[%arg0, %add3A_167, %dma_start3A] : memref<2x106496x16xf32, #tpu.memory_space<hbm>> -> memref<1x512x16xf32, #tpu.memory_space<hbm>>
      %dma_start3A_189 = tpu.memref_squeeze %dma_start3A_188 : memref<1x512x16xf32, #tpu.memory_space<hbm>> -> memref<512x16xf32, #tpu.memory_space<hbm>>
      %dma_start3A_190 = arith.constant 0 : i32
      %dma_start3A_191 = tpu.memref_slice %arg5[%arg0, %add3A_167, %dma_start3A_190] : memref<2x106496x16xf32, #tpu.memory_space<hbm>> -> memref<1x512x16xf32, #tpu.memory_space<hbm>>
      %dma_start3A_192 = tpu.memref_squeeze %dma_start3A_191 : memref<1x512x16xf32, #tpu.memory_space<hbm>> -> memref<512x16xf32, #tpu.memory_space<hbm>>
      tpu.enqueue_dma source(%arg11 : memref<512x16xf32, #tpu.memory_space<vmem>>) target(%dma_start3A_192 : memref<512x16xf32, #tpu.memory_space<hbm>>) target_semaphore(%run_scoped3A : memref<!tpu.dma_semaphore, #tpu.memory_space<semaphore_mem>>)
      %dma_wait3A = arith.constant 0 : i32
      %dma_wait3A_193 = tpu.memref_slice %arg5[%arg0, %add3A_167, %dma_wait3A] : memref<2x106496x16xf32, #tpu.memory_space<hbm>> -> memref<1x512x16xf32, #tpu.memory_space<hbm>>
      %dma_wait3A_194 = tpu.memref_squeeze %dma_wait3A_193 : memref<1x512x16xf32, #tpu.memory_space<hbm>> -> memref<512x16xf32, #tpu.memory_space<hbm>>
      %dma_wait3A_195 = arith.constant 0 : i32
      %dma_wait3A_196 = tpu.memref_slice %arg5[%arg0, %add3A_167, %dma_wait3A_195] : memref<2x106496x16xf32, #tpu.memory_space<hbm>> -> memref<1x512x16xf32, #tpu.memory_space<hbm>>
      %dma_wait3A_197 = tpu.memref_squeeze %dma_wait3A_196 : memref<1x512x16xf32, #tpu.memory_space<hbm>> -> memref<512x16xf32, #tpu.memory_space<hbm>>
      tpu.wait_dma2 semaphore(%run_scoped3A : memref<!tpu.dma_semaphore, #tpu.memory_space<semaphore_mem>>) src(%arg11 : memref<512x16xf32, #tpu.memory_space<vmem>>) dst(%dma_wait3A_197 : memref<512x16xf32, #tpu.memory_space<hbm>>)
      tpu.yield
    }) : () -> ()
    %mul3A_168 = arith.constant 6656 : i32
    %mul3A_169 = arith.muli %arg1, %mul3A_168 : i32
    %add3A_170 = arith.constant 4096 : i32
    %add3A_171 = arith.addi %mul3A_169, %add3A_170 : i32
    "tpu.region"() ({
      %run_scoped3A = tpu.sem_alloc : memref<!tpu.dma_semaphore, #tpu.memory_space<semaphore_mem>>
      %dma_start3A = arith.constant 0 : i32
      %dma_start3A_188 = tpu.memref_slice %arg6[%add3A_171, %dma_start3A] : memref<106496x16xf32, #tpu.memory_space<vmem_shared>> -> memref<512x16xf32, #tpu.memory_space<vmem_shared>>
      %dma_start3A_189 = arith.constant 0 : i32
      %dma_start3A_190 = tpu.memref_slice %arg6[%add3A_171, %dma_start3A_189] : memref<106496x16xf32, #tpu.memory_space<vmem_shared>> -> memref<512x16xf32, #tpu.memory_space<vmem_shared>>
      tpu.enqueue_dma source(%dma_start3A_190 : memref<512x16xf32, #tpu.memory_space<vmem_shared>>) target(%arg11 : memref<512x16xf32, #tpu.memory_space<vmem>>) target_semaphore(%run_scoped3A : memref<!tpu.dma_semaphore, #tpu.memory_space<semaphore_mem>>)
      %dma_wait3A = arith.constant 0 : i32
      %dma_wait3A_191 = tpu.memref_slice %arg6[%add3A_171, %dma_wait3A] : memref<106496x16xf32, #tpu.memory_space<vmem_shared>> -> memref<512x16xf32, #tpu.memory_space<vmem_shared>>
      %dma_wait3A_192 = arith.constant 0 : i32
      %dma_wait3A_193 = tpu.memref_slice %arg6[%add3A_171, %dma_wait3A_192] : memref<106496x16xf32, #tpu.memory_space<vmem_shared>> -> memref<512x16xf32, #tpu.memory_space<vmem_shared>>
      tpu.wait_dma2 semaphore(%run_scoped3A : memref<!tpu.dma_semaphore, #tpu.memory_space<semaphore_mem>>) src(%dma_wait3A_193 : memref<512x16xf32, #tpu.memory_space<vmem_shared>>) dst(%arg11 : memref<512x16xf32, #tpu.memory_space<vmem>>)
      tpu.yield
    }) : () -> ()
    "tpu.region"() ({
      %run_scoped3A = tpu.sem_alloc : memref<!tpu.dma_semaphore, #tpu.memory_space<semaphore_mem>>
      %dma_start3A = arith.constant 0 : i32
      %dma_start3A_188 = tpu.memref_slice %arg5[%arg0, %add3A_171, %dma_start3A] : memref<2x106496x16xf32, #tpu.memory_space<hbm>> -> memref<1x512x16xf32, #tpu.memory_space<hbm>>
      %dma_start3A_189 = tpu.memref_squeeze %dma_start3A_188 : memref<1x512x16xf32, #tpu.memory_space<hbm>> -> memref<512x16xf32, #tpu.memory_space<hbm>>
      %dma_start3A_190 = arith.constant 0 : i32
      %dma_start3A_191 = tpu.memref_slice %arg5[%arg0, %add3A_171, %dma_start3A_190] : memref<2x106496x16xf32, #tpu.memory_space<hbm>> -> memref<1x512x16xf32, #tpu.memory_space<hbm>>
      %dma_start3A_192 = tpu.memref_squeeze %dma_start3A_191 : memref<1x512x16xf32, #tpu.memory_space<hbm>> -> memref<512x16xf32, #tpu.memory_space<hbm>>
      tpu.enqueue_dma source(%arg11 : memref<512x16xf32, #tpu.memory_space<vmem>>) target(%dma_start3A_192 : memref<512x16xf32, #tpu.memory_space<hbm>>) target_semaphore(%run_scoped3A : memref<!tpu.dma_semaphore, #tpu.memory_space<semaphore_mem>>)
      %dma_wait3A = arith.constant 0 : i32
      %dma_wait3A_193 = tpu.memref_slice %arg5[%arg0, %add3A_171, %dma_wait3A] : memref<2x106496x16xf32, #tpu.memory_space<hbm>> -> memref<1x512x16xf32, #tpu.memory_space<hbm>>
      %dma_wait3A_194 = tpu.memref_squeeze %dma_wait3A_193 : memref<1x512x16xf32, #tpu.memory_space<hbm>> -> memref<512x16xf32, #tpu.memory_space<hbm>>
      %dma_wait3A_195 = arith.constant 0 : i32
      %dma_wait3A_196 = tpu.memref_slice %arg5[%arg0, %add3A_171, %dma_wait3A_195] : memref<2x106496x16xf32, #tpu.memory_space<hbm>> -> memref<1x512x16xf32, #tpu.memory_space<hbm>>
      %dma_wait3A_197 = tpu.memref_squeeze %dma_wait3A_196 : memref<1x512x16xf32, #tpu.memory_space<hbm>> -> memref<512x16xf32, #tpu.memory_space<hbm>>
      tpu.wait_dma2 semaphore(%run_scoped3A : memref<!tpu.dma_semaphore, #tpu.memory_space<semaphore_mem>>) src(%arg11 : memref<512x16xf32, #tpu.memory_space<vmem>>) dst(%dma_wait3A_197 : memref<512x16xf32, #tpu.memory_space<hbm>>)
      tpu.yield
    }) : () -> ()
    %mul3A_172 = arith.constant 6656 : i32
    %mul3A_173 = arith.muli %arg1, %mul3A_172 : i32
    %add3A_174 = arith.constant 4608 : i32
    %add3A_175 = arith.addi %mul3A_173, %add3A_174 : i32
    "tpu.region"() ({
      %run_scoped3A = tpu.sem_alloc : memref<!tpu.dma_semaphore, #tpu.memory_space<semaphore_mem>>
      %dma_start3A = arith.constant 0 : i32
      %dma_start3A_188 = tpu.memref_slice %arg6[%add3A_175, %dma_start3A] : memref<106496x16xf32, #tpu.memory_space<vmem_shared>> -> memref<512x16xf32, #tpu.memory_space<vmem_shared>>
      %dma_start3A_189 = arith.constant 0 : i32
      %dma_start3A_190 = tpu.memref_slice %arg6[%add3A_175, %dma_start3A_189] : memref<106496x16xf32, #tpu.memory_space<vmem_shared>> -> memref<512x16xf32, #tpu.memory_space<vmem_shared>>
      tpu.enqueue_dma source(%dma_start3A_190 : memref<512x16xf32, #tpu.memory_space<vmem_shared>>) target(%arg11 : memref<512x16xf32, #tpu.memory_space<vmem>>) target_semaphore(%run_scoped3A : memref<!tpu.dma_semaphore, #tpu.memory_space<semaphore_mem>>)
      %dma_wait3A = arith.constant 0 : i32
      %dma_wait3A_191 = tpu.memref_slice %arg6[%add3A_175, %dma_wait3A] : memref<106496x16xf32, #tpu.memory_space<vmem_shared>> -> memref<512x16xf32, #tpu.memory_space<vmem_shared>>
      %dma_wait3A_192 = arith.constant 0 : i32
      %dma_wait3A_193 = tpu.memref_slice %arg6[%add3A_175, %dma_wait3A_192] : memref<106496x16xf32, #tpu.memory_space<vmem_shared>> -> memref<512x16xf32, #tpu.memory_space<vmem_shared>>
      tpu.wait_dma2 semaphore(%run_scoped3A : memref<!tpu.dma_semaphore, #tpu.memory_space<semaphore_mem>>) src(%dma_wait3A_193 : memref<512x16xf32, #tpu.memory_space<vmem_shared>>) dst(%arg11 : memref<512x16xf32, #tpu.memory_space<vmem>>)
      tpu.yield
    }) : () -> ()
    "tpu.region"() ({
      %run_scoped3A = tpu.sem_alloc : memref<!tpu.dma_semaphore, #tpu.memory_space<semaphore_mem>>
      %dma_start3A = arith.constant 0 : i32
      %dma_start3A_188 = tpu.memref_slice %arg5[%arg0, %add3A_175, %dma_start3A] : memref<2x106496x16xf32, #tpu.memory_space<hbm>> -> memref<1x512x16xf32, #tpu.memory_space<hbm>>
      %dma_start3A_189 = tpu.memref_squeeze %dma_start3A_188 : memref<1x512x16xf32, #tpu.memory_space<hbm>> -> memref<512x16xf32, #tpu.memory_space<hbm>>
      %dma_start3A_190 = arith.constant 0 : i32
      %dma_start3A_191 = tpu.memref_slice %arg5[%arg0, %add3A_175, %dma_start3A_190] : memref<2x106496x16xf32, #tpu.memory_space<hbm>> -> memref<1x512x16xf32, #tpu.memory_space<hbm>>
      %dma_start3A_192 = tpu.memref_squeeze %dma_start3A_191 : memref<1x512x16xf32, #tpu.memory_space<hbm>> -> memref<512x16xf32, #tpu.memory_space<hbm>>
      tpu.enqueue_dma source(%arg11 : memref<512x16xf32, #tpu.memory_space<vmem>>) target(%dma_start3A_192 : memref<512x16xf32, #tpu.memory_space<hbm>>) target_semaphore(%run_scoped3A : memref<!tpu.dma_semaphore, #tpu.memory_space<semaphore_mem>>)
      %dma_wait3A = arith.constant 0 : i32
      %dma_wait3A_193 = tpu.memref_slice %arg5[%arg0, %add3A_175, %dma_wait3A] : memref<2x106496x16xf32, #tpu.memory_space<hbm>> -> memref<1x512x16xf32, #tpu.memory_space<hbm>>
      %dma_wait3A_194 = tpu.memref_squeeze %dma_wait3A_193 : memref<1x512x16xf32, #tpu.memory_space<hbm>> -> memref<512x16xf32, #tpu.memory_space<hbm>>
      %dma_wait3A_195 = arith.constant 0 : i32
      %dma_wait3A_196 = tpu.memref_slice %arg5[%arg0, %add3A_175, %dma_wait3A_195] : memref<2x106496x16xf32, #tpu.memory_space<hbm>> -> memref<1x512x16xf32, #tpu.memory_space<hbm>>
      %dma_wait3A_197 = tpu.memref_squeeze %dma_wait3A_196 : memref<1x512x16xf32, #tpu.memory_space<hbm>> -> memref<512x16xf32, #tpu.memory_space<hbm>>
      tpu.wait_dma2 semaphore(%run_scoped3A : memref<!tpu.dma_semaphore, #tpu.memory_space<semaphore_mem>>) src(%arg11 : memref<512x16xf32, #tpu.memory_space<vmem>>) dst(%dma_wait3A_197 : memref<512x16xf32, #tpu.memory_space<hbm>>)
      tpu.yield
    }) : () -> ()
    %mul3A_176 = arith.constant 6656 : i32
    %mul3A_177 = arith.muli %arg1, %mul3A_176 : i32
    %add3A_178 = arith.constant 5120 : i32
    %add3A_179 = arith.addi %mul3A_177, %add3A_178 : i32
    "tpu.region"() ({
      %run_scoped3A = tpu.sem_alloc : memref<!tpu.dma_semaphore, #tpu.memory_space<semaphore_mem>>
      %dma_start3A = arith.constant 0 : i32
      %dma_start3A_188 = tpu.memref_slice %arg6[%add3A_179, %dma_start3A] : memref<106496x16xf32, #tpu.memory_space<vmem_shared>> -> memref<512x16xf32, #tpu.memory_space<vmem_shared>>
      %dma_start3A_189 = arith.constant 0 : i32
      %dma_start3A_190 = tpu.memref_slice %arg6[%add3A_179, %dma_start3A_189] : memref<106496x16xf32, #tpu.memory_space<vmem_shared>> -> memref<512x16xf32, #tpu.memory_space<vmem_shared>>
      tpu.enqueue_dma source(%dma_start3A_190 : memref<512x16xf32, #tpu.memory_space<vmem_shared>>) target(%arg11 : memref<512x16xf32, #tpu.memory_space<vmem>>) target_semaphore(%run_scoped3A : memref<!tpu.dma_semaphore, #tpu.memory_space<semaphore_mem>>)
      %dma_wait3A = arith.constant 0 : i32
      %dma_wait3A_191 = tpu.memref_slice %arg6[%add3A_179, %dma_wait3A] : memref<106496x16xf32, #tpu.memory_space<vmem_shared>> -> memref<512x16xf32, #tpu.memory_space<vmem_shared>>
      %dma_wait3A_192 = arith.constant 0 : i32
      %dma_wait3A_193 = tpu.memref_slice %arg6[%add3A_179, %dma_wait3A_192] : memref<106496x16xf32, #tpu.memory_space<vmem_shared>> -> memref<512x16xf32, #tpu.memory_space<vmem_shared>>
      tpu.wait_dma2 semaphore(%run_scoped3A : memref<!tpu.dma_semaphore, #tpu.memory_space<semaphore_mem>>) src(%dma_wait3A_193 : memref<512x16xf32, #tpu.memory_space<vmem_shared>>) dst(%arg11 : memref<512x16xf32, #tpu.memory_space<vmem>>)
      tpu.yield
    }) : () -> ()
    "tpu.region"() ({
      %run_scoped3A = tpu.sem_alloc : memref<!tpu.dma_semaphore, #tpu.memory_space<semaphore_mem>>
      %dma_start3A = arith.constant 0 : i32
      %dma_start3A_188 = tpu.memref_slice %arg5[%arg0, %add3A_179, %dma_start3A] : memref<2x106496x16xf32, #tpu.memory_space<hbm>> -> memref<1x512x16xf32, #tpu.memory_space<hbm>>
      %dma_start3A_189 = tpu.memref_squeeze %dma_start3A_188 : memref<1x512x16xf32, #tpu.memory_space<hbm>> -> memref<512x16xf32, #tpu.memory_space<hbm>>
      %dma_start3A_190 = arith.constant 0 : i32
      %dma_start3A_191 = tpu.memref_slice %arg5[%arg0, %add3A_179, %dma_start3A_190] : memref<2x106496x16xf32, #tpu.memory_space<hbm>> -> memref<1x512x16xf32, #tpu.memory_space<hbm>>
      %dma_start3A_192 = tpu.memref_squeeze %dma_start3A_191 : memref<1x512x16xf32, #tpu.memory_space<hbm>> -> memref<512x16xf32, #tpu.memory_space<hbm>>
      tpu.enqueue_dma source(%arg11 : memref<512x16xf32, #tpu.memory_space<vmem>>) target(%dma_start3A_192 : memref<512x16xf32, #tpu.memory_space<hbm>>) target_semaphore(%run_scoped3A : memref<!tpu.dma_semaphore, #tpu.memory_space<semaphore_mem>>)
      %dma_wait3A = arith.constant 0 : i32
      %dma_wait3A_193 = tpu.memref_slice %arg5[%arg0, %add3A_179, %dma_wait3A] : memref<2x106496x16xf32, #tpu.memory_space<hbm>> -> memref<1x512x16xf32, #tpu.memory_space<hbm>>
      %dma_wait3A_194 = tpu.memref_squeeze %dma_wait3A_193 : memref<1x512x16xf32, #tpu.memory_space<hbm>> -> memref<512x16xf32, #tpu.memory_space<hbm>>
      %dma_wait3A_195 = arith.constant 0 : i32
      %dma_wait3A_196 = tpu.memref_slice %arg5[%arg0, %add3A_179, %dma_wait3A_195] : memref<2x106496x16xf32, #tpu.memory_space<hbm>> -> memref<1x512x16xf32, #tpu.memory_space<hbm>>
      %dma_wait3A_197 = tpu.memref_squeeze %dma_wait3A_196 : memref<1x512x16xf32, #tpu.memory_space<hbm>> -> memref<512x16xf32, #tpu.memory_space<hbm>>
      tpu.wait_dma2 semaphore(%run_scoped3A : memref<!tpu.dma_semaphore, #tpu.memory_space<semaphore_mem>>) src(%arg11 : memref<512x16xf32, #tpu.memory_space<vmem>>) dst(%dma_wait3A_197 : memref<512x16xf32, #tpu.memory_space<hbm>>)
      tpu.yield
    }) : () -> ()
    %mul3A_180 = arith.constant 6656 : i32
    %mul3A_181 = arith.muli %arg1, %mul3A_180 : i32
    %add3A_182 = arith.constant 5632 : i32
    %add3A_183 = arith.addi %mul3A_181, %add3A_182 : i32
    "tpu.region"() ({
      %run_scoped3A = tpu.sem_alloc : memref<!tpu.dma_semaphore, #tpu.memory_space<semaphore_mem>>
      %dma_start3A = arith.constant 0 : i32
      %dma_start3A_188 = tpu.memref_slice %arg6[%add3A_183, %dma_start3A] : memref<106496x16xf32, #tpu.memory_space<vmem_shared>> -> memref<512x16xf32, #tpu.memory_space<vmem_shared>>
      %dma_start3A_189 = arith.constant 0 : i32
      %dma_start3A_190 = tpu.memref_slice %arg6[%add3A_183, %dma_start3A_189] : memref<106496x16xf32, #tpu.memory_space<vmem_shared>> -> memref<512x16xf32, #tpu.memory_space<vmem_shared>>
      tpu.enqueue_dma source(%dma_start3A_190 : memref<512x16xf32, #tpu.memory_space<vmem_shared>>) target(%arg11 : memref<512x16xf32, #tpu.memory_space<vmem>>) target_semaphore(%run_scoped3A : memref<!tpu.dma_semaphore, #tpu.memory_space<semaphore_mem>>)
      %dma_wait3A = arith.constant 0 : i32
      %dma_wait3A_191 = tpu.memref_slice %arg6[%add3A_183, %dma_wait3A] : memref<106496x16xf32, #tpu.memory_space<vmem_shared>> -> memref<512x16xf32, #tpu.memory_space<vmem_shared>>
      %dma_wait3A_192 = arith.constant 0 : i32
      %dma_wait3A_193 = tpu.memref_slice %arg6[%add3A_183, %dma_wait3A_192] : memref<106496x16xf32, #tpu.memory_space<vmem_shared>> -> memref<512x16xf32, #tpu.memory_space<vmem_shared>>
      tpu.wait_dma2 semaphore(%run_scoped3A : memref<!tpu.dma_semaphore, #tpu.memory_space<semaphore_mem>>) src(%dma_wait3A_193 : memref<512x16xf32, #tpu.memory_space<vmem_shared>>) dst(%arg11 : memref<512x16xf32, #tpu.memory_space<vmem>>)
      tpu.yield
    }) : () -> ()
    "tpu.region"() ({
      %run_scoped3A = tpu.sem_alloc : memref<!tpu.dma_semaphore, #tpu.memory_space<semaphore_mem>>
      %dma_start3A = arith.constant 0 : i32
      %dma_start3A_188 = tpu.memref_slice %arg5[%arg0, %add3A_183, %dma_start3A] : memref<2x106496x16xf32, #tpu.memory_space<hbm>> -> memref<1x512x16xf32, #tpu.memory_space<hbm>>
      %dma_start3A_189 = tpu.memref_squeeze %dma_start3A_188 : memref<1x512x16xf32, #tpu.memory_space<hbm>> -> memref<512x16xf32, #tpu.memory_space<hbm>>
      %dma_start3A_190 = arith.constant 0 : i32
      %dma_start3A_191 = tpu.memref_slice %arg5[%arg0, %add3A_183, %dma_start3A_190] : memref<2x106496x16xf32, #tpu.memory_space<hbm>> -> memref<1x512x16xf32, #tpu.memory_space<hbm>>
      %dma_start3A_192 = tpu.memref_squeeze %dma_start3A_191 : memref<1x512x16xf32, #tpu.memory_space<hbm>> -> memref<512x16xf32, #tpu.memory_space<hbm>>
      tpu.enqueue_dma source(%arg11 : memref<512x16xf32, #tpu.memory_space<vmem>>) target(%dma_start3A_192 : memref<512x16xf32, #tpu.memory_space<hbm>>) target_semaphore(%run_scoped3A : memref<!tpu.dma_semaphore, #tpu.memory_space<semaphore_mem>>)
      %dma_wait3A = arith.constant 0 : i32
      %dma_wait3A_193 = tpu.memref_slice %arg5[%arg0, %add3A_183, %dma_wait3A] : memref<2x106496x16xf32, #tpu.memory_space<hbm>> -> memref<1x512x16xf32, #tpu.memory_space<hbm>>
      %dma_wait3A_194 = tpu.memref_squeeze %dma_wait3A_193 : memref<1x512x16xf32, #tpu.memory_space<hbm>> -> memref<512x16xf32, #tpu.memory_space<hbm>>
      %dma_wait3A_195 = arith.constant 0 : i32
      %dma_wait3A_196 = tpu.memref_slice %arg5[%arg0, %add3A_183, %dma_wait3A_195] : memref<2x106496x16xf32, #tpu.memory_space<hbm>> -> memref<1x512x16xf32, #tpu.memory_space<hbm>>
      %dma_wait3A_197 = tpu.memref_squeeze %dma_wait3A_196 : memref<1x512x16xf32, #tpu.memory_space<hbm>> -> memref<512x16xf32, #tpu.memory_space<hbm>>
      tpu.wait_dma2 semaphore(%run_scoped3A : memref<!tpu.dma_semaphore, #tpu.memory_space<semaphore_mem>>) src(%arg11 : memref<512x16xf32, #tpu.memory_space<vmem>>) dst(%dma_wait3A_197 : memref<512x16xf32, #tpu.memory_space<hbm>>)
      tpu.yield
    }) : () -> ()
    %mul3A_184 = arith.constant 6656 : i32
    %mul3A_185 = arith.muli %arg1, %mul3A_184 : i32
    %add3A_186 = arith.constant 6144 : i32
    %add3A_187 = arith.addi %mul3A_185, %add3A_186 : i32
    "tpu.region"() ({
      %run_scoped3A = tpu.sem_alloc : memref<!tpu.dma_semaphore, #tpu.memory_space<semaphore_mem>>
      %dma_start3A = arith.constant 0 : i32
      %dma_start3A_188 = tpu.memref_slice %arg6[%add3A_187, %dma_start3A] : memref<106496x16xf32, #tpu.memory_space<vmem_shared>> -> memref<512x16xf32, #tpu.memory_space<vmem_shared>>
      %dma_start3A_189 = arith.constant 0 : i32
      %dma_start3A_190 = tpu.memref_slice %arg6[%add3A_187, %dma_start3A_189] : memref<106496x16xf32, #tpu.memory_space<vmem_shared>> -> memref<512x16xf32, #tpu.memory_space<vmem_shared>>
      tpu.enqueue_dma source(%dma_start3A_190 : memref<512x16xf32, #tpu.memory_space<vmem_shared>>) target(%arg11 : memref<512x16xf32, #tpu.memory_space<vmem>>) target_semaphore(%run_scoped3A : memref<!tpu.dma_semaphore, #tpu.memory_space<semaphore_mem>>)
      %dma_wait3A = arith.constant 0 : i32
      %dma_wait3A_191 = tpu.memref_slice %arg6[%add3A_187, %dma_wait3A] : memref<106496x16xf32, #tpu.memory_space<vmem_shared>> -> memref<512x16xf32, #tpu.memory_space<vmem_shared>>
      %dma_wait3A_192 = arith.constant 0 : i32
      %dma_wait3A_193 = tpu.memref_slice %arg6[%add3A_187, %dma_wait3A_192] : memref<106496x16xf32, #tpu.memory_space<vmem_shared>> -> memref<512x16xf32, #tpu.memory_space<vmem_shared>>
      tpu.wait_dma2 semaphore(%run_scoped3A : memref<!tpu.dma_semaphore, #tpu.memory_space<semaphore_mem>>) src(%dma_wait3A_193 : memref<512x16xf32, #tpu.memory_space<vmem_shared>>) dst(%arg11 : memref<512x16xf32, #tpu.memory_space<vmem>>)
      tpu.yield
    }) : () -> ()
    "tpu.region"() ({
      %run_scoped3A = tpu.sem_alloc : memref<!tpu.dma_semaphore, #tpu.memory_space<semaphore_mem>>
      %dma_start3A = arith.constant 0 : i32
      %dma_start3A_188 = tpu.memref_slice %arg5[%arg0, %add3A_187, %dma_start3A] : memref<2x106496x16xf32, #tpu.memory_space<hbm>> -> memref<1x512x16xf32, #tpu.memory_space<hbm>>
      %dma_start3A_189 = tpu.memref_squeeze %dma_start3A_188 : memref<1x512x16xf32, #tpu.memory_space<hbm>> -> memref<512x16xf32, #tpu.memory_space<hbm>>
      %dma_start3A_190 = arith.constant 0 : i32
      %dma_start3A_191 = tpu.memref_slice %arg5[%arg0, %add3A_187, %dma_start3A_190] : memref<2x106496x16xf32, #tpu.memory_space<hbm>> -> memref<1x512x16xf32, #tpu.memory_space<hbm>>
      %dma_start3A_192 = tpu.memref_squeeze %dma_start3A_191 : memref<1x512x16xf32, #tpu.memory_space<hbm>> -> memref<512x16xf32, #tpu.memory_space<hbm>>
      tpu.enqueue_dma source(%arg11 : memref<512x16xf32, #tpu.memory_space<vmem>>) target(%dma_start3A_192 : memref<512x16xf32, #tpu.memory_space<hbm>>) target_semaphore(%run_scoped3A : memref<!tpu.dma_semaphore, #tpu.memory_space<semaphore_mem>>)
      %dma_wait3A = arith.constant 0 : i32
      %dma_wait3A_193 = tpu.memref_slice %arg5[%arg0, %add3A_187, %dma_wait3A] : memref<2x106496x16xf32, #tpu.memory_space<hbm>> -> memref<1x512x16xf32, #tpu.memory_space<hbm>>
      %dma_wait3A_194 = tpu.memref_squeeze %dma_wait3A_193 : memref<1x512x16xf32, #tpu.memory_space<hbm>> -> memref<512x16xf32, #tpu.memory_space<hbm>>
      %dma_wait3A_195 = arith.constant 0 : i32
      %dma_wait3A_196 = tpu.memref_slice %arg5[%arg0, %add3A_187, %dma_wait3A_195] : memref<2x106496x16xf32, #tpu.memory_space<hbm>> -> memref<1x512x16xf32, #tpu.memory_space<hbm>>
      %dma_wait3A_197 = tpu.memref_squeeze %dma_wait3A_196 : memref<1x512x16xf32, #tpu.memory_space<hbm>> -> memref<512x16xf32, #tpu.memory_space<hbm>>
      tpu.wait_dma2 semaphore(%run_scoped3A : memref<!tpu.dma_semaphore, #tpu.memory_space<semaphore_mem>>) src(%arg11 : memref<512x16xf32, #tpu.memory_space<vmem>>) dst(%dma_wait3A_197 : memref<512x16xf32, #tpu.memory_space<hbm>>)
      tpu.yield
    }) : () -> ()
    return
  }
}

#map = affine_map<(d0, d1) -> (0, 0)>
#map1 = affine_map<(d0, d1) -> (0, 0, 0)>
module attributes {stable_mosaic.version = 14 : i64} {
  func.func @_pass2_body(%arg0: i32, %arg1: i32, %arg2: memref<106496x16xf32, #tpu.memory_space<hbm>>, %arg3: memref<25088x128xi32, #tpu.memory_space<hbm>>, %arg4: memref<25088x128xi32, #tpu.memory_space<hbm>>, %arg5: memref<2x114688x8xf32, #tpu.memory_space<hbm>>, %arg6: memref<114688x8xf32, #tpu.memory_space<vmem_shared>>, %arg7: memref<8x128xi32, #tpu.memory_space<vmem>>, %arg8: memref<8x128xi32, #tpu.memory_space<vmem>>, %arg9: memref<1024x16xf32, #tpu.memory_space<vmem>>, %arg10: memref<1024x16xf32, #tpu.memory_space<vmem>>, %arg11: memref<1024x8xf32, #tpu.memory_space<vmem>>, %arg12: memref<!tpu.dma_semaphore, #tpu.memory_space<semaphore_mem>>, %arg13: memref<!tpu.dma_semaphore, #tpu.memory_space<semaphore_mem>>) attributes {dimension_semantics = [#tpu.dimension_semantics<core_parallel>, #tpu.dimension_semantics<subcore_parallel>], iteration_bounds = array<i64: 2, 16>, scalar_prefetch = 0 : i64, scratch_operands = 8 : i64, tpu.core_type = #tpu.core_type<sc_vector_subcore>, window_params = [{transform_indices = #map}, {transform_indices = #map}, {transform_indices = #map}, {transform_indices = #map1}]} {
    %mul3A = arith.constant 16 : i32
    %mul3A_0 = arith.muli %arg0, %mul3A : i32
    %add3A = arith.addi %mul3A_0, %arg1 : i32
    %iota3A = tpu.iota {dimensions = array<i32: 0>} : vector<16xi32>
    %iota3A_1 = tpu.iota {dimensions = array<i32: 0>} : vector<16xi32>
    %jit3A = arith.constant 8 : i32
    %div3A = vector.broadcast %jit3A : i32 to vector<16xi32>
    %div3A_2 = arith.divsi %iota3A_1, %div3A : vector<16xi32>
    %sign3A = arith.constant 0 : i32
    %sign3A_3 = vector.broadcast %sign3A : i32 to vector<16xi32>
    %sign3A_4 = arith.cmpi sgt, %iota3A_1, %sign3A_3 : vector<16xi32>
    %sign3A_5 = arith.extui %sign3A_4 : vector<16xi1> to vector<16xi32>
    %sign3A_6 = arith.constant 0 : i32
    %sign3A_7 = vector.broadcast %sign3A_6 : i32 to vector<16xi32>
    %sign3A_8 = arith.cmpi slt, %iota3A_1, %sign3A_7 : vector<16xi32>
    %sign3A_9 = arith.extui %sign3A_8 : vector<16xi1> to vector<16xi32>
    %sign3A_10 = arith.subi %sign3A_5, %sign3A_9 : vector<16xi32>
    %sign3A_11 = arith.constant 0 : i32
    %sign3A_12 = arith.cmpi sgt, %jit3A, %sign3A_11 : i32
    %sign3A_13 = arith.extui %sign3A_12 : i1 to i32
    %sign3A_14 = arith.constant 0 : i32
    %sign3A_15 = arith.cmpi slt, %jit3A, %sign3A_14 : i32
    %sign3A_16 = arith.extui %sign3A_15 : i1 to i32
    %sign3A_17 = arith.subi %sign3A_13, %sign3A_16 : i32
    %ne3A = vector.broadcast %sign3A_17 : i32 to vector<16xi32>
    %ne3A_18 = arith.cmpi ne, %sign3A_10, %ne3A : vector<16xi32>
    %rem3A = vector.broadcast %jit3A : i32 to vector<16xi32>
    %rem3A_19 = arith.remsi %iota3A_1, %rem3A : vector<16xi32>
    %ne3A_20 = arith.constant 0 : i32
    %ne3A_21 = vector.broadcast %ne3A_20 : i32 to vector<16xi32>
    %ne3A_22 = arith.cmpi ne, %rem3A_19, %ne3A_21 : vector<16xi32>
    %and3A = arith.andi %ne3A_18, %ne3A_22 : vector<16xi1>
    %sub3A = arith.constant 1 : i32
    %sub3A_23 = vector.broadcast %sub3A : i32 to vector<16xi32>
    %sub3A_24 = arith.subi %div3A_2, %sub3A_23 : vector<16xi32>
    %select_n3A = arith.select %and3A, %sub3A_24, %div3A_2 : vector<16xi1>, vector<16xi32>
    %jit3A_25 = arith.constant 8 : i32
    %eq3A = arith.constant 0 : i32
    %eq3A_26 = arith.cmpi eq, %jit3A_25, %eq3A : i32
    %jit3A_27 = arith.constant 1 : i32
    %select_n3A_28 = arith.select %eq3A_26, %jit3A_27, %jit3A_25 : i32
    %rem3A_29 = vector.broadcast %select_n3A_28 : i32 to vector<16xi32>
    %rem3A_30 = arith.remsi %iota3A_1, %rem3A_29 : vector<16xi32>
    %ne3A_31 = arith.constant 0 : i32
    %ne3A_32 = vector.broadcast %ne3A_31 : i32 to vector<16xi32>
    %ne3A_33 = arith.cmpi ne, %rem3A_30, %ne3A_32 : vector<16xi32>
    %lt3A = arith.constant 0 : i32
    %lt3A_34 = vector.broadcast %lt3A : i32 to vector<16xi32>
    %lt3A_35 = arith.cmpi slt, %rem3A_30, %lt3A_34 : vector<16xi32>
    %lt3A_36 = arith.constant 0 : i32
    %lt3A_37 = arith.cmpi slt, %select_n3A_28, %lt3A_36 : i32
    %ne3A_38 = vector.broadcast %lt3A_37 : i1 to vector<16xi1>
    %ne3A_39 = vector.broadcast %ne3A_38 : vector<16xi1> to vector<16xi1>
    %ne3A_40 = arith.xori %lt3A_35, %ne3A_39 : vector<16xi1>
    %and3A_41 = arith.andi %ne3A_40, %ne3A_33 : vector<16xi1>
    %add3A_42 = vector.broadcast %select_n3A_28 : i32 to vector<16xi32>
    %add3A_43 = arith.addi %rem3A_30, %add3A_42 : vector<16xi32>
    %select_n3A_44 = arith.select %and3A_41, %add3A_43, %rem3A_30 : vector<16xi1>, vector<16xi32>
    %broadcast_in_dim3A = arith.constant 0.000000e+00 : f32
    %broadcast_in_dim3A_45 = vector.broadcast %broadcast_in_dim3A : f32 to vector<16xf32>
    %scan3A = arith.constant 0 : i32
    %scan3A_46 = arith.constant 0 : i32
    %scan3A_47 = arith.constant 512 : i32
    %scan3A_48 = arith.addi %scan3A_46, %scan3A_47 : i32
    %scan3A_49 = arith.constant 1 : i32
    %scan3A_50 = scf.for %scan3A_140 = %scan3A_46 to %scan3A_48 step %scan3A_49 iter_args(%scan3A_141 = %scan3A) -> (i32)  : i32 {
      %mul3A_142 = arith.constant 2 : i32
      %mul3A_143 = arith.muli %scan3A_140, %mul3A_142 : i32
      %add3A_144 = vector.broadcast %mul3A_143 : i32 to vector<16xi32>
      %add3A_145 = arith.addi %add3A_144, %select_n3A : vector<16xi32>
      tpu.vector_store_idx %arg11[%add3A_145, %select_n3A_44], %broadcast_in_dim3A_45 : memref<1024x8xf32, #tpu.memory_space<vmem>>[vector<16xi32>, vector<16xi32>], vector<16xf32>,
      %scan3A_146 = arith.constant 0 : i32
      scf.yield %scan3A_146 : i32
    }
    %scan3A_51 = arith.constant 512 : i32
    %mul3A_52 = arith.constant 7168 : i32
    %mul3A_53 = arith.muli %arg1, %mul3A_52 : i32
    %add3A_54 = arith.constant 0 : i32
    %add3A_55 = arith.addi %mul3A_53, %add3A_54 : i32
    "tpu.region"() ({
      %run_scoped3A = tpu.sem_alloc : memref<!tpu.dma_semaphore, #tpu.memory_space<semaphore_mem>>
      %dma_start3A = arith.constant 0 : i32
      %dma_start3A_140 = tpu.memref_slice %arg6[%add3A_55, %dma_start3A] : memref<114688x8xf32, #tpu.memory_space<vmem_shared>> -> memref<1024x8xf32, #tpu.memory_space<vmem_shared>>
      %dma_start3A_141 = arith.constant 0 : i32
      %dma_start3A_142 = tpu.memref_slice %arg6[%add3A_55, %dma_start3A_141] : memref<114688x8xf32, #tpu.memory_space<vmem_shared>> -> memref<1024x8xf32, #tpu.memory_space<vmem_shared>>
      tpu.enqueue_dma source(%arg11 : memref<1024x8xf32, #tpu.memory_space<vmem>>) target(%dma_start3A_142 : memref<1024x8xf32, #tpu.memory_space<vmem_shared>>) target_semaphore(%run_scoped3A : memref<!tpu.dma_semaphore, #tpu.memory_space<semaphore_mem>>)
      %dma_wait3A = arith.constant 0 : i32
      %dma_wait3A_143 = tpu.memref_slice %arg6[%add3A_55, %dma_wait3A] : memref<114688x8xf32, #tpu.memory_space<vmem_shared>> -> memref<1024x8xf32, #tpu.memory_space<vmem_shared>>
      %dma_wait3A_144 = arith.constant 0 : i32
      %dma_wait3A_145 = tpu.memref_slice %arg6[%add3A_55, %dma_wait3A_144] : memref<114688x8xf32, #tpu.memory_space<vmem_shared>> -> memref<1024x8xf32, #tpu.memory_space<vmem_shared>>
      tpu.wait_dma2 semaphore(%run_scoped3A : memref<!tpu.dma_semaphore, #tpu.memory_space<semaphore_mem>>) src(%arg11 : memref<1024x8xf32, #tpu.memory_space<vmem>>) dst(%dma_wait3A_145 : memref<1024x8xf32, #tpu.memory_space<vmem_shared>>)
      tpu.yield
    }) : () -> ()
    %mul3A_56 = arith.constant 7168 : i32
    %mul3A_57 = arith.muli %arg1, %mul3A_56 : i32
    %add3A_58 = arith.constant 1024 : i32
    %add3A_59 = arith.addi %mul3A_57, %add3A_58 : i32
    "tpu.region"() ({
      %run_scoped3A = tpu.sem_alloc : memref<!tpu.dma_semaphore, #tpu.memory_space<semaphore_mem>>
      %dma_start3A = arith.constant 0 : i32
      %dma_start3A_140 = tpu.memref_slice %arg6[%add3A_59, %dma_start3A] : memref<114688x8xf32, #tpu.memory_space<vmem_shared>> -> memref<1024x8xf32, #tpu.memory_space<vmem_shared>>
      %dma_start3A_141 = arith.constant 0 : i32
      %dma_start3A_142 = tpu.memref_slice %arg6[%add3A_59, %dma_start3A_141] : memref<114688x8xf32, #tpu.memory_space<vmem_shared>> -> memref<1024x8xf32, #tpu.memory_space<vmem_shared>>
      tpu.enqueue_dma source(%arg11 : memref<1024x8xf32, #tpu.memory_space<vmem>>) target(%dma_start3A_142 : memref<1024x8xf32, #tpu.memory_space<vmem_shared>>) target_semaphore(%run_scoped3A : memref<!tpu.dma_semaphore, #tpu.memory_space<semaphore_mem>>)
      %dma_wait3A = arith.constant 0 : i32
      %dma_wait3A_143 = tpu.memref_slice %arg6[%add3A_59, %dma_wait3A] : memref<114688x8xf32, #tpu.memory_space<vmem_shared>> -> memref<1024x8xf32, #tpu.memory_space<vmem_shared>>
      %dma_wait3A_144 = arith.constant 0 : i32
      %dma_wait3A_145 = tpu.memref_slice %arg6[%add3A_59, %dma_wait3A_144] : memref<114688x8xf32, #tpu.memory_space<vmem_shared>> -> memref<1024x8xf32, #tpu.memory_space<vmem_shared>>
      tpu.wait_dma2 semaphore(%run_scoped3A : memref<!tpu.dma_semaphore, #tpu.memory_space<semaphore_mem>>) src(%arg11 : memref<1024x8xf32, #tpu.memory_space<vmem>>) dst(%dma_wait3A_145 : memref<1024x8xf32, #tpu.memory_space<vmem_shared>>)
      tpu.yield
    }) : () -> ()
    %mul3A_60 = arith.constant 7168 : i32
    %mul3A_61 = arith.muli %arg1, %mul3A_60 : i32
    %add3A_62 = arith.constant 2048 : i32
    %add3A_63 = arith.addi %mul3A_61, %add3A_62 : i32
    "tpu.region"() ({
      %run_scoped3A = tpu.sem_alloc : memref<!tpu.dma_semaphore, #tpu.memory_space<semaphore_mem>>
      %dma_start3A = arith.constant 0 : i32
      %dma_start3A_140 = tpu.memref_slice %arg6[%add3A_63, %dma_start3A] : memref<114688x8xf32, #tpu.memory_space<vmem_shared>> -> memref<1024x8xf32, #tpu.memory_space<vmem_shared>>
      %dma_start3A_141 = arith.constant 0 : i32
      %dma_start3A_142 = tpu.memref_slice %arg6[%add3A_63, %dma_start3A_141] : memref<114688x8xf32, #tpu.memory_space<vmem_shared>> -> memref<1024x8xf32, #tpu.memory_space<vmem_shared>>
      tpu.enqueue_dma source(%arg11 : memref<1024x8xf32, #tpu.memory_space<vmem>>) target(%dma_start3A_142 : memref<1024x8xf32, #tpu.memory_space<vmem_shared>>) target_semaphore(%run_scoped3A : memref<!tpu.dma_semaphore, #tpu.memory_space<semaphore_mem>>)
      %dma_wait3A = arith.constant 0 : i32
      %dma_wait3A_143 = tpu.memref_slice %arg6[%add3A_63, %dma_wait3A] : memref<114688x8xf32, #tpu.memory_space<vmem_shared>> -> memref<1024x8xf32, #tpu.memory_space<vmem_shared>>
      %dma_wait3A_144 = arith.constant 0 : i32
      %dma_wait3A_145 = tpu.memref_slice %arg6[%add3A_63, %dma_wait3A_144] : memref<114688x8xf32, #tpu.memory_space<vmem_shared>> -> memref<1024x8xf32, #tpu.memory_space<vmem_shared>>
      tpu.wait_dma2 semaphore(%run_scoped3A : memref<!tpu.dma_semaphore, #tpu.memory_space<semaphore_mem>>) src(%arg11 : memref<1024x8xf32, #tpu.memory_space<vmem>>) dst(%dma_wait3A_145 : memref<1024x8xf32, #tpu.memory_space<vmem_shared>>)
      tpu.yield
    }) : () -> ()
    %mul3A_64 = arith.constant 7168 : i32
    %mul3A_65 = arith.muli %arg1, %mul3A_64 : i32
    %add3A_66 = arith.constant 3072 : i32
    %add3A_67 = arith.addi %mul3A_65, %add3A_66 : i32
    "tpu.region"() ({
      %run_scoped3A = tpu.sem_alloc : memref<!tpu.dma_semaphore, #tpu.memory_space<semaphore_mem>>
      %dma_start3A = arith.constant 0 : i32
      %dma_start3A_140 = tpu.memref_slice %arg6[%add3A_67, %dma_start3A] : memref<114688x8xf32, #tpu.memory_space<vmem_shared>> -> memref<1024x8xf32, #tpu.memory_space<vmem_shared>>
      %dma_start3A_141 = arith.constant 0 : i32
      %dma_start3A_142 = tpu.memref_slice %arg6[%add3A_67, %dma_start3A_141] : memref<114688x8xf32, #tpu.memory_space<vmem_shared>> -> memref<1024x8xf32, #tpu.memory_space<vmem_shared>>
      tpu.enqueue_dma source(%arg11 : memref<1024x8xf32, #tpu.memory_space<vmem>>) target(%dma_start3A_142 : memref<1024x8xf32, #tpu.memory_space<vmem_shared>>) target_semaphore(%run_scoped3A : memref<!tpu.dma_semaphore, #tpu.memory_space<semaphore_mem>>)
      %dma_wait3A = arith.constant 0 : i32
      %dma_wait3A_143 = tpu.memref_slice %arg6[%add3A_67, %dma_wait3A] : memref<114688x8xf32, #tpu.memory_space<vmem_shared>> -> memref<1024x8xf32, #tpu.memory_space<vmem_shared>>
      %dma_wait3A_144 = arith.constant 0 : i32
      %dma_wait3A_145 = tpu.memref_slice %arg6[%add3A_67, %dma_wait3A_144] : memref<114688x8xf32, #tpu.memory_space<vmem_shared>> -> memref<1024x8xf32, #tpu.memory_space<vmem_shared>>
      tpu.wait_dma2 semaphore(%run_scoped3A : memref<!tpu.dma_semaphore, #tpu.memory_space<semaphore_mem>>) src(%arg11 : memref<1024x8xf32, #tpu.memory_space<vmem>>) dst(%dma_wait3A_145 : memref<1024x8xf32, #tpu.memory_space<vmem_shared>>)
      tpu.yield
    }) : () -> ()
    %mul3A_68 = arith.constant 7168 : i32
    %mul3A_69 = arith.muli %arg1, %mul3A_68 : i32
    %add3A_70 = arith.constant 4096 : i32
    %add3A_71 = arith.addi %mul3A_69, %add3A_70 : i32
    "tpu.region"() ({
      %run_scoped3A = tpu.sem_alloc : memref<!tpu.dma_semaphore, #tpu.memory_space<semaphore_mem>>
      %dma_start3A = arith.constant 0 : i32
      %dma_start3A_140 = tpu.memref_slice %arg6[%add3A_71, %dma_start3A] : memref<114688x8xf32, #tpu.memory_space<vmem_shared>> -> memref<1024x8xf32, #tpu.memory_space<vmem_shared>>
      %dma_start3A_141 = arith.constant 0 : i32
      %dma_start3A_142 = tpu.memref_slice %arg6[%add3A_71, %dma_start3A_141] : memref<114688x8xf32, #tpu.memory_space<vmem_shared>> -> memref<1024x8xf32, #tpu.memory_space<vmem_shared>>
      tpu.enqueue_dma source(%arg11 : memref<1024x8xf32, #tpu.memory_space<vmem>>) target(%dma_start3A_142 : memref<1024x8xf32, #tpu.memory_space<vmem_shared>>) target_semaphore(%run_scoped3A : memref<!tpu.dma_semaphore, #tpu.memory_space<semaphore_mem>>)
      %dma_wait3A = arith.constant 0 : i32
      %dma_wait3A_143 = tpu.memref_slice %arg6[%add3A_71, %dma_wait3A] : memref<114688x8xf32, #tpu.memory_space<vmem_shared>> -> memref<1024x8xf32, #tpu.memory_space<vmem_shared>>
      %dma_wait3A_144 = arith.constant 0 : i32
      %dma_wait3A_145 = tpu.memref_slice %arg6[%add3A_71, %dma_wait3A_144] : memref<114688x8xf32, #tpu.memory_space<vmem_shared>> -> memref<1024x8xf32, #tpu.memory_space<vmem_shared>>
      tpu.wait_dma2 semaphore(%run_scoped3A : memref<!tpu.dma_semaphore, #tpu.memory_space<semaphore_mem>>) src(%arg11 : memref<1024x8xf32, #tpu.memory_space<vmem>>) dst(%dma_wait3A_145 : memref<1024x8xf32, #tpu.memory_space<vmem_shared>>)
      tpu.yield
    }) : () -> ()
    %mul3A_72 = arith.constant 7168 : i32
    %mul3A_73 = arith.muli %arg1, %mul3A_72 : i32
    %add3A_74 = arith.constant 5120 : i32
    %add3A_75 = arith.addi %mul3A_73, %add3A_74 : i32
    "tpu.region"() ({
      %run_scoped3A = tpu.sem_alloc : memref<!tpu.dma_semaphore, #tpu.memory_space<semaphore_mem>>
      %dma_start3A = arith.constant 0 : i32
      %dma_start3A_140 = tpu.memref_slice %arg6[%add3A_75, %dma_start3A] : memref<114688x8xf32, #tpu.memory_space<vmem_shared>> -> memref<1024x8xf32, #tpu.memory_space<vmem_shared>>
      %dma_start3A_141 = arith.constant 0 : i32
      %dma_start3A_142 = tpu.memref_slice %arg6[%add3A_75, %dma_start3A_141] : memref<114688x8xf32, #tpu.memory_space<vmem_shared>> -> memref<1024x8xf32, #tpu.memory_space<vmem_shared>>
      tpu.enqueue_dma source(%arg11 : memref<1024x8xf32, #tpu.memory_space<vmem>>) target(%dma_start3A_142 : memref<1024x8xf32, #tpu.memory_space<vmem_shared>>) target_semaphore(%run_scoped3A : memref<!tpu.dma_semaphore, #tpu.memory_space<semaphore_mem>>)
      %dma_wait3A = arith.constant 0 : i32
      %dma_wait3A_143 = tpu.memref_slice %arg6[%add3A_75, %dma_wait3A] : memref<114688x8xf32, #tpu.memory_space<vmem_shared>> -> memref<1024x8xf32, #tpu.memory_space<vmem_shared>>
      %dma_wait3A_144 = arith.constant 0 : i32
      %dma_wait3A_145 = tpu.memref_slice %arg6[%add3A_75, %dma_wait3A_144] : memref<114688x8xf32, #tpu.memory_space<vmem_shared>> -> memref<1024x8xf32, #tpu.memory_space<vmem_shared>>
      tpu.wait_dma2 semaphore(%run_scoped3A : memref<!tpu.dma_semaphore, #tpu.memory_space<semaphore_mem>>) src(%arg11 : memref<1024x8xf32, #tpu.memory_space<vmem>>) dst(%dma_wait3A_145 : memref<1024x8xf32, #tpu.memory_space<vmem_shared>>)
      tpu.yield
    }) : () -> ()
    %mul3A_76 = arith.constant 7168 : i32
    %mul3A_77 = arith.muli %arg1, %mul3A_76 : i32
    %add3A_78 = arith.constant 6144 : i32
    %add3A_79 = arith.addi %mul3A_77, %add3A_78 : i32
    "tpu.region"() ({
      %run_scoped3A = tpu.sem_alloc : memref<!tpu.dma_semaphore, #tpu.memory_space<semaphore_mem>>
      %dma_start3A = arith.constant 0 : i32
      %dma_start3A_140 = tpu.memref_slice %arg6[%add3A_79, %dma_start3A] : memref<114688x8xf32, #tpu.memory_space<vmem_shared>> -> memref<1024x8xf32, #tpu.memory_space<vmem_shared>>
      %dma_start3A_141 = arith.constant 0 : i32
      %dma_start3A_142 = tpu.memref_slice %arg6[%add3A_79, %dma_start3A_141] : memref<114688x8xf32, #tpu.memory_space<vmem_shared>> -> memref<1024x8xf32, #tpu.memory_space<vmem_shared>>
      tpu.enqueue_dma source(%arg11 : memref<1024x8xf32, #tpu.memory_space<vmem>>) target(%dma_start3A_142 : memref<1024x8xf32, #tpu.memory_space<vmem_shared>>) target_semaphore(%run_scoped3A : memref<!tpu.dma_semaphore, #tpu.memory_space<semaphore_mem>>)
      %dma_wait3A = arith.constant 0 : i32
      %dma_wait3A_143 = tpu.memref_slice %arg6[%add3A_79, %dma_wait3A] : memref<114688x8xf32, #tpu.memory_space<vmem_shared>> -> memref<1024x8xf32, #tpu.memory_space<vmem_shared>>
      %dma_wait3A_144 = arith.constant 0 : i32
      %dma_wait3A_145 = tpu.memref_slice %arg6[%add3A_79, %dma_wait3A_144] : memref<114688x8xf32, #tpu.memory_space<vmem_shared>> -> memref<1024x8xf32, #tpu.memory_space<vmem_shared>>
      tpu.wait_dma2 semaphore(%run_scoped3A : memref<!tpu.dma_semaphore, #tpu.memory_space<semaphore_mem>>) src(%arg11 : memref<1024x8xf32, #tpu.memory_space<vmem>>) dst(%dma_wait3A_145 : memref<1024x8xf32, #tpu.memory_space<vmem_shared>>)
      tpu.yield
    }) : () -> ()
    %barrier3A = arith.constant 0 : index
    tpu.barrier barrier_id(%barrier3A)
    %broadcast_in_dim3A_80 = arith.constant 0 : i32
    %broadcast_in_dim3A_81 = vector.broadcast %broadcast_in_dim3A_80 : i32 to vector<16xi32>
    %broadcast_in_dim3A_82 = arith.constant 1 : i32
    %broadcast_in_dim3A_83 = vector.broadcast %broadcast_in_dim3A_82 : i32 to vector<16xi32>
    %broadcast_in_dim3A_84 = arith.constant 2 : i32
    %broadcast_in_dim3A_85 = vector.broadcast %broadcast_in_dim3A_84 : i32 to vector<16xi32>
    %broadcast_in_dim3A_86 = arith.constant 3 : i32
    %broadcast_in_dim3A_87 = vector.broadcast %broadcast_in_dim3A_86 : i32 to vector<16xi32>
    %broadcast_in_dim3A_88 = arith.constant 4 : i32
    %broadcast_in_dim3A_89 = vector.broadcast %broadcast_in_dim3A_88 : i32 to vector<16xi32>
    %broadcast_in_dim3A_90 = arith.constant 5 : i32
    %broadcast_in_dim3A_91 = vector.broadcast %broadcast_in_dim3A_90 : i32 to vector<16xi32>
    %broadcast_in_dim3A_92 = arith.constant 6 : i32
    %broadcast_in_dim3A_93 = vector.broadcast %broadcast_in_dim3A_92 : i32 to vector<16xi32>
    %broadcast_in_dim3A_94 = arith.constant 7 : i32
    %broadcast_in_dim3A_95 = vector.broadcast %broadcast_in_dim3A_94 : i32 to vector<16xi32>
    %broadcast_in_dim3A_96 = arith.constant 8 : i32
    %broadcast_in_dim3A_97 = vector.broadcast %broadcast_in_dim3A_96 : i32 to vector<16xi32>
    %broadcast_in_dim3A_98 = arith.constant 9 : i32
    %broadcast_in_dim3A_99 = vector.broadcast %broadcast_in_dim3A_98 : i32 to vector<16xi32>
    %broadcast_in_dim3A_100 = arith.constant 10 : i32
    %broadcast_in_dim3A_101 = vector.broadcast %broadcast_in_dim3A_100 : i32 to vector<16xi32>
    %broadcast_in_dim3A_102 = arith.constant 11 : i32
    %broadcast_in_dim3A_103 = vector.broadcast %broadcast_in_dim3A_102 : i32 to vector<16xi32>
    %scan3A_104 = arith.constant 0 : i32
    %scan3A_105 = arith.constant 0 : i32
    %scan3A_106 = arith.constant 98 : i32
    %scan3A_107 = arith.addi %scan3A_105, %scan3A_106 : i32
    %scan3A_108 = arith.constant 1 : i32
    %scan3A_109 = scf.for %scan3A_140 = %scan3A_105 to %scan3A_107 step %scan3A_108 iter_args(%scan3A_141 = %scan3A_104) -> (i32)  : i32 {
      %mul3A_142 = arith.constant 98 : i32
      %mul3A_143 = arith.muli %add3A, %mul3A_142 : i32
      %add3A_144 = arith.addi %mul3A_143, %scan3A_140 : i32
      %mul3A_145 = arith.constant 8 : i32
      %mul3A_146 = arith.muli %add3A_144, %mul3A_145 : i32
      "tpu.region"() ({
        %run_scoped3A_480 = tpu.sem_alloc : memref<!tpu.dma_semaphore, #tpu.memory_space<semaphore_mem>>
        %dma_start3A_481 = arith.constant 0 : i32
        %dma_start3A_482 = tpu.memref_slice %arg3[%mul3A_146, %dma_start3A_481] : memref<25088x128xi32, #tpu.memory_space<hbm>> -> memref<8x128xi32, #tpu.memory_space<hbm>>
        %dma_start3A_483 = arith.constant 0 : i32
        %dma_start3A_484 = tpu.memref_slice %arg3[%mul3A_146, %dma_start3A_483] : memref<25088x128xi32, #tpu.memory_space<hbm>> -> memref<8x128xi32, #tpu.memory_space<hbm>>
        tpu.enqueue_dma source(%dma_start3A_484 : memref<8x128xi32, #tpu.memory_space<hbm>>) target(%arg7 : memref<8x128xi32, #tpu.memory_space<vmem>>) target_semaphore(%run_scoped3A_480 : memref<!tpu.dma_semaphore, #tpu.memory_space<semaphore_mem>>)
        %dma_wait3A_485 = arith.constant 0 : i32
        %dma_wait3A_486 = tpu.memref_slice %arg3[%mul3A_146, %dma_wait3A_485] : memref<25088x128xi32, #tpu.memory_space<hbm>> -> memref<8x128xi32, #tpu.memory_space<hbm>>
        %dma_wait3A_487 = arith.constant 0 : i32
        %dma_wait3A_488 = tpu.memref_slice %arg3[%mul3A_146, %dma_wait3A_487] : memref<25088x128xi32, #tpu.memory_space<hbm>> -> memref<8x128xi32, #tpu.memory_space<hbm>>
        tpu.wait_dma2 semaphore(%run_scoped3A_480 : memref<!tpu.dma_semaphore, #tpu.memory_space<semaphore_mem>>) src(%dma_wait3A_488 : memref<8x128xi32, #tpu.memory_space<hbm>>) dst(%arg7 : memref<8x128xi32, #tpu.memory_space<vmem>>)
        tpu.yield
      }) : () -> ()
      "tpu.region"() ({
        %run_scoped3A_480 = tpu.sem_alloc : memref<!tpu.dma_semaphore, #tpu.memory_space<semaphore_mem>>
        %dma_start3A_481 = arith.constant 0 : i32
        %dma_start3A_482 = tpu.memref_slice %arg4[%mul3A_146, %dma_start3A_481] : memref<25088x128xi32, #tpu.memory_space<hbm>> -> memref<8x128xi32, #tpu.memory_space<hbm>>
        %dma_start3A_483 = arith.constant 0 : i32
        %dma_start3A_484 = tpu.memref_slice %arg4[%mul3A_146, %dma_start3A_483] : memref<25088x128xi32, #tpu.memory_space<hbm>> -> memref<8x128xi32, #tpu.memory_space<hbm>>
        tpu.enqueue_dma source(%dma_start3A_484 : memref<8x128xi32, #tpu.memory_space<hbm>>) target(%arg8 : memref<8x128xi32, #tpu.memory_space<vmem>>) target_semaphore(%run_scoped3A_480 : memref<!tpu.dma_semaphore, #tpu.memory_space<semaphore_mem>>)
        %dma_wait3A_485 = arith.constant 0 : i32
        %dma_wait3A_486 = tpu.memref_slice %arg4[%mul3A_146, %dma_wait3A_485] : memref<25088x128xi32, #tpu.memory_space<hbm>> -> memref<8x128xi32, #tpu.memory_space<hbm>>
        %dma_wait3A_487 = arith.constant 0 : i32
        %dma_wait3A_488 = tpu.memref_slice %arg4[%mul3A_146, %dma_wait3A_487] : memref<25088x128xi32, #tpu.memory_space<hbm>> -> memref<8x128xi32, #tpu.memory_space<hbm>>
        tpu.wait_dma2 semaphore(%run_scoped3A_480 : memref<!tpu.dma_semaphore, #tpu.memory_space<semaphore_mem>>) src(%dma_wait3A_488 : memref<8x128xi32, #tpu.memory_space<hbm>>) dst(%arg8 : memref<8x128xi32, #tpu.memory_space<vmem>>)
        tpu.yield
      }) : () -> ()
      %dma_start3A = arith.constant 0 : i32
      %dma_start3A_147 = arith.constant 0 : i32
      %dma_start3A_148 = arith.constant 0 : i32
      %dma_start3A_149 = tpu.memref_slice %arg9[%dma_start3A_147, %dma_start3A_148] : memref<1024x16xf32, #tpu.memory_space<vmem>> -> memref<128x16xf32, #tpu.memory_space<vmem>>
      %dma_start3A_150 = arith.constant 0 : i32
      %dma_start3A_151 = tpu.memref_slice %arg7[%dma_start3A, %dma_start3A_150] : memref<8x128xi32, #tpu.memory_space<vmem>> -> memref<1x128xi32, #tpu.memory_space<vmem>>
      %dma_start3A_152 = tpu.memref_squeeze %dma_start3A_151 : memref<1x128xi32, #tpu.memory_space<vmem>> -> memref<128xi32, #tpu.memory_space<vmem>>
      %dma_start3A_153 = arith.constant 0 : i32
      %dma_start3A_154 = arith.constant 0 : i32
      %dma_start3A_155 = tpu.memref_slice %arg2[%dma_start3A_153, %dma_start3A_154] : memref<106496x16xf32, #tpu.memory_space<hbm>> -> memref<106496x16xf32, #tpu.memory_space<hbm>>
      tpu.enqueue_indirect_dma source(%dma_start3A_155 : memref<106496x16xf32, #tpu.memory_space<hbm>>) target(%dma_start3A_149 : memref<128x16xf32, #tpu.memory_space<vmem>>) offsets(%dma_start3A_152 : memref<128xi32, #tpu.memory_space<vmem>>) semaphore(%arg12 : memref<!tpu.dma_semaphore, #tpu.memory_space<semaphore_mem>>)
      %dma_start3A_156 = arith.constant 1 : i32
      %dma_start3A_157 = arith.constant 128 : i32
      %dma_start3A_158 = arith.constant 0 : i32
      %dma_start3A_159 = tpu.memref_slice %arg9[%dma_start3A_157, %dma_start3A_158] : memref<1024x16xf32, #tpu.memory_space<vmem>> -> memref<128x16xf32, #tpu.memory_space<vmem>>
      %dma_start3A_160 = arith.constant 0 : i32
      %dma_start3A_161 = tpu.memref_slice %arg7[%dma_start3A_156, %dma_start3A_160] : memref<8x128xi32, #tpu.memory_space<vmem>> -> memref<1x128xi32, #tpu.memory_space<vmem>>
      %dma_start3A_162 = tpu.memref_squeeze %dma_start3A_161 : memref<1x128xi32, #tpu.memory_space<vmem>> -> memref<128xi32, #tpu.memory_space<vmem>>
      %dma_start3A_163 = arith.constant 0 : i32
      %dma_start3A_164 = arith.constant 0 : i32
      %dma_start3A_165 = tpu.memref_slice %arg2[%dma_start3A_163, %dma_start3A_164] : memref<106496x16xf32, #tpu.memory_space<hbm>> -> memref<106496x16xf32, #tpu.memory_space<hbm>>
      tpu.enqueue_indirect_dma source(%dma_start3A_165 : memref<106496x16xf32, #tpu.memory_space<hbm>>) target(%dma_start3A_159 : memref<128x16xf32, #tpu.memory_space<vmem>>) offsets(%dma_start3A_162 : memref<128xi32, #tpu.memory_space<vmem>>) semaphore(%arg12 : memref<!tpu.dma_semaphore, #tpu.memory_space<semaphore_mem>>)
      %dma_start3A_166 = arith.constant 2 : i32
      %dma_start3A_167 = arith.constant 256 : i32
      %dma_start3A_168 = arith.constant 0 : i32
      %dma_start3A_169 = tpu.memref_slice %arg9[%dma_start3A_167, %dma_start3A_168] : memref<1024x16xf32, #tpu.memory_space<vmem>> -> memref<128x16xf32, #tpu.memory_space<vmem>>
      %dma_start3A_170 = arith.constant 0 : i32
      %dma_start3A_171 = tpu.memref_slice %arg7[%dma_start3A_166, %dma_start3A_170] : memref<8x128xi32, #tpu.memory_space<vmem>> -> memref<1x128xi32, #tpu.memory_space<vmem>>
      %dma_start3A_172 = tpu.memref_squeeze %dma_start3A_171 : memref<1x128xi32, #tpu.memory_space<vmem>> -> memref<128xi32, #tpu.memory_space<vmem>>
      %dma_start3A_173 = arith.constant 0 : i32
      %dma_start3A_174 = arith.constant 0 : i32
      %dma_start3A_175 = tpu.memref_slice %arg2[%dma_start3A_173, %dma_start3A_174] : memref<106496x16xf32, #tpu.memory_space<hbm>> -> memref<106496x16xf32, #tpu.memory_space<hbm>>
      tpu.enqueue_indirect_dma source(%dma_start3A_175 : memref<106496x16xf32, #tpu.memory_space<hbm>>) target(%dma_start3A_169 : memref<128x16xf32, #tpu.memory_space<vmem>>) offsets(%dma_start3A_172 : memref<128xi32, #tpu.memory_space<vmem>>) semaphore(%arg12 : memref<!tpu.dma_semaphore, #tpu.memory_space<semaphore_mem>>)
      %dma_start3A_176 = arith.constant 3 : i32
      %dma_start3A_177 = arith.constant 384 : i32
      %dma_start3A_178 = arith.constant 0 : i32
      %dma_start3A_179 = tpu.memref_slice %arg9[%dma_start3A_177, %dma_start3A_178] : memref<1024x16xf32, #tpu.memory_space<vmem>> -> memref<128x16xf32, #tpu.memory_space<vmem>>
      %dma_start3A_180 = arith.constant 0 : i32
      %dma_start3A_181 = tpu.memref_slice %arg7[%dma_start3A_176, %dma_start3A_180] : memref<8x128xi32, #tpu.memory_space<vmem>> -> memref<1x128xi32, #tpu.memory_space<vmem>>
      %dma_start3A_182 = tpu.memref_squeeze %dma_start3A_181 : memref<1x128xi32, #tpu.memory_space<vmem>> -> memref<128xi32, #tpu.memory_space<vmem>>
      %dma_start3A_183 = arith.constant 0 : i32
      %dma_start3A_184 = arith.constant 0 : i32
      %dma_start3A_185 = tpu.memref_slice %arg2[%dma_start3A_183, %dma_start3A_184] : memref<106496x16xf32, #tpu.memory_space<hbm>> -> memref<106496x16xf32, #tpu.memory_space<hbm>>
      tpu.enqueue_indirect_dma source(%dma_start3A_185 : memref<106496x16xf32, #tpu.memory_space<hbm>>) target(%dma_start3A_179 : memref<128x16xf32, #tpu.memory_space<vmem>>) offsets(%dma_start3A_182 : memref<128xi32, #tpu.memory_space<vmem>>) semaphore(%arg12 : memref<!tpu.dma_semaphore, #tpu.memory_space<semaphore_mem>>)
      %dma_start3A_186 = arith.constant 4 : i32
      %dma_start3A_187 = arith.constant 512 : i32
      %dma_start3A_188 = arith.constant 0 : i32
      %dma_start3A_189 = tpu.memref_slice %arg9[%dma_start3A_187, %dma_start3A_188] : memref<1024x16xf32, #tpu.memory_space<vmem>> -> memref<128x16xf32, #tpu.memory_space<vmem>>
      %dma_start3A_190 = arith.constant 0 : i32
      %dma_start3A_191 = tpu.memref_slice %arg7[%dma_start3A_186, %dma_start3A_190] : memref<8x128xi32, #tpu.memory_space<vmem>> -> memref<1x128xi32, #tpu.memory_space<vmem>>
      %dma_start3A_192 = tpu.memref_squeeze %dma_start3A_191 : memref<1x128xi32, #tpu.memory_space<vmem>> -> memref<128xi32, #tpu.memory_space<vmem>>
      %dma_start3A_193 = arith.constant 0 : i32
      %dma_start3A_194 = arith.constant 0 : i32
      %dma_start3A_195 = tpu.memref_slice %arg2[%dma_start3A_193, %dma_start3A_194] : memref<106496x16xf32, #tpu.memory_space<hbm>> -> memref<106496x16xf32, #tpu.memory_space<hbm>>
      tpu.enqueue_indirect_dma source(%dma_start3A_195 : memref<106496x16xf32, #tpu.memory_space<hbm>>) target(%dma_start3A_189 : memref<128x16xf32, #tpu.memory_space<vmem>>) offsets(%dma_start3A_192 : memref<128xi32, #tpu.memory_space<vmem>>) semaphore(%arg12 : memref<!tpu.dma_semaphore, #tpu.memory_space<semaphore_mem>>)
      %dma_start3A_196 = arith.constant 5 : i32
      %dma_start3A_197 = arith.constant 640 : i32
      %dma_start3A_198 = arith.constant 0 : i32
      %dma_start3A_199 = tpu.memref_slice %arg9[%dma_start3A_197, %dma_start3A_198] : memref<1024x16xf32, #tpu.memory_space<vmem>> -> memref<128x16xf32, #tpu.memory_space<vmem>>
      %dma_start3A_200 = arith.constant 0 : i32
      %dma_start3A_201 = tpu.memref_slice %arg7[%dma_start3A_196, %dma_start3A_200] : memref<8x128xi32, #tpu.memory_space<vmem>> -> memref<1x128xi32, #tpu.memory_space<vmem>>
      %dma_start3A_202 = tpu.memref_squeeze %dma_start3A_201 : memref<1x128xi32, #tpu.memory_space<vmem>> -> memref<128xi32, #tpu.memory_space<vmem>>
      %dma_start3A_203 = arith.constant 0 : i32
      %dma_start3A_204 = arith.constant 0 : i32
      %dma_start3A_205 = tpu.memref_slice %arg2[%dma_start3A_203, %dma_start3A_204] : memref<106496x16xf32, #tpu.memory_space<hbm>> -> memref<106496x16xf32, #tpu.memory_space<hbm>>
      tpu.enqueue_indirect_dma source(%dma_start3A_205 : memref<106496x16xf32, #tpu.memory_space<hbm>>) target(%dma_start3A_199 : memref<128x16xf32, #tpu.memory_space<vmem>>) offsets(%dma_start3A_202 : memref<128xi32, #tpu.memory_space<vmem>>) semaphore(%arg12 : memref<!tpu.dma_semaphore, #tpu.memory_space<semaphore_mem>>)
      %dma_start3A_206 = arith.constant 6 : i32
      %dma_start3A_207 = arith.constant 768 : i32
      %dma_start3A_208 = arith.constant 0 : i32
      %dma_start3A_209 = tpu.memref_slice %arg9[%dma_start3A_207, %dma_start3A_208] : memref<1024x16xf32, #tpu.memory_space<vmem>> -> memref<128x16xf32, #tpu.memory_space<vmem>>
      %dma_start3A_210 = arith.constant 0 : i32
      %dma_start3A_211 = tpu.memref_slice %arg7[%dma_start3A_206, %dma_start3A_210] : memref<8x128xi32, #tpu.memory_space<vmem>> -> memref<1x128xi32, #tpu.memory_space<vmem>>
      %dma_start3A_212 = tpu.memref_squeeze %dma_start3A_211 : memref<1x128xi32, #tpu.memory_space<vmem>> -> memref<128xi32, #tpu.memory_space<vmem>>
      %dma_start3A_213 = arith.constant 0 : i32
      %dma_start3A_214 = arith.constant 0 : i32
      %dma_start3A_215 = tpu.memref_slice %arg2[%dma_start3A_213, %dma_start3A_214] : memref<106496x16xf32, #tpu.memory_space<hbm>> -> memref<106496x16xf32, #tpu.memory_space<hbm>>
      tpu.enqueue_indirect_dma source(%dma_start3A_215 : memref<106496x16xf32, #tpu.memory_space<hbm>>) target(%dma_start3A_209 : memref<128x16xf32, #tpu.memory_space<vmem>>) offsets(%dma_start3A_212 : memref<128xi32, #tpu.memory_space<vmem>>) semaphore(%arg12 : memref<!tpu.dma_semaphore, #tpu.memory_space<semaphore_mem>>)
      %dma_start3A_216 = arith.constant 7 : i32
      %dma_start3A_217 = arith.constant 896 : i32
      %dma_start3A_218 = arith.constant 0 : i32
      %dma_start3A_219 = tpu.memref_slice %arg9[%dma_start3A_217, %dma_start3A_218] : memref<1024x16xf32, #tpu.memory_space<vmem>> -> memref<128x16xf32, #tpu.memory_space<vmem>>
      %dma_start3A_220 = arith.constant 0 : i32
      %dma_start3A_221 = tpu.memref_slice %arg7[%dma_start3A_216, %dma_start3A_220] : memref<8x128xi32, #tpu.memory_space<vmem>> -> memref<1x128xi32, #tpu.memory_space<vmem>>
      %dma_start3A_222 = tpu.memref_squeeze %dma_start3A_221 : memref<1x128xi32, #tpu.memory_space<vmem>> -> memref<128xi32, #tpu.memory_space<vmem>>
      %dma_start3A_223 = arith.constant 0 : i32
      %dma_start3A_224 = arith.constant 0 : i32
      %dma_start3A_225 = tpu.memref_slice %arg2[%dma_start3A_223, %dma_start3A_224] : memref<106496x16xf32, #tpu.memory_space<hbm>> -> memref<106496x16xf32, #tpu.memory_space<hbm>>
      tpu.enqueue_indirect_dma source(%dma_start3A_225 : memref<106496x16xf32, #tpu.memory_space<hbm>>) target(%dma_start3A_219 : memref<128x16xf32, #tpu.memory_space<vmem>>) offsets(%dma_start3A_222 : memref<128xi32, #tpu.memory_space<vmem>>) semaphore(%arg12 : memref<!tpu.dma_semaphore, #tpu.memory_space<semaphore_mem>>)
      %dma_start3A_226 = arith.constant 0 : i32
      %dma_start3A_227 = arith.constant 0 : i32
      %dma_start3A_228 = arith.constant 0 : i32
      %dma_start3A_229 = tpu.memref_slice %arg10[%dma_start3A_227, %dma_start3A_228] : memref<1024x16xf32, #tpu.memory_space<vmem>> -> memref<128x16xf32, #tpu.memory_space<vmem>>
      %dma_start3A_230 = arith.constant 0 : i32
      %dma_start3A_231 = tpu.memref_slice %arg8[%dma_start3A_226, %dma_start3A_230] : memref<8x128xi32, #tpu.memory_space<vmem>> -> memref<1x128xi32, #tpu.memory_space<vmem>>
      %dma_start3A_232 = tpu.memref_squeeze %dma_start3A_231 : memref<1x128xi32, #tpu.memory_space<vmem>> -> memref<128xi32, #tpu.memory_space<vmem>>
      %dma_start3A_233 = arith.constant 0 : i32
      %dma_start3A_234 = arith.constant 0 : i32
      %dma_start3A_235 = tpu.memref_slice %arg2[%dma_start3A_233, %dma_start3A_234] : memref<106496x16xf32, #tpu.memory_space<hbm>> -> memref<106496x16xf32, #tpu.memory_space<hbm>>
      tpu.enqueue_indirect_dma source(%dma_start3A_235 : memref<106496x16xf32, #tpu.memory_space<hbm>>) target(%dma_start3A_229 : memref<128x16xf32, #tpu.memory_space<vmem>>) offsets(%dma_start3A_232 : memref<128xi32, #tpu.memory_space<vmem>>) semaphore(%arg13 : memref<!tpu.dma_semaphore, #tpu.memory_space<semaphore_mem>>)
      %dma_start3A_236 = arith.constant 1 : i32
      %dma_start3A_237 = arith.constant 128 : i32
      %dma_start3A_238 = arith.constant 0 : i32
      %dma_start3A_239 = tpu.memref_slice %arg10[%dma_start3A_237, %dma_start3A_238] : memref<1024x16xf32, #tpu.memory_space<vmem>> -> memref<128x16xf32, #tpu.memory_space<vmem>>
      %dma_start3A_240 = arith.constant 0 : i32
      %dma_start3A_241 = tpu.memref_slice %arg8[%dma_start3A_236, %dma_start3A_240] : memref<8x128xi32, #tpu.memory_space<vmem>> -> memref<1x128xi32, #tpu.memory_space<vmem>>
      %dma_start3A_242 = tpu.memref_squeeze %dma_start3A_241 : memref<1x128xi32, #tpu.memory_space<vmem>> -> memref<128xi32, #tpu.memory_space<vmem>>
      %dma_start3A_243 = arith.constant 0 : i32
      %dma_start3A_244 = arith.constant 0 : i32
      %dma_start3A_245 = tpu.memref_slice %arg2[%dma_start3A_243, %dma_start3A_244] : memref<106496x16xf32, #tpu.memory_space<hbm>> -> memref<106496x16xf32, #tpu.memory_space<hbm>>
      tpu.enqueue_indirect_dma source(%dma_start3A_245 : memref<106496x16xf32, #tpu.memory_space<hbm>>) target(%dma_start3A_239 : memref<128x16xf32, #tpu.memory_space<vmem>>) offsets(%dma_start3A_242 : memref<128xi32, #tpu.memory_space<vmem>>) semaphore(%arg13 : memref<!tpu.dma_semaphore, #tpu.memory_space<semaphore_mem>>)
      %dma_start3A_246 = arith.constant 2 : i32
      %dma_start3A_247 = arith.constant 256 : i32
      %dma_start3A_248 = arith.constant 0 : i32
      %dma_start3A_249 = tpu.memref_slice %arg10[%dma_start3A_247, %dma_start3A_248] : memref<1024x16xf32, #tpu.memory_space<vmem>> -> memref<128x16xf32, #tpu.memory_space<vmem>>
      %dma_start3A_250 = arith.constant 0 : i32
      %dma_start3A_251 = tpu.memref_slice %arg8[%dma_start3A_246, %dma_start3A_250] : memref<8x128xi32, #tpu.memory_space<vmem>> -> memref<1x128xi32, #tpu.memory_space<vmem>>
      %dma_start3A_252 = tpu.memref_squeeze %dma_start3A_251 : memref<1x128xi32, #tpu.memory_space<vmem>> -> memref<128xi32, #tpu.memory_space<vmem>>
      %dma_start3A_253 = arith.constant 0 : i32
      %dma_start3A_254 = arith.constant 0 : i32
      %dma_start3A_255 = tpu.memref_slice %arg2[%dma_start3A_253, %dma_start3A_254] : memref<106496x16xf32, #tpu.memory_space<hbm>> -> memref<106496x16xf32, #tpu.memory_space<hbm>>
      tpu.enqueue_indirect_dma source(%dma_start3A_255 : memref<106496x16xf32, #tpu.memory_space<hbm>>) target(%dma_start3A_249 : memref<128x16xf32, #tpu.memory_space<vmem>>) offsets(%dma_start3A_252 : memref<128xi32, #tpu.memory_space<vmem>>) semaphore(%arg13 : memref<!tpu.dma_semaphore, #tpu.memory_space<semaphore_mem>>)
      %dma_start3A_256 = arith.constant 3 : i32
      %dma_start3A_257 = arith.constant 384 : i32
      %dma_start3A_258 = arith.constant 0 : i32
      %dma_start3A_259 = tpu.memref_slice %arg10[%dma_start3A_257, %dma_start3A_258] : memref<1024x16xf32, #tpu.memory_space<vmem>> -> memref<128x16xf32, #tpu.memory_space<vmem>>
      %dma_start3A_260 = arith.constant 0 : i32
      %dma_start3A_261 = tpu.memref_slice %arg8[%dma_start3A_256, %dma_start3A_260] : memref<8x128xi32, #tpu.memory_space<vmem>> -> memref<1x128xi32, #tpu.memory_space<vmem>>
      %dma_start3A_262 = tpu.memref_squeeze %dma_start3A_261 : memref<1x128xi32, #tpu.memory_space<vmem>> -> memref<128xi32, #tpu.memory_space<vmem>>
      %dma_start3A_263 = arith.constant 0 : i32
      %dma_start3A_264 = arith.constant 0 : i32
      %dma_start3A_265 = tpu.memref_slice %arg2[%dma_start3A_263, %dma_start3A_264] : memref<106496x16xf32, #tpu.memory_space<hbm>> -> memref<106496x16xf32, #tpu.memory_space<hbm>>
      tpu.enqueue_indirect_dma source(%dma_start3A_265 : memref<106496x16xf32, #tpu.memory_space<hbm>>) target(%dma_start3A_259 : memref<128x16xf32, #tpu.memory_space<vmem>>) offsets(%dma_start3A_262 : memref<128xi32, #tpu.memory_space<vmem>>) semaphore(%arg13 : memref<!tpu.dma_semaphore, #tpu.memory_space<semaphore_mem>>)
      %dma_start3A_266 = arith.constant 4 : i32
      %dma_start3A_267 = arith.constant 512 : i32
      %dma_start3A_268 = arith.constant 0 : i32
      %dma_start3A_269 = tpu.memref_slice %arg10[%dma_start3A_267, %dma_start3A_268] : memref<1024x16xf32, #tpu.memory_space<vmem>> -> memref<128x16xf32, #tpu.memory_space<vmem>>
      %dma_start3A_270 = arith.constant 0 : i32
      %dma_start3A_271 = tpu.memref_slice %arg8[%dma_start3A_266, %dma_start3A_270] : memref<8x128xi32, #tpu.memory_space<vmem>> -> memref<1x128xi32, #tpu.memory_space<vmem>>
      %dma_start3A_272 = tpu.memref_squeeze %dma_start3A_271 : memref<1x128xi32, #tpu.memory_space<vmem>> -> memref<128xi32, #tpu.memory_space<vmem>>
      %dma_start3A_273 = arith.constant 0 : i32
      %dma_start3A_274 = arith.constant 0 : i32
      %dma_start3A_275 = tpu.memref_slice %arg2[%dma_start3A_273, %dma_start3A_274] : memref<106496x16xf32, #tpu.memory_space<hbm>> -> memref<106496x16xf32, #tpu.memory_space<hbm>>
      tpu.enqueue_indirect_dma source(%dma_start3A_275 : memref<106496x16xf32, #tpu.memory_space<hbm>>) target(%dma_start3A_269 : memref<128x16xf32, #tpu.memory_space<vmem>>) offsets(%dma_start3A_272 : memref<128xi32, #tpu.memory_space<vmem>>) semaphore(%arg13 : memref<!tpu.dma_semaphore, #tpu.memory_space<semaphore_mem>>)
      %dma_start3A_276 = arith.constant 5 : i32
      %dma_start3A_277 = arith.constant 640 : i32
      %dma_start3A_278 = arith.constant 0 : i32
      %dma_start3A_279 = tpu.memref_slice %arg10[%dma_start3A_277, %dma_start3A_278] : memref<1024x16xf32, #tpu.memory_space<vmem>> -> memref<128x16xf32, #tpu.memory_space<vmem>>
      %dma_start3A_280 = arith.constant 0 : i32
      %dma_start3A_281 = tpu.memref_slice %arg8[%dma_start3A_276, %dma_start3A_280] : memref<8x128xi32, #tpu.memory_space<vmem>> -> memref<1x128xi32, #tpu.memory_space<vmem>>
      %dma_start3A_282 = tpu.memref_squeeze %dma_start3A_281 : memref<1x128xi32, #tpu.memory_space<vmem>> -> memref<128xi32, #tpu.memory_space<vmem>>
      %dma_start3A_283 = arith.constant 0 : i32
      %dma_start3A_284 = arith.constant 0 : i32
      %dma_start3A_285 = tpu.memref_slice %arg2[%dma_start3A_283, %dma_start3A_284] : memref<106496x16xf32, #tpu.memory_space<hbm>> -> memref<106496x16xf32, #tpu.memory_space<hbm>>
      tpu.enqueue_indirect_dma source(%dma_start3A_285 : memref<106496x16xf32, #tpu.memory_space<hbm>>) target(%dma_start3A_279 : memref<128x16xf32, #tpu.memory_space<vmem>>) offsets(%dma_start3A_282 : memref<128xi32, #tpu.memory_space<vmem>>) semaphore(%arg13 : memref<!tpu.dma_semaphore, #tpu.memory_space<semaphore_mem>>)
      %dma_start3A_286 = arith.constant 6 : i32
      %dma_start3A_287 = arith.constant 768 : i32
      %dma_start3A_288 = arith.constant 0 : i32
      %dma_start3A_289 = tpu.memref_slice %arg10[%dma_start3A_287, %dma_start3A_288] : memref<1024x16xf32, #tpu.memory_space<vmem>> -> memref<128x16xf32, #tpu.memory_space<vmem>>
      %dma_start3A_290 = arith.constant 0 : i32
      %dma_start3A_291 = tpu.memref_slice %arg8[%dma_start3A_286, %dma_start3A_290] : memref<8x128xi32, #tpu.memory_space<vmem>> -> memref<1x128xi32, #tpu.memory_space<vmem>>
      %dma_start3A_292 = tpu.memref_squeeze %dma_start3A_291 : memref<1x128xi32, #tpu.memory_space<vmem>> -> memref<128xi32, #tpu.memory_space<vmem>>
      %dma_start3A_293 = arith.constant 0 : i32
      %dma_start3A_294 = arith.constant 0 : i32
      %dma_start3A_295 = tpu.memref_slice %arg2[%dma_start3A_293, %dma_start3A_294] : memref<106496x16xf32, #tpu.memory_space<hbm>> -> memref<106496x16xf32, #tpu.memory_space<hbm>>
      tpu.enqueue_indirect_dma source(%dma_start3A_295 : memref<106496x16xf32, #tpu.memory_space<hbm>>) target(%dma_start3A_289 : memref<128x16xf32, #tpu.memory_space<vmem>>) offsets(%dma_start3A_292 : memref<128xi32, #tpu.memory_space<vmem>>) semaphore(%arg13 : memref<!tpu.dma_semaphore, #tpu.memory_space<semaphore_mem>>)
      %dma_start3A_296 = arith.constant 7 : i32
      %dma_start3A_297 = arith.constant 896 : i32
      %dma_start3A_298 = arith.constant 0 : i32
      %dma_start3A_299 = tpu.memref_slice %arg10[%dma_start3A_297, %dma_start3A_298] : memref<1024x16xf32, #tpu.memory_space<vmem>> -> memref<128x16xf32, #tpu.memory_space<vmem>>
      %dma_start3A_300 = arith.constant 0 : i32
      %dma_start3A_301 = tpu.memref_slice %arg8[%dma_start3A_296, %dma_start3A_300] : memref<8x128xi32, #tpu.memory_space<vmem>> -> memref<1x128xi32, #tpu.memory_space<vmem>>
      %dma_start3A_302 = tpu.memref_squeeze %dma_start3A_301 : memref<1x128xi32, #tpu.memory_space<vmem>> -> memref<128xi32, #tpu.memory_space<vmem>>
      %dma_start3A_303 = arith.constant 0 : i32
      %dma_start3A_304 = arith.constant 0 : i32
      %dma_start3A_305 = tpu.memref_slice %arg2[%dma_start3A_303, %dma_start3A_304] : memref<106496x16xf32, #tpu.memory_space<hbm>> -> memref<106496x16xf32, #tpu.memory_space<hbm>>
      tpu.enqueue_indirect_dma source(%dma_start3A_305 : memref<106496x16xf32, #tpu.memory_space<hbm>>) target(%dma_start3A_299 : memref<128x16xf32, #tpu.memory_space<vmem>>) offsets(%dma_start3A_302 : memref<128xi32, #tpu.memory_space<vmem>>) semaphore(%arg13 : memref<!tpu.dma_semaphore, #tpu.memory_space<semaphore_mem>>)
      %dma_wait3A = arith.constant 0 : i32
      %dma_wait3A_306 = arith.constant 0 : i32
      %dma_wait3A_307 = arith.constant 0 : i32
      %dma_wait3A_308 = tpu.memref_slice %arg9[%dma_wait3A_306, %dma_wait3A_307] : memref<1024x16xf32, #tpu.memory_space<vmem>> -> memref<128x16xf32, #tpu.memory_space<vmem>>
      %dma_wait3A_309 = arith.constant 0 : i32
      %dma_wait3A_310 = tpu.memref_slice %arg7[%dma_wait3A, %dma_wait3A_309] : memref<8x128xi32, #tpu.memory_space<vmem>> -> memref<1x128xi32, #tpu.memory_space<vmem>>
      %dma_wait3A_311 = tpu.memref_squeeze %dma_wait3A_310 : memref<1x128xi32, #tpu.memory_space<vmem>> -> memref<128xi32, #tpu.memory_space<vmem>>
      %dma_wait3A_312 = arith.constant 0 : i32
      %dma_wait3A_313 = arith.constant 0 : i32
      %dma_wait3A_314 = tpu.memref_slice %arg2[%dma_wait3A_312, %dma_wait3A_313] : memref<106496x16xf32, #tpu.memory_space<hbm>> -> memref<106496x16xf32, #tpu.memory_space<hbm>>
      tpu.wait_indirect_dma semaphore(%arg12 : memref<!tpu.dma_semaphore, #tpu.memory_space<semaphore_mem>>) src(%dma_wait3A_314 : memref<106496x16xf32, #tpu.memory_space<hbm>>) dst(%dma_wait3A_308 : memref<128x16xf32, #tpu.memory_space<vmem>>)
      %dma_wait3A_315 = arith.constant 1 : i32
      %dma_wait3A_316 = arith.constant 128 : i32
      %dma_wait3A_317 = arith.constant 0 : i32
      %dma_wait3A_318 = tpu.memref_slice %arg9[%dma_wait3A_316, %dma_wait3A_317] : memref<1024x16xf32, #tpu.memory_space<vmem>> -> memref<128x16xf32, #tpu.memory_space<vmem>>
      %dma_wait3A_319 = arith.constant 0 : i32
      %dma_wait3A_320 = tpu.memref_slice %arg7[%dma_wait3A_315, %dma_wait3A_319] : memref<8x128xi32, #tpu.memory_space<vmem>> -> memref<1x128xi32, #tpu.memory_space<vmem>>
      %dma_wait3A_321 = tpu.memref_squeeze %dma_wait3A_320 : memref<1x128xi32, #tpu.memory_space<vmem>> -> memref<128xi32, #tpu.memory_space<vmem>>
      %dma_wait3A_322 = arith.constant 0 : i32
      %dma_wait3A_323 = arith.constant 0 : i32
      %dma_wait3A_324 = tpu.memref_slice %arg2[%dma_wait3A_322, %dma_wait3A_323] : memref<106496x16xf32, #tpu.memory_space<hbm>> -> memref<106496x16xf32, #tpu.memory_space<hbm>>
      tpu.wait_indirect_dma semaphore(%arg12 : memref<!tpu.dma_semaphore, #tpu.memory_space<semaphore_mem>>) src(%dma_wait3A_324 : memref<106496x16xf32, #tpu.memory_space<hbm>>) dst(%dma_wait3A_318 : memref<128x16xf32, #tpu.memory_space<vmem>>)
      %dma_wait3A_325 = arith.constant 2 : i32
      %dma_wait3A_326 = arith.constant 256 : i32
      %dma_wait3A_327 = arith.constant 0 : i32
      %dma_wait3A_328 = tpu.memref_slice %arg9[%dma_wait3A_326, %dma_wait3A_327] : memref<1024x16xf32, #tpu.memory_space<vmem>> -> memref<128x16xf32, #tpu.memory_space<vmem>>
      %dma_wait3A_329 = arith.constant 0 : i32
      %dma_wait3A_330 = tpu.memref_slice %arg7[%dma_wait3A_325, %dma_wait3A_329] : memref<8x128xi32, #tpu.memory_space<vmem>> -> memref<1x128xi32, #tpu.memory_space<vmem>>
      %dma_wait3A_331 = tpu.memref_squeeze %dma_wait3A_330 : memref<1x128xi32, #tpu.memory_space<vmem>> -> memref<128xi32, #tpu.memory_space<vmem>>
      %dma_wait3A_332 = arith.constant 0 : i32
      %dma_wait3A_333 = arith.constant 0 : i32
      %dma_wait3A_334 = tpu.memref_slice %arg2[%dma_wait3A_332, %dma_wait3A_333] : memref<106496x16xf32, #tpu.memory_space<hbm>> -> memref<106496x16xf32, #tpu.memory_space<hbm>>
      tpu.wait_indirect_dma semaphore(%arg12 : memref<!tpu.dma_semaphore, #tpu.memory_space<semaphore_mem>>) src(%dma_wait3A_334 : memref<106496x16xf32, #tpu.memory_space<hbm>>) dst(%dma_wait3A_328 : memref<128x16xf32, #tpu.memory_space<vmem>>)
      %dma_wait3A_335 = arith.constant 3 : i32
      %dma_wait3A_336 = arith.constant 384 : i32
      %dma_wait3A_337 = arith.constant 0 : i32
      %dma_wait3A_338 = tpu.memref_slice %arg9[%dma_wait3A_336, %dma_wait3A_337] : memref<1024x16xf32, #tpu.memory_space<vmem>> -> memref<128x16xf32, #tpu.memory_space<vmem>>
      %dma_wait3A_339 = arith.constant 0 : i32
      %dma_wait3A_340 = tpu.memref_slice %arg7[%dma_wait3A_335, %dma_wait3A_339] : memref<8x128xi32, #tpu.memory_space<vmem>> -> memref<1x128xi32, #tpu.memory_space<vmem>>
      %dma_wait3A_341 = tpu.memref_squeeze %dma_wait3A_340 : memref<1x128xi32, #tpu.memory_space<vmem>> -> memref<128xi32, #tpu.memory_space<vmem>>
      %dma_wait3A_342 = arith.constant 0 : i32
      %dma_wait3A_343 = arith.constant 0 : i32
      %dma_wait3A_344 = tpu.memref_slice %arg2[%dma_wait3A_342, %dma_wait3A_343] : memref<106496x16xf32, #tpu.memory_space<hbm>> -> memref<106496x16xf32, #tpu.memory_space<hbm>>
      tpu.wait_indirect_dma semaphore(%arg12 : memref<!tpu.dma_semaphore, #tpu.memory_space<semaphore_mem>>) src(%dma_wait3A_344 : memref<106496x16xf32, #tpu.memory_space<hbm>>) dst(%dma_wait3A_338 : memref<128x16xf32, #tpu.memory_space<vmem>>)
      %dma_wait3A_345 = arith.constant 4 : i32
      %dma_wait3A_346 = arith.constant 512 : i32
      %dma_wait3A_347 = arith.constant 0 : i32
      %dma_wait3A_348 = tpu.memref_slice %arg9[%dma_wait3A_346, %dma_wait3A_347] : memref<1024x16xf32, #tpu.memory_space<vmem>> -> memref<128x16xf32, #tpu.memory_space<vmem>>
      %dma_wait3A_349 = arith.constant 0 : i32
      %dma_wait3A_350 = tpu.memref_slice %arg7[%dma_wait3A_345, %dma_wait3A_349] : memref<8x128xi32, #tpu.memory_space<vmem>> -> memref<1x128xi32, #tpu.memory_space<vmem>>
      %dma_wait3A_351 = tpu.memref_squeeze %dma_wait3A_350 : memref<1x128xi32, #tpu.memory_space<vmem>> -> memref<128xi32, #tpu.memory_space<vmem>>
      %dma_wait3A_352 = arith.constant 0 : i32
      %dma_wait3A_353 = arith.constant 0 : i32
      %dma_wait3A_354 = tpu.memref_slice %arg2[%dma_wait3A_352, %dma_wait3A_353] : memref<106496x16xf32, #tpu.memory_space<hbm>> -> memref<106496x16xf32, #tpu.memory_space<hbm>>
      tpu.wait_indirect_dma semaphore(%arg12 : memref<!tpu.dma_semaphore, #tpu.memory_space<semaphore_mem>>) src(%dma_wait3A_354 : memref<106496x16xf32, #tpu.memory_space<hbm>>) dst(%dma_wait3A_348 : memref<128x16xf32, #tpu.memory_space<vmem>>)
      %dma_wait3A_355 = arith.constant 5 : i32
      %dma_wait3A_356 = arith.constant 640 : i32
      %dma_wait3A_357 = arith.constant 0 : i32
      %dma_wait3A_358 = tpu.memref_slice %arg9[%dma_wait3A_356, %dma_wait3A_357] : memref<1024x16xf32, #tpu.memory_space<vmem>> -> memref<128x16xf32, #tpu.memory_space<vmem>>
      %dma_wait3A_359 = arith.constant 0 : i32
      %dma_wait3A_360 = tpu.memref_slice %arg7[%dma_wait3A_355, %dma_wait3A_359] : memref<8x128xi32, #tpu.memory_space<vmem>> -> memref<1x128xi32, #tpu.memory_space<vmem>>
      %dma_wait3A_361 = tpu.memref_squeeze %dma_wait3A_360 : memref<1x128xi32, #tpu.memory_space<vmem>> -> memref<128xi32, #tpu.memory_space<vmem>>
      %dma_wait3A_362 = arith.constant 0 : i32
      %dma_wait3A_363 = arith.constant 0 : i32
      %dma_wait3A_364 = tpu.memref_slice %arg2[%dma_wait3A_362, %dma_wait3A_363] : memref<106496x16xf32, #tpu.memory_space<hbm>> -> memref<106496x16xf32, #tpu.memory_space<hbm>>
      tpu.wait_indirect_dma semaphore(%arg12 : memref<!tpu.dma_semaphore, #tpu.memory_space<semaphore_mem>>) src(%dma_wait3A_364 : memref<106496x16xf32, #tpu.memory_space<hbm>>) dst(%dma_wait3A_358 : memref<128x16xf32, #tpu.memory_space<vmem>>)
      %dma_wait3A_365 = arith.constant 6 : i32
      %dma_wait3A_366 = arith.constant 768 : i32
      %dma_wait3A_367 = arith.constant 0 : i32
      %dma_wait3A_368 = tpu.memref_slice %arg9[%dma_wait3A_366, %dma_wait3A_367] : memref<1024x16xf32, #tpu.memory_space<vmem>> -> memref<128x16xf32, #tpu.memory_space<vmem>>
      %dma_wait3A_369 = arith.constant 0 : i32
      %dma_wait3A_370 = tpu.memref_slice %arg7[%dma_wait3A_365, %dma_wait3A_369] : memref<8x128xi32, #tpu.memory_space<vmem>> -> memref<1x128xi32, #tpu.memory_space<vmem>>
      %dma_wait3A_371 = tpu.memref_squeeze %dma_wait3A_370 : memref<1x128xi32, #tpu.memory_space<vmem>> -> memref<128xi32, #tpu.memory_space<vmem>>
      %dma_wait3A_372 = arith.constant 0 : i32
      %dma_wait3A_373 = arith.constant 0 : i32
      %dma_wait3A_374 = tpu.memref_slice %arg2[%dma_wait3A_372, %dma_wait3A_373] : memref<106496x16xf32, #tpu.memory_space<hbm>> -> memref<106496x16xf32, #tpu.memory_space<hbm>>
      tpu.wait_indirect_dma semaphore(%arg12 : memref<!tpu.dma_semaphore, #tpu.memory_space<semaphore_mem>>) src(%dma_wait3A_374 : memref<106496x16xf32, #tpu.memory_space<hbm>>) dst(%dma_wait3A_368 : memref<128x16xf32, #tpu.memory_space<vmem>>)
      %dma_wait3A_375 = arith.constant 7 : i32
      %dma_wait3A_376 = arith.constant 896 : i32
      %dma_wait3A_377 = arith.constant 0 : i32
      %dma_wait3A_378 = tpu.memref_slice %arg9[%dma_wait3A_376, %dma_wait3A_377] : memref<1024x16xf32, #tpu.memory_space<vmem>> -> memref<128x16xf32, #tpu.memory_space<vmem>>
      %dma_wait3A_379 = arith.constant 0 : i32
      %dma_wait3A_380 = tpu.memref_slice %arg7[%dma_wait3A_375, %dma_wait3A_379] : memref<8x128xi32, #tpu.memory_space<vmem>> -> memref<1x128xi32, #tpu.memory_space<vmem>>
      %dma_wait3A_381 = tpu.memref_squeeze %dma_wait3A_380 : memref<1x128xi32, #tpu.memory_space<vmem>> -> memref<128xi32, #tpu.memory_space<vmem>>
      %dma_wait3A_382 = arith.constant 0 : i32
      %dma_wait3A_383 = arith.constant 0 : i32
      %dma_wait3A_384 = tpu.memref_slice %arg2[%dma_wait3A_382, %dma_wait3A_383] : memref<106496x16xf32, #tpu.memory_space<hbm>> -> memref<106496x16xf32, #tpu.memory_space<hbm>>
      tpu.wait_indirect_dma semaphore(%arg12 : memref<!tpu.dma_semaphore, #tpu.memory_space<semaphore_mem>>) src(%dma_wait3A_384 : memref<106496x16xf32, #tpu.memory_space<hbm>>) dst(%dma_wait3A_378 : memref<128x16xf32, #tpu.memory_space<vmem>>)
      %dma_wait3A_385 = arith.constant 0 : i32
      %dma_wait3A_386 = arith.constant 0 : i32
      %dma_wait3A_387 = arith.constant 0 : i32
      %dma_wait3A_388 = tpu.memref_slice %arg10[%dma_wait3A_386, %dma_wait3A_387] : memref<1024x16xf32, #tpu.memory_space<vmem>> -> memref<128x16xf32, #tpu.memory_space<vmem>>
      %dma_wait3A_389 = arith.constant 0 : i32
      %dma_wait3A_390 = tpu.memref_slice %arg8[%dma_wait3A_385, %dma_wait3A_389] : memref<8x128xi32, #tpu.memory_space<vmem>> -> memref<1x128xi32, #tpu.memory_space<vmem>>
      %dma_wait3A_391 = tpu.memref_squeeze %dma_wait3A_390 : memref<1x128xi32, #tpu.memory_space<vmem>> -> memref<128xi32, #tpu.memory_space<vmem>>
      %dma_wait3A_392 = arith.constant 0 : i32
      %dma_wait3A_393 = arith.constant 0 : i32
      %dma_wait3A_394 = tpu.memref_slice %arg2[%dma_wait3A_392, %dma_wait3A_393] : memref<106496x16xf32, #tpu.memory_space<hbm>> -> memref<106496x16xf32, #tpu.memory_space<hbm>>
      tpu.wait_indirect_dma semaphore(%arg13 : memref<!tpu.dma_semaphore, #tpu.memory_space<semaphore_mem>>) src(%dma_wait3A_394 : memref<106496x16xf32, #tpu.memory_space<hbm>>) dst(%dma_wait3A_388 : memref<128x16xf32, #tpu.memory_space<vmem>>)
      %dma_wait3A_395 = arith.constant 1 : i32
      %dma_wait3A_396 = arith.constant 128 : i32
      %dma_wait3A_397 = arith.constant 0 : i32
      %dma_wait3A_398 = tpu.memref_slice %arg10[%dma_wait3A_396, %dma_wait3A_397] : memref<1024x16xf32, #tpu.memory_space<vmem>> -> memref<128x16xf32, #tpu.memory_space<vmem>>
      %dma_wait3A_399 = arith.constant 0 : i32
      %dma_wait3A_400 = tpu.memref_slice %arg8[%dma_wait3A_395, %dma_wait3A_399] : memref<8x128xi32, #tpu.memory_space<vmem>> -> memref<1x128xi32, #tpu.memory_space<vmem>>
      %dma_wait3A_401 = tpu.memref_squeeze %dma_wait3A_400 : memref<1x128xi32, #tpu.memory_space<vmem>> -> memref<128xi32, #tpu.memory_space<vmem>>
      %dma_wait3A_402 = arith.constant 0 : i32
      %dma_wait3A_403 = arith.constant 0 : i32
      %dma_wait3A_404 = tpu.memref_slice %arg2[%dma_wait3A_402, %dma_wait3A_403] : memref<106496x16xf32, #tpu.memory_space<hbm>> -> memref<106496x16xf32, #tpu.memory_space<hbm>>
      tpu.wait_indirect_dma semaphore(%arg13 : memref<!tpu.dma_semaphore, #tpu.memory_space<semaphore_mem>>) src(%dma_wait3A_404 : memref<106496x16xf32, #tpu.memory_space<hbm>>) dst(%dma_wait3A_398 : memref<128x16xf32, #tpu.memory_space<vmem>>)
      %dma_wait3A_405 = arith.constant 2 : i32
      %dma_wait3A_406 = arith.constant 256 : i32
      %dma_wait3A_407 = arith.constant 0 : i32
      %dma_wait3A_408 = tpu.memref_slice %arg10[%dma_wait3A_406, %dma_wait3A_407] : memref<1024x16xf32, #tpu.memory_space<vmem>> -> memref<128x16xf32, #tpu.memory_space<vmem>>
      %dma_wait3A_409 = arith.constant 0 : i32
      %dma_wait3A_410 = tpu.memref_slice %arg8[%dma_wait3A_405, %dma_wait3A_409] : memref<8x128xi32, #tpu.memory_space<vmem>> -> memref<1x128xi32, #tpu.memory_space<vmem>>
      %dma_wait3A_411 = tpu.memref_squeeze %dma_wait3A_410 : memref<1x128xi32, #tpu.memory_space<vmem>> -> memref<128xi32, #tpu.memory_space<vmem>>
      %dma_wait3A_412 = arith.constant 0 : i32
      %dma_wait3A_413 = arith.constant 0 : i32
      %dma_wait3A_414 = tpu.memref_slice %arg2[%dma_wait3A_412, %dma_wait3A_413] : memref<106496x16xf32, #tpu.memory_space<hbm>> -> memref<106496x16xf32, #tpu.memory_space<hbm>>
      tpu.wait_indirect_dma semaphore(%arg13 : memref<!tpu.dma_semaphore, #tpu.memory_space<semaphore_mem>>) src(%dma_wait3A_414 : memref<106496x16xf32, #tpu.memory_space<hbm>>) dst(%dma_wait3A_408 : memref<128x16xf32, #tpu.memory_space<vmem>>)
      %dma_wait3A_415 = arith.constant 3 : i32
      %dma_wait3A_416 = arith.constant 384 : i32
      %dma_wait3A_417 = arith.constant 0 : i32
      %dma_wait3A_418 = tpu.memref_slice %arg10[%dma_wait3A_416, %dma_wait3A_417] : memref<1024x16xf32, #tpu.memory_space<vmem>> -> memref<128x16xf32, #tpu.memory_space<vmem>>
      %dma_wait3A_419 = arith.constant 0 : i32
      %dma_wait3A_420 = tpu.memref_slice %arg8[%dma_wait3A_415, %dma_wait3A_419] : memref<8x128xi32, #tpu.memory_space<vmem>> -> memref<1x128xi32, #tpu.memory_space<vmem>>
      %dma_wait3A_421 = tpu.memref_squeeze %dma_wait3A_420 : memref<1x128xi32, #tpu.memory_space<vmem>> -> memref<128xi32, #tpu.memory_space<vmem>>
      %dma_wait3A_422 = arith.constant 0 : i32
      %dma_wait3A_423 = arith.constant 0 : i32
      %dma_wait3A_424 = tpu.memref_slice %arg2[%dma_wait3A_422, %dma_wait3A_423] : memref<106496x16xf32, #tpu.memory_space<hbm>> -> memref<106496x16xf32, #tpu.memory_space<hbm>>
      tpu.wait_indirect_dma semaphore(%arg13 : memref<!tpu.dma_semaphore, #tpu.memory_space<semaphore_mem>>) src(%dma_wait3A_424 : memref<106496x16xf32, #tpu.memory_space<hbm>>) dst(%dma_wait3A_418 : memref<128x16xf32, #tpu.memory_space<vmem>>)
      %dma_wait3A_425 = arith.constant 4 : i32
      %dma_wait3A_426 = arith.constant 512 : i32
      %dma_wait3A_427 = arith.constant 0 : i32
      %dma_wait3A_428 = tpu.memref_slice %arg10[%dma_wait3A_426, %dma_wait3A_427] : memref<1024x16xf32, #tpu.memory_space<vmem>> -> memref<128x16xf32, #tpu.memory_space<vmem>>
      %dma_wait3A_429 = arith.constant 0 : i32
      %dma_wait3A_430 = tpu.memref_slice %arg8[%dma_wait3A_425, %dma_wait3A_429] : memref<8x128xi32, #tpu.memory_space<vmem>> -> memref<1x128xi32, #tpu.memory_space<vmem>>
      %dma_wait3A_431 = tpu.memref_squeeze %dma_wait3A_430 : memref<1x128xi32, #tpu.memory_space<vmem>> -> memref<128xi32, #tpu.memory_space<vmem>>
      %dma_wait3A_432 = arith.constant 0 : i32
      %dma_wait3A_433 = arith.constant 0 : i32
      %dma_wait3A_434 = tpu.memref_slice %arg2[%dma_wait3A_432, %dma_wait3A_433] : memref<106496x16xf32, #tpu.memory_space<hbm>> -> memref<106496x16xf32, #tpu.memory_space<hbm>>
      tpu.wait_indirect_dma semaphore(%arg13 : memref<!tpu.dma_semaphore, #tpu.memory_space<semaphore_mem>>) src(%dma_wait3A_434 : memref<106496x16xf32, #tpu.memory_space<hbm>>) dst(%dma_wait3A_428 : memref<128x16xf32, #tpu.memory_space<vmem>>)
      %dma_wait3A_435 = arith.constant 5 : i32
      %dma_wait3A_436 = arith.constant 640 : i32
      %dma_wait3A_437 = arith.constant 0 : i32
      %dma_wait3A_438 = tpu.memref_slice %arg10[%dma_wait3A_436, %dma_wait3A_437] : memref<1024x16xf32, #tpu.memory_space<vmem>> -> memref<128x16xf32, #tpu.memory_space<vmem>>
      %dma_wait3A_439 = arith.constant 0 : i32
      %dma_wait3A_440 = tpu.memref_slice %arg8[%dma_wait3A_435, %dma_wait3A_439] : memref<8x128xi32, #tpu.memory_space<vmem>> -> memref<1x128xi32, #tpu.memory_space<vmem>>
      %dma_wait3A_441 = tpu.memref_squeeze %dma_wait3A_440 : memref<1x128xi32, #tpu.memory_space<vmem>> -> memref<128xi32, #tpu.memory_space<vmem>>
      %dma_wait3A_442 = arith.constant 0 : i32
      %dma_wait3A_443 = arith.constant 0 : i32
      %dma_wait3A_444 = tpu.memref_slice %arg2[%dma_wait3A_442, %dma_wait3A_443] : memref<106496x16xf32, #tpu.memory_space<hbm>> -> memref<106496x16xf32, #tpu.memory_space<hbm>>
      tpu.wait_indirect_dma semaphore(%arg13 : memref<!tpu.dma_semaphore, #tpu.memory_space<semaphore_mem>>) src(%dma_wait3A_444 : memref<106496x16xf32, #tpu.memory_space<hbm>>) dst(%dma_wait3A_438 : memref<128x16xf32, #tpu.memory_space<vmem>>)
      %dma_wait3A_445 = arith.constant 6 : i32
      %dma_wait3A_446 = arith.constant 768 : i32
      %dma_wait3A_447 = arith.constant 0 : i32
      %dma_wait3A_448 = tpu.memref_slice %arg10[%dma_wait3A_446, %dma_wait3A_447] : memref<1024x16xf32, #tpu.memory_space<vmem>> -> memref<128x16xf32, #tpu.memory_space<vmem>>
      %dma_wait3A_449 = arith.constant 0 : i32
      %dma_wait3A_450 = tpu.memref_slice %arg8[%dma_wait3A_445, %dma_wait3A_449] : memref<8x128xi32, #tpu.memory_space<vmem>> -> memref<1x128xi32, #tpu.memory_space<vmem>>
      %dma_wait3A_451 = tpu.memref_squeeze %dma_wait3A_450 : memref<1x128xi32, #tpu.memory_space<vmem>> -> memref<128xi32, #tpu.memory_space<vmem>>
      %dma_wait3A_452 = arith.constant 0 : i32
      %dma_wait3A_453 = arith.constant 0 : i32
      %dma_wait3A_454 = tpu.memref_slice %arg2[%dma_wait3A_452, %dma_wait3A_453] : memref<106496x16xf32, #tpu.memory_space<hbm>> -> memref<106496x16xf32, #tpu.memory_space<hbm>>
      tpu.wait_indirect_dma semaphore(%arg13 : memref<!tpu.dma_semaphore, #tpu.memory_space<semaphore_mem>>) src(%dma_wait3A_454 : memref<106496x16xf32, #tpu.memory_space<hbm>>) dst(%dma_wait3A_448 : memref<128x16xf32, #tpu.memory_space<vmem>>)
      %dma_wait3A_455 = arith.constant 7 : i32
      %dma_wait3A_456 = arith.constant 896 : i32
      %dma_wait3A_457 = arith.constant 0 : i32
      %dma_wait3A_458 = tpu.memref_slice %arg10[%dma_wait3A_456, %dma_wait3A_457] : memref<1024x16xf32, #tpu.memory_space<vmem>> -> memref<128x16xf32, #tpu.memory_space<vmem>>
      %dma_wait3A_459 = arith.constant 0 : i32
      %dma_wait3A_460 = tpu.memref_slice %arg8[%dma_wait3A_455, %dma_wait3A_459] : memref<8x128xi32, #tpu.memory_space<vmem>> -> memref<1x128xi32, #tpu.memory_space<vmem>>
      %dma_wait3A_461 = tpu.memref_squeeze %dma_wait3A_460 : memref<1x128xi32, #tpu.memory_space<vmem>> -> memref<128xi32, #tpu.memory_space<vmem>>
      %dma_wait3A_462 = arith.constant 0 : i32
      %dma_wait3A_463 = arith.constant 0 : i32
      %dma_wait3A_464 = tpu.memref_slice %arg2[%dma_wait3A_462, %dma_wait3A_463] : memref<106496x16xf32, #tpu.memory_space<hbm>> -> memref<106496x16xf32, #tpu.memory_space<hbm>>
      tpu.wait_indirect_dma semaphore(%arg13 : memref<!tpu.dma_semaphore, #tpu.memory_space<semaphore_mem>>) src(%dma_wait3A_464 : memref<106496x16xf32, #tpu.memory_space<hbm>>) dst(%dma_wait3A_458 : memref<128x16xf32, #tpu.memory_space<vmem>>)
      %scan3A_465 = arith.constant 0 : i32
      %scan3A_466 = arith.constant 0 : i32
      %scan3A_467 = arith.constant 64 : i32
      %scan3A_468 = arith.addi %scan3A_466, %scan3A_467 : i32
      %scan3A_469 = arith.constant 1 : i32
      %scan3A_470 = scf.for %scan3A_480 = %scan3A_466 to %scan3A_468 step %scan3A_469 iter_args(%scan3A_481 = %scan3A_465) -> (i32)  : i32 {
        %mul3A_482 = arith.constant 16 : i32
        %mul3A_483 = arith.muli %scan3A_480, %mul3A_482 : i32
        %add3A_484 = vector.broadcast %mul3A_483 : i32 to vector<16xi32>
        %add3A_485 = arith.addi %add3A_484, %iota3A : vector<16xi32>
        %gather3A = tpu.vector_load_idx %arg9[%add3A_485, %broadcast_in_dim3A_81] : memref<1024x16xf32, #tpu.memory_space<vmem>>[vector<16xi32>, vector<16xi32>], vector<16xf32>,
        %gather3A_486 = tpu.vector_load_idx %arg9[%add3A_485, %broadcast_in_dim3A_83] : memref<1024x16xf32, #tpu.memory_space<vmem>>[vector<16xi32>, vector<16xi32>], vector<16xf32>,
        %gather3A_487 = tpu.vector_load_idx %arg9[%add3A_485, %broadcast_in_dim3A_85] : memref<1024x16xf32, #tpu.memory_space<vmem>>[vector<16xi32>, vector<16xi32>], vector<16xf32>,
        %gather3A_488 = tpu.vector_load_idx %arg10[%add3A_485, %broadcast_in_dim3A_81] : memref<1024x16xf32, #tpu.memory_space<vmem>>[vector<16xi32>, vector<16xi32>], vector<16xf32>,
        %gather3A_489 = tpu.vector_load_idx %arg10[%add3A_485, %broadcast_in_dim3A_83] : memref<1024x16xf32, #tpu.memory_space<vmem>>[vector<16xi32>, vector<16xi32>], vector<16xf32>,
        %gather3A_490 = tpu.vector_load_idx %arg10[%add3A_485, %broadcast_in_dim3A_85] : memref<1024x16xf32, #tpu.memory_space<vmem>>[vector<16xi32>, vector<16xi32>], vector<16xf32>,
        %sub3A_491 = arith.subf %gather3A_488, %gather3A : vector<16xf32>
        %sub3A_492 = arith.subf %gather3A_489, %gather3A_486 : vector<16xf32>
        %sub3A_493 = arith.subf %gather3A_490, %gather3A_487 : vector<16xf32>
        %mul3A_494 = arith.mulf %sub3A_491, %sub3A_491 : vector<16xf32>
        %mul3A_495 = arith.mulf %sub3A_492, %sub3A_492 : vector<16xf32>
        %add3A_496 = arith.addf %mul3A_494, %mul3A_495 : vector<16xf32>
        %mul3A_497 = arith.mulf %sub3A_493, %sub3A_493 : vector<16xf32>
        %add3A_498 = arith.addf %add3A_496, %mul3A_497 : vector<16xf32>
        %add3A_499 = arith.constant 9.99999993E-9 : f32
        %add3A_500 = vector.broadcast %add3A_499 : f32 to vector<16xf32>
        %add3A_501 = arith.addf %add3A_498, %add3A_500 : vector<16xf32>
        %div3A_502 = arith.constant 1.000000e+00 : f32
        %div3A_503 = vector.broadcast %div3A_502 : f32 to vector<16xf32>
        %div3A_504 = arith.divf %div3A_503, %add3A_501 : vector<16xf32>
        %gather3A_505 = tpu.vector_load_idx %arg9[%add3A_485, %broadcast_in_dim3A_87] : memref<1024x16xf32, #tpu.memory_space<vmem>>[vector<16xi32>, vector<16xi32>], vector<16xf32>,
        %gather3A_506 = tpu.vector_load_idx %arg9[%add3A_485, %broadcast_in_dim3A_89] : memref<1024x16xf32, #tpu.memory_space<vmem>>[vector<16xi32>, vector<16xi32>], vector<16xf32>,
        %gather3A_507 = tpu.vector_load_idx %arg9[%add3A_485, %broadcast_in_dim3A_91] : memref<1024x16xf32, #tpu.memory_space<vmem>>[vector<16xi32>, vector<16xi32>], vector<16xf32>,
        %gather3A_508 = tpu.vector_load_idx %arg10[%add3A_485, %broadcast_in_dim3A_87] : memref<1024x16xf32, #tpu.memory_space<vmem>>[vector<16xi32>, vector<16xi32>], vector<16xf32>,
        %gather3A_509 = tpu.vector_load_idx %arg10[%add3A_485, %broadcast_in_dim3A_89] : memref<1024x16xf32, #tpu.memory_space<vmem>>[vector<16xi32>, vector<16xi32>], vector<16xf32>,
        %gather3A_510 = tpu.vector_load_idx %arg10[%add3A_485, %broadcast_in_dim3A_91] : memref<1024x16xf32, #tpu.memory_space<vmem>>[vector<16xi32>, vector<16xi32>], vector<16xf32>,
        %sub3A_511 = arith.subf %gather3A_508, %gather3A_505 : vector<16xf32>
        %mul3A_512 = arith.mulf %sub3A_511, %sub3A_491 : vector<16xf32>
        %sub3A_513 = arith.subf %gather3A_509, %gather3A_506 : vector<16xf32>
        %mul3A_514 = arith.mulf %sub3A_513, %sub3A_492 : vector<16xf32>
        %add3A_515 = arith.addf %mul3A_512, %mul3A_514 : vector<16xf32>
        %sub3A_516 = arith.subf %gather3A_510, %gather3A_507 : vector<16xf32>
        %mul3A_517 = arith.mulf %sub3A_516, %sub3A_493 : vector<16xf32>
        %add3A_518 = arith.addf %add3A_515, %mul3A_517 : vector<16xf32>
        %mul3A_519 = arith.mulf %add3A_518, %div3A_504 : vector<16xf32>
        tpu.vector_store_idx %arg11[%add3A_485, %broadcast_in_dim3A_81], %mul3A_519 : memref<1024x8xf32, #tpu.memory_space<vmem>>[vector<16xi32>, vector<16xi32>], vector<16xf32>,
        %gather3A_520 = tpu.vector_load_idx %arg9[%add3A_485, %broadcast_in_dim3A_93] : memref<1024x16xf32, #tpu.memory_space<vmem>>[vector<16xi32>, vector<16xi32>], vector<16xf32>,
        %gather3A_521 = tpu.vector_load_idx %arg9[%add3A_485, %broadcast_in_dim3A_95] : memref<1024x16xf32, #tpu.memory_space<vmem>>[vector<16xi32>, vector<16xi32>], vector<16xf32>,
        %gather3A_522 = tpu.vector_load_idx %arg9[%add3A_485, %broadcast_in_dim3A_97] : memref<1024x16xf32, #tpu.memory_space<vmem>>[vector<16xi32>, vector<16xi32>], vector<16xf32>,
        %gather3A_523 = tpu.vector_load_idx %arg10[%add3A_485, %broadcast_in_dim3A_93] : memref<1024x16xf32, #tpu.memory_space<vmem>>[vector<16xi32>, vector<16xi32>], vector<16xf32>,
        %gather3A_524 = tpu.vector_load_idx %arg10[%add3A_485, %broadcast_in_dim3A_95] : memref<1024x16xf32, #tpu.memory_space<vmem>>[vector<16xi32>, vector<16xi32>], vector<16xf32>,
        %gather3A_525 = tpu.vector_load_idx %arg10[%add3A_485, %broadcast_in_dim3A_97] : memref<1024x16xf32, #tpu.memory_space<vmem>>[vector<16xi32>, vector<16xi32>], vector<16xf32>,
        %sub3A_526 = arith.subf %gather3A_523, %gather3A_520 : vector<16xf32>
        %mul3A_527 = arith.mulf %sub3A_526, %sub3A_491 : vector<16xf32>
        %sub3A_528 = arith.subf %gather3A_524, %gather3A_521 : vector<16xf32>
        %mul3A_529 = arith.mulf %sub3A_528, %sub3A_492 : vector<16xf32>
        %add3A_530 = arith.addf %mul3A_527, %mul3A_529 : vector<16xf32>
        %sub3A_531 = arith.subf %gather3A_525, %gather3A_522 : vector<16xf32>
        %mul3A_532 = arith.mulf %sub3A_531, %sub3A_493 : vector<16xf32>
        %add3A_533 = arith.addf %add3A_530, %mul3A_532 : vector<16xf32>
        %mul3A_534 = arith.mulf %add3A_533, %div3A_504 : vector<16xf32>
        tpu.vector_store_idx %arg11[%add3A_485, %broadcast_in_dim3A_83], %mul3A_534 : memref<1024x8xf32, #tpu.memory_space<vmem>>[vector<16xi32>, vector<16xi32>], vector<16xf32>,
        %gather3A_535 = tpu.vector_load_idx %arg9[%add3A_485, %broadcast_in_dim3A_99] : memref<1024x16xf32, #tpu.memory_space<vmem>>[vector<16xi32>, vector<16xi32>], vector<16xf32>,
        %gather3A_536 = tpu.vector_load_idx %arg9[%add3A_485, %broadcast_in_dim3A_101] : memref<1024x16xf32, #tpu.memory_space<vmem>>[vector<16xi32>, vector<16xi32>], vector<16xf32>,
        %gather3A_537 = tpu.vector_load_idx %arg9[%add3A_485, %broadcast_in_dim3A_103] : memref<1024x16xf32, #tpu.memory_space<vmem>>[vector<16xi32>, vector<16xi32>], vector<16xf32>,
        %gather3A_538 = tpu.vector_load_idx %arg10[%add3A_485, %broadcast_in_dim3A_99] : memref<1024x16xf32, #tpu.memory_space<vmem>>[vector<16xi32>, vector<16xi32>], vector<16xf32>,
        %gather3A_539 = tpu.vector_load_idx %arg10[%add3A_485, %broadcast_in_dim3A_101] : memref<1024x16xf32, #tpu.memory_space<vmem>>[vector<16xi32>, vector<16xi32>], vector<16xf32>,
        %gather3A_540 = tpu.vector_load_idx %arg10[%add3A_485, %broadcast_in_dim3A_103] : memref<1024x16xf32, #tpu.memory_space<vmem>>[vector<16xi32>, vector<16xi32>], vector<16xf32>,
        %sub3A_541 = arith.subf %gather3A_538, %gather3A_535 : vector<16xf32>
        %mul3A_542 = arith.mulf %sub3A_541, %sub3A_491 : vector<16xf32>
        %sub3A_543 = arith.subf %gather3A_539, %gather3A_536 : vector<16xf32>
        %mul3A_544 = arith.mulf %sub3A_543, %sub3A_492 : vector<16xf32>
        %add3A_545 = arith.addf %mul3A_542, %mul3A_544 : vector<16xf32>
        %sub3A_546 = arith.subf %gather3A_540, %gather3A_537 : vector<16xf32>
        %mul3A_547 = arith.mulf %sub3A_546, %sub3A_493 : vector<16xf32>
        %add3A_548 = arith.addf %add3A_545, %mul3A_547 : vector<16xf32>
        %mul3A_549 = arith.mulf %add3A_548, %div3A_504 : vector<16xf32>
        tpu.vector_store_idx %arg11[%add3A_485, %broadcast_in_dim3A_85], %mul3A_549 : memref<1024x8xf32, #tpu.memory_space<vmem>>[vector<16xi32>, vector<16xi32>], vector<16xf32>,
        %scan3A_550 = arith.constant 0 : i32
        scf.yield %scan3A_550 : i32
      }
      %scan3A_471 = arith.constant 64 : i32
      %run_scoped3A = arith.constant 0 : i32
      "tpu.region"() ({
        %run_scoped3A_480 = tpu.sem_alloc : memref<!tpu.dma_semaphore, #tpu.memory_space<semaphore_mem>>
        %dma_start3A_481 = arith.constant 0 : i32
        %dma_start3A_482 = arith.constant 0 : i32
        %dma_start3A_483 = tpu.memref_slice %arg11[%dma_start3A_481, %dma_start3A_482] : memref<1024x8xf32, #tpu.memory_space<vmem>> -> memref<128x8xf32, #tpu.memory_space<vmem>>
        %dma_start3A_484 = arith.constant 0 : i32
        %dma_start3A_485 = tpu.memref_slice %arg8[%run_scoped3A, %dma_start3A_484] : memref<8x128xi32, #tpu.memory_space<vmem>> -> memref<1x128xi32, #tpu.memory_space<vmem>>
        %dma_start3A_486 = tpu.memref_squeeze %dma_start3A_485 : memref<1x128xi32, #tpu.memory_space<vmem>> -> memref<128xi32, #tpu.memory_space<vmem>>
        %dma_start3A_487 = arith.constant 0 : i32
        %dma_start3A_488 = arith.constant 0 : i32
        %dma_start3A_489 = tpu.memref_slice %arg6[%dma_start3A_487, %dma_start3A_488] : memref<114688x8xf32, #tpu.memory_space<vmem_shared>> -> memref<114688x8xf32, #tpu.memory_space<vmem_shared>>
        tpu.enqueue_indirect_dma source(%dma_start3A_483 : memref<128x8xf32, #tpu.memory_space<vmem>>) target(%dma_start3A_489 : memref<114688x8xf32, #tpu.memory_space<vmem_shared>>) offsets(%dma_start3A_486 : memref<128xi32, #tpu.memory_space<vmem>>) semaphore(%run_scoped3A_480 : memref<!tpu.dma_semaphore, #tpu.memory_space<semaphore_mem>>) {add = true}
        %dma_wait3A_490 = arith.constant 0 : i32
        %dma_wait3A_491 = arith.constant 0 : i32
        %dma_wait3A_492 = tpu.memref_slice %arg11[%dma_wait3A_490, %dma_wait3A_491] : memref<1024x8xf32, #tpu.memory_space<vmem>> -> memref<128x8xf32, #tpu.memory_space<vmem>>
        %dma_wait3A_493 = arith.constant 0 : i32
        %dma_wait3A_494 = tpu.memref_slice %arg8[%run_scoped3A, %dma_wait3A_493] : memref<8x128xi32, #tpu.memory_space<vmem>> -> memref<1x128xi32, #tpu.memory_space<vmem>>
        %dma_wait3A_495 = tpu.memref_squeeze %dma_wait3A_494 : memref<1x128xi32, #tpu.memory_space<vmem>> -> memref<128xi32, #tpu.memory_space<vmem>>
        %dma_wait3A_496 = arith.constant 0 : i32
        %dma_wait3A_497 = arith.constant 0 : i32
        %dma_wait3A_498 = tpu.memref_slice %arg6[%dma_wait3A_496, %dma_wait3A_497] : memref<114688x8xf32, #tpu.memory_space<vmem_shared>> -> memref<114688x8xf32, #tpu.memory_space<vmem_shared>>
        tpu.wait_indirect_dma semaphore(%run_scoped3A_480 : memref<!tpu.dma_semaphore, #tpu.memory_space<semaphore_mem>>) src(%dma_wait3A_492 : memref<128x8xf32, #tpu.memory_space<vmem>>) dst(%dma_wait3A_498 : memref<114688x8xf32, #tpu.memory_space<vmem_shared>>)
        tpu.yield
      }) : () -> ()
      %run_scoped3A_472 = arith.constant 1 : i32
      "tpu.region"() ({
        %run_scoped3A_480 = tpu.sem_alloc : memref<!tpu.dma_semaphore, #tpu.memory_space<semaphore_mem>>
        %dma_start3A_481 = arith.constant 128 : i32
        %dma_start3A_482 = arith.constant 0 : i32
        %dma_start3A_483 = tpu.memref_slice %arg11[%dma_start3A_481, %dma_start3A_482] : memref<1024x8xf32, #tpu.memory_space<vmem>> -> memref<128x8xf32, #tpu.memory_space<vmem>>
        %dma_start3A_484 = arith.constant 0 : i32
        %dma_start3A_485 = tpu.memref_slice %arg8[%run_scoped3A_472, %dma_start3A_484] : memref<8x128xi32, #tpu.memory_space<vmem>> -> memref<1x128xi32, #tpu.memory_space<vmem>>
        %dma_start3A_486 = tpu.memref_squeeze %dma_start3A_485 : memref<1x128xi32, #tpu.memory_space<vmem>> -> memref<128xi32, #tpu.memory_space<vmem>>
        %dma_start3A_487 = arith.constant 0 : i32
        %dma_start3A_488 = arith.constant 0 : i32
        %dma_start3A_489 = tpu.memref_slice %arg6[%dma_start3A_487, %dma_start3A_488] : memref<114688x8xf32, #tpu.memory_space<vmem_shared>> -> memref<114688x8xf32, #tpu.memory_space<vmem_shared>>
        tpu.enqueue_indirect_dma source(%dma_start3A_483 : memref<128x8xf32, #tpu.memory_space<vmem>>) target(%dma_start3A_489 : memref<114688x8xf32, #tpu.memory_space<vmem_shared>>) offsets(%dma_start3A_486 : memref<128xi32, #tpu.memory_space<vmem>>) semaphore(%run_scoped3A_480 : memref<!tpu.dma_semaphore, #tpu.memory_space<semaphore_mem>>) {add = true}
        %dma_wait3A_490 = arith.constant 128 : i32
        %dma_wait3A_491 = arith.constant 0 : i32
        %dma_wait3A_492 = tpu.memref_slice %arg11[%dma_wait3A_490, %dma_wait3A_491] : memref<1024x8xf32, #tpu.memory_space<vmem>> -> memref<128x8xf32, #tpu.memory_space<vmem>>
        %dma_wait3A_493 = arith.constant 0 : i32
        %dma_wait3A_494 = tpu.memref_slice %arg8[%run_scoped3A_472, %dma_wait3A_493] : memref<8x128xi32, #tpu.memory_space<vmem>> -> memref<1x128xi32, #tpu.memory_space<vmem>>
        %dma_wait3A_495 = tpu.memref_squeeze %dma_wait3A_494 : memref<1x128xi32, #tpu.memory_space<vmem>> -> memref<128xi32, #tpu.memory_space<vmem>>
        %dma_wait3A_496 = arith.constant 0 : i32
        %dma_wait3A_497 = arith.constant 0 : i32
        %dma_wait3A_498 = tpu.memref_slice %arg6[%dma_wait3A_496, %dma_wait3A_497] : memref<114688x8xf32, #tpu.memory_space<vmem_shared>> -> memref<114688x8xf32, #tpu.memory_space<vmem_shared>>
        tpu.wait_indirect_dma semaphore(%run_scoped3A_480 : memref<!tpu.dma_semaphore, #tpu.memory_space<semaphore_mem>>) src(%dma_wait3A_492 : memref<128x8xf32, #tpu.memory_space<vmem>>) dst(%dma_wait3A_498 : memref<114688x8xf32, #tpu.memory_space<vmem_shared>>)
        tpu.yield
      }) : () -> ()
      %run_scoped3A_473 = arith.constant 2 : i32
      "tpu.region"() ({
        %run_scoped3A_480 = tpu.sem_alloc : memref<!tpu.dma_semaphore, #tpu.memory_space<semaphore_mem>>
        %dma_start3A_481 = arith.constant 256 : i32
        %dma_start3A_482 = arith.constant 0 : i32
        %dma_start3A_483 = tpu.memref_slice %arg11[%dma_start3A_481, %dma_start3A_482] : memref<1024x8xf32, #tpu.memory_space<vmem>> -> memref<128x8xf32, #tpu.memory_space<vmem>>
        %dma_start3A_484 = arith.constant 0 : i32
        %dma_start3A_485 = tpu.memref_slice %arg8[%run_scoped3A_473, %dma_start3A_484] : memref<8x128xi32, #tpu.memory_space<vmem>> -> memref<1x128xi32, #tpu.memory_space<vmem>>
        %dma_start3A_486 = tpu.memref_squeeze %dma_start3A_485 : memref<1x128xi32, #tpu.memory_space<vmem>> -> memref<128xi32, #tpu.memory_space<vmem>>
        %dma_start3A_487 = arith.constant 0 : i32
        %dma_start3A_488 = arith.constant 0 : i32
        %dma_start3A_489 = tpu.memref_slice %arg6[%dma_start3A_487, %dma_start3A_488] : memref<114688x8xf32, #tpu.memory_space<vmem_shared>> -> memref<114688x8xf32, #tpu.memory_space<vmem_shared>>
        tpu.enqueue_indirect_dma source(%dma_start3A_483 : memref<128x8xf32, #tpu.memory_space<vmem>>) target(%dma_start3A_489 : memref<114688x8xf32, #tpu.memory_space<vmem_shared>>) offsets(%dma_start3A_486 : memref<128xi32, #tpu.memory_space<vmem>>) semaphore(%run_scoped3A_480 : memref<!tpu.dma_semaphore, #tpu.memory_space<semaphore_mem>>) {add = true}
        %dma_wait3A_490 = arith.constant 256 : i32
        %dma_wait3A_491 = arith.constant 0 : i32
        %dma_wait3A_492 = tpu.memref_slice %arg11[%dma_wait3A_490, %dma_wait3A_491] : memref<1024x8xf32, #tpu.memory_space<vmem>> -> memref<128x8xf32, #tpu.memory_space<vmem>>
        %dma_wait3A_493 = arith.constant 0 : i32
        %dma_wait3A_494 = tpu.memref_slice %arg8[%run_scoped3A_473, %dma_wait3A_493] : memref<8x128xi32, #tpu.memory_space<vmem>> -> memref<1x128xi32, #tpu.memory_space<vmem>>
        %dma_wait3A_495 = tpu.memref_squeeze %dma_wait3A_494 : memref<1x128xi32, #tpu.memory_space<vmem>> -> memref<128xi32, #tpu.memory_space<vmem>>
        %dma_wait3A_496 = arith.constant 0 : i32
        %dma_wait3A_497 = arith.constant 0 : i32
        %dma_wait3A_498 = tpu.memref_slice %arg6[%dma_wait3A_496, %dma_wait3A_497] : memref<114688x8xf32, #tpu.memory_space<vmem_shared>> -> memref<114688x8xf32, #tpu.memory_space<vmem_shared>>
        tpu.wait_indirect_dma semaphore(%run_scoped3A_480 : memref<!tpu.dma_semaphore, #tpu.memory_space<semaphore_mem>>) src(%dma_wait3A_492 : memref<128x8xf32, #tpu.memory_space<vmem>>) dst(%dma_wait3A_498 : memref<114688x8xf32, #tpu.memory_space<vmem_shared>>)
        tpu.yield
      }) : () -> ()
      %run_scoped3A_474 = arith.constant 3 : i32
      "tpu.region"() ({
        %run_scoped3A_480 = tpu.sem_alloc : memref<!tpu.dma_semaphore, #tpu.memory_space<semaphore_mem>>
        %dma_start3A_481 = arith.constant 384 : i32
        %dma_start3A_482 = arith.constant 0 : i32
        %dma_start3A_483 = tpu.memref_slice %arg11[%dma_start3A_481, %dma_start3A_482] : memref<1024x8xf32, #tpu.memory_space<vmem>> -> memref<128x8xf32, #tpu.memory_space<vmem>>
        %dma_start3A_484 = arith.constant 0 : i32
        %dma_start3A_485 = tpu.memref_slice %arg8[%run_scoped3A_474, %dma_start3A_484] : memref<8x128xi32, #tpu.memory_space<vmem>> -> memref<1x128xi32, #tpu.memory_space<vmem>>
        %dma_start3A_486 = tpu.memref_squeeze %dma_start3A_485 : memref<1x128xi32, #tpu.memory_space<vmem>> -> memref<128xi32, #tpu.memory_space<vmem>>
        %dma_start3A_487 = arith.constant 0 : i32
        %dma_start3A_488 = arith.constant 0 : i32
        %dma_start3A_489 = tpu.memref_slice %arg6[%dma_start3A_487, %dma_start3A_488] : memref<114688x8xf32, #tpu.memory_space<vmem_shared>> -> memref<114688x8xf32, #tpu.memory_space<vmem_shared>>
        tpu.enqueue_indirect_dma source(%dma_start3A_483 : memref<128x8xf32, #tpu.memory_space<vmem>>) target(%dma_start3A_489 : memref<114688x8xf32, #tpu.memory_space<vmem_shared>>) offsets(%dma_start3A_486 : memref<128xi32, #tpu.memory_space<vmem>>) semaphore(%run_scoped3A_480 : memref<!tpu.dma_semaphore, #tpu.memory_space<semaphore_mem>>) {add = true}
        %dma_wait3A_490 = arith.constant 384 : i32
        %dma_wait3A_491 = arith.constant 0 : i32
        %dma_wait3A_492 = tpu.memref_slice %arg11[%dma_wait3A_490, %dma_wait3A_491] : memref<1024x8xf32, #tpu.memory_space<vmem>> -> memref<128x8xf32, #tpu.memory_space<vmem>>
        %dma_wait3A_493 = arith.constant 0 : i32
        %dma_wait3A_494 = tpu.memref_slice %arg8[%run_scoped3A_474, %dma_wait3A_493] : memref<8x128xi32, #tpu.memory_space<vmem>> -> memref<1x128xi32, #tpu.memory_space<vmem>>
        %dma_wait3A_495 = tpu.memref_squeeze %dma_wait3A_494 : memref<1x128xi32, #tpu.memory_space<vmem>> -> memref<128xi32, #tpu.memory_space<vmem>>
        %dma_wait3A_496 = arith.constant 0 : i32
        %dma_wait3A_497 = arith.constant 0 : i32
        %dma_wait3A_498 = tpu.memref_slice %arg6[%dma_wait3A_496, %dma_wait3A_497] : memref<114688x8xf32, #tpu.memory_space<vmem_shared>> -> memref<114688x8xf32, #tpu.memory_space<vmem_shared>>
        tpu.wait_indirect_dma semaphore(%run_scoped3A_480 : memref<!tpu.dma_semaphore, #tpu.memory_space<semaphore_mem>>) src(%dma_wait3A_492 : memref<128x8xf32, #tpu.memory_space<vmem>>) dst(%dma_wait3A_498 : memref<114688x8xf32, #tpu.memory_space<vmem_shared>>)
        tpu.yield
      }) : () -> ()
      %run_scoped3A_475 = arith.constant 4 : i32
      "tpu.region"() ({
        %run_scoped3A_480 = tpu.sem_alloc : memref<!tpu.dma_semaphore, #tpu.memory_space<semaphore_mem>>
        %dma_start3A_481 = arith.constant 512 : i32
        %dma_start3A_482 = arith.constant 0 : i32
        %dma_start3A_483 = tpu.memref_slice %arg11[%dma_start3A_481, %dma_start3A_482] : memref<1024x8xf32, #tpu.memory_space<vmem>> -> memref<128x8xf32, #tpu.memory_space<vmem>>
        %dma_start3A_484 = arith.constant 0 : i32
        %dma_start3A_485 = tpu.memref_slice %arg8[%run_scoped3A_475, %dma_start3A_484] : memref<8x128xi32, #tpu.memory_space<vmem>> -> memref<1x128xi32, #tpu.memory_space<vmem>>
        %dma_start3A_486 = tpu.memref_squeeze %dma_start3A_485 : memref<1x128xi32, #tpu.memory_space<vmem>> -> memref<128xi32, #tpu.memory_space<vmem>>
        %dma_start3A_487 = arith.constant 0 : i32
        %dma_start3A_488 = arith.constant 0 : i32
        %dma_start3A_489 = tpu.memref_slice %arg6[%dma_start3A_487, %dma_start3A_488] : memref<114688x8xf32, #tpu.memory_space<vmem_shared>> -> memref<114688x8xf32, #tpu.memory_space<vmem_shared>>
        tpu.enqueue_indirect_dma source(%dma_start3A_483 : memref<128x8xf32, #tpu.memory_space<vmem>>) target(%dma_start3A_489 : memref<114688x8xf32, #tpu.memory_space<vmem_shared>>) offsets(%dma_start3A_486 : memref<128xi32, #tpu.memory_space<vmem>>) semaphore(%run_scoped3A_480 : memref<!tpu.dma_semaphore, #tpu.memory_space<semaphore_mem>>) {add = true}
        %dma_wait3A_490 = arith.constant 512 : i32
        %dma_wait3A_491 = arith.constant 0 : i32
        %dma_wait3A_492 = tpu.memref_slice %arg11[%dma_wait3A_490, %dma_wait3A_491] : memref<1024x8xf32, #tpu.memory_space<vmem>> -> memref<128x8xf32, #tpu.memory_space<vmem>>
        %dma_wait3A_493 = arith.constant 0 : i32
        %dma_wait3A_494 = tpu.memref_slice %arg8[%run_scoped3A_475, %dma_wait3A_493] : memref<8x128xi32, #tpu.memory_space<vmem>> -> memref<1x128xi32, #tpu.memory_space<vmem>>
        %dma_wait3A_495 = tpu.memref_squeeze %dma_wait3A_494 : memref<1x128xi32, #tpu.memory_space<vmem>> -> memref<128xi32, #tpu.memory_space<vmem>>
        %dma_wait3A_496 = arith.constant 0 : i32
        %dma_wait3A_497 = arith.constant 0 : i32
        %dma_wait3A_498 = tpu.memref_slice %arg6[%dma_wait3A_496, %dma_wait3A_497] : memref<114688x8xf32, #tpu.memory_space<vmem_shared>> -> memref<114688x8xf32, #tpu.memory_space<vmem_shared>>
        tpu.wait_indirect_dma semaphore(%run_scoped3A_480 : memref<!tpu.dma_semaphore, #tpu.memory_space<semaphore_mem>>) src(%dma_wait3A_492 : memref<128x8xf32, #tpu.memory_space<vmem>>) dst(%dma_wait3A_498 : memref<114688x8xf32, #tpu.memory_space<vmem_shared>>)
        tpu.yield
      }) : () -> ()
      %run_scoped3A_476 = arith.constant 5 : i32
      "tpu.region"() ({
        %run_scoped3A_480 = tpu.sem_alloc : memref<!tpu.dma_semaphore, #tpu.memory_space<semaphore_mem>>
        %dma_start3A_481 = arith.constant 640 : i32
        %dma_start3A_482 = arith.constant 0 : i32
        %dma_start3A_483 = tpu.memref_slice %arg11[%dma_start3A_481, %dma_start3A_482] : memref<1024x8xf32, #tpu.memory_space<vmem>> -> memref<128x8xf32, #tpu.memory_space<vmem>>
        %dma_start3A_484 = arith.constant 0 : i32
        %dma_start3A_485 = tpu.memref_slice %arg8[%run_scoped3A_476, %dma_start3A_484] : memref<8x128xi32, #tpu.memory_space<vmem>> -> memref<1x128xi32, #tpu.memory_space<vmem>>
        %dma_start3A_486 = tpu.memref_squeeze %dma_start3A_485 : memref<1x128xi32, #tpu.memory_space<vmem>> -> memref<128xi32, #tpu.memory_space<vmem>>
        %dma_start3A_487 = arith.constant 0 : i32
        %dma_start3A_488 = arith.constant 0 : i32
        %dma_start3A_489 = tpu.memref_slice %arg6[%dma_start3A_487, %dma_start3A_488] : memref<114688x8xf32, #tpu.memory_space<vmem_shared>> -> memref<114688x8xf32, #tpu.memory_space<vmem_shared>>
        tpu.enqueue_indirect_dma source(%dma_start3A_483 : memref<128x8xf32, #tpu.memory_space<vmem>>) target(%dma_start3A_489 : memref<114688x8xf32, #tpu.memory_space<vmem_shared>>) offsets(%dma_start3A_486 : memref<128xi32, #tpu.memory_space<vmem>>) semaphore(%run_scoped3A_480 : memref<!tpu.dma_semaphore, #tpu.memory_space<semaphore_mem>>) {add = true}
        %dma_wait3A_490 = arith.constant 640 : i32
        %dma_wait3A_491 = arith.constant 0 : i32
        %dma_wait3A_492 = tpu.memref_slice %arg11[%dma_wait3A_490, %dma_wait3A_491] : memref<1024x8xf32, #tpu.memory_space<vmem>> -> memref<128x8xf32, #tpu.memory_space<vmem>>
        %dma_wait3A_493 = arith.constant 0 : i32
        %dma_wait3A_494 = tpu.memref_slice %arg8[%run_scoped3A_476, %dma_wait3A_493] : memref<8x128xi32, #tpu.memory_space<vmem>> -> memref<1x128xi32, #tpu.memory_space<vmem>>
        %dma_wait3A_495 = tpu.memref_squeeze %dma_wait3A_494 : memref<1x128xi32, #tpu.memory_space<vmem>> -> memref<128xi32, #tpu.memory_space<vmem>>
        %dma_wait3A_496 = arith.constant 0 : i32
        %dma_wait3A_497 = arith.constant 0 : i32
        %dma_wait3A_498 = tpu.memref_slice %arg6[%dma_wait3A_496, %dma_wait3A_497] : memref<114688x8xf32, #tpu.memory_space<vmem_shared>> -> memref<114688x8xf32, #tpu.memory_space<vmem_shared>>
        tpu.wait_indirect_dma semaphore(%run_scoped3A_480 : memref<!tpu.dma_semaphore, #tpu.memory_space<semaphore_mem>>) src(%dma_wait3A_492 : memref<128x8xf32, #tpu.memory_space<vmem>>) dst(%dma_wait3A_498 : memref<114688x8xf32, #tpu.memory_space<vmem_shared>>)
        tpu.yield
      }) : () -> ()
      %run_scoped3A_477 = arith.constant 6 : i32
      "tpu.region"() ({
        %run_scoped3A_480 = tpu.sem_alloc : memref<!tpu.dma_semaphore, #tpu.memory_space<semaphore_mem>>
        %dma_start3A_481 = arith.constant 768 : i32
        %dma_start3A_482 = arith.constant 0 : i32
        %dma_start3A_483 = tpu.memref_slice %arg11[%dma_start3A_481, %dma_start3A_482] : memref<1024x8xf32, #tpu.memory_space<vmem>> -> memref<128x8xf32, #tpu.memory_space<vmem>>
        %dma_start3A_484 = arith.constant 0 : i32
        %dma_start3A_485 = tpu.memref_slice %arg8[%run_scoped3A_477, %dma_start3A_484] : memref<8x128xi32, #tpu.memory_space<vmem>> -> memref<1x128xi32, #tpu.memory_space<vmem>>
        %dma_start3A_486 = tpu.memref_squeeze %dma_start3A_485 : memref<1x128xi32, #tpu.memory_space<vmem>> -> memref<128xi32, #tpu.memory_space<vmem>>
        %dma_start3A_487 = arith.constant 0 : i32
        %dma_start3A_488 = arith.constant 0 : i32
        %dma_start3A_489 = tpu.memref_slice %arg6[%dma_start3A_487, %dma_start3A_488] : memref<114688x8xf32, #tpu.memory_space<vmem_shared>> -> memref<114688x8xf32, #tpu.memory_space<vmem_shared>>
        tpu.enqueue_indirect_dma source(%dma_start3A_483 : memref<128x8xf32, #tpu.memory_space<vmem>>) target(%dma_start3A_489 : memref<114688x8xf32, #tpu.memory_space<vmem_shared>>) offsets(%dma_start3A_486 : memref<128xi32, #tpu.memory_space<vmem>>) semaphore(%run_scoped3A_480 : memref<!tpu.dma_semaphore, #tpu.memory_space<semaphore_mem>>) {add = true}
        %dma_wait3A_490 = arith.constant 768 : i32
        %dma_wait3A_491 = arith.constant 0 : i32
        %dma_wait3A_492 = tpu.memref_slice %arg11[%dma_wait3A_490, %dma_wait3A_491] : memref<1024x8xf32, #tpu.memory_space<vmem>> -> memref<128x8xf32, #tpu.memory_space<vmem>>
        %dma_wait3A_493 = arith.constant 0 : i32
        %dma_wait3A_494 = tpu.memref_slice %arg8[%run_scoped3A_477, %dma_wait3A_493] : memref<8x128xi32, #tpu.memory_space<vmem>> -> memref<1x128xi32, #tpu.memory_space<vmem>>
        %dma_wait3A_495 = tpu.memref_squeeze %dma_wait3A_494 : memref<1x128xi32, #tpu.memory_space<vmem>> -> memref<128xi32, #tpu.memory_space<vmem>>
        %dma_wait3A_496 = arith.constant 0 : i32
        %dma_wait3A_497 = arith.constant 0 : i32
        %dma_wait3A_498 = tpu.memref_slice %arg6[%dma_wait3A_496, %dma_wait3A_497] : memref<114688x8xf32, #tpu.memory_space<vmem_shared>> -> memref<114688x8xf32, #tpu.memory_space<vmem_shared>>
        tpu.wait_indirect_dma semaphore(%run_scoped3A_480 : memref<!tpu.dma_semaphore, #tpu.memory_space<semaphore_mem>>) src(%dma_wait3A_492 : memref<128x8xf32, #tpu.memory_space<vmem>>) dst(%dma_wait3A_498 : memref<114688x8xf32, #tpu.memory_space<vmem_shared>>)
        tpu.yield
      }) : () -> ()
      %run_scoped3A_478 = arith.constant 7 : i32
      "tpu.region"() ({
        %run_scoped3A_480 = tpu.sem_alloc : memref<!tpu.dma_semaphore, #tpu.memory_space<semaphore_mem>>
        %dma_start3A_481 = arith.constant 896 : i32
        %dma_start3A_482 = arith.constant 0 : i32
        %dma_start3A_483 = tpu.memref_slice %arg11[%dma_start3A_481, %dma_start3A_482] : memref<1024x8xf32, #tpu.memory_space<vmem>> -> memref<128x8xf32, #tpu.memory_space<vmem>>
        %dma_start3A_484 = arith.constant 0 : i32
        %dma_start3A_485 = tpu.memref_slice %arg8[%run_scoped3A_478, %dma_start3A_484] : memref<8x128xi32, #tpu.memory_space<vmem>> -> memref<1x128xi32, #tpu.memory_space<vmem>>
        %dma_start3A_486 = tpu.memref_squeeze %dma_start3A_485 : memref<1x128xi32, #tpu.memory_space<vmem>> -> memref<128xi32, #tpu.memory_space<vmem>>
        %dma_start3A_487 = arith.constant 0 : i32
        %dma_start3A_488 = arith.constant 0 : i32
        %dma_start3A_489 = tpu.memref_slice %arg6[%dma_start3A_487, %dma_start3A_488] : memref<114688x8xf32, #tpu.memory_space<vmem_shared>> -> memref<114688x8xf32, #tpu.memory_space<vmem_shared>>
        tpu.enqueue_indirect_dma source(%dma_start3A_483 : memref<128x8xf32, #tpu.memory_space<vmem>>) target(%dma_start3A_489 : memref<114688x8xf32, #tpu.memory_space<vmem_shared>>) offsets(%dma_start3A_486 : memref<128xi32, #tpu.memory_space<vmem>>) semaphore(%run_scoped3A_480 : memref<!tpu.dma_semaphore, #tpu.memory_space<semaphore_mem>>) {add = true}
        %dma_wait3A_490 = arith.constant 896 : i32
        %dma_wait3A_491 = arith.constant 0 : i32
        %dma_wait3A_492 = tpu.memref_slice %arg11[%dma_wait3A_490, %dma_wait3A_491] : memref<1024x8xf32, #tpu.memory_space<vmem>> -> memref<128x8xf32, #tpu.memory_space<vmem>>
        %dma_wait3A_493 = arith.constant 0 : i32
        %dma_wait3A_494 = tpu.memref_slice %arg8[%run_scoped3A_478, %dma_wait3A_493] : memref<8x128xi32, #tpu.memory_space<vmem>> -> memref<1x128xi32, #tpu.memory_space<vmem>>
        %dma_wait3A_495 = tpu.memref_squeeze %dma_wait3A_494 : memref<1x128xi32, #tpu.memory_space<vmem>> -> memref<128xi32, #tpu.memory_space<vmem>>
        %dma_wait3A_496 = arith.constant 0 : i32
        %dma_wait3A_497 = arith.constant 0 : i32
        %dma_wait3A_498 = tpu.memref_slice %arg6[%dma_wait3A_496, %dma_wait3A_497] : memref<114688x8xf32, #tpu.memory_space<vmem_shared>> -> memref<114688x8xf32, #tpu.memory_space<vmem_shared>>
        tpu.wait_indirect_dma semaphore(%run_scoped3A_480 : memref<!tpu.dma_semaphore, #tpu.memory_space<semaphore_mem>>) src(%dma_wait3A_492 : memref<128x8xf32, #tpu.memory_space<vmem>>) dst(%dma_wait3A_498 : memref<114688x8xf32, #tpu.memory_space<vmem_shared>>)
        tpu.yield
      }) : () -> ()
      %scan3A_479 = arith.constant 0 : i32
      scf.yield %scan3A_479 : i32
    }
    %scan3A_110 = arith.constant 98 : i32
    %barrier3A_111 = arith.constant 0 : index
    tpu.barrier barrier_id(%barrier3A_111)
    %mul3A_112 = arith.constant 7168 : i32
    %mul3A_113 = arith.muli %arg1, %mul3A_112 : i32
    %add3A_114 = arith.constant 0 : i32
    %add3A_115 = arith.addi %mul3A_113, %add3A_114 : i32
    "tpu.region"() ({
      %run_scoped3A = tpu.sem_alloc : memref<!tpu.dma_semaphore, #tpu.memory_space<semaphore_mem>>
      %dma_start3A = arith.constant 0 : i32
      %dma_start3A_140 = tpu.memref_slice %arg6[%add3A_115, %dma_start3A] : memref<114688x8xf32, #tpu.memory_space<vmem_shared>> -> memref<1024x8xf32, #tpu.memory_space<vmem_shared>>
      %dma_start3A_141 = arith.constant 0 : i32
      %dma_start3A_142 = tpu.memref_slice %arg6[%add3A_115, %dma_start3A_141] : memref<114688x8xf32, #tpu.memory_space<vmem_shared>> -> memref<1024x8xf32, #tpu.memory_space<vmem_shared>>
      tpu.enqueue_dma source(%dma_start3A_142 : memref<1024x8xf32, #tpu.memory_space<vmem_shared>>) target(%arg11 : memref<1024x8xf32, #tpu.memory_space<vmem>>) target_semaphore(%run_scoped3A : memref<!tpu.dma_semaphore, #tpu.memory_space<semaphore_mem>>)
      %dma_wait3A = arith.constant 0 : i32
      %dma_wait3A_143 = tpu.memref_slice %arg6[%add3A_115, %dma_wait3A] : memref<114688x8xf32, #tpu.memory_space<vmem_shared>> -> memref<1024x8xf32, #tpu.memory_space<vmem_shared>>
      %dma_wait3A_144 = arith.constant 0 : i32
      %dma_wait3A_145 = tpu.memref_slice %arg6[%add3A_115, %dma_wait3A_144] : memref<114688x8xf32, #tpu.memory_space<vmem_shared>> -> memref<1024x8xf32, #tpu.memory_space<vmem_shared>>
      tpu.wait_dma2 semaphore(%run_scoped3A : memref<!tpu.dma_semaphore, #tpu.memory_space<semaphore_mem>>) src(%dma_wait3A_145 : memref<1024x8xf32, #tpu.memory_space<vmem_shared>>) dst(%arg11 : memref<1024x8xf32, #tpu.memory_space<vmem>>)
      tpu.yield
    }) : () -> ()
    "tpu.region"() ({
      %run_scoped3A = tpu.sem_alloc : memref<!tpu.dma_semaphore, #tpu.memory_space<semaphore_mem>>
      %dma_start3A = arith.constant 0 : i32
      %dma_start3A_140 = tpu.memref_slice %arg5[%arg0, %add3A_115, %dma_start3A] : memref<2x114688x8xf32, #tpu.memory_space<hbm>> -> memref<1x1024x8xf32, #tpu.memory_space<hbm>>
      %dma_start3A_141 = tpu.memref_squeeze %dma_start3A_140 : memref<1x1024x8xf32, #tpu.memory_space<hbm>> -> memref<1024x8xf32, #tpu.memory_space<hbm>>
      %dma_start3A_142 = arith.constant 0 : i32
      %dma_start3A_143 = tpu.memref_slice %arg5[%arg0, %add3A_115, %dma_start3A_142] : memref<2x114688x8xf32, #tpu.memory_space<hbm>> -> memref<1x1024x8xf32, #tpu.memory_space<hbm>>
      %dma_start3A_144 = tpu.memref_squeeze %dma_start3A_143 : memref<1x1024x8xf32, #tpu.memory_space<hbm>> -> memref<1024x8xf32, #tpu.memory_space<hbm>>
      tpu.enqueue_dma source(%arg11 : memref<1024x8xf32, #tpu.memory_space<vmem>>) target(%dma_start3A_144 : memref<1024x8xf32, #tpu.memory_space<hbm>>) target_semaphore(%run_scoped3A : memref<!tpu.dma_semaphore, #tpu.memory_space<semaphore_mem>>)
      %dma_wait3A = arith.constant 0 : i32
      %dma_wait3A_145 = tpu.memref_slice %arg5[%arg0, %add3A_115, %dma_wait3A] : memref<2x114688x8xf32, #tpu.memory_space<hbm>> -> memref<1x1024x8xf32, #tpu.memory_space<hbm>>
      %dma_wait3A_146 = tpu.memref_squeeze %dma_wait3A_145 : memref<1x1024x8xf32, #tpu.memory_space<hbm>> -> memref<1024x8xf32, #tpu.memory_space<hbm>>
      %dma_wait3A_147 = arith.constant 0 : i32
      %dma_wait3A_148 = tpu.memref_slice %arg5[%arg0, %add3A_115, %dma_wait3A_147] : memref<2x114688x8xf32, #tpu.memory_space<hbm>> -> memref<1x1024x8xf32, #tpu.memory_space<hbm>>
      %dma_wait3A_149 = tpu.memref_squeeze %dma_wait3A_148 : memref<1x1024x8xf32, #tpu.memory_space<hbm>> -> memref<1024x8xf32, #tpu.memory_space<hbm>>
      tpu.wait_dma2 semaphore(%run_scoped3A : memref<!tpu.dma_semaphore, #tpu.memory_space<semaphore_mem>>) src(%arg11 : memref<1024x8xf32, #tpu.memory_space<vmem>>) dst(%dma_wait3A_149 : memref<1024x8xf32, #tpu.memory_space<hbm>>)
      tpu.yield
    }) : () -> ()
    %mul3A_116 = arith.constant 7168 : i32
    %mul3A_117 = arith.muli %arg1, %mul3A_116 : i32
    %add3A_118 = arith.constant 1024 : i32
    %add3A_119 = arith.addi %mul3A_117, %add3A_118 : i32
    "tpu.region"() ({
      %run_scoped3A = tpu.sem_alloc : memref<!tpu.dma_semaphore, #tpu.memory_space<semaphore_mem>>
      %dma_start3A = arith.constant 0 : i32
      %dma_start3A_140 = tpu.memref_slice %arg6[%add3A_119, %dma_start3A] : memref<114688x8xf32, #tpu.memory_space<vmem_shared>> -> memref<1024x8xf32, #tpu.memory_space<vmem_shared>>
      %dma_start3A_141 = arith.constant 0 : i32
      %dma_start3A_142 = tpu.memref_slice %arg6[%add3A_119, %dma_start3A_141] : memref<114688x8xf32, #tpu.memory_space<vmem_shared>> -> memref<1024x8xf32, #tpu.memory_space<vmem_shared>>
      tpu.enqueue_dma source(%dma_start3A_142 : memref<1024x8xf32, #tpu.memory_space<vmem_shared>>) target(%arg11 : memref<1024x8xf32, #tpu.memory_space<vmem>>) target_semaphore(%run_scoped3A : memref<!tpu.dma_semaphore, #tpu.memory_space<semaphore_mem>>)
      %dma_wait3A = arith.constant 0 : i32
      %dma_wait3A_143 = tpu.memref_slice %arg6[%add3A_119, %dma_wait3A] : memref<114688x8xf32, #tpu.memory_space<vmem_shared>> -> memref<1024x8xf32, #tpu.memory_space<vmem_shared>>
      %dma_wait3A_144 = arith.constant 0 : i32
      %dma_wait3A_145 = tpu.memref_slice %arg6[%add3A_119, %dma_wait3A_144] : memref<114688x8xf32, #tpu.memory_space<vmem_shared>> -> memref<1024x8xf32, #tpu.memory_space<vmem_shared>>
      tpu.wait_dma2 semaphore(%run_scoped3A : memref<!tpu.dma_semaphore, #tpu.memory_space<semaphore_mem>>) src(%dma_wait3A_145 : memref<1024x8xf32, #tpu.memory_space<vmem_shared>>) dst(%arg11 : memref<1024x8xf32, #tpu.memory_space<vmem>>)
      tpu.yield
    }) : () -> ()
    "tpu.region"() ({
      %run_scoped3A = tpu.sem_alloc : memref<!tpu.dma_semaphore, #tpu.memory_space<semaphore_mem>>
      %dma_start3A = arith.constant 0 : i32
      %dma_start3A_140 = tpu.memref_slice %arg5[%arg0, %add3A_119, %dma_start3A] : memref<2x114688x8xf32, #tpu.memory_space<hbm>> -> memref<1x1024x8xf32, #tpu.memory_space<hbm>>
      %dma_start3A_141 = tpu.memref_squeeze %dma_start3A_140 : memref<1x1024x8xf32, #tpu.memory_space<hbm>> -> memref<1024x8xf32, #tpu.memory_space<hbm>>
      %dma_start3A_142 = arith.constant 0 : i32
      %dma_start3A_143 = tpu.memref_slice %arg5[%arg0, %add3A_119, %dma_start3A_142] : memref<2x114688x8xf32, #tpu.memory_space<hbm>> -> memref<1x1024x8xf32, #tpu.memory_space<hbm>>
      %dma_start3A_144 = tpu.memref_squeeze %dma_start3A_143 : memref<1x1024x8xf32, #tpu.memory_space<hbm>> -> memref<1024x8xf32, #tpu.memory_space<hbm>>
      tpu.enqueue_dma source(%arg11 : memref<1024x8xf32, #tpu.memory_space<vmem>>) target(%dma_start3A_144 : memref<1024x8xf32, #tpu.memory_space<hbm>>) target_semaphore(%run_scoped3A : memref<!tpu.dma_semaphore, #tpu.memory_space<semaphore_mem>>)
      %dma_wait3A = arith.constant 0 : i32
      %dma_wait3A_145 = tpu.memref_slice %arg5[%arg0, %add3A_119, %dma_wait3A] : memref<2x114688x8xf32, #tpu.memory_space<hbm>> -> memref<1x1024x8xf32, #tpu.memory_space<hbm>>
      %dma_wait3A_146 = tpu.memref_squeeze %dma_wait3A_145 : memref<1x1024x8xf32, #tpu.memory_space<hbm>> -> memref<1024x8xf32, #tpu.memory_space<hbm>>
      %dma_wait3A_147 = arith.constant 0 : i32
      %dma_wait3A_148 = tpu.memref_slice %arg5[%arg0, %add3A_119, %dma_wait3A_147] : memref<2x114688x8xf32, #tpu.memory_space<hbm>> -> memref<1x1024x8xf32, #tpu.memory_space<hbm>>
      %dma_wait3A_149 = tpu.memref_squeeze %dma_wait3A_148 : memref<1x1024x8xf32, #tpu.memory_space<hbm>> -> memref<1024x8xf32, #tpu.memory_space<hbm>>
      tpu.wait_dma2 semaphore(%run_scoped3A : memref<!tpu.dma_semaphore, #tpu.memory_space<semaphore_mem>>) src(%arg11 : memref<1024x8xf32, #tpu.memory_space<vmem>>) dst(%dma_wait3A_149 : memref<1024x8xf32, #tpu.memory_space<hbm>>)
      tpu.yield
    }) : () -> ()
    %mul3A_120 = arith.constant 7168 : i32
    %mul3A_121 = arith.muli %arg1, %mul3A_120 : i32
    %add3A_122 = arith.constant 2048 : i32
    %add3A_123 = arith.addi %mul3A_121, %add3A_122 : i32
    "tpu.region"() ({
      %run_scoped3A = tpu.sem_alloc : memref<!tpu.dma_semaphore, #tpu.memory_space<semaphore_mem>>
      %dma_start3A = arith.constant 0 : i32
      %dma_start3A_140 = tpu.memref_slice %arg6[%add3A_123, %dma_start3A] : memref<114688x8xf32, #tpu.memory_space<vmem_shared>> -> memref<1024x8xf32, #tpu.memory_space<vmem_shared>>
      %dma_start3A_141 = arith.constant 0 : i32
      %dma_start3A_142 = tpu.memref_slice %arg6[%add3A_123, %dma_start3A_141] : memref<114688x8xf32, #tpu.memory_space<vmem_shared>> -> memref<1024x8xf32, #tpu.memory_space<vmem_shared>>
      tpu.enqueue_dma source(%dma_start3A_142 : memref<1024x8xf32, #tpu.memory_space<vmem_shared>>) target(%arg11 : memref<1024x8xf32, #tpu.memory_space<vmem>>) target_semaphore(%run_scoped3A : memref<!tpu.dma_semaphore, #tpu.memory_space<semaphore_mem>>)
      %dma_wait3A = arith.constant 0 : i32
      %dma_wait3A_143 = tpu.memref_slice %arg6[%add3A_123, %dma_wait3A] : memref<114688x8xf32, #tpu.memory_space<vmem_shared>> -> memref<1024x8xf32, #tpu.memory_space<vmem_shared>>
      %dma_wait3A_144 = arith.constant 0 : i32
      %dma_wait3A_145 = tpu.memref_slice %arg6[%add3A_123, %dma_wait3A_144] : memref<114688x8xf32, #tpu.memory_space<vmem_shared>> -> memref<1024x8xf32, #tpu.memory_space<vmem_shared>>
      tpu.wait_dma2 semaphore(%run_scoped3A : memref<!tpu.dma_semaphore, #tpu.memory_space<semaphore_mem>>) src(%dma_wait3A_145 : memref<1024x8xf32, #tpu.memory_space<vmem_shared>>) dst(%arg11 : memref<1024x8xf32, #tpu.memory_space<vmem>>)
      tpu.yield
    }) : () -> ()
    "tpu.region"() ({
      %run_scoped3A = tpu.sem_alloc : memref<!tpu.dma_semaphore, #tpu.memory_space<semaphore_mem>>
      %dma_start3A = arith.constant 0 : i32
      %dma_start3A_140 = tpu.memref_slice %arg5[%arg0, %add3A_123, %dma_start3A] : memref<2x114688x8xf32, #tpu.memory_space<hbm>> -> memref<1x1024x8xf32, #tpu.memory_space<hbm>>
      %dma_start3A_141 = tpu.memref_squeeze %dma_start3A_140 : memref<1x1024x8xf32, #tpu.memory_space<hbm>> -> memref<1024x8xf32, #tpu.memory_space<hbm>>
      %dma_start3A_142 = arith.constant 0 : i32
      %dma_start3A_143 = tpu.memref_slice %arg5[%arg0, %add3A_123, %dma_start3A_142] : memref<2x114688x8xf32, #tpu.memory_space<hbm>> -> memref<1x1024x8xf32, #tpu.memory_space<hbm>>
      %dma_start3A_144 = tpu.memref_squeeze %dma_start3A_143 : memref<1x1024x8xf32, #tpu.memory_space<hbm>> -> memref<1024x8xf32, #tpu.memory_space<hbm>>
      tpu.enqueue_dma source(%arg11 : memref<1024x8xf32, #tpu.memory_space<vmem>>) target(%dma_start3A_144 : memref<1024x8xf32, #tpu.memory_space<hbm>>) target_semaphore(%run_scoped3A : memref<!tpu.dma_semaphore, #tpu.memory_space<semaphore_mem>>)
      %dma_wait3A = arith.constant 0 : i32
      %dma_wait3A_145 = tpu.memref_slice %arg5[%arg0, %add3A_123, %dma_wait3A] : memref<2x114688x8xf32, #tpu.memory_space<hbm>> -> memref<1x1024x8xf32, #tpu.memory_space<hbm>>
      %dma_wait3A_146 = tpu.memref_squeeze %dma_wait3A_145 : memref<1x1024x8xf32, #tpu.memory_space<hbm>> -> memref<1024x8xf32, #tpu.memory_space<hbm>>
      %dma_wait3A_147 = arith.constant 0 : i32
      %dma_wait3A_148 = tpu.memref_slice %arg5[%arg0, %add3A_123, %dma_wait3A_147] : memref<2x114688x8xf32, #tpu.memory_space<hbm>> -> memref<1x1024x8xf32, #tpu.memory_space<hbm>>
      %dma_wait3A_149 = tpu.memref_squeeze %dma_wait3A_148 : memref<1x1024x8xf32, #tpu.memory_space<hbm>> -> memref<1024x8xf32, #tpu.memory_space<hbm>>
      tpu.wait_dma2 semaphore(%run_scoped3A : memref<!tpu.dma_semaphore, #tpu.memory_space<semaphore_mem>>) src(%arg11 : memref<1024x8xf32, #tpu.memory_space<vmem>>) dst(%dma_wait3A_149 : memref<1024x8xf32, #tpu.memory_space<hbm>>)
      tpu.yield
    }) : () -> ()
    %mul3A_124 = arith.constant 7168 : i32
    %mul3A_125 = arith.muli %arg1, %mul3A_124 : i32
    %add3A_126 = arith.constant 3072 : i32
    %add3A_127 = arith.addi %mul3A_125, %add3A_126 : i32
    "tpu.region"() ({
      %run_scoped3A = tpu.sem_alloc : memref<!tpu.dma_semaphore, #tpu.memory_space<semaphore_mem>>
      %dma_start3A = arith.constant 0 : i32
      %dma_start3A_140 = tpu.memref_slice %arg6[%add3A_127, %dma_start3A] : memref<114688x8xf32, #tpu.memory_space<vmem_shared>> -> memref<1024x8xf32, #tpu.memory_space<vmem_shared>>
      %dma_start3A_141 = arith.constant 0 : i32
      %dma_start3A_142 = tpu.memref_slice %arg6[%add3A_127, %dma_start3A_141] : memref<114688x8xf32, #tpu.memory_space<vmem_shared>> -> memref<1024x8xf32, #tpu.memory_space<vmem_shared>>
      tpu.enqueue_dma source(%dma_start3A_142 : memref<1024x8xf32, #tpu.memory_space<vmem_shared>>) target(%arg11 : memref<1024x8xf32, #tpu.memory_space<vmem>>) target_semaphore(%run_scoped3A : memref<!tpu.dma_semaphore, #tpu.memory_space<semaphore_mem>>)
      %dma_wait3A = arith.constant 0 : i32
      %dma_wait3A_143 = tpu.memref_slice %arg6[%add3A_127, %dma_wait3A] : memref<114688x8xf32, #tpu.memory_space<vmem_shared>> -> memref<1024x8xf32, #tpu.memory_space<vmem_shared>>
      %dma_wait3A_144 = arith.constant 0 : i32
      %dma_wait3A_145 = tpu.memref_slice %arg6[%add3A_127, %dma_wait3A_144] : memref<114688x8xf32, #tpu.memory_space<vmem_shared>> -> memref<1024x8xf32, #tpu.memory_space<vmem_shared>>
      tpu.wait_dma2 semaphore(%run_scoped3A : memref<!tpu.dma_semaphore, #tpu.memory_space<semaphore_mem>>) src(%dma_wait3A_145 : memref<1024x8xf32, #tpu.memory_space<vmem_shared>>) dst(%arg11 : memref<1024x8xf32, #tpu.memory_space<vmem>>)
      tpu.yield
    }) : () -> ()
    "tpu.region"() ({
      %run_scoped3A = tpu.sem_alloc : memref<!tpu.dma_semaphore, #tpu.memory_space<semaphore_mem>>
      %dma_start3A = arith.constant 0 : i32
      %dma_start3A_140 = tpu.memref_slice %arg5[%arg0, %add3A_127, %dma_start3A] : memref<2x114688x8xf32, #tpu.memory_space<hbm>> -> memref<1x1024x8xf32, #tpu.memory_space<hbm>>
      %dma_start3A_141 = tpu.memref_squeeze %dma_start3A_140 : memref<1x1024x8xf32, #tpu.memory_space<hbm>> -> memref<1024x8xf32, #tpu.memory_space<hbm>>
      %dma_start3A_142 = arith.constant 0 : i32
      %dma_start3A_143 = tpu.memref_slice %arg5[%arg0, %add3A_127, %dma_start3A_142] : memref<2x114688x8xf32, #tpu.memory_space<hbm>> -> memref<1x1024x8xf32, #tpu.memory_space<hbm>>
      %dma_start3A_144 = tpu.memref_squeeze %dma_start3A_143 : memref<1x1024x8xf32, #tpu.memory_space<hbm>> -> memref<1024x8xf32, #tpu.memory_space<hbm>>
      tpu.enqueue_dma source(%arg11 : memref<1024x8xf32, #tpu.memory_space<vmem>>) target(%dma_start3A_144 : memref<1024x8xf32, #tpu.memory_space<hbm>>) target_semaphore(%run_scoped3A : memref<!tpu.dma_semaphore, #tpu.memory_space<semaphore_mem>>)
      %dma_wait3A = arith.constant 0 : i32
      %dma_wait3A_145 = tpu.memref_slice %arg5[%arg0, %add3A_127, %dma_wait3A] : memref<2x114688x8xf32, #tpu.memory_space<hbm>> -> memref<1x1024x8xf32, #tpu.memory_space<hbm>>
      %dma_wait3A_146 = tpu.memref_squeeze %dma_wait3A_145 : memref<1x1024x8xf32, #tpu.memory_space<hbm>> -> memref<1024x8xf32, #tpu.memory_space<hbm>>
      %dma_wait3A_147 = arith.constant 0 : i32
      %dma_wait3A_148 = tpu.memref_slice %arg5[%arg0, %add3A_127, %dma_wait3A_147] : memref<2x114688x8xf32, #tpu.memory_space<hbm>> -> memref<1x1024x8xf32, #tpu.memory_space<hbm>>
      %dma_wait3A_149 = tpu.memref_squeeze %dma_wait3A_148 : memref<1x1024x8xf32, #tpu.memory_space<hbm>> -> memref<1024x8xf32, #tpu.memory_space<hbm>>
      tpu.wait_dma2 semaphore(%run_scoped3A : memref<!tpu.dma_semaphore, #tpu.memory_space<semaphore_mem>>) src(%arg11 : memref<1024x8xf32, #tpu.memory_space<vmem>>) dst(%dma_wait3A_149 : memref<1024x8xf32, #tpu.memory_space<hbm>>)
      tpu.yield
    }) : () -> ()
    %mul3A_128 = arith.constant 7168 : i32
    %mul3A_129 = arith.muli %arg1, %mul3A_128 : i32
    %add3A_130 = arith.constant 4096 : i32
    %add3A_131 = arith.addi %mul3A_129, %add3A_130 : i32
    "tpu.region"() ({
      %run_scoped3A = tpu.sem_alloc : memref<!tpu.dma_semaphore, #tpu.memory_space<semaphore_mem>>
      %dma_start3A = arith.constant 0 : i32
      %dma_start3A_140 = tpu.memref_slice %arg6[%add3A_131, %dma_start3A] : memref<114688x8xf32, #tpu.memory_space<vmem_shared>> -> memref<1024x8xf32, #tpu.memory_space<vmem_shared>>
      %dma_start3A_141 = arith.constant 0 : i32
      %dma_start3A_142 = tpu.memref_slice %arg6[%add3A_131, %dma_start3A_141] : memref<114688x8xf32, #tpu.memory_space<vmem_shared>> -> memref<1024x8xf32, #tpu.memory_space<vmem_shared>>
      tpu.enqueue_dma source(%dma_start3A_142 : memref<1024x8xf32, #tpu.memory_space<vmem_shared>>) target(%arg11 : memref<1024x8xf32, #tpu.memory_space<vmem>>) target_semaphore(%run_scoped3A : memref<!tpu.dma_semaphore, #tpu.memory_space<semaphore_mem>>)
      %dma_wait3A = arith.constant 0 : i32
      %dma_wait3A_143 = tpu.memref_slice %arg6[%add3A_131, %dma_wait3A] : memref<114688x8xf32, #tpu.memory_space<vmem_shared>> -> memref<1024x8xf32, #tpu.memory_space<vmem_shared>>
      %dma_wait3A_144 = arith.constant 0 : i32
      %dma_wait3A_145 = tpu.memref_slice %arg6[%add3A_131, %dma_wait3A_144] : memref<114688x8xf32, #tpu.memory_space<vmem_shared>> -> memref<1024x8xf32, #tpu.memory_space<vmem_shared>>
      tpu.wait_dma2 semaphore(%run_scoped3A : memref<!tpu.dma_semaphore, #tpu.memory_space<semaphore_mem>>) src(%dma_wait3A_145 : memref<1024x8xf32, #tpu.memory_space<vmem_shared>>) dst(%arg11 : memref<1024x8xf32, #tpu.memory_space<vmem>>)
      tpu.yield
    }) : () -> ()
    "tpu.region"() ({
      %run_scoped3A = tpu.sem_alloc : memref<!tpu.dma_semaphore, #tpu.memory_space<semaphore_mem>>
      %dma_start3A = arith.constant 0 : i32
      %dma_start3A_140 = tpu.memref_slice %arg5[%arg0, %add3A_131, %dma_start3A] : memref<2x114688x8xf32, #tpu.memory_space<hbm>> -> memref<1x1024x8xf32, #tpu.memory_space<hbm>>
      %dma_start3A_141 = tpu.memref_squeeze %dma_start3A_140 : memref<1x1024x8xf32, #tpu.memory_space<hbm>> -> memref<1024x8xf32, #tpu.memory_space<hbm>>
      %dma_start3A_142 = arith.constant 0 : i32
      %dma_start3A_143 = tpu.memref_slice %arg5[%arg0, %add3A_131, %dma_start3A_142] : memref<2x114688x8xf32, #tpu.memory_space<hbm>> -> memref<1x1024x8xf32, #tpu.memory_space<hbm>>
      %dma_start3A_144 = tpu.memref_squeeze %dma_start3A_143 : memref<1x1024x8xf32, #tpu.memory_space<hbm>> -> memref<1024x8xf32, #tpu.memory_space<hbm>>
      tpu.enqueue_dma source(%arg11 : memref<1024x8xf32, #tpu.memory_space<vmem>>) target(%dma_start3A_144 : memref<1024x8xf32, #tpu.memory_space<hbm>>) target_semaphore(%run_scoped3A : memref<!tpu.dma_semaphore, #tpu.memory_space<semaphore_mem>>)
      %dma_wait3A = arith.constant 0 : i32
      %dma_wait3A_145 = tpu.memref_slice %arg5[%arg0, %add3A_131, %dma_wait3A] : memref<2x114688x8xf32, #tpu.memory_space<hbm>> -> memref<1x1024x8xf32, #tpu.memory_space<hbm>>
      %dma_wait3A_146 = tpu.memref_squeeze %dma_wait3A_145 : memref<1x1024x8xf32, #tpu.memory_space<hbm>> -> memref<1024x8xf32, #tpu.memory_space<hbm>>
      %dma_wait3A_147 = arith.constant 0 : i32
      %dma_wait3A_148 = tpu.memref_slice %arg5[%arg0, %add3A_131, %dma_wait3A_147] : memref<2x114688x8xf32, #tpu.memory_space<hbm>> -> memref<1x1024x8xf32, #tpu.memory_space<hbm>>
      %dma_wait3A_149 = tpu.memref_squeeze %dma_wait3A_148 : memref<1x1024x8xf32, #tpu.memory_space<hbm>> -> memref<1024x8xf32, #tpu.memory_space<hbm>>
      tpu.wait_dma2 semaphore(%run_scoped3A : memref<!tpu.dma_semaphore, #tpu.memory_space<semaphore_mem>>) src(%arg11 : memref<1024x8xf32, #tpu.memory_space<vmem>>) dst(%dma_wait3A_149 : memref<1024x8xf32, #tpu.memory_space<hbm>>)
      tpu.yield
    }) : () -> ()
    %mul3A_132 = arith.constant 7168 : i32
    %mul3A_133 = arith.muli %arg1, %mul3A_132 : i32
    %add3A_134 = arith.constant 5120 : i32
    %add3A_135 = arith.addi %mul3A_133, %add3A_134 : i32
    "tpu.region"() ({
      %run_scoped3A = tpu.sem_alloc : memref<!tpu.dma_semaphore, #tpu.memory_space<semaphore_mem>>
      %dma_start3A = arith.constant 0 : i32
      %dma_start3A_140 = tpu.memref_slice %arg6[%add3A_135, %dma_start3A] : memref<114688x8xf32, #tpu.memory_space<vmem_shared>> -> memref<1024x8xf32, #tpu.memory_space<vmem_shared>>
      %dma_start3A_141 = arith.constant 0 : i32
      %dma_start3A_142 = tpu.memref_slice %arg6[%add3A_135, %dma_start3A_141] : memref<114688x8xf32, #tpu.memory_space<vmem_shared>> -> memref<1024x8xf32, #tpu.memory_space<vmem_shared>>
      tpu.enqueue_dma source(%dma_start3A_142 : memref<1024x8xf32, #tpu.memory_space<vmem_shared>>) target(%arg11 : memref<1024x8xf32, #tpu.memory_space<vmem>>) target_semaphore(%run_scoped3A : memref<!tpu.dma_semaphore, #tpu.memory_space<semaphore_mem>>)
      %dma_wait3A = arith.constant 0 : i32
      %dma_wait3A_143 = tpu.memref_slice %arg6[%add3A_135, %dma_wait3A] : memref<114688x8xf32, #tpu.memory_space<vmem_shared>> -> memref<1024x8xf32, #tpu.memory_space<vmem_shared>>
      %dma_wait3A_144 = arith.constant 0 : i32
      %dma_wait3A_145 = tpu.memref_slice %arg6[%add3A_135, %dma_wait3A_144] : memref<114688x8xf32, #tpu.memory_space<vmem_shared>> -> memref<1024x8xf32, #tpu.memory_space<vmem_shared>>
      tpu.wait_dma2 semaphore(%run_scoped3A : memref<!tpu.dma_semaphore, #tpu.memory_space<semaphore_mem>>) src(%dma_wait3A_145 : memref<1024x8xf32, #tpu.memory_space<vmem_shared>>) dst(%arg11 : memref<1024x8xf32, #tpu.memory_space<vmem>>)
      tpu.yield
    }) : () -> ()
    "tpu.region"() ({
      %run_scoped3A = tpu.sem_alloc : memref<!tpu.dma_semaphore, #tpu.memory_space<semaphore_mem>>
      %dma_start3A = arith.constant 0 : i32
      %dma_start3A_140 = tpu.memref_slice %arg5[%arg0, %add3A_135, %dma_start3A] : memref<2x114688x8xf32, #tpu.memory_space<hbm>> -> memref<1x1024x8xf32, #tpu.memory_space<hbm>>
      %dma_start3A_141 = tpu.memref_squeeze %dma_start3A_140 : memref<1x1024x8xf32, #tpu.memory_space<hbm>> -> memref<1024x8xf32, #tpu.memory_space<hbm>>
      %dma_start3A_142 = arith.constant 0 : i32
      %dma_start3A_143 = tpu.memref_slice %arg5[%arg0, %add3A_135, %dma_start3A_142] : memref<2x114688x8xf32, #tpu.memory_space<hbm>> -> memref<1x1024x8xf32, #tpu.memory_space<hbm>>
      %dma_start3A_144 = tpu.memref_squeeze %dma_start3A_143 : memref<1x1024x8xf32, #tpu.memory_space<hbm>> -> memref<1024x8xf32, #tpu.memory_space<hbm>>
      tpu.enqueue_dma source(%arg11 : memref<1024x8xf32, #tpu.memory_space<vmem>>) target(%dma_start3A_144 : memref<1024x8xf32, #tpu.memory_space<hbm>>) target_semaphore(%run_scoped3A : memref<!tpu.dma_semaphore, #tpu.memory_space<semaphore_mem>>)
      %dma_wait3A = arith.constant 0 : i32
      %dma_wait3A_145 = tpu.memref_slice %arg5[%arg0, %add3A_135, %dma_wait3A] : memref<2x114688x8xf32, #tpu.memory_space<hbm>> -> memref<1x1024x8xf32, #tpu.memory_space<hbm>>
      %dma_wait3A_146 = tpu.memref_squeeze %dma_wait3A_145 : memref<1x1024x8xf32, #tpu.memory_space<hbm>> -> memref<1024x8xf32, #tpu.memory_space<hbm>>
      %dma_wait3A_147 = arith.constant 0 : i32
      %dma_wait3A_148 = tpu.memref_slice %arg5[%arg0, %add3A_135, %dma_wait3A_147] : memref<2x114688x8xf32, #tpu.memory_space<hbm>> -> memref<1x1024x8xf32, #tpu.memory_space<hbm>>
      %dma_wait3A_149 = tpu.memref_squeeze %dma_wait3A_148 : memref<1x1024x8xf32, #tpu.memory_space<hbm>> -> memref<1024x8xf32, #tpu.memory_space<hbm>>
      tpu.wait_dma2 semaphore(%run_scoped3A : memref<!tpu.dma_semaphore, #tpu.memory_space<semaphore_mem>>) src(%arg11 : memref<1024x8xf32, #tpu.memory_space<vmem>>) dst(%dma_wait3A_149 : memref<1024x8xf32, #tpu.memory_space<hbm>>)
      tpu.yield
    }) : () -> ()
    %mul3A_136 = arith.constant 7168 : i32
    %mul3A_137 = arith.muli %arg1, %mul3A_136 : i32
    %add3A_138 = arith.constant 6144 : i32
    %add3A_139 = arith.addi %mul3A_137, %add3A_138 : i32
    "tpu.region"() ({
      %run_scoped3A = tpu.sem_alloc : memref<!tpu.dma_semaphore, #tpu.memory_space<semaphore_mem>>
      %dma_start3A = arith.constant 0 : i32
      %dma_start3A_140 = tpu.memref_slice %arg6[%add3A_139, %dma_start3A] : memref<114688x8xf32, #tpu.memory_space<vmem_shared>> -> memref<1024x8xf32, #tpu.memory_space<vmem_shared>>
      %dma_start3A_141 = arith.constant 0 : i32
      %dma_start3A_142 = tpu.memref_slice %arg6[%add3A_139, %dma_start3A_141] : memref<114688x8xf32, #tpu.memory_space<vmem_shared>> -> memref<1024x8xf32, #tpu.memory_space<vmem_shared>>
      tpu.enqueue_dma source(%dma_start3A_142 : memref<1024x8xf32, #tpu.memory_space<vmem_shared>>) target(%arg11 : memref<1024x8xf32, #tpu.memory_space<vmem>>) target_semaphore(%run_scoped3A : memref<!tpu.dma_semaphore, #tpu.memory_space<semaphore_mem>>)
      %dma_wait3A = arith.constant 0 : i32
      %dma_wait3A_143 = tpu.memref_slice %arg6[%add3A_139, %dma_wait3A] : memref<114688x8xf32, #tpu.memory_space<vmem_shared>> -> memref<1024x8xf32, #tpu.memory_space<vmem_shared>>
      %dma_wait3A_144 = arith.constant 0 : i32
      %dma_wait3A_145 = tpu.memref_slice %arg6[%add3A_139, %dma_wait3A_144] : memref<114688x8xf32, #tpu.memory_space<vmem_shared>> -> memref<1024x8xf32, #tpu.memory_space<vmem_shared>>
      tpu.wait_dma2 semaphore(%run_scoped3A : memref<!tpu.dma_semaphore, #tpu.memory_space<semaphore_mem>>) src(%dma_wait3A_145 : memref<1024x8xf32, #tpu.memory_space<vmem_shared>>) dst(%arg11 : memref<1024x8xf32, #tpu.memory_space<vmem>>)
      tpu.yield
    }) : () -> ()
    "tpu.region"() ({
      %run_scoped3A = tpu.sem_alloc : memref<!tpu.dma_semaphore, #tpu.memory_space<semaphore_mem>>
      %dma_start3A = arith.constant 0 : i32
      %dma_start3A_140 = tpu.memref_slice %arg5[%arg0, %add3A_139, %dma_start3A] : memref<2x114688x8xf32, #tpu.memory_space<hbm>> -> memref<1x1024x8xf32, #tpu.memory_space<hbm>>
      %dma_start3A_141 = tpu.memref_squeeze %dma_start3A_140 : memref<1x1024x8xf32, #tpu.memory_space<hbm>> -> memref<1024x8xf32, #tpu.memory_space<hbm>>
      %dma_start3A_142 = arith.constant 0 : i32
      %dma_start3A_143 = tpu.memref_slice %arg5[%arg0, %add3A_139, %dma_start3A_142] : memref<2x114688x8xf32, #tpu.memory_space<hbm>> -> memref<1x1024x8xf32, #tpu.memory_space<hbm>>
      %dma_start3A_144 = tpu.memref_squeeze %dma_start3A_143 : memref<1x1024x8xf32, #tpu.memory_space<hbm>> -> memref<1024x8xf32, #tpu.memory_space<hbm>>
      tpu.enqueue_dma source(%arg11 : memref<1024x8xf32, #tpu.memory_space<vmem>>) target(%dma_start3A_144 : memref<1024x8xf32, #tpu.memory_space<hbm>>) target_semaphore(%run_scoped3A : memref<!tpu.dma_semaphore, #tpu.memory_space<semaphore_mem>>)
      %dma_wait3A = arith.constant 0 : i32
      %dma_wait3A_145 = tpu.memref_slice %arg5[%arg0, %add3A_139, %dma_wait3A] : memref<2x114688x8xf32, #tpu.memory_space<hbm>> -> memref<1x1024x8xf32, #tpu.memory_space<hbm>>
      %dma_wait3A_146 = tpu.memref_squeeze %dma_wait3A_145 : memref<1x1024x8xf32, #tpu.memory_space<hbm>> -> memref<1024x8xf32, #tpu.memory_space<hbm>>
      %dma_wait3A_147 = arith.constant 0 : i32
      %dma_wait3A_148 = tpu.memref_slice %arg5[%arg0, %add3A_139, %dma_wait3A_147] : memref<2x114688x8xf32, #tpu.memory_space<hbm>> -> memref<1x1024x8xf32, #tpu.memory_space<hbm>>
      %dma_wait3A_149 = tpu.memref_squeeze %dma_wait3A_148 : memref<1x1024x8xf32, #tpu.memory_space<hbm>> -> memref<1024x8xf32, #tpu.memory_space<hbm>>
      tpu.wait_dma2 semaphore(%run_scoped3A : memref<!tpu.dma_semaphore, #tpu.memory_space<semaphore_mem>>) src(%arg11 : memref<1024x8xf32, #tpu.memory_space<vmem>>) dst(%dma_wait3A_149 : memref<1024x8xf32, #tpu.memory_space<hbm>>)
      tpu.yield
    }) : () -> ()
    return
  }
}

module attributes {stable_mosaic.version = 14 : i64} {
  func.func @_merge_kernel(%arg0: i32, %arg1: memref<2048x16xf32, #tpu.memory_space<vmem>>, %arg2: memref<2048x16xf32, #tpu.memory_space<vmem>>, %arg3: memref<2048x8xf32, #tpu.memory_space<vmem>>, %arg4: memref<2048x16xf32, #tpu.memory_space<vmem>>) attributes {dimension_semantics = [#tpu.dimension_semantics<arbitrary>], iteration_bounds = array<i64: 52>, scalar_prefetch = 0 : i64, scratch_operands = 0 : i64, tpu.core_type = #tpu.core_type<tc>, window_params = [{transform_indices = @transform_0, window_bounds = array<i64: 2048, 16>}, {transform_indices = @transform_1, window_bounds = array<i64: 2048, 16>}, {transform_indices = @transform_2, window_bounds = array<i64: 2048, 8>}, {transform_indices = @transform_3, window_bounds = array<i64: 2048, 16>}]} {
    %get3A = arith.constant 0 : index
    %get3A_0 = arith.constant 0 : index
    %get3A_1 = vector.load %arg1[%get3A, %get3A_0] : memref<2048x16xf32, #tpu.memory_space<vmem>>, vector<2048x16xf32>
    %get3A_2 = arith.constant 0 : index
    %get3A_3 = arith.constant 0 : index
    %get3A_4 = vector.load %arg2[%get3A_2, %get3A_3] : memref<2048x16xf32, #tpu.memory_space<vmem>>, vector<2048x16xf32>
    %add3A = arith.addf %get3A_1, %get3A_4 : vector<2048x16xf32>
    %slice3A = vector.extract_strided_slice %add3A {offsets = [0, 10], sizes = [2048, 1], strides = [1, 1]} : vector<2048x16xf32> to vector<2048x1xf32>
    %max3A = arith.constant 1.000000e+00 : f32
    %max3A_5 = vector.broadcast %max3A : f32 to vector<2048x1xf32>
    %max3A_6 = arith.maximumf %slice3A, %max3A_5 : vector<2048x1xf32>
    %div3A = arith.constant 1.000000e+00 : f32
    %div3A_7 = vector.broadcast %div3A : f32 to vector<2048x1xf32>
    %div3A_8 = arith.divf %div3A_7, %max3A_6 : vector<2048x1xf32>
    %slice3A_9 = vector.extract_strided_slice %add3A {offsets = [0, 1], sizes = [2048, 9], strides = [1, 1]} : vector<2048x16xf32> to vector<2048x9xf32>
    %mul3A = vector.broadcast %div3A_8 : vector<2048x1xf32> to vector<2048x9xf32>
    %mul3A_10 = arith.mulf %slice3A_9, %mul3A : vector<2048x9xf32>
    %slice3A_11 = vector.extract_strided_slice %add3A {offsets = [0, 0], sizes = [2048, 1], strides = [1, 1]} : vector<2048x16xf32> to vector<2048x1xf32>
    %mul3A_12 = arith.mulf %slice3A_11, %div3A_8 : vector<2048x1xf32>
    %get3A_13 = arith.constant 0 : index
    %get3A_14 = arith.constant 0 : index
    %get3A_15 = vector.load %arg3[%get3A_13, %get3A_14] : memref<2048x8xf32, #tpu.memory_space<vmem>>, vector<2048x3xf32>
    %broadcast_in_dim3A = arith.constant 0.000000e+00 : f32
    %broadcast_in_dim3A_16 = vector.broadcast %broadcast_in_dim3A : f32 to vector<2048x2xf32>
    %concatenate3A = tpu.concatenate %get3A_15, %mul3A_10, %mul3A_12, %max3A_6, %broadcast_in_dim3A_16 in 1 : vector<2048x3xf32>, vector<2048x9xf32>, vector<2048x1xf32>, vector<2048x1xf32>, vector<2048x2xf32> -> vector<2048x16xf32>
    %swap3A = arith.constant 0 : index
    %swap3A_17 = arith.constant 0 : index
    %swap3A_18 = vector.load %arg4[%swap3A, %swap3A_17] : memref<2048x16xf32, #tpu.memory_space<vmem>>, vector<2048x16xf32>
    tpu.vector_store %arg4[%swap3A, %swap3A_17], %concatenate3A {strides = array<i32>} : memref<2048x16xf32, #tpu.memory_space<vmem>>, vector<2048x16xf32>,
    return
  }
  func.func @transform_0(%arg0: i32) -> (i32, i32) {
    %c0_i32 = arith.constant 0 : i32
    %c0_i32_0 = arith.constant 0 : i32
    return %arg0, %c0_i32 : i32, i32
  }
  func.func @transform_1(%arg0: i32) -> (i32, i32) {
    %c0_i32 = arith.constant 0 : i32
    %c0_i32_0 = arith.constant 0 : i32
    return %arg0, %c0_i32 : i32, i32
  }
  func.func @transform_2(%arg0: i32) -> (i32, i32) {
    %c0_i32 = arith.constant 0 : i32
    %c0_i32_0 = arith.constant 0 : i32
    return %arg0, %c0_i32 : i32, i32
  }
  func.func @transform_3(%arg0: i32) -> (i32, i32) {
    %c0_i32 = arith.constant 0 : i32
    %c0_i32_0 = arith.constant 0 : i32
    return %arg0, %c0_i32 : i32, i32
  }
}

module attributes {stable_mosaic.version = 14 : i64} {
  func.func @_final_kernel(%arg0: i32, %arg1: memref<2000x5xf32, #tpu.memory_space<vmem>>, %arg2: memref<2000x8xf32, #tpu.memory_space<vmem>>, %arg3: memref<2000x16xf32, #tpu.memory_space<vmem>>, %arg4: memref<2000x8xf32, #tpu.memory_space<vmem>>, %arg5: memref<2000x8xf32, #tpu.memory_space<vmem>>, %arg6: memref<1x1xf32, #tpu.memory_space<smem>>, %arg7: memref<4xf32, #tpu.memory_space<smem>>) attributes {dimension_semantics = [#tpu.dimension_semantics<arbitrary>], iteration_bounds = array<i64: 50>, scalar_prefetch = 0 : i64, scratch_operands = 1 : i64, tpu.core_type = #tpu.core_type<tc>, window_params = [{transform_indices = @transform_0, window_bounds = array<i64: 2000, 5>}, {transform_indices = @transform_1, window_bounds = array<i64: 2000, 8>}, {transform_indices = @transform_2, window_bounds = array<i64: 2000, 16>}, {transform_indices = @transform_3, window_bounds = array<i64: 2000, 8>}, {transform_indices = @transform_4, window_bounds = array<i64: 2000, 8>}, {transform_indices = @transform_5, window_bounds = array<i64: 1, 1>}]} {
    %eq3A = arith.constant 0 : i32
    %eq3A_0 = arith.cmpi eq, %arg0, %eq3A : i32
    %convert_element_type3A = arith.extui %eq3A_0 : i1 to i32
    %cond3A = arith.constant 0 : i32
    %cond3A_1 = arith.cmpi ne, %convert_element_type3A, %cond3A : i32
    scf.if %cond3A_1 {
      %swap3A_76 = arith.constant 0.000000e+00 : f32
      %swap3A_77 = arith.constant 0 : index
      %swap3A_78 = memref.load %arg7[%swap3A_77] : memref<4xf32, #tpu.memory_space<smem>>
      memref.store %swap3A_76, %arg7[%swap3A_77] : memref<4xf32, #tpu.memory_space<smem>>
      %swap3A_79 = arith.constant 0.000000e+00 : f32
      %swap3A_80 = arith.constant 1 : index
      %swap3A_81 = memref.load %arg7[%swap3A_80] : memref<4xf32, #tpu.memory_space<smem>>
      memref.store %swap3A_79, %arg7[%swap3A_80] : memref<4xf32, #tpu.memory_space<smem>>
      %swap3A_82 = arith.constant 0.000000e+00 : f32
      %swap3A_83 = arith.constant 2 : index
      %swap3A_84 = memref.load %arg7[%swap3A_83] : memref<4xf32, #tpu.memory_space<smem>>
      memref.store %swap3A_82, %arg7[%swap3A_83] : memref<4xf32, #tpu.memory_space<smem>>
    } else {
    }
    %get3A = arith.constant 0 : index
    %get3A_2 = arith.constant 2 : index
    %get3A_3 = vector.load %arg1[%get3A, %get3A_2] : memref<2000x5xf32, #tpu.memory_space<vmem>>, vector<2000x3xf32>
    %get3A_4 = arith.constant 0 : index
    %get3A_5 = arith.constant 0 : index
    %get3A_6 = vector.load %arg4[%get3A_4, %get3A_5] : memref<2000x8xf32, #tpu.memory_space<vmem>>, vector<2000x3xf32>
    %get3A_7 = arith.constant 0 : index
    %get3A_8 = arith.constant 0 : index
    %get3A_9 = vector.load %arg5[%get3A_7, %get3A_8] : memref<2000x8xf32, #tpu.memory_space<vmem>>, vector<2000x3xf32>
    %add3A = arith.addf %get3A_6, %get3A_9 : vector<2000x3xf32>
    %get3A_10 = arith.constant 0 : index
    %get3A_11 = arith.constant 13 : index
    %get3A_12 = vector.load %arg3[%get3A_10, %get3A_11] : memref<2000x16xf32, #tpu.memory_space<vmem>>, vector<2000x1xf32>
    %div3A = vector.broadcast %get3A_12 : vector<2000x1xf32> to vector<2000x3xf32>
    %div3A_13 = arith.divf %add3A, %div3A : vector<2000x3xf32>
    %mul3A = arith.constant 9.99999996E-12 : f32
    %mul3A_14 = vector.broadcast %mul3A : f32 to vector<2000x3xf32>
    %mul3A_15 = arith.mulf %mul3A_14, %div3A_13 : vector<2000x3xf32>
    %get3A_16 = arith.constant 0 : index
    %get3A_17 = arith.constant 12 : index
    %get3A_18 = vector.load %arg3[%get3A_16, %get3A_17] : memref<2000x16xf32, #tpu.memory_space<vmem>>, vector<2000x1xf32>
    %get3A_19 = vector.shape_cast %get3A_18 : vector<2000x1xf32> to vector<2000xf32>
    %get3A_20 = arith.constant 0 : index
    %get3A_21 = arith.constant 5 : index
    %get3A_22 = vector.load %arg2[%get3A_20, %get3A_21] : memref<2000x8xf32, #tpu.memory_space<vmem>>, vector<2000x3xf32>
    %add3A_23 = arith.addf %get3A_22, %get3A_3 : vector<2000x3xf32>
    %integer_pow3A = arith.mulf %add3A_23, %add3A_23 : vector<2000x3xf32>
    %reduce_sum3A = arith.constant dense<0.000000e+00> : vector<2000xf32>
    %reduce_sum3A_24 = vector.multi_reduction <add>, %integer_pow3A, %reduce_sum3A [1] : vector<2000x3xf32> to vector<2000xf32>
    %integer_pow3A_25 = arith.mulf %get3A_22, %get3A_22 : vector<2000x3xf32>
    %reduce_sum3A_26 = arith.constant dense<0.000000e+00> : vector<2000xf32>
    %reduce_sum3A_27 = vector.multi_reduction <add>, %integer_pow3A_25, %reduce_sum3A_26 [1] : vector<2000x3xf32> to vector<2000xf32>
    %sub3A = arith.subf %reduce_sum3A_24, %reduce_sum3A_27 : vector<2000xf32>
    %mul3A_28 = arith.constant 5.000000e+02 : f32
    %mul3A_29 = vector.broadcast %mul3A_28 : f32 to vector<2000xf32>
    %mul3A_30 = arith.mulf %mul3A_29, %sub3A : vector<2000xf32>
    %get3A_31 = arith.constant 0 : index
    %get3A_32 = arith.constant 0 : index
    %get3A_33 = vector.load %arg1[%get3A_31, %get3A_32] : memref<2000x5xf32, #tpu.memory_space<vmem>>, vector<2000x1xf32>
    %get3A_34 = vector.shape_cast %get3A_33 : vector<2000x1xf32> to vector<2000xf32>
    %mul3A_35 = arith.constant 4.186000e+06 : f32
    %mul3A_36 = vector.broadcast %mul3A_35 : f32 to vector<2000xf32>
    %mul3A_37 = arith.mulf %mul3A_36, %get3A_34 : vector<2000xf32>
    %add3A_38 = arith.addf %mul3A_30, %mul3A_37 : vector<2000xf32>
    %get3A_39 = arith.constant 0 : index
    %get3A_40 = memref.load %arg7[%get3A_39] : memref<4xf32, #tpu.memory_space<smem>>
    %integer_pow3A_41 = arith.mulf %get3A_19, %get3A_19 : vector<2000xf32>
    %reduce_sum3A_42 = vector.shape_cast %integer_pow3A_41 : vector<2000xf32> to vector<1x2000xf32>
    %reduce_sum3A_43 = arith.constant dense<0.000000e+00> : vector<1xf32>
    %reduce_sum3A_44 = vector.multi_reduction <add>, %reduce_sum3A_42, %reduce_sum3A_43 [1] : vector<1x2000xf32> to vector<1xf32>
    %reduce_sum3A_45 = vector.shape_cast %reduce_sum3A_44 : vector<1xf32> to vector<1x1xf32>
    %reduce_sum3A_46 = vector.extract %reduce_sum3A_45[0, 0] : f32 from vector<1x1xf32>
    %add3A_47 = arith.addf %get3A_40, %reduce_sum3A_46 : f32
    %swap3A = arith.constant 0 : index
    %swap3A_48 = memref.load %arg7[%swap3A] : memref<4xf32, #tpu.memory_space<smem>>
    memref.store %add3A_47, %arg7[%swap3A] : memref<4xf32, #tpu.memory_space<smem>>
    %get3A_49 = arith.constant 1 : index
    %get3A_50 = memref.load %arg7[%get3A_49] : memref<4xf32, #tpu.memory_space<smem>>
    %sub3A_51 = arith.subf %get3A_3, %mul3A_15 : vector<2000x3xf32>
    %integer_pow3A_52 = arith.mulf %sub3A_51, %sub3A_51 : vector<2000x3xf32>
    %reduce_sum3A_53 = vector.shape_cast %integer_pow3A_52 : vector<2000x3xf32> to vector<1x2000x3xf32>
    %reduce_sum3A_54 = arith.constant dense<0.000000e+00> : vector<1xf32>
    %reduce_sum3A_55 = vector.multi_reduction <add>, %reduce_sum3A_53, %reduce_sum3A_54 [1, 2] : vector<1x2000x3xf32> to vector<1xf32>
    %reduce_sum3A_56 = vector.shape_cast %reduce_sum3A_55 : vector<1xf32> to vector<1x1x1xf32>
    %reduce_sum3A_57 = vector.extract %reduce_sum3A_56[0, 0, 0] : f32 from vector<1x1x1xf32>
    %add3A_58 = arith.addf %get3A_50, %reduce_sum3A_57 : f32
    %swap3A_59 = arith.constant 1 : index
    %swap3A_60 = memref.load %arg7[%swap3A_59] : memref<4xf32, #tpu.memory_space<smem>>
    memref.store %add3A_58, %arg7[%swap3A_59] : memref<4xf32, #tpu.memory_space<smem>>
    %get3A_61 = arith.constant 2 : index
    %get3A_62 = memref.load %arg7[%get3A_61] : memref<4xf32, #tpu.memory_space<smem>>
    %reduce_sum3A_63 = vector.shape_cast %add3A_38 : vector<2000xf32> to vector<1x2000xf32>
    %reduce_sum3A_64 = arith.constant dense<0.000000e+00> : vector<1xf32>
    %reduce_sum3A_65 = vector.multi_reduction <add>, %reduce_sum3A_63, %reduce_sum3A_64 [1] : vector<1x2000xf32> to vector<1xf32>
    %reduce_sum3A_66 = vector.shape_cast %reduce_sum3A_65 : vector<1xf32> to vector<1x1xf32>
    %reduce_sum3A_67 = vector.extract %reduce_sum3A_66[0, 0] : f32 from vector<1x1xf32>
    %add3A_68 = arith.addf %get3A_62, %reduce_sum3A_67 : f32
    %swap3A_69 = arith.constant 2 : index
    %swap3A_70 = memref.load %arg7[%swap3A_69] : memref<4xf32, #tpu.memory_space<smem>>
    memref.store %add3A_68, %arg7[%swap3A_69] : memref<4xf32, #tpu.memory_space<smem>>
    %eq3A_71 = arith.constant 49 : i32
    %eq3A_72 = arith.cmpi eq, %arg0, %eq3A_71 : i32
    %convert_element_type3A_73 = arith.extui %eq3A_72 : i1 to i32
    %cond3A_74 = arith.constant 0 : i32
    %cond3A_75 = arith.cmpi ne, %convert_element_type3A_73, %cond3A_74 : i32
    scf.if %cond3A_75 {
      %get3A_76 = arith.constant 0 : index
      %get3A_77 = memref.load %arg7[%get3A_76] : memref<4xf32, #tpu.memory_space<smem>>
      %div3A_78 = arith.constant 1.000000e+05 : f32
      %div3A_79 = arith.divf %get3A_77, %div3A_78 : f32
      %get3A_80 = arith.constant 1 : index
      %get3A_81 = memref.load %arg7[%get3A_80] : memref<4xf32, #tpu.memory_space<smem>>
      %mul3A_82 = arith.constant 3.000000e+00 : f32
      %mul3A_83 = arith.constant 1.000000e+05 : f32
      %mul3A_84 = arith.mulf %mul3A_82, %mul3A_83 : f32
      %div3A_85 = arith.divf %get3A_81, %mul3A_84 : f32
      %get3A_86 = arith.constant 2 : index
      %get3A_87 = memref.load %arg7[%get3A_86] : memref<4xf32, #tpu.memory_space<smem>>
      %div3A_88 = arith.constant 1.000000e+05 : f32
      %div3A_89 = arith.divf %get3A_87, %div3A_88 : f32
      %integer_pow3A_90 = arith.mulf %div3A_89, %div3A_89 : f32
      %mul3A_91 = arith.constant 1.000000e-01 : f32
      %mul3A_92 = arith.mulf %mul3A_91, %div3A_79 : f32
      %mul3A_93 = arith.constant 5.000000e-02 : f32
      %mul3A_94 = arith.mulf %mul3A_93, %div3A_85 : f32
      %add3A_95 = arith.addf %mul3A_92, %mul3A_94 : f32
      %mul3A_96 = arith.constant 0.00999999977 : f32
      %mul3A_97 = arith.mulf %mul3A_96, %integer_pow3A_90 : f32
      %add3A_98 = arith.addf %add3A_95, %mul3A_97 : f32
      %swap3A_99 = arith.constant 0 : index
      %swap3A_100 = arith.constant 0 : index
      %swap3A_101 = memref.load %arg6[%swap3A_99, %swap3A_100] : memref<1x1xf32, #tpu.memory_space<smem>>
      memref.store %add3A_98, %arg6[%swap3A_99, %swap3A_100] : memref<1x1xf32, #tpu.memory_space<smem>>
    } else {
    }
    return
  }
  func.func @transform_0(%arg0: i32) -> (i32, i32) {
    %c0_i32 = arith.constant 0 : i32
    %c0_i32_0 = arith.constant 0 : i32
    return %arg0, %c0_i32 : i32, i32
  }
  func.func @transform_1(%arg0: i32) -> (i32, i32) {
    %c0_i32 = arith.constant 0 : i32
    %c0_i32_0 = arith.constant 0 : i32
    return %arg0, %c0_i32 : i32, i32
  }
  func.func @transform_2(%arg0: i32) -> (i32, i32) {
    %c0_i32 = arith.constant 0 : i32
    %c0_i32_0 = arith.constant 0 : i32
    return %arg0, %c0_i32 : i32, i32
  }
  func.func @transform_3(%arg0: i32) -> (i32, i32) {
    %c0_i32 = arith.constant 0 : i32
    %c0_i32_0 = arith.constant 0 : i32
    return %arg0, %c0_i32 : i32, i32
  }
  func.func @transform_4(%arg0: i32) -> (i32, i32) {
    %c0_i32 = arith.constant 0 : i32
    %c0_i32_0 = arith.constant 0 : i32
    return %arg0, %c0_i32 : i32, i32
  }
  func.func @transform_5(%arg0: i32) -> (i32, i32) {
    %c0_i32 = arith.constant 0 : i32
    %c0_i32_0 = arith.constant 0 : i32
    %c0_i32_1 = arith.constant 0 : i32
    return %c0_i32, %c0_i32_0 : i32, i32
  }
}

</mosaic_0001>

<sc_bundles>
// kernel: kernel.6.cloned.1.call-start
scs
__scs_entry_jumppad:
0x0: {  	(pc) =	sbr.rel $0x88, $3  }
0x1: {  	(tag) =	ssettag $0x0;
	lr =	simm.s32 $0x1  }
0x2: {  	[smem:$0x3F9D] =	sst lr;
	_ =	strace $0xD0000000  }
0x3: {  	_ = 	snop  }
0x4: {  	_ = 	snop  }
0x5: {  	_ = 	snop  }
0x6: {  	_ = 	snop  }
0x7: {  	_ = 	snop  }
__scs_overlays_trampoline_lowered:
0x8: {  	[smem:$0x3FAC] =	sst s0  }
0x9: {  	[smem:$0x3FAD] =	sst s1  }
0xa: {  	[smem:$0x3FAE] =	sst s2  }
0xb: {  	[smem:$0x3FAF] =	sst s3  }
0xc: {  	[smem:$0x3FB0] =	sst s4  }
0xd: {  	[smem:$0x3FB1] =	sst s5  }
0xe: {  	[smem:$0x3FB2] =	sst s6  }
0xf: {  	[smem:$0x3FB3] =	sst s7  }
0x10: {  	[smem:$0x3FB4] =	sst s8  }
0x11: {  	[smem:$0x3FB5] =	sst s9;
	s0 =	simm.s32 @!p0 $0x0  }
0x12: {  	s1 =	sld [smem:$0x3F9B];
	s0 =	simm.s32 @p0 $0x1  }
0x13: {  	[smem:$0x3FB6] =	sst s0;
	s0 =	simm.s32 @!p1 $0x0  }
0x14: {  	s2 =	sld [smem:$0x3F9A];
	s0 =	simm.s32 @p1 $0x1  }
0x15: {  	[smem:$0x3FB7] =	sst s0;
	s0 =	simm.s32 @!p2 $0x0  }
0x16: {  	s3 =	sld [smem:$0x3FDB];
	s0 =	simm.s32 @p2 $0x1  }
0x17: {  	s4 =	simm.s32 $0x1BF5;
	[smem:$0x3FB9] =	sst s0  }
0x18: {  	s0 =	sld [smem:$0x3F9C];
	_ =	swait.ge [sflag:s4], $0x0  }
0x19: {  	s7 =	sld [smem:$0x3F9D]  }
0x1a: {  	s8 =	sadd.s32 $0xFFFFE003, lr  }
0x1b: {  	s9 =	sadd.s32 $0xFFFFFEF7, lr;
	s5 =	simm.s32 $0xFFFFFFFF;
	p2 =	slt.u32 s8, $0xFFFFF086  }
0x1c: {  	p1 =	slt.u32 s9, $0xF7A;
	s5 =	simm.s32 @!p2 $0x0  }
0x1d: {  	s5 =	simm.s32 @p1 $0x1;
	p0 =	seq.s32 s7, s2  }
0x1e: {  	s7 =	smul.u32 @!p0 $0xF7A, s2;
	p2 =	seq.s32 @!p0 s5, $0x0  }
0x1f: {  	s9 =	smul.u32 $0xF7A, s1;
	s8 =	simm.s32 @!p0 $0x1BF5;
	p2 =	por !p2, p0  }
0x20: {  	[sflag:s8] =	ssyncset.s32 @!p0 $0xFFFFF086;
	s6 =	sadd.s32 @!p0 s3, s7;
	s7 =	simm.s32 @!p0 $0x108  }
0x21: {  	s3 =	sadd.s32 s3, s9;
	s6 =	sadd.s32 @!p0 $0x88, s6;
	s7 =	simm.s32 @p2 $0x1082  }
0x22: {  	[simem:s7], [sflag:s8] =	dma.local @!p0 [hbm:s6], $0xF7A  }
0x23: {  	s9 =	sor.u32 $0xD0000000, s2;
	s6 =	simm.s32 $0x108;
	_ =	swait.ge @!p0 [sflag:s8], $0x0  }
0x24: {  	s3 =	sadd.s32 $0x88, s3;
	s6 =	simm.s32 @!p1 $0x1082;
	[sflag:s4] =	ssyncset.s32 $0xFFFFF086  }
0x25: {  	[simem:s6], [sflag:s4] =	dma.local [hbm:s3], $0xF7A  }
0x26: {  	[smem:$0x3F9D] =	sst s1;
	(tag) =	ssettag s2;
	_ =	strace s9  }
0x27: {  	s1 =	sld [smem:$0x3FAD]  }
0x28: {  	s2 =	sld [smem:$0x3FAE]  }
0x29: {  	s4 =	sld [smem:$0x3FB0]  }
0x2a: {  	p0 =	seq.s32 s5, $0x0;
	s5 =	sld [smem:$0x3FB1]  }
0x2b: {  	s6 =	sld [smem:$0x3FB2]  }
0x2c: {  	s7 =	sld [smem:$0x3FB3]  }
0x2d: {  	s3 =	simm.s32 $0x108;
	s8 =	sld [smem:$0x3FB4]  }
0x2e: {  	s3 =	simm.s32 @!p0 $0x1082;
	s9 =	sld [smem:$0x3FB5]  }
0x2f: {  	lr =	sadd.s32 s0, s3;
	s0 =	sld [smem:$0x3FAC]  }
0x30: {  	s3 =	sld [smem:$0x3FAF]  }
0x31: {  	[smem:$0x3FB8] =	sst s10  }
0x32: {  	s10 =	sld [smem:$0x3FB6];
	_ =	sdelay $0x3  }
0x33: {  	p0 =	seq.s32 s10, $0x1;
	s10 =	sld [smem:$0x3FB8];
	_ =	sdelay $0x3  }
0x34: {  	[smem:$0x3FB8] =	sst s10  }
0x35: {  	s10 =	sld [smem:$0x3FB7];
	_ =	sdelay $0x3  }
0x36: {  	p1 =	seq.s32 s10, $0x1;
	s10 =	sld [smem:$0x3FB8];
	_ =	sdelay $0x3  }
0x37: {  	[smem:$0x3FB8] =	sst s10  }
0x38: {  	s10 =	sld [smem:$0x3FB9]  }
0x39: {  	_ = 	snop;
	(pc) =	sbr.ind lr, $3  }
0x3a: {  	_ = 	snop  }
0x3b: {  	_ = 	snop  }
0x3c: {  	p2 =	seq.s32 s10, $0x1;
	s10 =	sld [smem:$0x3FB8]  }
0x3d: {  	_ =	shalt  }
0x3e: {  	_ =	shalt  }
0x3f: {  	_ =	shalt  }
0x40: {  	_ =	shalt  }
0x41: {  	_ =	shalt  }
0x42: {  	_ =	shalt  }
0x43: {  	_ =	shalt  }
0x44: {  	_ =	shalt  }
0x45: {  	_ =	shalt  }
0x46: {  	_ =	shalt  }
0x47: {  	_ =	shalt  }
0x48: {  	_ =	shalt  }
0x49: {  	_ =	shalt  }
0x4a: {  	_ =	shalt  }
0x4b: {  	_ =	shalt  }
0x4c: {  	_ =	shalt  }
0x4d: {  	_ =	shalt  }
0x4e: {  	_ =	shalt  }
0x4f: {  	_ =	shalt  }
0x50: {  	_ =	shalt  }
0x51: {  	_ =	shalt  }
0x52: {  	_ =	shalt  }
0x53: {  	_ =	shalt  }
0x54: {  	_ =	shalt  }
0x55: {  	_ =	shalt  }
0x56: {  	_ =	shalt  }
0x57: {  	_ =	shalt  }
0x58: {  	_ =	shalt  }
0x59: {  	_ =	shalt  }
0x5a: {  	_ =	shalt  }
0x5b: {  	_ =	shalt  }
0x5c: {  	_ =	shalt  }
0x5d: {  	_ =	shalt  }
0x5e: {  	_ =	shalt  }
0x5f: {  	_ =	shalt  }
0x60: {  	_ =	shalt  }
0x61: {  	_ =	shalt  }
0x62: {  	_ =	shalt  }
0x63: {  	_ =	shalt  }
0x64: {  	_ =	shalt  }
0x65: {  	_ =	shalt  }
0x66: {  	_ =	shalt  }
0x67: {  	_ =	shalt  }
0x68: {  	_ =	shalt  }
0x69: {  	_ =	shalt  }
0x6a: {  	_ =	shalt  }
0x6b: {  	_ =	shalt  }
0x6c: {  	_ =	shalt  }
0x6d: {  	_ =	shalt  }
0x6e: {  	_ =	shalt  }
0x6f: {  	_ =	shalt  }
0x70: {  	_ =	shalt  }
0x71: {  	_ =	shalt  }
0x72: {  	_ =	shalt  }
0x73: {  	_ =	shalt  }
0x74: {  	_ =	shalt  }
0x75: {  	_ =	shalt  }
0x76: {  	_ =	shalt  }
0x77: {  	_ =	shalt  }
0x78: {  	_ =	shalt  }
0x79: {  	_ =	shalt  }
0x7a: {  	_ =	shalt  }
0x7b: {  	_ =	shalt  }
0x7c: {  	_ =	shalt  }
0x7d: {  	_ =	shalt  }
0x7e: {  	_ =	shalt  }
0x7f: {  	_ =	shalt  }
0x80: {  	_ =	shalt  }
0x81: {  	_ =	shalt  }
0x82: {  	_ =	shalt  }
0x83: {  	_ =	shalt  }
0x84: {  	_ =	shalt  }
0x85: {  	_ =	shalt  }
0x86: {  	_ =	shalt  }
0x87: {  	_ =	shalt  }
.Lfunc_end0:
.L_simem_size_0:
called_computation_lowered:
.L_overlay_start_0:
0x88: {  	s2 =	sld [smem:$0x3FD9]  }
0x89: {  	s3 =	sld [smem:$0x3FFE];
	_ =	sdelay $0x1  }
0x8a: {  	s1 =	srdreg.scid  }
0x8b: {  	s0 =	sand.u32 $0x1, s1  }
0x8c: {  	s16 =	sshll.u32 s0, $0xA;
	s2 =	sadd.s32 s3, s2  }
0x8d: {  	s2 =	sadd.s32 s2, s16  }
0x8e: {  	[smem:$0x3FC4] =	sst s2  }
0x8f: {  	_ = 	snop  }
0x90: {  	(tm) =	ssettm $0x1  }
0x91: {  	s17 =	sld [smem:$0x3FFB];
	_ =	sdelay $0x3  }
0x92: {  	_ =	strace s17  }
0x93: {  	s2 =	sld [smem:$0x3FFC];
	_ =	sdelay $0x3  }
0x94: {  	_ =	strace s2  }
0x95: {  	s2 =	sld [smem:$0x3FFD];
	_ =	sdelay $0x3  }
0x96: {  	_ =	strace s2  }
0x97: {  	_ =	strace $0x8FFFFFFF  }
0x98: {  	s18 =	sld [smem:$0x3FDB];
	_ =	sdelay $0x1  }
0x99: {  	s19 =	simm.s32 $_scs_section_size  }
0x9a: {  	s4 =	simm.s32 $_size__tile_overlayer_lowered;
	s5 =	simm.s32 $_tile_overlayer_lowered  }
0x9b: {  	s22 =	simm.s32 $0x1BFF;
	s21 =	sshll.u32 s5, $0x1;
	s2 =	sadd.s32 s19, s18  }
0x9c: {  	s6 =	simm.s32 $0x0;
	s20 =	sshll.u32 s4, $0x1;
	s4 =	sadd.s32 s21, s2  }
0x9d: {  	[timem:s6], [sflag:s22] =	dma.local [hbm:s4], s20  }
0x9e: {  	_ =	swait.ge [sflag:s22], s20  }
0x9f: {  	s3 =	ssub.s32 $0x0, s20;
	[sflag:s22] =	ssyncset.done $0x0  }
0xa0: {  	[sflag:s22] =	ssyncadd.s32 s3;
	_ =	sdelay $0x1  }
0xa1: {  	s23 =	simm.s32 $0x1B8B  }
0xa2: {  	_ =	swait.ge [sflag:s23], $0x1  }
0xa3: {  	[sflag:s23] =	ssyncset.done $0x0  }
0xa4: {  	s25 =	simm.s32 $0x1B8E;
	s24 =	sld [smem:$0x3FFE];
	[sflag:s23] =	ssyncadd.s32 $0xFFFFFFFF  }
0xa5: {  	s26 =	simm.s32 $execute0_lowered;
	[smem:$0x3FD2] =	sst s25  }
0xa6: {  	s4 =	sshll.u32 s26, $0x1;
	_ =	strace $0x80000046;
	[dreg:$0x1] =	wrdreg $0xFFFFFFFF  }
0xa7: {  	s28 =	simm.s32 $_size_execute0_lowered;
	s2 =	sadd.s32 s2, s4;
	[dreg:$0x0] =	wrdreg $0x0  }
0xa8: {  	s4 =	sshll.u32 s28, $0x1;
	[dreg:$0x2] =	wrdreg s2  }
0xa9: {  	[dreg:$0x3] =	wrdreg s4  }
0xaa: {  	[dreg:$0x4] =	wrdreg $0xC0  }
0xab: {  	_ =	task [dreg:s6], $0x5FFFF  }
0xac: {  	[dreg:$0x1] =	wrdreg $0xFFFFFFFF  }
0xad: {  	[dreg:$0x0] =	wrdreg $0x60  }
0xae: {  	[dreg:$0x2] =	wrdreg s24  }
0xaf: {  	[dreg:$0x3] =	wrdreg $0x0  }
0xb0: {  	[dreg:$0x4] =	wrdreg $0x9  }
0xb1: {  	_ =	task.clear_ibuf [dreg:s6], $0x5FFFF;
	_ =	strace $0x90000046  }
0xb2: {  	s29 =	simm.s32 $0x9;
	_ =	strace $0x80000048  }
0xb3: {  	_ =	swait.ge [sflag:s29], $0x1  }
0xb4: {  	[sflag:s29] =	ssyncadd.s32 $0xFFFFFFFF  }
0xb5: {  	_ =	strace $0x90000048  }
0xb6: {  	_ =	sfence  }
0xb7: {  	s30 =	sld [smem:$0x0];
	_ =	sdelay $0x2  }
0xb8: {  	s31 =	sshll.u32 s1, $0xD;
	s1 =	sshrl.u32 s1, $0x2  }
0xb9: {  	s3 =	sand.u32 $0x4000, s31;
	s1 =	sadd.s32 s1, s30  }
0xba: {  	s0 =	sor.u32 s3, s0;
	s1 =	sshll.u32 s1, $0x11  }
0xbb: {  	s0 =	sor.u32 s1, s0  }
0xbc: {  	s0 =	sadd.s32 $0x8F2B, s0  }
0xbd: {  	[sflag:s0] =	ssyncadd.remote.s32 $0x1  }
0xbe: {  	_ =	sfence.sel $0xFFFF  }
0xbf: {  	[dreg:$0x0] =	wrdreg $0xFFFFFFFF;
	(pc) =	sbr.abs _section_cstart, $3  }
0xc0: {  	[dreg:$0x1] =	wrdreg $0xFFFFFFFF  }
0xc1: {  	_ =	task.clear_ibuf [dreg:s6], $0x2FFFF;
	_ =	strace $0x9FFFFFFF  }
0xc2: {  	(tm) =	ssettm $0x7FFFFFFF  }
0xc3: {  	_ =	shalt  }
tec
execute0_lowered:
.L_overlay_start_1:
0x0: {  	(tag) =	ssettag $0x1  }
0x1: {  	s0 =	srdreg.scid  }
0x2: {  	s1 =	rddreg [dreg:$0x0];
	s22 =	stileid.u32  }
0x3: {  	s4 =	simm.s32 $0x0;
	s28 =	simm.s32 $0x1;
	s29 =	simm.s32 $0x2  }
0x4: {  	s30 =	simm.s32 $0x1CC00;
	s31 =	simm.s32 $0x1D400;
	s3 =	sand.u32 $0x1, s0  }
0x5: {  	s2 =	smul.u32 $0x1A000, s22;
	[smem:$0x7FF] =	sst s4;
	s5 =	sadd.s32 $0xDF000, s1  }
0x6: {  	s0 =	ssub.s32 $0x2, s3;
	s8 =	smul.u32 $0x1A0000, s3;
	s3 =	sshll.u32 s3, $0x4  }
0x7: {  	s16 =	sshrl.u32 s0, $0x1;
	s4 =	sadd.s32 $0x2000, s2;
	s6 =	sadd.s32 $0x4000, s2  }
0x8: {  	s7 =	sadd.s32 $0x6000, s2;
	s9 =	sadd.s32 $0x8000, s2;
	s10 =	sadd.s32 $0xA000, s2  }
0x9: {  	s11 =	sadd.s32 $0xC000, s2;
	s12 =	sadd.s32 $0xE000, s2;
	s13 =	sadd.s32 $0x10000, s2  }
0xa: {  	s15 =	sadd.s32 $0x12000, s2;
	s20 =	sadd.s32 $0x14000, s2;
	s3 =	sor.u32 s22, s3  }
0xb: {  	s0 =	ssub.s32 s0, s16;
	s14 =	sadd.s32 s2, s8;
	s16 =	sadd.s32 s8, s4  }
0xc: {  	s18 =	sadd.s32 s8, s6;
	s19 =	sadd.s32 s8, s7;
	s24 =	sadd.s32 s8, s10  }
0xd: {  	s25 =	sadd.s32 s8, s11;
	s26 =	sadd.s32 s8, s12;
	s14 =	sshrl.u32 s14, $0x3  }
0xe: {  	s17 =	sshrl.u32 s16, $0x3;
	s16 =	sshrl.u32 s19, $0x3;
	s19 =	sadd.s32 s8, s15  }
0xf: {  	s14 =	sadd.s32 s5, s14;
	s21 =	sadd.s32 s5, s16;
	s16 =	sshrl.u32 s25, $0x3  }
0x10: {  	s25 =	sadd.s32 $0x16000, s2;
	[dreg:$0x3] =	wrdreg s14;
	s14 =	sadd.s32 s5, s17  }
0x11: {  	s17 =	sadd.s32 s8, s9;
	[dreg:$0x6] =	wrdreg s21;
	s16 =	sadd.s32 s5, s16  }
0x12: {  	s21 =	sadd.s32 s8, s20;
	[dreg:$0x4] =	wrdreg s14;
	s14 =	sshrl.u32 s18, $0x3  }
0x13: {  	s23 =	sshrl.u32 s17, $0x3;
	[dreg:$0x9] =	wrdreg s16;
	s17 =	sshrl.u32 s26, $0x3  }
0x14: {  	s18 =	sadd.s32 s8, s13;
	s16 =	sshrl.u32 s19, $0x3;
	s14 =	sadd.s32 s5, s14  }
0x15: {  	s26 =	sadd.s32 s8, s25;
	[dreg:$0x5] =	wrdreg s14;
	s14 =	sadd.s32 s5, s23  }
0x16: {  	s23 =	sadd.s32 s5, s16;
	[dreg:$0x7] =	wrdreg s14;
	s14 =	sshrl.u32 s24, $0x3  }
0x17: {  	[dreg:$0xc] =	wrdreg s23;
	s24 =	sshrl.u32 s21, $0x3;
	s14 =	sadd.s32 s5, s14  }
0x18: {  	[dreg:$0x8] =	wrdreg s14;
	s14 =	sadd.s32 s5, s17;
	s17 =	sshrl.u32 s26, $0x3  }
0x19: {  	[dreg:$0xa] =	wrdreg s14;
	s14 =	sshrl.u32 s18, $0x3;
	s17 =	sadd.s32 s5, s17  }
0x1a: {  	s21 =	sadd.s32 $0x18000, s2;
	s14 =	sadd.s32 s5, s14;
	[dreg:$0xe] =	wrdreg s17  }
0x1b: {  	s8 =	sadd.s32 s8, s21;
	[dreg:$0xb] =	wrdreg s14;
	s14 =	sadd.s32 s5, s24  }
0x1c: {  	s0 =	smax.u32 s0, $0x1;
	s8 =	sshrl.u32 s8, $0x3;
	[dreg:$0xd] =	wrdreg s14  }
0x1d: {  	s19 =	sadd.s32 $0x1B000, s1;
	s5 =	sadd.s32 s5, s8;
	s14 =	rddreg [dreg:$0x1]  }
0x1e: {  	s16 =	simm.s32 $0x1A180;
	s18 =	sadd.s32 $0x7D000, s1;
	[dreg:$0xf] =	wrdreg s5  }
0x1f: {  	_ =	strace $0x80000047;
	s2 =	sadd.s32 s2, s14;
	[dreg:$0x1d] =	wrdreg s0  }
0x20: {  	s17 =	sadd.s32 $0x1000, s1;
	s5 =	sadd.s32 s4, s14;
	[dreg:$0x10] =	wrdreg s2  }
0x21: {  	s1 =	simm.s32 $0x0;
	s6 =	sadd.s32 s6, s14;
	[dreg:$0x11] =	wrdreg s5  }
0x22: {  	s8 =	sadd.s32 s7, s14;
	s9 =	sadd.s32 s9, s14;
	[dreg:$0x12] =	wrdreg s6  }
0x23: {  	s10 =	sadd.s32 s10, s14;
	s11 =	sadd.s32 s11, s14;
	[dreg:$0x13] =	wrdreg s8  }
0x24: {  	s12 =	sadd.s32 s12, s14;
	s22 =	sadd.s32 s13, s14;
	[dreg:$0x14] =	wrdreg s9  }
0x25: {  	s23 =	sadd.s32 s15, s14;
	s24 =	sadd.s32 s20, s14;
	[dreg:$0x17] =	wrdreg s12  }
0x26: {  	s25 =	sadd.s32 s25, s14;
	s26 =	sadd.s32 s21, s14;
	[dreg:$0x18] =	wrdreg s22  }
0x27: {  	s4 =	simm.s32 $0x1C400;
	s7 =	simm.s32 $0x1A200;
	[dreg:$0x19] =	wrdreg s23  }
0x28: {  	s15 =	simm.s32 $0x1AC00;
	s20 =	simm.s32 $0x1B400;
	[dreg:$0x1a] =	wrdreg s24  }
0x29: {  	s21 =	simm.s32 $0x1A280;
	s13 =	simm.s32 $0x1DC00;
	[dreg:$0x1b] =	wrdreg s25  }
0x2a: {  	[dreg:$0x1c] =	wrdreg s26;
	s2 =	smul.u32 $0xC4, s3;
	s5 =	simm.s32 $0x3  }
0x2b: {  	s6 =	simm.s32 $0x1A000;
	s8 =	simm.s32 $0x80;
	s9 =	simm.s32 $0x1A400  }
0x2c: {  	s12 =	simm.s32 $0x1A100;
	s3 =	simm.s32 $0x1B000;
	s22 =	simm.s32 $0x1B800  }
0x2d: {  	s23 =	simm.s32 $0x1A300;
	s24 =	simm.s32 $0x1BC00;
	[dreg:$0x15] =	wrdreg s10  }
0x2e: {  	v0 =	vlaneseq.u32;
	v1 =	vimm.f32 $0.0e+00;
	v2 =	vimm.f32 $1.000000000e+00;
	s25 =	simm.s32 $0x1A380;
	s26 =	simm.s32 $0x1C000;
	[dreg:$0x16] =	wrdreg s11  }
.LBB2_1:
0x2f: {  	[dreg:$0x1e] =	wrdreg s1;
	s1 =	simm.s32 $0x0  }
0x30: {  	s0 =	simm.s32 $0x1;
	v3 =	vor.u32 s1, v0  }
.LBB2_2:
0x31: {  	p0 =	sne.s32 s0, $0x1FF  }
.Ltmp0:
0x32: {  	_ = 	snop;
	(pc) =	sbr.rel @p0 .LBB2_2-.Ltmp0, $3  }
0x33: {  	_ =	sdelay $0x1  }
0x34: {  	s1 =	sshll.u32 s0, $0x4;
	s0 =	sadd.s32 $0x1, s0;
	[tilespmem:v3+s4+$0x0] =	vst.idx.msk $0xffff, v1  }
0x35: {  	v3 =	vor.u32 s1, v0  }
0x36: {  	_ =	sdelay $0x3  }
0x37: {  	[tilespmem:v3+s4+$0x0] =	vst.idx.msk $0xffff, v1;
	s0 =	rddreg [dreg:$0x10]  }
0x38: {  	[spmem:s0] =	stream.linear.scatter [tilespmem:s4], [sflag:$0x3], $0x2000, $0x38;
	[tilespmem:$0x1E400] =	vst v63  }
0x39: {  	_ =	swait.ge [sflag:s5], $0x2000  }
0x3a: {  	[sflag:s5] =	ssyncset.done $0x0  }
0x3b: {  	s1 =	rddreg [dreg:$0x11];
	[sflag:s5] =	ssyncadd.s32 $0xFFFFE000  }
0x3c: {  	[spmem:s1] =	stream.linear.scatter [tilespmem:s4], [sflag:$0x3], $0x2000, $0x38;
	[tilespmem:$0x1E400] =	vst v63  }
0x3d: {  	_ =	swait.ge [sflag:s5], $0x2000  }
0x3e: {  	[sflag:s5] =	ssyncset.done $0x0  }
0x3f: {  	s1 =	rddreg [dreg:$0x12];
	[sflag:s5] =	ssyncadd.s32 $0xFFFFE000  }
0x40: {  	[spmem:s1] =	stream.linear.scatter [tilespmem:s4], [sflag:$0x3], $0x2000, $0x38;
	[tilespmem:$0x1E400] =	vst v63  }
0x41: {  	_ =	swait.ge [sflag:s5], $0x2000  }
0x42: {  	[sflag:s5] =	ssyncset.done $0x0  }
0x43: {  	s1 =	rddreg [dreg:$0x13];
	[sflag:s5] =	ssyncadd.s32 $0xFFFFE000  }
0x44: {  	[spmem:s1] =	stream.linear.scatter [tilespmem:s4], [sflag:$0x3], $0x2000, $0x38;
	[tilespmem:$0x1E400] =	vst v63  }
0x45: {  	_ =	swait.ge [sflag:s5], $0x2000  }
0x46: {  	[sflag:s5] =	ssyncset.done $0x0  }
0x47: {  	s1 =	rddreg [dreg:$0x14];
	[sflag:s5] =	ssyncadd.s32 $0xFFFFE000  }
0x48: {  	[spmem:s1] =	stream.linear.scatter [tilespmem:s4], [sflag:$0x3], $0x2000, $0x38;
	[tilespmem:$0x1E400] =	vst v63  }
0x49: {  	_ =	swait.ge [sflag:s5], $0x2000  }
0x4a: {  	[sflag:s5] =	ssyncset.done $0x0  }
0x4b: {  	[sflag:s5] =	ssyncadd.s32 $0xFFFFE000  }
0x4c: {  	[spmem:s10] =	stream.linear.scatter [tilespmem:s4], [sflag:$0x3], $0x2000, $0x38;
	[tilespmem:$0x1E400] =	vst v63  }
0x4d: {  	_ =	swait.ge [sflag:s5], $0x2000  }
0x4e: {  	[sflag:s5] =	ssyncset.done $0x0  }
0x4f: {  	[sflag:s5] =	ssyncadd.s32 $0xFFFFE000  }
0x50: {  	[spmem:s11] =	stream.linear.scatter [tilespmem:s4], [sflag:$0x3], $0x2000, $0x38;
	[tilespmem:$0x1E400] =	vst v63  }
0x51: {  	_ =	swait.ge [sflag:s5], $0x2000  }
0x52: {  	[sflag:s5] =	ssyncset.done $0x0  }
0x53: {  	s1 =	rddreg [dreg:$0x17];
	[sflag:s5] =	ssyncadd.s32 $0xFFFFE000  }
0x54: {  	[spmem:s1] =	stream.linear.scatter [tilespmem:s4], [sflag:$0x3], $0x2000, $0x38;
	[tilespmem:$0x1E400] =	vst v63  }
0x55: {  	_ =	swait.ge [sflag:s5], $0x2000  }
0x56: {  	[sflag:s5] =	ssyncset.done $0x0  }
0x57: {  	s10 =	rddreg [dreg:$0x18];
	[sflag:s5] =	ssyncadd.s32 $0xFFFFE000  }
0x58: {  	[spmem:s10] =	stream.linear.scatter [tilespmem:s4], [sflag:$0x3], $0x2000, $0x38;
	[tilespmem:$0x1E400] =	vst v63  }
0x59: {  	_ =	swait.ge [sflag:s5], $0x2000  }
0x5a: {  	[sflag:s5] =	ssyncset.done $0x0  }
0x5b: {  	s11 =	rddreg [dreg:$0x19];
	[sflag:s5] =	ssyncadd.s32 $0xFFFFE000  }
0x5c: {  	[spmem:s11] =	stream.linear.scatter [tilespmem:s4], [sflag:$0x3], $0x2000, $0x38;
	[tilespmem:$0x1E400] =	vst v63  }
0x5d: {  	_ =	swait.ge [sflag:s5], $0x2000  }
0x5e: {  	[sflag:s5] =	ssyncset.done $0x0  }
0x5f: {  	s1 =	rddreg [dreg:$0x1a];
	[sflag:s5] =	ssyncadd.s32 $0xFFFFE000  }
0x60: {  	[spmem:s1] =	stream.linear.scatter [tilespmem:s4], [sflag:$0x3], $0x2000, $0x38;
	[tilespmem:$0x1E400] =	vst v63  }
0x61: {  	_ =	swait.ge [sflag:s5], $0x2000  }
0x62: {  	[sflag:s5] =	ssyncset.done $0x0  }
0x63: {  	s10 =	rddreg [dreg:$0x1b];
	[sflag:s5] =	ssyncadd.s32 $0xFFFFE000  }
0x64: {  	[spmem:s10] =	stream.linear.scatter [tilespmem:s4], [sflag:$0x3], $0x2000, $0x38;
	[tilespmem:$0x1E400] =	vst v63  }
0x65: {  	_ =	swait.ge [sflag:s5], $0x2000  }
0x66: {  	[sflag:s5] =	ssyncset.done $0x0  }
0x67: {  	s11 =	rddreg [dreg:$0x1c];
	[sflag:s5] =	ssyncadd.s32 $0xFFFFE000  }
0x68: {  	[spmem:s11] =	stream.linear.scatter [tilespmem:s4], [sflag:$0x3], $0x2000, $0x38;
	[tilespmem:$0x1E400] =	vst v63  }
0x69: {  	_ =	swait.ge [sflag:s5], $0x2000  }
0x6a: {  	[sflag:s5] =	ssyncset.done $0x0  }
0x6b: {  	[sflag:s5] =	ssyncadd.s32 $0xFFFFE000  }
0x6c: {  	s0 =	simm.s32 $0x0;
	s1 =	simm.s32 $0x0;
	[bflag:$0x0] =	sbarrier.arrive $0xFFFF  }
.LBB2_4:
0x6d: {  	s10 =	sadd.s32 s2, s0  }
0x6e: {  	s10 =	sshll.u32 s10, $0x6  }
0x6f: {  	s11 =	sadd.s32 s18, s10  }
0x70: {  	[tilespmem:s6], [sflag:$0x3] =	stream.linear.gather [hbm4b:s11+s1], $0x200, $0x38;
	[tilespmem:$0x1E400] =	vst v63  }
0x71: {  	_ =	swait.ge [sflag:s5], $0x200  }
0x72: {  	[sflag:s5] =	ssyncset.done $0x0  }
0x73: {  	s10 =	sadd.s32 s19, s10;
	[sflag:s5] =	ssyncadd.s32 $0xFFFFFE00  }
0x74: {  	[tilespmem:s7], [sflag:$0x3] =	stream.linear.gather [hbm4b:s10+s1], $0x200, $0x38;
	[tilespmem:$0x1E400] =	vst v63  }
0x75: {  	_ =	swait.ge [sflag:s5], $0x200  }
0x76: {  	[sflag:s5] =	ssyncset.done $0x0  }
0x77: {  	[sflag:s5] =	ssyncadd.s32 $0xFFFFFE00  }
0x78: {  	[tilespmem:s9], [sflag:$0x1] =	stream.indirect.gather [hbm4b:s17+s8], $0x8, s6, s8, $0xb8;
	[tilespmem:$0x1E400] =	vst v63  }
0x79: {  	s11 =	simm.s32 $0x1A800;
	s10 =	simm.s32 $0x1A080  }
0x7a: {  	[tilespmem:s11], [sflag:$0x1] =	stream.indirect.gather [hbm4b:s17+s8], $0x8, s10, s8, $0xb8;
	[tilespmem:$0x1E400] =	vst v63  }
0x7b: {  	_ = 	snop  }
0x7c: {  	[tilespmem:s15], [sflag:$0x1] =	stream.indirect.gather [hbm4b:s17+s8], $0x8, s12, s8, $0xb8;
	[tilespmem:$0x1E400] =	vst v63  }
0x7d: {  	_ = 	snop  }
0x7e: {  	[tilespmem:s3], [sflag:$0x1] =	stream.indirect.gather [hbm4b:s17+s8], $0x8, s16, s8, $0xb8;
	[tilespmem:$0x1E400] =	vst v63  }
0x7f: {  	_ = 	snop  }
0x80: {  	[tilespmem:s20], [sflag:$0x2] =	stream.indirect.gather [hbm4b:s17+s8], $0x8, s7, s8, $0xb8;
	[tilespmem:$0x1E400] =	vst v63  }
0x81: {  	_ = 	snop  }
0x82: {  	[tilespmem:s22], [sflag:$0x2] =	stream.indirect.gather [hbm4b:s17+s8], $0x8, s21, s8, $0xb8;
	[tilespmem:$0x1E400] =	vst v63  }
0x83: {  	_ = 	snop  }
0x84: {  	[tilespmem:s24], [sflag:$0x2] =	stream.indirect.gather [hbm4b:s17+s8], $0x8, s23, s8, $0xb8;
	[tilespmem:$0x1E400] =	vst v63  }
0x85: {  	_ = 	snop  }
0x86: {  	[tilespmem:s26], [sflag:$0x2] =	stream.indirect.gather [hbm4b:s17+s8], $0x8, s25, s8, $0xb8;
	[tilespmem:$0x1E400] =	vst v63  }
0x87: {  	_ =	swait.ge [sflag:s28], $0x400  }
0x88: {  	[sflag:s28] =	ssyncset.done $0x0  }
0x89: {  	[sflag:s28] =	ssyncadd.s32 $0xFFFFFC00  }
0x8a: {  	_ =	swait.ge [sflag:s28], $0x400  }
0x8b: {  	[sflag:s28] =	ssyncset.done $0x0  }
0x8c: {  	[sflag:s28] =	ssyncadd.s32 $0xFFFFFC00  }
0x8d: {  	_ =	swait.ge [sflag:s28], $0x400  }
0x8e: {  	[sflag:s28] =	ssyncset.done $0x0  }
0x8f: {  	[sflag:s28] =	ssyncadd.s32 $0xFFFFFC00  }
0x90: {  	_ =	swait.ge [sflag:s28], $0x400  }
0x91: {  	[sflag:s28] =	ssyncset.done $0x0  }
0x92: {  	[sflag:s28] =	ssyncadd.s32 $0xFFFFFC00  }
0x93: {  	_ =	swait.ge [sflag:s29], $0x400  }
0x94: {  	[sflag:s29] =	ssyncset.done $0x0  }
0x95: {  	[sflag:s29] =	ssyncadd.s32 $0xFFFFFC00  }
0x96: {  	_ =	swait.ge [sflag:s29], $0x400  }
0x97: {  	[sflag:s29] =	ssyncset.done $0x0  }
0x98: {  	[sflag:s29] =	ssyncadd.s32 $0xFFFFFC00  }
0x99: {  	v3 =	vor.u32 s1, v0;
	_ =	swait.ge [sflag:s29], $0x400  }
0x9a: {  	v4 =	vshll.u32 v3, $0x3;
	[sflag:s29] =	ssyncset.done $0x0  }
0x9b: {  	[sflag:s29] =	ssyncadd.s32 $0xFFFFFC00  }
0x9c: {  	v5 =	vor.u32 $0x1, v4;
	_ =	swait.ge [sflag:s29], $0x400  }
0x9d: {  	[sflag:s29] =	ssyncset.done $0x0  }
0x9e: {  	v6 =	vor.u32 $0x2, v4;
	[sflag:s29] =	ssyncadd.s32 $0xFFFFFC00  }
0x9f: {  	v7 =	vld.idx.msk [tilespmem:v4+s9+$0x0], $0xffff  }
0xa0: {  	v8 =	vld.idx.msk [tilespmem:v4+s20+$0x0], $0xffff  }
0xa1: {  	v9 =	vld.idx.msk [tilespmem:v5+s9+$0x0], $0xffff  }
0xa2: {  	v5 =	vld.idx.msk [tilespmem:v5+s20+$0x0], $0xffff  }
0xa3: {  	v13 =	vor.u32 $0x3, v4;
	v10 =	vld.idx.msk [tilespmem:v6+s9+$0x0], $0xffff  }
0xa4: {  	v6 =	vld.idx.msk [tilespmem:v6+s20+$0x0], $0xffff  }
0xa5: {  	v11 =	vor.u32 $0x4, v4  }
0xa6: {  	v12 =	vor.u32 $0x6, v4  }
0xa7: {  	v7 =	vsub.f32 v8, v7;
	v5 =	vsub.f32 v5, v9  }
0xa8: {  	v4 =	vor.u32 $0x5, v4;
	v15 =	vld.idx.msk [tilespmem:v13+s9+$0x0], $0xffff  }
0xa9: {  	v13 =	vld.idx.msk [tilespmem:v13+s20+$0x0], $0xffff;
	v6 =	vsub.f32 v6, v10;
	v10 =	vmul.f32 v7, v7;
	v14 =	vmul.f32 v5, v5  }
0xaa: {  	v8 =	vld.idx.msk [tilespmem:v11+s20+$0x0], $0xffff  }
0xab: {  	v9 =	vld.idx.msk [tilespmem:v12+s20+$0x0], $0xffff;
	v10 =	vadd.f32 v14, v10;
	v14 =	vmul.f32 v6, v6  }
0xac: {  	v12 =	vld.idx.msk [tilespmem:v12+s9+$0x0], $0xffff  }
0xad: {  	v11 =	vld.idx.msk [tilespmem:v11+s9+$0x0], $0xffff;
	v10 =	vadd.f32 v14, v10  }
0xae: {  	v16 =	vld.idx.msk [tilespmem:v4+s20+$0x0], $0xffff  }
0xaf: {  	v18 =	vld.idx.msk [tilespmem:v4+s9+$0x0], $0xffff;
	v4 =	vadd.f32 $9.999999930e-09, v10  }
0xb0: {  	v17 =	vmul.f32 v9, v13  }
0xb1: {  	v14 =	vmul.f32 v12, v15;
	(erf) = vrcp.f32 v4  }
0xb2: {  	v10 =	vmul.f32 v9, v8;
	v4 =	vmul.f32 v12, v11  }
0xb3: {  	v9 =	vmul.f32 v9, v16  }
0xb4: {  	v12 =	vmul.f32 v12, v18;
	v4 =	vsub.f32 v10, v4;
	v10 =	vsub.f32 v17, v14;
	_ =	sdelay $0x1  }
0xb5: {  	v9 =	vsub.f32 v9, v12;
	v4 =	vmul.f32 v4, v5;
	v10 =	vmul.f32 v10, v7;
	_ =	sdelay $0x1  }
0xb6: {  	v9 =	vmul.f32 v9, v6;
	v10 =	vadd.f32 v4, v10  }
0xb7: {  	v20 =	vsub.f32 v8, v11;
	v4 =	vshll.u32 v3, $0x4  }
0xb8: {  	v16 =	vsub.f32 v16, v18;
	v3 =	vadd.f32 v10, v9;
	v10 =	vor.u32 $0x1, v4;
	v12 =	vpop (erf)  }
0xb9: {  	v14 =	vsub.f32 v13, v15;
	v15 =	vor.u32 $0x2, v4;
	v9 =	vmul.f32 v12, v7  }
0xba: {  	v19 =	vor.u32 $0x3, v4;
	v5 =	vmul.f32 v12, v5;
	v3 =	vmul.f32 v3, v12  }
0xbb: {  	v6 =	vmul.f32 v12, v6;
	v12 =	vor.u32 $0x4, v4;
	v7 =	vmul.f32 v9, v14  }
0xbc: {  	v8 =	vor.u32 $0x9, v4;
	v13 =	vor.u32 $0x5, v4;
	[tilespmem:v4+s4+$0x0] =	vst.idx.msk $0xffff, v3;
	v17 =	vmul.f32 v5, v14  }
0xbd: {  	s11 =	simm.s32 $0x10;
	v11 =	vmul.f32 v6, v20;
	v21 =	vmul.f32 v6, v14;
	v14 =	vor.u32 $0x6, v4;
	[tilespmem:v10+s4+$0x0] =	vst.idx.msk $0xffff, v7  }
0xbe: {  	v3 =	vor.u32 s11, v0;
	[tilespmem:v15+s4+$0x0] =	vst.idx.msk $0xffff, v17;
	v17 =	vmul.f32 v9, v20;
	v15 =	vor.u32 $0x7, v4  }
0xbf: {  	s10 =	simm.s32 $0x20;
	v18 =	vmul.f32 v5, v20;
	v10 =	vor.u32 $0x8, v4;
	v7 =	vshll.u32 v3, $0x3;
	[tilespmem:v19+s4+$0x0] =	vst.idx.msk $0xffff, v21  }
.LBB2_5:
0xc0: {  	p0 =	sne.s32 s10, $0x1F0;
	v19 =	vor.u32 $0x1, v7;
	[tilespmem:v12+s4+$0x0] =	vst.idx.msk $0xffff, v17;
	s11 =	smov.u32 s10;
	s10 =	sadd.s32 $0x10, s10  }
0xc1: {  	v4 =	vor.u32 $0xA, v4;
	[tilespmem:v13+s4+$0x0] =	vst.idx.msk $0xffff, v18;
	v9 =	vmul.f32 v9, v16  }
0xc2: {  	v5 =	vmul.f32 v5, v16;
	[tilespmem:v14+s4+$0x0] =	vst.idx.msk $0xffff, v11  }
0xc3: {  	v6 =	vmul.f32 v6, v16;
	v11 =	vor.u32 $0x2, v7;
	[tilespmem:v15+s4+$0x0] =	vst.idx.msk $0xffff, v9  }
0xc4: {  	[tilespmem:v10+s4+$0x0] =	vst.idx.msk $0xffff, v5  }
0xc5: {  	[tilespmem:v8+s4+$0x0] =	vst.idx.msk $0xffff, v6  }
0xc6: {  	[tilespmem:v4+s4+$0x0] =	vst.idx.msk $0xffff, v2  }
0xc7: {  	v4 =	vld.idx.msk [tilespmem:v7+s9+$0x0], $0xffff  }
0xc8: {  	v5 =	vld.idx.msk [tilespmem:v7+s20+$0x0], $0xffff  }
0xc9: {  	v6 =	vld.idx.msk [tilespmem:v19+s9+$0x0], $0xffff  }
0xca: {  	v8 =	vor.u32 $0x5, v7;
	v9 =	vld.idx.msk [tilespmem:v19+s20+$0x0], $0xffff  }
0xcb: {  	v10 =	vld.idx.msk [tilespmem:v11+s9+$0x0], $0xffff  }
0xcc: {  	v12 =	vor.u32 $0x3, v7;
	v13 =	vor.u32 $0x4, v7;
	v11 =	vld.idx.msk [tilespmem:v11+s20+$0x0], $0xffff  }
0xcd: {  	v7 =	vor.u32 $0x6, v7;
	_ =	sdelay $0x1  }
0xce: {  	v16 =	vld.idx.msk [tilespmem:v8+s20+$0x0], $0xffff  }
0xcf: {  	v5 =	vsub.f32 v5, v4;
	v6 =	vsub.f32 v9, v6;
	v18 =	vld.idx.msk [tilespmem:v8+s9+$0x0], $0xffff  }
0xd0: {  	v8 =	vld.idx.msk [tilespmem:v13+s20+$0x0], $0xffff  }
0xd1: {  	v9 =	vmul.f32 v5, v5;
	v10 =	vsub.f32 v11, v10;
	v11 =	vmul.f32 v6, v6;
	v4 =	vld.idx.msk [tilespmem:v7+s20+$0x0], $0xffff  }
0xd2: {  	v7 =	vld.idx.msk [tilespmem:v7+s9+$0x0], $0xffff  }
0xd3: {  	v9 =	vadd.f32 v11, v9;
	v11 =	vmul.f32 v10, v10;
	v14 =	vld.idx.msk [tilespmem:v12+s9+$0x0], $0xffff  }
0xd4: {  	v13 =	vld.idx.msk [tilespmem:v13+s9+$0x0], $0xffff  }
0xd5: {  	v9 =	vadd.f32 v11, v9;
	v12 =	vld.idx.msk [tilespmem:v12+s20+$0x0], $0xffff;
	_ =	sdelay $0x1  }
0xd6: {  	v9 =	vadd.f32 $9.999999930e-09, v9;
	v11 =	vmul.f32 v4, v8  }
0xd7: {  	v15 =	vmul.f32 v4, v16;
	v17 =	vmul.f32 v7, v18  }
0xd8: {  	v19 =	vmul.f32 v7, v14  }
0xd9: {  	v7 =	vmul.f32 v7, v13;
	v15 =	vsub.f32 v15, v17;
	(erf) = vrcp.f32 v9  }
0xda: {  	v4 =	vmul.f32 v4, v12  }
0xdb: {  	v7 =	vsub.f32 v11, v7;
	v9 =	vmul.f32 v15, v10  }
0xdc: {  	v4 =	vsub.f32 v4, v19  }
0xdd: {  	v7 =	vmul.f32 v7, v6  }
0xde: {  	v4 =	vmul.f32 v4, v5;
	_ =	sdelay $0x1  }
0xdf: {  	v7 =	vadd.f32 v7, v4  }
0xe0: {  	v14 =	vsub.f32 v12, v14;
	v4 =	vshll.u32 v3, $0x4  }
0xe1: {  	v15 =	vor.u32 $0x2, v4;
	v3 =	vadd.f32 v7, v9;
	v7 =	vor.u32 $0x1, v4;
	v11 =	vpop (erf)  }
0xe2: {  	v19 =	vor.u32 $0x3, v4;
	v9 =	vmul.f32 v11, v5;
	v5 =	vmul.f32 v11, v6  }
0xe3: {  	v20 =	vsub.f32 v8, v13;
	v3 =	vmul.f32 v3, v11;
	v6 =	vmul.f32 v11, v10  }
.Ltmp1:
0xe4: {  	v12 =	vor.u32 $0x4, v4;
	v8 =	vor.u32 $0x9, v4;
	v10 =	vmul.f32 v9, v14;
	(pc) =	sbr.rel @p0 .LBB2_5-.Ltmp1, $4  }
0xe5: {  	v13 =	vor.u32 $0x5, v4;
	v17 =	vmul.f32 v5, v14;
	v11 =	vmul.f32 v6, v20;
	[tilespmem:v4+s4+$0x0] =	vst.idx.msk $0xffff, v3  }
0xe6: {  	v21 =	vmul.f32 v6, v14;
	v14 =	vor.u32 $0x6, v4;
	[tilespmem:v7+s4+$0x0] =	vst.idx.msk $0xffff, v10;
	v10 =	vor.u32 $0x8, v4  }
0xe7: {  	v3 =	vor.u32 s11, v0;
	[tilespmem:v15+s4+$0x0] =	vst.idx.msk $0xffff, v17;
	v17 =	vmul.f32 v9, v20;
	v15 =	vor.u32 $0x7, v4  }
0xe8: {  	v16 =	vsub.f32 v16, v18;
	v18 =	vmul.f32 v5, v20;
	v7 =	vshll.u32 v3, $0x3;
	[tilespmem:v19+s4+$0x0] =	vst.idx.msk $0xffff, v21  }
0xe9: {  	_ =	sdelay $0x3  }
0xea: {  	[tilespmem:v12+s4+$0x0] =	vst.idx.msk $0xffff, v17  }
0xeb: {  	v4 =	vor.u32 $0xA, v4;
	[tilespmem:v13+s4+$0x0] =	vst.idx.msk $0xffff, v18;
	v9 =	vmul.f32 v9, v16  }
0xec: {  	v5 =	vmul.f32 v5, v16;
	[tilespmem:v14+s4+$0x0] =	vst.idx.msk $0xffff, v11  }
0xed: {  	v6 =	vmul.f32 v6, v16;
	[tilespmem:v15+s4+$0x0] =	vst.idx.msk $0xffff, v9  }
0xee: {  	v29 =	vor.u32 $0x1, v7;
	[tilespmem:v10+s4+$0x0] =	vst.idx.msk $0xffff, v5  }
0xef: {  	[tilespmem:v8+s4+$0x0] =	vst.idx.msk $0xffff, v6  }
0xf0: {  	v30 =	vor.u32 $0x2, v7;
	[tilespmem:v4+s4+$0x0] =	vst.idx.msk $0xffff, v2  }
0xf1: {  	v4 =	vld.idx.msk [tilespmem:v7+s9+$0x0], $0xffff  }
0xf2: {  	v6 =	vld.idx.msk [tilespmem:v7+s20+$0x0], $0xffff  }
0xf3: {  	v8 =	vld.idx.msk [tilespmem:v29+s9+$0x0], $0xffff  }
0xf4: {  	v9 =	vld.idx.msk [tilespmem:v29+s20+$0x0], $0xffff  }
0xf5: {  	v31 =	vor.u32 $0x4, v7;
	v10 =	vld.idx.msk [tilespmem:v30+s9+$0x0], $0xffff  }
0xf6: {  	v32 =	vor.u32 $0x6, v7;
	v5 =	vld.idx.msk [tilespmem:v30+s20+$0x0], $0xffff;
	_ =	sdelay $0x1  }
0xf7: {  	v33 =	vor.u32 $0x3, v7  }
0xf8: {  	v4 =	vsub.f32 v6, v4;
	v34 =	vsub.f32 v9, v8  }
0xf9: {  	v35 =	vor.u32 $0x5, v7;
	v36 =	vld.idx.msk [tilespmem:v31+s20+$0x0], $0xffff  }
0xfa: {  	v37 =	vld.idx.msk [tilespmem:v32+s20+$0x0], $0xffff;
	v5 =	vsub.f32 v5, v10;
	v38 =	vmul.f32 v4, v4;
	v39 =	vmul.f32 v34, v34  }
0xfb: {  	v12 =	vld.idx.msk [tilespmem:v32+s9+$0x0], $0xffff  }
0xfc: {  	v15 =	vld.idx.msk [tilespmem:v33+s9+$0x0], $0xffff;
	v40 =	vmul.f32 v5, v5;
	v10 =	vadd.f32 v39, v38  }
0xfd: {  	v11 =	vld.idx.msk [tilespmem:v31+s9+$0x0], $0xffff  }
0xfe: {  	v13 =	vld.idx.msk [tilespmem:v33+s20+$0x0], $0xffff;
	v10 =	vadd.f32 v40, v10  }
0xff: {  	v41 =	vld.idx.msk [tilespmem:v35+s20+$0x0], $0xffff  }
0x100: {  	v7 =	vld.idx.msk [tilespmem:v35+s9+$0x0], $0xffff;
	v10 =	vadd.f32 $9.999999930e-09, v10  }
0x101: {  	v42 =	vmul.f32 v37, v36  }
0x102: {  	v43 =	vmul.f32 v12, v15;
	(erf) = vrcp.f32 v10  }
0x103: {  	v44 =	vmul.f32 v12, v11;
	v45 =	vmul.f32 v37, v13  }
0x104: {  	v9 =	vmul.f32 v37, v41  }
0x105: {  	v12 =	vmul.f32 v12, v7;
	v46 =	vsub.f32 v45, v43;
	v10 =	vsub.f32 v42, v44;
	_ =	sdelay $0x1  }
0x106: {  	v9 =	vsub.f32 v9, v12;
	v47 =	vmul.f32 v46, v4;
	v10 =	vmul.f32 v10, v34;
	_ =	sdelay $0x1  }
0x107: {  	v9 =	vmul.f32 v9, v5;
	v10 =	vadd.f32 v10, v47  }
0x108: {  	v3 =	vshll.u32 v3, $0x4  }
0x109: {  	v48 =	vor.u32 $0x1, v3;
	v9 =	vadd.f32 v10, v9;
	v49 =	vpop (erf)  }
0x10a: {  	v50 =	vor.u32 $0x2, v3;
	v13 =	vsub.f32 v13, v15;
	v4 =	vmul.f32 v49, v4  }
0x10b: {  	v51 =	vor.u32 $0x3, v3;
	v6 =	vmul.f32 v49, v34;
	v9 =	vmul.f32 v9, v49  }
0x10c: {  	v53 =	vor.u32 $0x4, v3;
	v5 =	vmul.f32 v49, v5;
	v52 =	vmul.f32 v4, v13  }
0x10d: {  	v55 =	vor.u32 $0x5, v3;
	v8 =	vsub.f32 v36, v11;
	[tilespmem:v3+s4+$0x0] =	vst.idx.msk $0xffff, v9;
	v54 =	vmul.f32 v6, v13  }
0x10e: {  	v57 =	vor.u32 $0x6, v3;
	v56 =	vmul.f32 v5, v13;
	[tilespmem:v48+s4+$0x0] =	vst.idx.msk $0xffff, v52  }
0x10f: {  	v59 =	vor.u32 $0x7, v3;
	v58 =	vmul.f32 v4, v8;
	[tilespmem:v50+s4+$0x0] =	vst.idx.msk $0xffff, v54  }
0x110: {  	v60 =	vor.u32 $0x8, v3;
	v7 =	vsub.f32 v41, v7;
	v61 =	vmul.f32 v6, v8;
	[tilespmem:v51+s4+$0x0] =	vst.idx.msk $0xffff, v56  }
0x111: {  	v62 =	vor.u32 $0x9, v3;
	v8 =	vmul.f32 v5, v8;
	[tilespmem:v53+s4+$0x0] =	vst.idx.msk $0xffff, v58  }
0x112: {  	v4 =	vmul.f32 v4, v7;
	v3 =	vor.u32 $0xA, v3;
	[tilespmem:v55+s4+$0x0] =	vst.idx.msk $0xffff, v61  }
0x113: {  	v6 =	vmul.f32 v6, v7;
	[tilespmem:v57+s4+$0x0] =	vst.idx.msk $0xffff, v8  }
0x114: {  	v63 =	vmul.f32 v5, v7;
	[tilespmem:v59+s4+$0x0] =	vst.idx.msk $0xffff, v4  }
0x115: {  	[tilespmem:v60+s4+$0x0] =	vst.idx.msk $0xffff, v6  }
0x116: {  	[tilespmem:v62+s4+$0x0] =	vst.idx.msk $0xffff, v63  }
0x117: {  	[tilespmem:v3+s4+$0x0] =	vst.idx.msk $0xffff, v2  }
0x118: {  	[spmem:s14] =	stream.indirect.scatter.add.f32 [tilespmem:s4], [sflag:$0x3], $0x10, s7, s8, $0xb8;
	[tilespmem:$0x1E400] =	vst v63  }
0x119: {  	_ =	swait.ge [sflag:s5], $0x800  }
0x11a: {  	[sflag:s5] =	ssyncset.done $0x0  }
0x11b: {  	[sflag:s5] =	ssyncadd.s32 $0xFFFFF800  }
0x11c: {  	[spmem:s14] =	stream.indirect.scatter.add.f32 [tilespmem:s30], [sflag:$0x3], $0x10, s21, s8, $0xb8;
	[tilespmem:$0x1E400] =	vst v63  }
0x11d: {  	_ =	swait.ge [sflag:s5], $0x800  }
0x11e: {  	[sflag:s5] =	ssyncset.done $0x0  }
0x11f: {  	[sflag:s5] =	ssyncadd.s32 $0xFFFFF800  }
0x120: {  	[spmem:s14] =	stream.indirect.scatter.add.f32 [tilespmem:s31], [sflag:$0x3], $0x10, s23, s8, $0xb8;
	[tilespmem:$0x1E400] =	vst v63  }
0x121: {  	s0 =	sadd.s32 $0x1, s0;
	_ =	swait.ge [sflag:s5], $0x800  }
0x122: {  	p0 =	sne.s32 s0, $0xC4;
	[sflag:s5] =	ssyncset.done $0x0  }
.Ltmp2:
0x123: {  	[sflag:s5] =	ssyncadd.s32 $0xFFFFF800;
	(pc) =	sbr.rel @p0 .LBB2_4-.Ltmp2, $4  }
0x124: {  	[spmem:s14] =	stream.indirect.scatter.add.f32 [tilespmem:s13], [sflag:$0x3], $0x10, s25, s8, $0xb8;
	[tilespmem:$0x1E400] =	vst v63  }
0x125: {  	_ =	swait.ge [sflag:s5], $0x800  }
0x126: {  	[sflag:s5] =	ssyncset.done $0x0  }
0x127: {  	[sflag:s5] =	ssyncadd.s32 $0xFFFFF800  }
0x128: {  	[bflag:$0x0] =	sbarrier.arrive $0xFFFF  }
0x129: {  	s0 =	rddreg [dreg:$0x10]  }
0x12a: {  	[tilespmem:s4], [sflag:$0x3] =	stream.linear.gather [spmem:s0], $0x2000, $0x38;
	[tilespmem:$0x1E400] =	vst v63  }
0x12b: {  	_ =	swait.ge [sflag:s5], $0x2000  }
0x12c: {  	[sflag:s5] =	ssyncset.done $0x0  }
0x12d: {  	s0 =	simm.s32 $0x0;
	s1 =	rddreg [dreg:$0x3];
	[sflag:s5] =	ssyncadd.s32 $0xFFFFE000  }
0x12e: {  	[hbm4b:s1+s0] =	stream.linear.scatter [tilespmem:s4], [sflag:$0x3], $0x2000, $0x38;
	[tilespmem:$0x1E400] =	vst v63  }
0x12f: {  	_ =	swait.ge [sflag:s5], $0x2000  }
0x130: {  	[sflag:s5] =	ssyncset.done $0x0  }
0x131: {  	s11 =	rddreg [dreg:$0x11];
	[sflag:s5] =	ssyncadd.s32 $0xFFFFE000  }
0x132: {  	[tilespmem:s4], [sflag:$0x3] =	stream.linear.gather [spmem:s11], $0x2000, $0x38;
	[tilespmem:$0x1E400] =	vst v63  }
0x133: {  	_ =	swait.ge [sflag:s5], $0x2000  }
0x134: {  	[sflag:s5] =	ssyncset.done $0x0  }
0x135: {  	s10 =	rddreg [dreg:$0x4];
	[sflag:s5] =	ssyncadd.s32 $0xFFFFE000  }
0x136: {  	[hbm4b:s10+s0] =	stream.linear.scatter [tilespmem:s4], [sflag:$0x3], $0x2000, $0x38;
	[tilespmem:$0x1E400] =	vst v63  }
0x137: {  	_ =	swait.ge [sflag:s5], $0x2000  }
0x138: {  	[sflag:s5] =	ssyncset.done $0x0  }
0x139: {  	s11 =	rddreg [dreg:$0x12];
	[sflag:s5] =	ssyncadd.s32 $0xFFFFE000  }
0x13a: {  	[tilespmem:s4], [sflag:$0x3] =	stream.linear.gather [spmem:s11], $0x2000, $0x38;
	[tilespmem:$0x1E400] =	vst v63  }
0x13b: {  	_ =	swait.ge [sflag:s5], $0x2000  }
0x13c: {  	[sflag:s5] =	ssyncset.done $0x0  }
0x13d: {  	s10 =	rddreg [dreg:$0x5];
	[sflag:s5] =	ssyncadd.s32 $0xFFFFE000  }
0x13e: {  	[hbm4b:s10+s0] =	stream.linear.scatter [tilespmem:s4], [sflag:$0x3], $0x2000, $0x38;
	[tilespmem:$0x1E400] =	vst v63  }
0x13f: {  	_ =	swait.ge [sflag:s5], $0x2000  }
0x140: {  	[sflag:s5] =	ssyncset.done $0x0  }
0x141: {  	s11 =	rddreg [dreg:$0x13];
	[sflag:s5] =	ssyncadd.s32 $0xFFFFE000  }
0x142: {  	[tilespmem:s4], [sflag:$0x3] =	stream.linear.gather [spmem:s11], $0x2000, $0x38;
	[tilespmem:$0x1E400] =	vst v63  }
0x143: {  	_ =	swait.ge [sflag:s5], $0x2000  }
0x144: {  	[sflag:s5] =	ssyncset.done $0x0  }
0x145: {  	s10 =	rddreg [dreg:$0x6];
	[sflag:s5] =	ssyncadd.s32 $0xFFFFE000  }
0x146: {  	[hbm4b:s10+s0] =	stream.linear.scatter [tilespmem:s4], [sflag:$0x3], $0x2000, $0x38;
	[tilespmem:$0x1E400] =	vst v63  }
0x147: {  	_ =	swait.ge [sflag:s5], $0x2000  }
0x148: {  	[sflag:s5] =	ssyncset.done $0x0  }
0x149: {  	s11 =	rddreg [dreg:$0x14];
	[sflag:s5] =	ssyncadd.s32 $0xFFFFE000  }
0x14a: {  	[tilespmem:s4], [sflag:$0x3] =	stream.linear.gather [spmem:s11], $0x2000, $0x38;
	[tilespmem:$0x1E400] =	vst v63  }
0x14b: {  	_ =	swait.ge [sflag:s5], $0x2000  }
0x14c: {  	[sflag:s5] =	ssyncset.done $0x0  }
0x14d: {  	s10 =	rddreg [dreg:$0x7];
	[sflag:s5] =	ssyncadd.s32 $0xFFFFE000  }
0x14e: {  	[hbm4b:s10+s0] =	stream.linear.scatter [tilespmem:s4], [sflag:$0x3], $0x2000, $0x38;
	[tilespmem:$0x1E400] =	vst v63  }
0x14f: {  	_ =	swait.ge [sflag:s5], $0x2000  }
0x150: {  	[sflag:s5] =	ssyncset.done $0x0  }
0x151: {  	s10 =	rddreg [dreg:$0x15];
	[sflag:s5] =	ssyncadd.s32 $0xFFFFE000  }
0x152: {  	[tilespmem:s4], [sflag:$0x3] =	stream.linear.gather [spmem:s10], $0x2000, $0x38;
	[tilespmem:$0x1E400] =	vst v63  }
0x153: {  	_ =	swait.ge [sflag:s5], $0x2000  }
0x154: {  	[sflag:s5] =	ssyncset.done $0x0  }
0x155: {  	s11 =	rddreg [dreg:$0x8];
	[sflag:s5] =	ssyncadd.s32 $0xFFFFE000  }
0x156: {  	[hbm4b:s11+s0] =	stream.linear.scatter [tilespmem:s4], [sflag:$0x3], $0x2000, $0x38;
	[tilespmem:$0x1E400] =	vst v63  }
0x157: {  	_ =	swait.ge [sflag:s5], $0x2000  }
0x158: {  	[sflag:s5] =	ssyncset.done $0x0  }
0x159: {  	s11 =	rddreg [dreg:$0x16];
	[sflag:s5] =	ssyncadd.s32 $0xFFFFE000  }
0x15a: {  	[tilespmem:s4], [sflag:$0x3] =	stream.linear.gather [spmem:s11], $0x2000, $0x38;
	[tilespmem:$0x1E400] =	vst v63  }
0x15b: {  	_ =	swait.ge [sflag:s5], $0x2000  }
0x15c: {  	[sflag:s5] =	ssyncset.done $0x0  }
0x15d: {  	s1 =	rddreg [dreg:$0x9];
	[sflag:s5] =	ssyncadd.s32 $0xFFFFE000  }
0x15e: {  	[hbm4b:s1+s0] =	stream.linear.scatter [tilespmem:s4], [sflag:$0x3], $0x2000, $0x38;
	[tilespmem:$0x1E400] =	vst v63  }
0x15f: {  	_ =	swait.ge [sflag:s5], $0x2000  }
0x160: {  	[sflag:s5] =	ssyncset.done $0x0  }
0x161: {  	s1 =	rddreg [dreg:$0x17];
	[sflag:s5] =	ssyncadd.s32 $0xFFFFE000  }
0x162: {  	[tilespmem:s4], [sflag:$0x3] =	stream.linear.gather [spmem:s1], $0x2000, $0x38;
	[tilespmem:$0x1E400] =	vst v63  }
0x163: {  	_ =	swait.ge [sflag:s5], $0x2000  }
0x164: {  	[sflag:s5] =	ssyncset.done $0x0  }
0x165: {  	s1 =	rddreg [dreg:$0xa];
	[sflag:s5] =	ssyncadd.s32 $0xFFFFE000  }
0x166: {  	[hbm4b:s1+s0] =	stream.linear.scatter [tilespmem:s4], [sflag:$0x3], $0x2000, $0x38;
	[tilespmem:$0x1E400] =	vst v63  }
0x167: {  	_ =	swait.ge [sflag:s5], $0x2000  }
0x168: {  	[sflag:s5] =	ssyncset.done $0x0  }
0x169: {  	s1 =	rddreg [dreg:$0x18];
	[sflag:s5] =	ssyncadd.s32 $0xFFFFE000  }
0x16a: {  	[tilespmem:s4], [sflag:$0x3] =	stream.linear.gather [spmem:s1], $0x2000, $0x38;
	[tilespmem:$0x1E400] =	vst v63  }
0x16b: {  	_ =	swait.ge [sflag:s5], $0x2000  }
0x16c: {  	[sflag:s5] =	ssyncset.done $0x0  }
0x16d: {  	s1 =	rddreg [dreg:$0xb];
	[sflag:s5] =	ssyncadd.s32 $0xFFFFE000  }
0x16e: {  	[hbm4b:s1+s0] =	stream.linear.scatter [tilespmem:s4], [sflag:$0x3], $0x2000, $0x38;
	[tilespmem:$0x1E400] =	vst v63  }
0x16f: {  	_ =	swait.ge [sflag:s5], $0x2000  }
0x170: {  	[sflag:s5] =	ssyncset.done $0x0  }
0x171: {  	s1 =	rddreg [dreg:$0x19];
	[sflag:s5] =	ssyncadd.s32 $0xFFFFE000  }
0x172: {  	[tilespmem:s4], [sflag:$0x3] =	stream.linear.gather [spmem:s1], $0x2000, $0x38;
	[tilespmem:$0x1E400] =	vst v63  }
0x173: {  	_ =	swait.ge [sflag:s5], $0x2000  }
0x174: {  	[sflag:s5] =	ssyncset.done $0x0  }
0x175: {  	s1 =	rddreg [dreg:$0xc];
	[sflag:s5] =	ssyncadd.s32 $0xFFFFE000  }
0x176: {  	[hbm4b:s1+s0] =	stream.linear.scatter [tilespmem:s4], [sflag:$0x3], $0x2000, $0x38;
	[tilespmem:$0x1E400] =	vst v63  }
0x177: {  	_ =	swait.ge [sflag:s5], $0x2000  }
0x178: {  	[sflag:s5] =	ssyncset.done $0x0  }
0x179: {  	s1 =	rddreg [dreg:$0x1a];
	[sflag:s5] =	ssyncadd.s32 $0xFFFFE000  }
0x17a: {  	[tilespmem:s4], [sflag:$0x3] =	stream.linear.gather [spmem:s1], $0x2000, $0x38;
	[tilespmem:$0x1E400] =	vst v63  }
0x17b: {  	_ =	swait.ge [sflag:s5], $0x2000  }
0x17c: {  	[sflag:s5] =	ssyncset.done $0x0  }
0x17d: {  	s1 =	rddreg [dreg:$0xd];
	[sflag:s5] =	ssyncadd.s32 $0xFFFFE000  }
0x17e: {  	[hbm4b:s1+s0] =	stream.linear.scatter [tilespmem:s4], [sflag:$0x3], $0x2000, $0x38;
	[tilespmem:$0x1E400] =	vst v63  }
0x17f: {  	_ =	swait.ge [sflag:s5], $0x2000  }
0x180: {  	[sflag:s5] =	ssyncset.done $0x0  }
0x181: {  	s1 =	rddreg [dreg:$0x1b];
	[sflag:s5] =	ssyncadd.s32 $0xFFFFE000  }
0x182: {  	[tilespmem:s4], [sflag:$0x3] =	stream.linear.gather [spmem:s1], $0x2000, $0x38;
	[tilespmem:$0x1E400] =	vst v63  }
0x183: {  	_ =	swait.ge [sflag:s5], $0x2000  }
0x184: {  	[sflag:s5] =	ssyncset.done $0x0  }
0x185: {  	s1 =	rddreg [dreg:$0xe];
	[sflag:s5] =	ssyncadd.s32 $0xFFFFE000  }
0x186: {  	[hbm4b:s1+s0] =	stream.linear.scatter [tilespmem:s4], [sflag:$0x3], $0x2000, $0x38;
	[tilespmem:$0x1E400] =	vst v63  }
0x187: {  	_ =	swait.ge [sflag:s5], $0x2000  }
0x188: {  	[sflag:s5] =	ssyncset.done $0x0  }
0x189: {  	s1 =	rddreg [dreg:$0x1c];
	[sflag:s5] =	ssyncadd.s32 $0xFFFFE000  }
0x18a: {  	[tilespmem:s4], [sflag:$0x3] =	stream.linear.gather [spmem:s1], $0x2000, $0x38;
	[tilespmem:$0x1E400] =	vst v63  }
0x18b: {  	_ =	swait.ge [sflag:s5], $0x2000  }
0x18c: {  	[sflag:s5] =	ssyncset.done $0x0  }
0x18d: {  	s1 =	rddreg [dreg:$0xf];
	[sflag:s5] =	ssyncadd.s32 $0xFFFFE000  }
0x18e: {  	[hbm4b:s1+s0] =	stream.linear.scatter [tilespmem:s4], [sflag:$0x3], $0x2000, $0x38;
	[tilespmem:$0x1E400] =	vst v63  }
0x18f: {  	_ =	swait.ge [sflag:s5], $0x2000  }
0x190: {  	s0 =	rddreg [dreg:$0x1e]  }
0x191: {  	s1 =	sadd.s32 $0x1, s0;
	s0 =	rddreg [dreg:$0x1d]  }
0x192: {  	p0 =	sne.s32 s1, s0  }
.Ltmp3:
0x193: {  	_ = 	snop;
	(pc) =	sbr.rel @p0 .LBB2_1-.Ltmp3, $3  }
0x194: {  	_ =	sdelay $0x1  }
0x195: {  	[sflag:s5] =	ssyncset.done $0x0  }
0x196: {  	[sflag:s5] =	ssyncadd.s32 $0xFFFFE000  }
0x197: {  	_ =	sfence.sel $0x180000  }
0x198: {  	[bflag:$0x0] =	sbarrier.arrive $0xFFFF  }
0x199: {  	_ =	strace $0x90000047  }
0x19a: {  	s0 =	stileid.u32;
	[bflag:$0x2] =	sbarrier.arrive $0xFFFF  }
0x19b: {  	p0 =	sne.s32 s0, $0x0;
	s0 =	rddreg [dreg:$0x2]  }
0x19c: {  	s0 =	sadd.s32 @!p0 $0x100000, s0  }
0x19d: {  	[sflag:s0] =	ssyncadd.tile.s32 @!p0 $0x1;
	_ =	shalt  }
.Lfunc_end2:
_tile_overlayer_lowered:
.L_overlay_start_2:
0x19e: {  	(tag) =	ssettag $0x2  }
0x19f: {  	s0 =	rddreg [dreg:$0x0];
	s2 =	stileid.u32  }
0x1a0: {  	s1 =	rddreg [dreg:$0x1];
	p0 =	sne.s32 s2, $0x0  }
0x1a1: {  	s3 =	rddreg [dreg:$0x2];
	[bflag:$0x3] =	sbarrier.arrive $0xFFFF;
	s2 =	simm.s32 @!p0 $0x1C03  }
0x1a2: {  	[timem:s3], [sflag:s2] =	dma.local @!p0 [hbm:s0], s1  }
0x1a3: {  	s0 =	simm.s32 @!p0 $0x3  }
0x1a4: {  	_ =	swait.ge @!p0 [sflag:s0], s1  }
0x1a5: {  	s1 =	ssub.s32 @!p0 $0x0, s1;
	[sflag:s0] =	ssyncset.done @!p0 $0x0  }
0x1a6: {  	[sflag:s0] =	ssyncadd.s32 @!p0 s1  }
0x1a7: {  	[bflag:$0x3] =	sbarrier.arrive $0xFFFF  }
0x1a8: {  	_ =	shalt  }

// kernel: kernel.9.cloned.1.call-start
scs
__scs_entry_jumppad:
0x0: {  	(pc) =	sbr.rel $0x88, $3  }
0x1: {  	(tag) =	ssettag $0x0;
	lr =	simm.s32 $0x1  }
0x2: {  	[smem:$0x3F9D] =	sst lr;
	_ =	strace $0xD0000000  }
0x3: {  	_ = 	snop  }
0x4: {  	_ = 	snop  }
0x5: {  	_ = 	snop  }
0x6: {  	_ = 	snop  }
0x7: {  	_ = 	snop  }
__scs_overlays_trampoline_lowered:
0x8: {  	[smem:$0x3FAC] =	sst s0  }
0x9: {  	[smem:$0x3FAD] =	sst s1  }
0xa: {  	[smem:$0x3FAE] =	sst s2  }
0xb: {  	[smem:$0x3FAF] =	sst s3  }
0xc: {  	[smem:$0x3FB0] =	sst s4  }
0xd: {  	[smem:$0x3FB1] =	sst s5  }
0xe: {  	[smem:$0x3FB2] =	sst s6  }
0xf: {  	[smem:$0x3FB3] =	sst s7  }
0x10: {  	[smem:$0x3FB4] =	sst s8  }
0x11: {  	[smem:$0x3FB5] =	sst s9;
	s0 =	simm.s32 @!p0 $0x0  }
0x12: {  	s1 =	sld [smem:$0x3F9B];
	s0 =	simm.s32 @p0 $0x1  }
0x13: {  	[smem:$0x3FB6] =	sst s0;
	s0 =	simm.s32 @!p1 $0x0  }
0x14: {  	s2 =	sld [smem:$0x3F9A];
	s0 =	simm.s32 @p1 $0x1  }
0x15: {  	[smem:$0x3FB7] =	sst s0;
	s0 =	simm.s32 @!p2 $0x0  }
0x16: {  	s3 =	sld [smem:$0x3FDB];
	s0 =	simm.s32 @p2 $0x1  }
0x17: {  	s4 =	simm.s32 $0x1BF5;
	[smem:$0x3FB9] =	sst s0  }
0x18: {  	s0 =	sld [smem:$0x3F9C];
	_ =	swait.ge [sflag:s4], $0x0  }
0x19: {  	s7 =	sld [smem:$0x3F9D]  }
0x1a: {  	s8 =	sadd.s32 $0xFFFFE003, lr  }
0x1b: {  	s9 =	sadd.s32 $0xFFFFFEF7, lr;
	s5 =	simm.s32 $0xFFFFFFFF;
	p2 =	slt.u32 s8, $0xFFFFF086  }
0x1c: {  	p1 =	slt.u32 s9, $0xF7A;
	s5 =	simm.s32 @!p2 $0x0  }
0x1d: {  	s5 =	simm.s32 @p1 $0x1;
	p0 =	seq.s32 s7, s2  }
0x1e: {  	s7 =	smul.u32 @!p0 $0xF7A, s2;
	p2 =	seq.s32 @!p0 s5, $0x0  }
0x1f: {  	s9 =	smul.u32 $0xF7A, s1;
	s8 =	simm.s32 @!p0 $0x1BF5;
	p2 =	por !p2, p0  }
0x20: {  	[sflag:s8] =	ssyncset.s32 @!p0 $0xFFFFF086;
	s6 =	sadd.s32 @!p0 s3, s7;
	s7 =	simm.s32 @!p0 $0x108  }
0x21: {  	s3 =	sadd.s32 s3, s9;
	s6 =	sadd.s32 @!p0 $0x88, s6;
	s7 =	simm.s32 @p2 $0x1082  }
0x22: {  	[simem:s7], [sflag:s8] =	dma.local @!p0 [hbm:s6], $0xF7A  }
0x23: {  	s9 =	sor.u32 $0xD0000000, s2;
	s6 =	simm.s32 $0x108;
	_ =	swait.ge @!p0 [sflag:s8], $0x0  }
0x24: {  	s3 =	sadd.s32 $0x88, s3;
	s6 =	simm.s32 @!p1 $0x1082;
	[sflag:s4] =	ssyncset.s32 $0xFFFFF086  }
0x25: {  	[simem:s6], [sflag:s4] =	dma.local [hbm:s3], $0xF7A  }
0x26: {  	[smem:$0x3F9D] =	sst s1;
	(tag) =	ssettag s2;
	_ =	strace s9  }
0x27: {  	s1 =	sld [smem:$0x3FAD]  }
0x28: {  	s2 =	sld [smem:$0x3FAE]  }
0x29: {  	s4 =	sld [smem:$0x3FB0]  }
0x2a: {  	p0 =	seq.s32 s5, $0x0;
	s5 =	sld [smem:$0x3FB1]  }
0x2b: {  	s6 =	sld [smem:$0x3FB2]  }
0x2c: {  	s7 =	sld [smem:$0x3FB3]  }
0x2d: {  	s3 =	simm.s32 $0x108;
	s8 =	sld [smem:$0x3FB4]  }
0x2e: {  	s3 =	simm.s32 @!p0 $0x1082;
	s9 =	sld [smem:$0x3FB5]  }
0x2f: {  	lr =	sadd.s32 s0, s3;
	s0 =	sld [smem:$0x3FAC]  }
0x30: {  	s3 =	sld [smem:$0x3FAF]  }
0x31: {  	[smem:$0x3FB8] =	sst s10  }
0x32: {  	s10 =	sld [smem:$0x3FB6];
	_ =	sdelay $0x3  }
0x33: {  	p0 =	seq.s32 s10, $0x1;
	s10 =	sld [smem:$0x3FB8];
	_ =	sdelay $0x3  }
0x34: {  	[smem:$0x3FB8] =	sst s10  }
0x35: {  	s10 =	sld [smem:$0x3FB7];
	_ =	sdelay $0x3  }
0x36: {  	p1 =	seq.s32 s10, $0x1;
	s10 =	sld [smem:$0x3FB8];
	_ =	sdelay $0x3  }
0x37: {  	[smem:$0x3FB8] =	sst s10  }
0x38: {  	s10 =	sld [smem:$0x3FB9]  }
0x39: {  	_ = 	snop;
	(pc) =	sbr.ind lr, $3  }
0x3a: {  	_ = 	snop  }
0x3b: {  	_ = 	snop  }
0x3c: {  	p2 =	seq.s32 s10, $0x1;
	s10 =	sld [smem:$0x3FB8]  }
0x3d: {  	_ =	shalt  }
0x3e: {  	_ =	shalt  }
0x3f: {  	_ =	shalt  }
0x40: {  	_ =	shalt  }
0x41: {  	_ =	shalt  }
0x42: {  	_ =	shalt  }
0x43: {  	_ =	shalt  }
0x44: {  	_ =	shalt  }
0x45: {  	_ =	shalt  }
0x46: {  	_ =	shalt  }
0x47: {  	_ =	shalt  }
0x48: {  	_ =	shalt  }
0x49: {  	_ =	shalt  }
0x4a: {  	_ =	shalt  }
0x4b: {  	_ =	shalt  }
0x4c: {  	_ =	shalt  }
0x4d: {  	_ =	shalt  }
0x4e: {  	_ =	shalt  }
0x4f: {  	_ =	shalt  }
0x50: {  	_ =	shalt  }
0x51: {  	_ =	shalt  }
0x52: {  	_ =	shalt  }
0x53: {  	_ =	shalt  }
0x54: {  	_ =	shalt  }
0x55: {  	_ =	shalt  }
0x56: {  	_ =	shalt  }
0x57: {  	_ =	shalt  }
0x58: {  	_ =	shalt  }
0x59: {  	_ =	shalt  }
0x5a: {  	_ =	shalt  }
0x5b: {  	_ =	shalt  }
0x5c: {  	_ =	shalt  }
0x5d: {  	_ =	shalt  }
0x5e: {  	_ =	shalt  }
0x5f: {  	_ =	shalt  }
0x60: {  	_ =	shalt  }
0x61: {  	_ =	shalt  }
0x62: {  	_ =	shalt  }
0x63: {  	_ =	shalt  }
0x64: {  	_ =	shalt  }
0x65: {  	_ =	shalt  }
0x66: {  	_ =	shalt  }
0x67: {  	_ =	shalt  }
0x68: {  	_ =	shalt  }
0x69: {  	_ =	shalt  }
0x6a: {  	_ =	shalt  }
0x6b: {  	_ =	shalt  }
0x6c: {  	_ =	shalt  }
0x6d: {  	_ =	shalt  }
0x6e: {  	_ =	shalt  }
0x6f: {  	_ =	shalt  }
0x70: {  	_ =	shalt  }
0x71: {  	_ =	shalt  }
0x72: {  	_ =	shalt  }
0x73: {  	_ =	shalt  }
0x74: {  	_ =	shalt  }
0x75: {  	_ =	shalt  }
0x76: {  	_ =	shalt  }
0x77: {  	_ =	shalt  }
0x78: {  	_ =	shalt  }
0x79: {  	_ =	shalt  }
0x7a: {  	_ =	shalt  }
0x7b: {  	_ =	shalt  }
0x7c: {  	_ =	shalt  }
0x7d: {  	_ =	shalt  }
0x7e: {  	_ =	shalt  }
0x7f: {  	_ =	shalt  }
0x80: {  	_ =	shalt  }
0x81: {  	_ =	shalt  }
0x82: {  	_ =	shalt  }
0x83: {  	_ =	shalt  }
0x84: {  	_ =	shalt  }
0x85: {  	_ =	shalt  }
0x86: {  	_ =	shalt  }
0x87: {  	_ =	shalt  }
.Lfunc_end0:
.L_simem_size_0:
called_computation.1_lowered:
.L_overlay_start_0:
0x88: {  	s2 =	sld [smem:$0x3FD9]  }
0x89: {  	s3 =	sld [smem:$0x3FFE];
	_ =	sdelay $0x1  }
0x8a: {  	s1 =	srdreg.scid  }
0x8b: {  	s0 =	sand.u32 $0x1, s1  }
0x8c: {  	s16 =	sshll.u32 s0, $0xA;
	s2 =	sadd.s32 s3, s2  }
0x8d: {  	s2 =	sadd.s32 s2, s16  }
0x8e: {  	[smem:$0x3FC4] =	sst s2  }
0x8f: {  	_ = 	snop  }
0x90: {  	(tm) =	ssettm $0x1  }
0x91: {  	s17 =	sld [smem:$0x3FFB];
	_ =	sdelay $0x3  }
0x92: {  	_ =	strace s17  }
0x93: {  	s2 =	sld [smem:$0x3FFC];
	_ =	sdelay $0x3  }
0x94: {  	_ =	strace s2  }
0x95: {  	s2 =	sld [smem:$0x3FFD];
	_ =	sdelay $0x3  }
0x96: {  	_ =	strace s2  }
0x97: {  	_ =	strace $0x8FFFFFFF  }
0x98: {  	s18 =	sld [smem:$0x3FDB];
	_ =	sdelay $0x1  }
0x99: {  	s19 =	simm.s32 $_scs_section_size  }
0x9a: {  	s4 =	simm.s32 $_size__tile_overlayer_lowered;
	s5 =	simm.s32 $_tile_overlayer_lowered  }
0x9b: {  	s22 =	simm.s32 $0x1BFF;
	s21 =	sshll.u32 s5, $0x1;
	s2 =	sadd.s32 s19, s18  }
0x9c: {  	s6 =	simm.s32 $0x0;
	s20 =	sshll.u32 s4, $0x1;
	s4 =	sadd.s32 s21, s2  }
0x9d: {  	[timem:s6], [sflag:s22] =	dma.local [hbm:s4], s20  }
0x9e: {  	_ =	swait.ge [sflag:s22], s20  }
0x9f: {  	s3 =	ssub.s32 $0x0, s20;
	[sflag:s22] =	ssyncset.done $0x0  }
0xa0: {  	[sflag:s22] =	ssyncadd.s32 s3;
	_ =	sdelay $0x1  }
0xa1: {  	s23 =	simm.s32 $0x1B8B  }
0xa2: {  	_ =	swait.ge [sflag:s23], $0x1  }
0xa3: {  	[sflag:s23] =	ssyncset.done $0x0  }
0xa4: {  	s25 =	simm.s32 $0x1B8E;
	s24 =	sld [smem:$0x3FFE];
	[sflag:s23] =	ssyncadd.s32 $0xFFFFFFFF  }
0xa5: {  	s26 =	simm.s32 $execute0_lowered;
	[smem:$0x3FD2] =	sst s25  }
0xa6: {  	s4 =	sshll.u32 s26, $0x1;
	_ =	strace $0x80000049;
	[dreg:$0x1] =	wrdreg $0xFFFFFFFF  }
0xa7: {  	s28 =	simm.s32 $_size_execute0_lowered;
	s2 =	sadd.s32 s2, s4;
	[dreg:$0x0] =	wrdreg $0x0  }
0xa8: {  	s4 =	sshll.u32 s28, $0x1;
	[dreg:$0x2] =	wrdreg s2  }
0xa9: {  	[dreg:$0x3] =	wrdreg s4  }
0xaa: {  	[dreg:$0x4] =	wrdreg $0xC0  }
0xab: {  	_ =	task [dreg:s6], $0x5FFFF  }
0xac: {  	[dreg:$0x1] =	wrdreg $0xFFFFFFFF  }
0xad: {  	[dreg:$0x0] =	wrdreg $0x60  }
0xae: {  	[dreg:$0x2] =	wrdreg s24  }
0xaf: {  	[dreg:$0x3] =	wrdreg $0x0  }
0xb0: {  	[dreg:$0x4] =	wrdreg $0x9  }
0xb1: {  	_ =	task.clear_ibuf [dreg:s6], $0x5FFFF;
	_ =	strace $0x90000049  }
0xb2: {  	s29 =	simm.s32 $0x9;
	_ =	strace $0x8000004B  }
0xb3: {  	_ =	swait.ge [sflag:s29], $0x1  }
0xb4: {  	[sflag:s29] =	ssyncadd.s32 $0xFFFFFFFF  }
0xb5: {  	_ =	strace $0x9000004B  }
0xb6: {  	_ =	sfence  }
0xb7: {  	s30 =	sld [smem:$0x0];
	_ =	sdelay $0x2  }
0xb8: {  	s31 =	sshll.u32 s1, $0xD;
	s1 =	sshrl.u32 s1, $0x2  }
0xb9: {  	s3 =	sand.u32 $0x4000, s31;
	s1 =	sadd.s32 s1, s30  }
0xba: {  	s0 =	sor.u32 s3, s0;
	s1 =	sshll.u32 s1, $0x11  }
0xbb: {  	s0 =	sor.u32 s1, s0  }
0xbc: {  	s0 =	sadd.s32 $0x8F2B, s0  }
0xbd: {  	[sflag:s0] =	ssyncadd.remote.s32 $0x1  }
0xbe: {  	_ =	sfence.sel $0xFFFF  }
0xbf: {  	[dreg:$0x0] =	wrdreg $0xFFFFFFFF;
	(pc) =	sbr.abs _section_cstart, $3  }
0xc0: {  	[dreg:$0x1] =	wrdreg $0xFFFFFFFF  }
0xc1: {  	_ =	task.clear_ibuf [dreg:s6], $0x2FFFF;
	_ =	strace $0x9FFFFFFF  }
0xc2: {  	(tm) =	ssettm $0x7FFFFFFF  }
0xc3: {  	_ =	shalt  }
tec
execute0_lowered:
.L_overlay_start_1:
0x0: {  	(tag) =	ssettag $0x1  }
0x1: {  	s0 =	rddreg [dreg:$0x0]  }
0x2: {  	s1 =	rddreg [dreg:$0x1];
	s17 =	simm.s32 $0x0;
	s2 =	srdreg.scid  }
0x3: {  	s10 =	stileid.u32;
	s28 =	simm.s32 $0x80;
	s29 =	simm.s32 $0xE800  }
0x4: {  	s31 =	simm.s32 $0xE600;
	s30 =	simm.s32 $0x18000;
	[smem:$0x7FF] =	sst s17  }
0x5: {  	s4 =	sadd.s32 $0x27F000, s0;
	s5 =	sadd.s32 $0x7D000, s0;
	s2 =	sand.u32 $0x1, s2  }
0x6: {  	s6 =	sadd.s32 $0x1B000, s0;
	s7 =	smul.u32 $0xE000, s10;
	s0 =	sadd.s32 $0x2B3000, s0  }
0x7: {  	_ =	strace $0x8000004A;
	s3 =	ssub.s32 $0x2, s2;
	s9 =	sshll.u32 s2, $0x4  }
0x8: {  	s2 =	smul.u32 $0xE0000, s2;
	s8 =	sshrl.u32 s3, $0x1;
	s18 =	sor.u32 s10, s9  }
0x9: {  	s20 =	sadd.s32 $0x2000, s7;
	s19 =	sadd.s32 s7, s1;
	s21 =	sadd.s32 $0x4000, s7  }
0xa: {  	s11 =	sadd.s32 $0x6000, s7;
	s12 =	sadd.s32 $0x8000, s7;
	s25 =	sadd.s32 $0xA000, s7  }
0xb: {  	s15 =	sadd.s32 $0xC000, s7;
	s3 =	ssub.s32 s3, s8;
	s22 =	sadd.s32 s20, s1  }
0xc: {  	s13 =	sadd.s32 s21, s1;
	s23 =	sadd.s32 s11, s1;
	[dreg:$0x3] =	wrdreg s19  }
0xd: {  	s24 =	sadd.s32 s12, s1;
	s7 =	sadd.s32 s7, s2;
	[dreg:$0x5] =	wrdreg s13  }
0xe: {  	s14 =	sadd.s32 s25, s1;
	s26 =	sadd.s32 s15, s1;
	[dreg:$0x6] =	wrdreg s23  }
0xf: {  	s9 =	sadd.s32 s2, s20;
	s10 =	sadd.s32 s2, s21;
	[dreg:$0x7] =	wrdreg s24  }
0x10: {  	s16 =	sadd.s32 s2, s11;
	s8 =	simm.s32 $0x17400;
	[dreg:$0x8] =	wrdreg s14  }
0x11: {  	s11 =	simm.s32 $0x17800;
	[dreg:$0x9] =	wrdreg s26;
	s7 =	sshrl.u32 s7, $0x3  }
0x12: {  	s14 =	smul.u32 $0x62, s18;
	s18 =	sshrl.u32 s10, $0x3;
	s20 =	sshrl.u32 s16, $0x3  }
0x13: {  	s23 =	sadd.s32 s2, s12;
	s24 =	sadd.s32 s2, s25;
	s2 =	sadd.s32 s2, s15  }
0x14: {  	s26 =	smax.u32 s3, $0x1;
	s10 =	simm.s32 $0xE480;
	s12 =	simm.s32 $0xE500  }
0x15: {  	s3 =	simm.s32 $0xE680;
	s16 =	simm.s32 $0xE700;
	s13 =	simm.s32 $0x17C00  }
0x16: {  	s15 =	simm.s32 $0x0;
	[dreg:$0x4] =	wrdreg s22;
	s7 =	sadd.s32 s0, s7  }
0x17: {  	s21 =	sadd.s32 s0, s20;
	s25 =	sshrl.u32 s24, $0x3;
	[dreg:$0x11] =	wrdreg s26  }
0x18: {  	s2 =	sshrl.u32 s2, $0x3;
	s24 =	simm.s32 $0x3;
	[dreg:$0x12] =	wrdreg s15  }
0x19: {  	s26 =	simm.s32 $0xE400;
	[dreg:$0xa] =	wrdreg s7;
	s7 =	sshrl.u32 s9, $0x3  }
0x1a: {  	s20 =	simm.s32 $0x1;
	[dreg:$0xd] =	wrdreg s21;
	s7 =	sadd.s32 s0, s7  }
0x1b: {  	s9 =	simm.s32 $0x12800;
	[dreg:$0xb] =	wrdreg s7;
	s7 =	sadd.s32 s0, s18  }
0x1c: {  	s21 =	simm.s32 $0x2;
	[dreg:$0xc] =	wrdreg s7;
	s7 =	sshrl.u32 s23, $0x3  }
0x1d: {  	s18 =	simm.s32 $0xE780;
	s23 =	simm.s32 $0x16800;
	s7 =	sadd.s32 s0, s7  }
0x1e: {  	v0 =	vlaneseq.u32;
	[dreg:$0xe] =	wrdreg s7;
	s7 =	sadd.s32 s0, s25;
	s0 =	sadd.s32 s0, s2  }
0x1f: {  	v1 =	vshrl.u32 v0, $0x3;
	s25 =	simm.s32 $0xE000;
	s2 =	simm.s32 $0xE580;
	[dreg:$0xf] =	wrdreg s7  }
0x20: {  	v3 =	vimm.f32 $0.0e+00;
	v2 =	vand.u32 $0x7, v0;
	v1 =	vmul.u32 $0x8, v1;
	[dreg:$0x10] =	wrdreg s0;
	s7 =	simm.s32 $0x17000;
	s0 =	simm.s32 $0x18400  }
.LBB2_1:
0x21: {  	v4 =	vmov s17  }
0x22: {  	v4 =	vshll.u32 v4, $0x3  }
0x23: {  	v4 =	vor.u32 v1, v4  }
0x24: {  	s15 =	simm.s32 $0x2;
	v4 =	vor.u32 v2, v4  }
.LBB2_2:
0x25: {  	p0 =	sne.s32 s15, $0x3FE  }
.Ltmp0:
0x26: {  	_ = 	snop;
	(pc) =	sbr.rel @p0 .LBB2_2-.Ltmp0, $4  }
0x27: {  	v5 =	vmov s15  }
0x28: {  	v5 =	vshll.u32 v5, $0x3  }
0x29: {  	v5 =	vor.u32 v1, v5  }
0x2a: {  	s15 =	sadd.s32 $0x2, s15;
	[tilespmem:v4+s23+$0x0] =	vst.idx.msk $0xffff, v3;
	v4 =	vor.u32 v2, v5  }
0x2b: {  	_ =	sdelay $0x3  }
0x2c: {  	[tilespmem:v4+s23+$0x0] =	vst.idx.msk $0xffff, v3  }
0x2d: {  	[spmem:s19] =	stream.linear.scatter [tilespmem:s23], [sflag:$0x3], $0x2000, $0x38;
	[tilespmem:$0x18800] =	vst v63  }
0x2e: {  	_ =	swait.ge [sflag:s24], $0x2000  }
0x2f: {  	[sflag:s24] =	ssyncset.done $0x0  }
0x30: {  	[sflag:s24] =	ssyncadd.s32 $0xFFFFE000  }
0x31: {  	[spmem:s22] =	stream.linear.scatter [tilespmem:s23], [sflag:$0x3], $0x2000, $0x38;
	[tilespmem:$0x18800] =	vst v63  }
0x32: {  	_ =	swait.ge [sflag:s24], $0x2000  }
0x33: {  	[sflag:s24] =	ssyncset.done $0x0  }
0x34: {  	s15 =	rddreg [dreg:$0x5];
	[sflag:s24] =	ssyncadd.s32 $0xFFFFE000  }
0x35: {  	[spmem:s15] =	stream.linear.scatter [tilespmem:s23], [sflag:$0x3], $0x2000, $0x38;
	[tilespmem:$0x18800] =	vst v63  }
0x36: {  	_ =	swait.ge [sflag:s24], $0x2000  }
0x37: {  	[sflag:s24] =	ssyncset.done $0x0  }
0x38: {  	s22 =	rddreg [dreg:$0x6];
	[sflag:s24] =	ssyncadd.s32 $0xFFFFE000  }
0x39: {  	[spmem:s22] =	stream.linear.scatter [tilespmem:s23], [sflag:$0x3], $0x2000, $0x38;
	[tilespmem:$0x18800] =	vst v63  }
0x3a: {  	_ =	swait.ge [sflag:s24], $0x2000  }
0x3b: {  	[sflag:s24] =	ssyncset.done $0x0  }
0x3c: {  	s17 =	rddreg [dreg:$0x7];
	[sflag:s24] =	ssyncadd.s32 $0xFFFFE000  }
0x3d: {  	[spmem:s17] =	stream.linear.scatter [tilespmem:s23], [sflag:$0x3], $0x2000, $0x38;
	[tilespmem:$0x18800] =	vst v63  }
0x3e: {  	_ =	swait.ge [sflag:s24], $0x2000  }
0x3f: {  	[sflag:s24] =	ssyncset.done $0x0  }
0x40: {  	s19 =	rddreg [dreg:$0x8];
	[sflag:s24] =	ssyncadd.s32 $0xFFFFE000  }
0x41: {  	[spmem:s19] =	stream.linear.scatter [tilespmem:s23], [sflag:$0x3], $0x2000, $0x38;
	[tilespmem:$0x18800] =	vst v63  }
0x42: {  	_ =	swait.ge [sflag:s24], $0x2000  }
0x43: {  	[sflag:s24] =	ssyncset.done $0x0  }
0x44: {  	s22 =	rddreg [dreg:$0x9];
	[sflag:s24] =	ssyncadd.s32 $0xFFFFE000  }
0x45: {  	[spmem:s22] =	stream.linear.scatter [tilespmem:s23], [sflag:$0x3], $0x2000, $0x38;
	[tilespmem:$0x18800] =	vst v63  }
0x46: {  	_ =	swait.ge [sflag:s24], $0x2000  }
0x47: {  	[sflag:s24] =	ssyncset.done $0x0  }
0x48: {  	[sflag:s24] =	ssyncadd.s32 $0xFFFFE000  }
0x49: {  	s15 =	simm.s32 $0x0;
	s17 =	simm.s32 $0x0;
	[bflag:$0x0] =	sbarrier.arrive $0xFFFF  }
.LBB2_4:
0x4a: {  	s19 =	sadd.s32 s14, s17  }
0x4b: {  	s19 =	sshll.u32 s19, $0x7  }
0x4c: {  	s22 =	sadd.s32 s5, s19  }
0x4d: {  	[tilespmem:s25], [sflag:$0x3] =	stream.linear.gather [hbm4b:s22+s15], $0x400, $0x38;
	[tilespmem:$0x18800] =	vst v63  }
0x4e: {  	_ =	swait.ge [sflag:s24], $0x400  }
0x4f: {  	[sflag:s24] =	ssyncset.done $0x0  }
0x50: {  	s19 =	sadd.s32 s6, s19;
	[sflag:s24] =	ssyncadd.s32 $0xFFFFFC00  }
0x51: {  	[tilespmem:s26], [sflag:$0x3] =	stream.linear.gather [hbm4b:s19+s15], $0x400, $0x38;
	[tilespmem:$0x18800] =	vst v63  }
0x52: {  	_ =	swait.ge [sflag:s24], $0x400  }
0x53: {  	[sflag:s24] =	ssyncset.done $0x0  }
0x54: {  	[sflag:s24] =	ssyncadd.s32 $0xFFFFFC00  }
0x55: {  	[tilespmem:s29], [sflag:$0x1] =	stream.indirect.gather [hbm4b:s4+s28], $0x10, s25, s28, $0xb8;
	[tilespmem:$0x18800] =	vst v63  }
0x56: {  	s22 =	simm.s32 $0xF000;
	s19 =	simm.s32 $0xE080  }
0x57: {  	[tilespmem:s22], [sflag:$0x1] =	stream.indirect.gather [hbm4b:s4+s28], $0x10, s19, s28, $0xb8;
	[tilespmem:$0x18800] =	vst v63  }
0x58: {  	s19 =	simm.s32 $0xE100;
	s22 =	simm.s32 $0xF800  }
0x59: {  	[tilespmem:s22], [sflag:$0x1] =	stream.indirect.gather [hbm4b:s4+s28], $0x10, s19, s28, $0xb8;
	[tilespmem:$0x18800] =	vst v63  }
0x5a: {  	s19 =	simm.s32 $0xE180;
	s22 =	simm.s32 $0x10000  }
0x5b: {  	[tilespmem:s22], [sflag:$0x1] =	stream.indirect.gather [hbm4b:s4+s28], $0x10, s19, s28, $0xb8;
	[tilespmem:$0x18800] =	vst v63  }
0x5c: {  	s19 =	simm.s32 $0xE200;
	s22 =	simm.s32 $0x10800  }
0x5d: {  	[tilespmem:s22], [sflag:$0x1] =	stream.indirect.gather [hbm4b:s4+s28], $0x10, s19, s28, $0xb8;
	[tilespmem:$0x18800] =	vst v63  }
0x5e: {  	s19 =	simm.s32 $0xE280;
	s22 =	simm.s32 $0x11000  }
0x5f: {  	[tilespmem:s22], [sflag:$0x1] =	stream.indirect.gather [hbm4b:s4+s28], $0x10, s19, s28, $0xb8;
	[tilespmem:$0x18800] =	vst v63  }
0x60: {  	s19 =	simm.s32 $0xE300;
	s22 =	simm.s32 $0x11800  }
0x61: {  	[tilespmem:s22], [sflag:$0x1] =	stream.indirect.gather [hbm4b:s4+s28], $0x10, s19, s28, $0xb8;
	[tilespmem:$0x18800] =	vst v63  }
0x62: {  	s19 =	simm.s32 $0xE380;
	s22 =	simm.s32 $0x12000  }
0x63: {  	[tilespmem:s22], [sflag:$0x1] =	stream.indirect.gather [hbm4b:s4+s28], $0x10, s19, s28, $0xb8;
	[tilespmem:$0x18800] =	vst v63  }
0x64: {  	_ = 	snop  }
0x65: {  	[tilespmem:s9], [sflag:$0x2] =	stream.indirect.gather [hbm4b:s4+s28], $0x10, s26, s28, $0xb8;
	[tilespmem:$0x18800] =	vst v63  }
0x66: {  	s22 =	simm.s32 $0x13000  }
0x67: {  	[tilespmem:s22], [sflag:$0x2] =	stream.indirect.gather [hbm4b:s4+s28], $0x10, s10, s28, $0xb8;
	[tilespmem:$0x18800] =	vst v63  }
0x68: {  	s22 =	simm.s32 $0x13800  }
0x69: {  	[tilespmem:s22], [sflag:$0x2] =	stream.indirect.gather [hbm4b:s4+s28], $0x10, s12, s28, $0xb8;
	[tilespmem:$0x18800] =	vst v63  }
0x6a: {  	s22 =	simm.s32 $0x14000  }
0x6b: {  	[tilespmem:s22], [sflag:$0x2] =	stream.indirect.gather [hbm4b:s4+s28], $0x10, s2, s28, $0xb8;
	[tilespmem:$0x18800] =	vst v63  }
0x6c: {  	s22 =	simm.s32 $0x14800  }
0x6d: {  	[tilespmem:s22], [sflag:$0x2] =	stream.indirect.gather [hbm4b:s4+s28], $0x10, s31, s28, $0xb8;
	[tilespmem:$0x18800] =	vst v63  }
0x6e: {  	s22 =	simm.s32 $0x15000  }
0x6f: {  	[tilespmem:s22], [sflag:$0x2] =	stream.indirect.gather [hbm4b:s4+s28], $0x10, s3, s28, $0xb8;
	[tilespmem:$0x18800] =	vst v63  }
0x70: {  	s22 =	simm.s32 $0x15800  }
0x71: {  	[tilespmem:s22], [sflag:$0x2] =	stream.indirect.gather [hbm4b:s4+s28], $0x10, s16, s28, $0xb8;
	[tilespmem:$0x18800] =	vst v63  }
0x72: {  	s22 =	simm.s32 $0x16000  }
0x73: {  	[tilespmem:s22], [sflag:$0x2] =	stream.indirect.gather [hbm4b:s4+s28], $0x10, s18, s28, $0xb8;
	[tilespmem:$0x18800] =	vst v63  }
0x74: {  	_ =	swait.ge [sflag:s20], $0x800  }
0x75: {  	[sflag:s20] =	ssyncset.done $0x0  }
0x76: {  	[sflag:s20] =	ssyncadd.s32 $0xFFFFF800  }
0x77: {  	_ =	swait.ge [sflag:s20], $0x800  }
0x78: {  	[sflag:s20] =	ssyncset.done $0x0  }
0x79: {  	[sflag:s20] =	ssyncadd.s32 $0xFFFFF800  }
0x7a: {  	_ =	swait.ge [sflag:s20], $0x800  }
0x7b: {  	[sflag:s20] =	ssyncset.done $0x0  }
0x7c: {  	[sflag:s20] =	ssyncadd.s32 $0xFFFFF800  }
0x7d: {  	_ =	swait.ge [sflag:s20], $0x800  }
0x7e: {  	[sflag:s20] =	ssyncset.done $0x0  }
0x7f: {  	[sflag:s20] =	ssyncadd.s32 $0xFFFFF800  }
0x80: {  	_ =	swait.ge [sflag:s20], $0x800  }
0x81: {  	[sflag:s20] =	ssyncset.done $0x0  }
0x82: {  	[sflag:s20] =	ssyncadd.s32 $0xFFFFF800  }
0x83: {  	_ =	swait.ge [sflag:s20], $0x800  }
0x84: {  	[sflag:s20] =	ssyncset.done $0x0  }
0x85: {  	[sflag:s20] =	ssyncadd.s32 $0xFFFFF800  }
0x86: {  	_ =	swait.ge [sflag:s20], $0x800  }
0x87: {  	[sflag:s20] =	ssyncset.done $0x0  }
0x88: {  	[sflag:s20] =	ssyncadd.s32 $0xFFFFF800  }
0x89: {  	_ =	swait.ge [sflag:s20], $0x800  }
0x8a: {  	[sflag:s20] =	ssyncset.done $0x0  }
0x8b: {  	[sflag:s20] =	ssyncadd.s32 $0xFFFFF800  }
0x8c: {  	_ =	swait.ge [sflag:s21], $0x800  }
0x8d: {  	[sflag:s21] =	ssyncset.done $0x0  }
0x8e: {  	[sflag:s21] =	ssyncadd.s32 $0xFFFFF800  }
0x8f: {  	_ =	swait.ge [sflag:s21], $0x800  }
0x90: {  	[sflag:s21] =	ssyncset.done $0x0  }
0x91: {  	[sflag:s21] =	ssyncadd.s32 $0xFFFFF800  }
0x92: {  	_ =	swait.ge [sflag:s21], $0x800  }
0x93: {  	[sflag:s21] =	ssyncset.done $0x0  }
0x94: {  	[sflag:s21] =	ssyncadd.s32 $0xFFFFF800  }
0x95: {  	_ =	swait.ge [sflag:s21], $0x800  }
0x96: {  	[sflag:s21] =	ssyncset.done $0x0  }
0x97: {  	[sflag:s21] =	ssyncadd.s32 $0xFFFFF800  }
0x98: {  	_ =	swait.ge [sflag:s21], $0x800  }
0x99: {  	[sflag:s21] =	ssyncset.done $0x0  }
0x9a: {  	[sflag:s21] =	ssyncadd.s32 $0xFFFFF800  }
0x9b: {  	_ =	swait.ge [sflag:s21], $0x800  }
0x9c: {  	[sflag:s21] =	ssyncset.done $0x0  }
0x9d: {  	v5 =	vor.u32 s15, v0;
	[sflag:s21] =	ssyncadd.s32 $0xFFFFF800  }
0x9e: {  	v4 =	vshll.u32 v5, $0x4;
	_ =	swait.ge [sflag:s21], $0x800  }
0x9f: {  	v6 =	vor.u32 $0x1, v4;
	[sflag:s21] =	ssyncset.done $0x0  }
0xa0: {  	[sflag:s21] =	ssyncadd.s32 $0xFFFFF800  }
0xa1: {  	_ =	swait.ge [sflag:s21], $0x800  }
0xa2: {  	[sflag:s21] =	ssyncset.done $0x0  }
0xa3: {  	v12 =	vor.u32 $0x2, v4;
	[sflag:s21] =	ssyncadd.s32 $0xFFFFF800  }
0xa4: {  	v7 =	vld.idx.msk [tilespmem:v6+s29+$0x0], $0xffff  }
0xa5: {  	v6 =	vld.idx.msk [tilespmem:v6+s9+$0x0], $0xffff  }
0xa6: {  	v13 =	vld.idx.msk [tilespmem:v4+s9+$0x0], $0xffff  }
0xa7: {  	v14 =	vld.idx.msk [tilespmem:v4+s29+$0x0], $0xffff  }
0xa8: {  	v11 =	vld.idx.msk [tilespmem:v12+s9+$0x0], $0xffff  }
0xa9: {  	v12 =	vld.idx.msk [tilespmem:v12+s29+$0x0], $0xffff  }
0xaa: {  	v10 =	vor.u32 $0x4, v4  }
0xab: {  	v9 =	vor.u32 $0x3, v4;
	v6 =	vsub.f32 v6, v7  }
0xac: {  	v7 =	vsub.f32 v13, v14  }
0xad: {  	v8 =	vor.u32 $0x5, v4;
	s19 =	simm.s32 $0x10;
	v13 =	vmul.f32 v6, v6  }
.LBB2_5:
0xae: {  	p0 =	sne.s32 s19, $0x3F0;
	v11 =	vsub.f32 v11, v12;
	v12 =	vmul.f32 v7, v7;
	s22 =	smov.u32 s19;
	s19 =	sadd.s32 $0x10, s19  }
0xaf: {  	v14 =	vld.idx.msk [tilespmem:v10+s9+$0x0], $0xffff  }
0xb0: {  	v12 =	vadd.f32 v13, v12;
	v13 =	vmul.f32 v11, v11;
	v15 =	vld.idx.msk [tilespmem:v9+s9+$0x0], $0xffff  }
0xb1: {  	v10 =	vld.idx.msk [tilespmem:v10+s29+$0x0], $0xffff  }
0xb2: {  	v12 =	vadd.f32 v13, v12;
	v9 =	vld.idx.msk [tilespmem:v9+s29+$0x0], $0xffff  }
0xb3: {  	v13 =	vld.idx.msk [tilespmem:v8+s9+$0x0], $0xffff  }
0xb4: {  	v12 =	vadd.f32 $9.999999930e-09, v12;
	v16 =	vld.idx.msk [tilespmem:v8+s29+$0x0], $0xffff;
	_ =	sdelay $0x1  }
0xb5: {  	v17 =	vor.u32 s22, v0;
	(erf) = vrcp.f32 v12  }
0xb6: {  	v12 =	vshll.u32 v17, $0x4;
	v10 =	vsub.f32 v14, v10  }
0xb7: {  	v14 =	vor.u32 $0x1, v12;
	v18 =	vor.u32 $0x2, v12;
	v15 =	vsub.f32 v15, v9  }
0xb8: {  	v9 =	vor.u32 $0x3, v12;
	v8 =	vor.u32 $0x5, v12;
	v10 =	vmul.f32 v10, v6  }
0xb9: {  	v15 =	vmul.f32 v15, v7;
	v13 =	vsub.f32 v13, v16;
	_ =	sdelay $0x1  }
0xba: {  	v15 =	vadd.f32 v10, v15;
	v13 =	vmul.f32 v13, v11  }
0xbb: {  	v16 =	vshll.u32 v5, $0x3;
	v5 =	vmov v17;
	v10 =	vor.u32 $0x4, v12  }
0xbc: {  	v13 =	vadd.f32 v13, v15;
	v15 =	vor.u32 $0x6, v4  }
0xbd: {  	v17 =	vpop (erf)  }
0xbe: {  	v13 =	vmul.f32 v13, v17;
	_ =	sdelay $0x1  }
0xbf: {  	[tilespmem:v16+s23+$0x0] =	vst.idx.msk $0xffff, v13  }
0xc0: {  	v13 =	vld.idx.msk [tilespmem:v15+s29+$0x0], $0xffff  }
0xc1: {  	v19 =	vor.u32 $0x7, v4;
	_ =	sdelay $0x2  }
0xc2: {  	v20 =	vor.u32 $0x8, v4;
	_ =	sdelay $0x1  }
0xc3: {  	v21 =	vld.idx.msk [tilespmem:v19+s9+$0x0], $0xffff  }
0xc4: {  	v15 =	vld.idx.msk [tilespmem:v15+s9+$0x0], $0xffff  }
0xc5: {  	v19 =	vld.idx.msk [tilespmem:v19+s29+$0x0], $0xffff  }
0xc6: {  	v22 =	vld.idx.msk [tilespmem:v20+s9+$0x0], $0xffff  }
0xc7: {  	v20 =	vld.idx.msk [tilespmem:v20+s29+$0x0], $0xffff;
	_ =	sdelay $0x2  }
0xc8: {  	v13 =	vsub.f32 v15, v13  }
0xc9: {  	v15 =	vsub.f32 v21, v19  }
0xca: {  	v13 =	vmul.f32 v13, v7  }
0xcb: {  	v15 =	vmul.f32 v15, v6;
	v19 =	vsub.f32 v22, v20;
	_ =	sdelay $0x1  }
0xcc: {  	v13 =	vadd.f32 v15, v13;
	v15 =	vmul.f32 v19, v11  }
0xcd: {  	v19 =	vor.u32 $0x1, v16  }
0xce: {  	v13 =	vadd.f32 v15, v13;
	v15 =	vor.u32 $0x9, v4  }
0xcf: {  	v20 =	vor.u32 $0xA, v4  }
0xd0: {  	v13 =	vmul.f32 v13, v17;
	_ =	sdelay $0x1  }
0xd1: {  	[tilespmem:v19+s23+$0x0] =	vst.idx.msk $0xffff, v13;
	v13 =	vor.u32 $0xB, v4;
	v4 =	vmov v12  }
0xd2: {  	v12 =	vld.idx.msk [tilespmem:v15+s29+$0x0], $0xffff  }
0xd3: {  	v19 =	vld.idx.msk [tilespmem:v20+s9+$0x0], $0xffff  }
0xd4: {  	v20 =	vld.idx.msk [tilespmem:v20+s29+$0x0], $0xffff  }
0xd5: {  	v15 =	vld.idx.msk [tilespmem:v15+s9+$0x0], $0xffff  }
0xd6: {  	v21 =	vld.idx.msk [tilespmem:v13+s29+$0x0], $0xffff  }
0xd7: {  	v13 =	vld.idx.msk [tilespmem:v13+s9+$0x0], $0xffff  }
0xd8: {  	v16 =	vor.u32 $0x2, v16;
	_ =	sdelay $0x1  }
0xd9: {  	v19 =	vsub.f32 v19, v20  }
0xda: {  	v12 =	vsub.f32 v15, v12  }
0xdb: {  	v6 =	vmul.f32 v19, v6  }
0xdc: {  	v7 =	vmul.f32 v12, v7;
	v12 =	vsub.f32 v13, v21;
	_ =	sdelay $0x1  }
0xdd: {  	v6 =	vadd.f32 v6, v7;
	v7 =	vmul.f32 v12, v11;
	_ =	sdelay $0x1  }
0xde: {  	v6 =	vadd.f32 v7, v6;
	_ =	sdelay $0x1  }
0xdf: {  	v6 =	vmul.f32 v6, v17;
	_ =	sdelay $0x1  }
0xe0: {  	[tilespmem:v16+s23+$0x0] =	vst.idx.msk $0xffff, v6  }
0xe1: {  	v7 =	vld.idx.msk [tilespmem:v4+s9+$0x0], $0xffff  }
0xe2: {  	v6 =	vld.idx.msk [tilespmem:v14+s29+$0x0], $0xffff  }
0xe3: {  	v13 =	vld.idx.msk [tilespmem:v14+s9+$0x0], $0xffff  }
0xe4: {  	v14 =	vld.idx.msk [tilespmem:v4+s29+$0x0], $0xffff  }
0xe5: {  	v11 =	vld.idx.msk [tilespmem:v18+s9+$0x0], $0xffff  }
0xe6: {  	v12 =	vld.idx.msk [tilespmem:v18+s29+$0x0], $0xffff  }
.Ltmp1:
0xe7: {  	(pc) =	sbr.rel @p0 .LBB2_5-.Ltmp1, $4  }
0xe8: {  	_ = 	snop  }
0xe9: {  	v6 =	vsub.f32 v13, v6  }
0xea: {  	v7 =	vsub.f32 v7, v14  }
0xeb: {  	v13 =	vmul.f32 v6, v6  }
0xec: {  	_ =	sdelay $0x1  }
0xed: {  	v11 =	vsub.f32 v11, v12;
	v45 =	vmul.f32 v7, v7;
	_ =	sdelay $0x1  }
0xee: {  	v14 =	vld.idx.msk [tilespmem:v10+s9+$0x0], $0xffff;
	v12 =	vadd.f32 v13, v45;
	v46 =	vmul.f32 v11, v11  }
0xef: {  	v15 =	vld.idx.msk [tilespmem:v9+s9+$0x0], $0xffff  }
0xf0: {  	v47 =	vld.idx.msk [tilespmem:v10+s29+$0x0], $0xffff;
	v12 =	vadd.f32 v46, v12  }
0xf1: {  	v48 =	vld.idx.msk [tilespmem:v9+s29+$0x0], $0xffff  }
0xf2: {  	v49 =	vld.idx.msk [tilespmem:v8+s9+$0x0], $0xffff;
	v12 =	vadd.f32 $9.999999930e-09, v12  }
0xf3: {  	v50 =	vld.idx.msk [tilespmem:v8+s29+$0x0], $0xffff  }
0xf4: {  	(erf) = vrcp.f32 v12;
	_ =	sdelay $0x1  }
0xf5: {  	v10 =	vsub.f32 v14, v47;
	v9 =	vsub.f32 v15, v48;
	_ =	sdelay $0x1  }
0xf6: {  	v8 =	vsub.f32 v49, v50;
	v10 =	vmul.f32 v10, v6;
	v9 =	vmul.f32 v9, v7;
	_ =	sdelay $0x1  }
0xf7: {  	v8 =	vmul.f32 v8, v11;
	v9 =	vadd.f32 v10, v9  }
0xf8: {  	v5 =	vshll.u32 v5, $0x3  }
0xf9: {  	v51 =	vor.u32 $0x6, v4;
	v8 =	vadd.f32 v8, v9  }
0xfa: {  	v53 =	vor.u32 $0x7, v4;
	v52 =	vpop (erf)  }
0xfb: {  	v8 =	vmul.f32 v8, v52;
	_ =	sdelay $0x1  }
0xfc: {  	v54 =	vor.u32 $0x8, v4;
	[tilespmem:v5+s23+$0x0] =	vst.idx.msk $0xffff, v8  }
0xfd: {  	v55 =	vld.idx.msk [tilespmem:v51+s29+$0x0], $0xffff  }
0xfe: {  	v56 =	vld.idx.msk [tilespmem:v53+s9+$0x0], $0xffff  }
0xff: {  	v9 =	vld.idx.msk [tilespmem:v51+s9+$0x0], $0xffff  }
0x100: {  	v12 =	vld.idx.msk [tilespmem:v53+s29+$0x0], $0xffff  }
0x101: {  	v57 =	vld.idx.msk [tilespmem:v54+s9+$0x0], $0xffff  }
0x102: {  	v8 =	vld.idx.msk [tilespmem:v54+s29+$0x0], $0xffff;
	_ =	sdelay $0x2  }
0x103: {  	v9 =	vsub.f32 v9, v55;
	v12 =	vsub.f32 v56, v12;
	_ =	sdelay $0x1  }
0x104: {  	v8 =	vsub.f32 v57, v8;
	v9 =	vmul.f32 v9, v7;
	v12 =	vmul.f32 v12, v6;
	_ =	sdelay $0x1  }
0x105: {  	v8 =	vmul.f32 v8, v11;
	v9 =	vadd.f32 v12, v9  }
0x106: {  	v58 =	vor.u32 $0x1, v5  }
0x107: {  	v59 =	vor.u32 $0x9, v4;
	v8 =	vadd.f32 v8, v9  }
0x108: {  	v60 =	vor.u32 $0xA, v4  }
0x109: {  	v8 =	vmul.f32 v8, v52;
	_ =	sdelay $0x1  }
0x10a: {  	v4 =	vor.u32 $0xB, v4;
	[tilespmem:v58+s23+$0x0] =	vst.idx.msk $0xffff, v8  }
0x10b: {  	v8 =	vld.idx.msk [tilespmem:v59+s29+$0x0], $0xffff  }
0x10c: {  	v12 =	vld.idx.msk [tilespmem:v60+s9+$0x0], $0xffff  }
0x10d: {  	v13 =	vld.idx.msk [tilespmem:v60+s29+$0x0], $0xffff  }
0x10e: {  	v9 =	vld.idx.msk [tilespmem:v59+s9+$0x0], $0xffff  }
0x10f: {  	v61 =	vld.idx.msk [tilespmem:v4+s29+$0x0], $0xffff  }
0x110: {  	v4 =	vld.idx.msk [tilespmem:v4+s9+$0x0], $0xffff;
	_ =	sdelay $0x2  }
0x111: {  	v12 =	vsub.f32 v12, v13;
	v8 =	vsub.f32 v9, v8;
	_ =	sdelay $0x1  }
0x112: {  	v4 =	vsub.f32 v4, v61;
	v62 =	vmul.f32 v12, v6;
	v63 =	vmul.f32 v8, v7;
	_ =	sdelay $0x1  }
0x113: {  	v4 =	vmul.f32 v4, v11;
	v6 =	vadd.f32 v62, v63  }
0x114: {  	v5 =	vor.u32 $0x2, v5  }
0x115: {  	v4 =	vadd.f32 v4, v6;
	_ =	sdelay $0x1  }
0x116: {  	v4 =	vmul.f32 v4, v52;
	_ =	sdelay $0x1  }
0x117: {  	[tilespmem:v5+s23+$0x0] =	vst.idx.msk $0xffff, v4  }
0x118: {  	[spmem:s1] =	stream.indirect.scatter.add.f32 [tilespmem:s23], [sflag:$0x3], $0x8, s26, s28, $0xb8;
	[tilespmem:$0x18800] =	vst v63  }
0x119: {  	_ =	swait.ge [sflag:s24], $0x400  }
0x11a: {  	[sflag:s24] =	ssyncset.done $0x0  }
0x11b: {  	s19 =	simm.s32 $0x16C00;
	[sflag:s24] =	ssyncadd.s32 $0xFFFFFC00  }
0x11c: {  	[spmem:s1] =	stream.indirect.scatter.add.f32 [tilespmem:s19], [sflag:$0x3], $0x8, s10, s28, $0xb8;
	[tilespmem:$0x18800] =	vst v63  }
0x11d: {  	_ =	swait.ge [sflag:s24], $0x400  }
0x11e: {  	[sflag:s24] =	ssyncset.done $0x0  }
0x11f: {  	[sflag:s24] =	ssyncadd.s32 $0xFFFFFC00  }
0x120: {  	[spmem:s1] =	stream.indirect.scatter.add.f32 [tilespmem:s7], [sflag:$0x3], $0x8, s12, s28, $0xb8;
	[tilespmem:$0x18800] =	vst v63  }
0x121: {  	_ =	swait.ge [sflag:s24], $0x400  }
0x122: {  	[sflag:s24] =	ssyncset.done $0x0  }
0x123: {  	[sflag:s24] =	ssyncadd.s32 $0xFFFFFC00  }
0x124: {  	[spmem:s1] =	stream.indirect.scatter.add.f32 [tilespmem:s8], [sflag:$0x3], $0x8, s2, s28, $0xb8;
	[tilespmem:$0x18800] =	vst v63  }
0x125: {  	_ =	swait.ge [sflag:s24], $0x400  }
0x126: {  	[sflag:s24] =	ssyncset.done $0x0  }
0x127: {  	[sflag:s24] =	ssyncadd.s32 $0xFFFFFC00  }
0x128: {  	[spmem:s1] =	stream.indirect.scatter.add.f32 [tilespmem:s11], [sflag:$0x3], $0x8, s31, s28, $0xb8;
	[tilespmem:$0x18800] =	vst v63  }
0x129: {  	_ =	swait.ge [sflag:s24], $0x400  }
0x12a: {  	[sflag:s24] =	ssyncset.done $0x0  }
0x12b: {  	[sflag:s24] =	ssyncadd.s32 $0xFFFFFC00  }
0x12c: {  	[spmem:s1] =	stream.indirect.scatter.add.f32 [tilespmem:s13], [sflag:$0x3], $0x8, s3, s28, $0xb8;
	[tilespmem:$0x18800] =	vst v63  }
0x12d: {  	_ =	swait.ge [sflag:s24], $0x400  }
0x12e: {  	[sflag:s24] =	ssyncset.done $0x0  }
0x12f: {  	[sflag:s24] =	ssyncadd.s32 $0xFFFFFC00  }
0x130: {  	[spmem:s1] =	stream.indirect.scatter.add.f32 [tilespmem:s30], [sflag:$0x3], $0x8, s16, s28, $0xb8;
	[tilespmem:$0x18800] =	vst v63  }
0x131: {  	s17 =	sadd.s32 $0x1, s17;
	_ =	swait.ge [sflag:s24], $0x400  }
0x132: {  	p0 =	sne.s32 s17, $0x62;
	[sflag:s24] =	ssyncset.done $0x0  }
.Ltmp2:
0x133: {  	[sflag:s24] =	ssyncadd.s32 $0xFFFFFC00;
	(pc) =	sbr.rel @p0 .LBB2_4-.Ltmp2, $4  }
0x134: {  	[spmem:s1] =	stream.indirect.scatter.add.f32 [tilespmem:s0], [sflag:$0x3], $0x8, s18, s28, $0xb8;
	[tilespmem:$0x18800] =	vst v63  }
0x135: {  	_ =	swait.ge [sflag:s24], $0x400  }
0x136: {  	[sflag:s24] =	ssyncset.done $0x0  }
0x137: {  	[sflag:s24] =	ssyncadd.s32 $0xFFFFFC00  }
0x138: {  	[bflag:$0x0] =	sbarrier.arrive $0xFFFF  }
0x139: {  	s19 =	rddreg [dreg:$0x3]  }
0x13a: {  	[tilespmem:s23], [sflag:$0x3] =	stream.linear.gather [spmem:s19], $0x2000, $0x38;
	[tilespmem:$0x18800] =	vst v63  }
0x13b: {  	_ =	swait.ge [sflag:s24], $0x2000  }
0x13c: {  	[sflag:s24] =	ssyncset.done $0x0  }
0x13d: {  	s17 =	simm.s32 $0x0;
	s15 =	rddreg [dreg:$0xa];
	[sflag:s24] =	ssyncadd.s32 $0xFFFFE000  }
0x13e: {  	[hbm4b:s15+s17] =	stream.linear.scatter [tilespmem:s23], [sflag:$0x3], $0x2000, $0x38;
	[tilespmem:$0x18800] =	vst v63  }
0x13f: {  	_ =	swait.ge [sflag:s24], $0x2000  }
0x140: {  	[sflag:s24] =	ssyncset.done $0x0  }
0x141: {  	s22 =	rddreg [dreg:$0x4];
	[sflag:s24] =	ssyncadd.s32 $0xFFFFE000  }
0x142: {  	[tilespmem:s23], [sflag:$0x3] =	stream.linear.gather [spmem:s22], $0x2000, $0x38;
	[tilespmem:$0x18800] =	vst v63  }
0x143: {  	_ =	swait.ge [sflag:s24], $0x2000  }
0x144: {  	[sflag:s24] =	ssyncset.done $0x0  }
0x145: {  	s7 =	rddreg [dreg:$0xb];
	[sflag:s24] =	ssyncadd.s32 $0xFFFFE000  }
0x146: {  	[hbm4b:s7+s17] =	stream.linear.scatter [tilespmem:s23], [sflag:$0x3], $0x2000, $0x38;
	[tilespmem:$0x18800] =	vst v63  }
0x147: {  	_ =	swait.ge [sflag:s24], $0x2000  }
0x148: {  	[sflag:s24] =	ssyncset.done $0x0  }
0x149: {  	s7 =	rddreg [dreg:$0x5];
	[sflag:s24] =	ssyncadd.s32 $0xFFFFE000  }
0x14a: {  	[tilespmem:s23], [sflag:$0x3] =	stream.linear.gather [spmem:s7], $0x2000, $0x38;
	[tilespmem:$0x18800] =	vst v63  }
0x14b: {  	_ =	swait.ge [sflag:s24], $0x2000  }
0x14c: {  	[sflag:s24] =	ssyncset.done $0x0  }
0x14d: {  	s7 =	rddreg [dreg:$0xc];
	[sflag:s24] =	ssyncadd.s32 $0xFFFFE000  }
0x14e: {  	[hbm4b:s7+s17] =	stream.linear.scatter [tilespmem:s23], [sflag:$0x3], $0x2000, $0x38;
	[tilespmem:$0x18800] =	vst v63  }
0x14f: {  	_ =	swait.ge [sflag:s24], $0x2000  }
0x150: {  	[sflag:s24] =	ssyncset.done $0x0  }
0x151: {  	s7 =	rddreg [dreg:$0x6];
	[sflag:s24] =	ssyncadd.s32 $0xFFFFE000  }
0x152: {  	[tilespmem:s23], [sflag:$0x3] =	stream.linear.gather [spmem:s7], $0x2000, $0x38;
	[tilespmem:$0x18800] =	vst v63  }
0x153: {  	_ =	swait.ge [sflag:s24], $0x2000  }
0x154: {  	[sflag:s24] =	ssyncset.done $0x0  }
0x155: {  	s7 =	rddreg [dreg:$0xd];
	[sflag:s24] =	ssyncadd.s32 $0xFFFFE000  }
0x156: {  	[hbm4b:s7+s17] =	stream.linear.scatter [tilespmem:s23], [sflag:$0x3], $0x2000, $0x38;
	[tilespmem:$0x18800] =	vst v63  }
0x157: {  	_ =	swait.ge [sflag:s24], $0x2000  }
0x158: {  	[sflag:s24] =	ssyncset.done $0x0  }
0x159: {  	s7 =	rddreg [dreg:$0x7];
	[sflag:s24] =	ssyncadd.s32 $0xFFFFE000  }
0x15a: {  	[tilespmem:s23], [sflag:$0x3] =	stream.linear.gather [spmem:s7], $0x2000, $0x38;
	[tilespmem:$0x18800] =	vst v63  }
0x15b: {  	_ =	swait.ge [sflag:s24], $0x2000  }
0x15c: {  	[sflag:s24] =	ssyncset.done $0x0  }
0x15d: {  	s7 =	rddreg [dreg:$0xe];
	[sflag:s24] =	ssyncadd.s32 $0xFFFFE000  }
0x15e: {  	[hbm4b:s7+s17] =	stream.linear.scatter [tilespmem:s23], [sflag:$0x3], $0x2000, $0x38;
	[tilespmem:$0x18800] =	vst v63  }
0x15f: {  	_ =	swait.ge [sflag:s24], $0x2000  }
0x160: {  	[sflag:s24] =	ssyncset.done $0x0  }
0x161: {  	s7 =	rddreg [dreg:$0x8];
	[sflag:s24] =	ssyncadd.s32 $0xFFFFE000  }
0x162: {  	[tilespmem:s23], [sflag:$0x3] =	stream.linear.gather [spmem:s7], $0x2000, $0x38;
	[tilespmem:$0x18800] =	vst v63  }
0x163: {  	_ =	swait.ge [sflag:s24], $0x2000  }
0x164: {  	[sflag:s24] =	ssyncset.done $0x0  }
0x165: {  	s7 =	rddreg [dreg:$0xf];
	[sflag:s24] =	ssyncadd.s32 $0xFFFFE000  }
0x166: {  	[hbm4b:s7+s17] =	stream.linear.scatter [tilespmem:s23], [sflag:$0x3], $0x2000, $0x38;
	[tilespmem:$0x18800] =	vst v63  }
0x167: {  	_ =	swait.ge [sflag:s24], $0x2000  }
0x168: {  	[sflag:s24] =	ssyncset.done $0x0  }
0x169: {  	s7 =	rddreg [dreg:$0x9];
	[sflag:s24] =	ssyncadd.s32 $0xFFFFE000  }
0x16a: {  	[tilespmem:s23], [sflag:$0x3] =	stream.linear.gather [spmem:s7], $0x2000, $0x38;
	[tilespmem:$0x18800] =	vst v63  }
0x16b: {  	_ =	swait.ge [sflag:s24], $0x2000  }
0x16c: {  	[sflag:s24] =	ssyncset.done $0x0  }
0x16d: {  	s7 =	rddreg [dreg:$0x10];
	[sflag:s24] =	ssyncadd.s32 $0xFFFFE000  }
0x16e: {  	[hbm4b:s7+s17] =	stream.linear.scatter [tilespmem:s23], [sflag:$0x3], $0x2000, $0x38;
	[tilespmem:$0x18800] =	vst v63  }
0x16f: {  	_ =	swait.ge [sflag:s24], $0x2000  }
0x170: {  	s7 =	rddreg [dreg:$0x12]  }
0x171: {  	s15 =	rddreg [dreg:$0x11];
	s7 =	sadd.s32 $0x1, s7  }
0x172: {  	p0 =	sne.s32 s7, s15  }
.Ltmp3:
0x173: {  	_ = 	snop;
	(pc) =	sbr.rel @p0 .LBB2_1-.Ltmp3, $3  }
0x174: {  	_ =	sdelay $0x1  }
0x175: {  	[sflag:s24] =	ssyncset.done $0x0  }
0x176: {  	[sflag:s24] =	ssyncadd.s32 $0xFFFFE000;
	[dreg:$0x12] =	wrdreg s7;
	s7 =	simm.s32 $0x17000  }
0x177: {  	_ =	sfence.sel $0x180000  }
0x178: {  	[bflag:$0x0] =	sbarrier.arrive $0xFFFF  }
0x179: {  	_ =	strace $0x9000004A  }
0x17a: {  	s0 =	stileid.u32;
	[bflag:$0x2] =	sbarrier.arrive $0xFFFF  }
0x17b: {  	p0 =	sne.s32 s0, $0x0;
	s0 =	rddreg [dreg:$0x2]  }
0x17c: {  	s0 =	sadd.s32 @!p0 $0x100000, s0  }
0x17d: {  	[sflag:s0] =	ssyncadd.tile.s32 @!p0 $0x1;
	_ =	shalt  }
.Lfunc_end2:
_tile_overlayer_lowered:
.L_overlay_start_2:
0x17e: {  	(tag) =	ssettag $0x2  }
0x17f: {  	s0 =	rddreg [dreg:$0x0];
	s2 =	stileid.u32  }
0x180: {  	s1 =	rddreg [dreg:$0x1];
	p0 =	sne.s32 s2, $0x0  }
0x181: {  	s3 =	rddreg [dreg:$0x2];
	[bflag:$0x3] =	sbarrier.arrive $0xFFFF;
	s2 =	simm.s32 @!p0 $0x1C03  }
0x182: {  	[timem:s3], [sflag:s2] =	dma.local @!p0 [hbm:s0], s1  }
0x183: {  	s0 =	simm.s32 @!p0 $0x3  }
0x184: {  	_ =	swait.ge @!p0 [sflag:s0], s1  }
0x185: {  	s1 =	ssub.s32 @!p0 $0x0, s1;
	[sflag:s0] =	ssyncset.done @!p0 $0x0  }
0x186: {  	[sflag:s0] =	ssyncadd.s32 @!p0 s1  }
0x187: {  	[bflag:$0x3] =	sbarrier.arrive $0xFFFF  }
0x188: {  	_ =	shalt  }

</sc_bundles>
